<compile_context>
chip_gen: v7x
topology: tpu7x:2x2x1
jax: 0.10.2.dev20260603
libtpu: 0.0.44.dev20260713+nightly
codegen_flags: <defaults>
</compile_context>

<pallas_src>
import functools

import jax
import jax.numpy as jnp
from jax import lax
from jax.experimental import pallas as pl
from jax.experimental.pallas import tpu as pltpu
from jax.experimental.pallas import tpu_sc as plsc

N = 10000
E = 320000
D = 128
B = 128
C = 10

NC = 2
NS = 16
NW = NC * NS
K_EDGE = 1000
AGG_NCH0, AGG_NCH1 = 11, 9
DEG_NCH0, DEG_NCH1 = 11, 9
E_CORE0 = NS * AGG_NCH0 * K_EDGE
E_DEG0 = NS * DEG_NCH0 * K_EDGE
N_PAD = 10240
RPT = N_PAD // NS


def _mesh():
    return plsc.VectorSubcoreMesh(core_axis_name="c", subcore_axis_name="s")


def _deg_body(dst_hbm, zeros_hbm, ones_hbm, out_hbm, *refs):
    nmax = max(DEG_NCH0, DEG_NCH1)
    idst = refs[:nmax]
    ones_v = refs[nmax]
    deg_sh = refs[nmax + 1]
    ssem = refs[nmax + 2]
    c = lax.axis_index("c")
    s = lax.axis_index("s")
    pltpu.sync_copy(zeros_hbm.at[pl.ds(s * RPT, RPT)],
                    deg_sh.at[pl.ds(s * RPT, RPT)])
    pltpu.sync_copy(ones_hbm, ones_v)

    def load(nch, base):
        for ch in range(nch):
            pltpu.sync_copy(
                dst_hbm.at[pl.ds(base + ch * K_EDGE, K_EDGE)], idst[ch])

    def scat(nch):
        for ch in range(nch):
            pltpu.async_copy(ones_v, deg_sh.at[idst[ch]], ssem, add=True)
        for ch in range(nch):
            pltpu.make_async_copy(ones_v, deg_sh.at[idst[ch]], ssem).wait()

    @pl.when(c == 0)
    def _():
        load(DEG_NCH0, pl.multiple_of(s * (DEG_NCH0 * K_EDGE), 8))

    @pl.when(c == 1)
    def _():
        load(DEG_NCH1, pl.multiple_of(E_DEG0 + s * (DEG_NCH1 * K_EDGE), 8))

    plsc.subcore_barrier()

    @pl.when(c == 0)
    def _():
        scat(DEG_NCH0)

    @pl.when(c == 1)
    def _():
        scat(DEG_NCH1)

    plsc.subcore_barrier()
    pltpu.sync_copy(deg_sh.at[pl.ds(s * RPT, RPT)],
                    out_hbm.at[c, pl.ds(s * RPT, RPT)])


_deg_sc = pl.kernel(
    _deg_body,
    out_type=jax.ShapeDtypeStruct((NC, N_PAD, 16), jnp.float32),
    mesh=_mesh(),
    scratch_types=(
        [pltpu.VMEM((K_EDGE,), jnp.int32)
         for _ in range(max(DEG_NCH0, DEG_NCH1))]
        + [pltpu.VMEM((K_EDGE, 16), jnp.float32),
           pltpu.VMEM_SHARED((N_PAD, 16), jnp.float32),
           pltpu.SemaphoreType.DMA]
    ),
    compiler_params=pltpu.CompilerParams(use_tc_tiling_on_sc=False),
)


def _agg_body(F, h_hbm, src_hbm, dst_hbm, zeros_hbm, out_hbm, *refs):
    nmax = max(AGG_NCH0, AGG_NCH1)
    isrc = refs[:nmax]
    idst = refs[nmax:2 * nmax]
    rows = refs[2 * nmax:2 * nmax + 2]
    agg_sh = refs[2 * nmax + 2]
    gsem = refs[2 * nmax + 3:2 * nmax + 5]
    ssem = refs[2 * nmax + 5:2 * nmax + 7]
    c = lax.axis_index("c")
    s = lax.axis_index("s")
    pltpu.sync_copy(zeros_hbm.at[pl.ds(s * RPT, RPT)],
                    agg_sh.at[pl.ds(s * RPT, RPT)])

    def load(nch, base):
        for ch in range(nch):
            pltpu.sync_copy(
                src_hbm.at[pl.ds(base + ch * K_EDGE, K_EDGE)], isrc[ch])
            pltpu.sync_copy(
                dst_hbm.at[pl.ds(base + ch * K_EDGE, K_EDGE)], idst[ch])

    def sg(ch, b):
        pltpu.async_copy(h_hbm.at[isrc[ch]], rows[b], gsem[b])

    def wg(ch, b):
        pltpu.make_async_copy(h_hbm.at[isrc[ch]], rows[b], gsem[b]).wait()

    def ss(ch, b):
        pltpu.async_copy(rows[b], agg_sh.at[idst[ch]], ssem[b], add=True)

    def ws(ch, b):
        pltpu.make_async_copy(rows[b], agg_sh.at[idst[ch]], ssem[b]).wait()

    def pipeline(nch):
        sg(0, 0)
        for ch in range(nch):
            b = ch % 2
            nb = (ch + 1) % 2
            wg(ch, b)
            ss(ch, b)
            if ch + 1 < nch:
                if ch >= 1:
                    ws(ch - 1, nb)
                sg(ch + 1, nb)
        if nch >= 2:
            ws(nch - 2, (nch - 2) % 2)
        ws(nch - 1, (nch - 1) % 2)

    @pl.when(c == 0)
    def _():
        load(AGG_NCH0, pl.multiple_of(s * (AGG_NCH0 * K_EDGE), 8))

    @pl.when(c == 1)
    def _():
        load(AGG_NCH1, pl.multiple_of(E_CORE0 + s * (AGG_NCH1 * K_EDGE), 8))

    plsc.subcore_barrier()

    @pl.when(c == 0)
    def _():
        pipeline(AGG_NCH0)

    @pl.when(c == 1)
    def _():
        pipeline(AGG_NCH1)

    plsc.subcore_barrier()
    pltpu.sync_copy(agg_sh.at[pl.ds(s * RPT, RPT)],
                    out_hbm.at[c, pl.ds(s * RPT, RPT)])


def _make_agg(F):
    nmax = max(AGG_NCH0, AGG_NCH1)
    return pl.kernel(
        functools.partial(_agg_body, F),
        out_type=jax.ShapeDtypeStruct((NC, N_PAD, F), jnp.float32),
        mesh=_mesh(),
        scratch_types=(
            [pltpu.VMEM((K_EDGE,), jnp.int32) for _ in range(2 * nmax)]
            + [pltpu.VMEM((K_EDGE, F), jnp.float32) for _ in range(2)]
            + [pltpu.VMEM_SHARED((N_PAD, F), jnp.float32)]
            + [pltpu.SemaphoreType.DMA for _ in range(4)]
        ),
        compiler_params=pltpu.CompilerParams(use_tc_tiling_on_sc=False),
    )


_agg16 = _make_agg(16)


def _tc1_body(x_ref, w1_ref, degp_ref, h1s_ref, dinv_ref):
    deg = degp_ref[0][:, :1] + degp_ref[1][:, :1] + 1.0
    dinv = lax.rsqrt(deg)
    dinv_ref[...] = dinv
    h = jnp.dot(x_ref[...], w1_ref[...], preferred_element_type=jnp.float32)
    h1s_ref[...] = h * dinv[:N]


def _tc2_body(agg_ref, h1s_ref, dinv_ref, b1_ref, q_ref):
    dinv = dinv_ref[...][:N]
    z = (agg_ref[0][:N] + agg_ref[1][:N] + h1s_ref[...]) * dinv + b1_ref[...]
    z = jnp.maximum(z, 0.0)
    q_ref[...] = z * dinv


def _tc3_body(agg_ref, q_ref, dinv_ref, b2_ref, w2_ref, batch_ref,
              wfc1_ref, bfc1_ref, wfc2_ref, bfc2_ref, out_ref):
    dinv = dinv_ref[...][:N]
    t = (agg_ref[0][:N] + agg_ref[1][:N] + q_ref[...]) * dinv
    z = jnp.dot(t, w2_ref[...],
                preferred_element_type=jnp.float32) + b2_ref[...]
    z = jnp.maximum(z, 0.0)
    oh = (batch_ref[...] == lax.broadcasted_iota(jnp.int32, (B, N), 0))
    oh = oh.astype(jnp.float32)
    sums = jnp.dot(oh, z, preferred_element_type=jnp.float32)
    counts = jnp.sum(oh, axis=1, keepdims=True)
    pooled = sums / jnp.maximum(counts, 1.0)
    hfc = jnp.maximum(
        jnp.dot(pooled, wfc1_ref[...], preferred_element_type=jnp.float32)
        + bfc1_ref[...], 0.0)
    out_ref[...] = jnp.dot(hfc, wfc2_ref[...],
                           preferred_element_type=jnp.float32) + bfc2_ref[...]


_tc1 = pl.pallas_call(
    _tc1_body,
    out_shape=(jax.ShapeDtypeStruct((N, 16), jnp.float32),
               jax.ShapeDtypeStruct((N_PAD, 1), jnp.float32)))

_tc2 = pl.pallas_call(
    _tc2_body, out_shape=jax.ShapeDtypeStruct((N, 16), jnp.float32))

_tc3 = pl.pallas_call(
    _tc3_body, out_shape=jax.ShapeDtypeStruct((B, C), jnp.float32))


def kernel(x, edge_index, batch, W1, b1, W2, b2, Wfc1, bfc1, Wfc2, bfc2):
    src = edge_index[0]
    dst = edge_index[1]

    zeros16 = jnp.zeros((N_PAD, 16), jnp.float32)
    ones16 = jnp.ones((K_EDGE, 16), jnp.float32)
    degp = _deg_sc(dst, zeros16, ones16)

    h1s, dinv = _tc1(x, W1, degp)

    agg1 = _agg16(h1s, src, dst, zeros16)

    q = _tc2(agg1, h1s, dinv, b1.reshape(1, 16))

    agg2 = _agg16(q, src, dst, zeros16)

    return _tc3(agg2, q, dinv, b2.reshape(1, 32), W2, batch.reshape(1, N),
                Wfc1, bfc1.reshape(1, 64), Wfc2, bfc2.reshape(1, C))

# --- scband reference (transcript-rebuilt; emitter-appended) ---
"""Pipeline reference for scband-gcngraph-classifier-57088705299127 (READ-ONLY COPY).

The authoritative reference and input builder live on the scoring server;
editing this copy changes nothing except your own understanding.
"""

import jax, jax.numpy as jnp
import numpy as np

N = 10000
E = 320000
D = 128
B = 128
C = 10


def setup_inputs(seed: int = 0) -> dict:
    key = jax.random.key(seed)
    ks = jax.random.split(key, 12)
    x = jax.random.normal(ks[0], (N, D), dtype=jnp.float32)
    edge_index = jax.random.randint(ks[1], (2, E), 0, N, dtype=jnp.int32)
    batch = jnp.sort(jax.random.randint(ks[2], (N,), 0, B, dtype=jnp.int32))
    W1 = jax.random.normal(ks[3], (D, 16), dtype=jnp.float32) * 0.1
    b1 = jnp.zeros((16,), dtype=jnp.float32)
    W2 = jax.random.normal(ks[4], (16, 32), dtype=jnp.float32) * 0.1
    b2 = jnp.zeros((32,), dtype=jnp.float32)
    Wfc1 = jax.random.normal(ks[5], (32, 64), dtype=jnp.float32) * 0.1
    bfc1 = jnp.zeros((64,), dtype=jnp.float32)
    Wfc2 = jax.random.normal(ks[6], (64, C), dtype=jnp.float32) * 0.1
    bfc2 = jnp.zeros((C,), dtype=jnp.float32)
    return {"x": x, "edge_index": edge_index, "batch": batch,
            "W1": W1, "b1": b1, "W2": W2, "b2": b2,
            "Wfc1": Wfc1, "bfc1": bfc1, "Wfc2": Wfc2, "bfc2": bfc2}


def gcn_conv(x, edge_index, W, b):
    src = edge_index[0]
    dst = edge_index[1]
    loop = jnp.arange(N, dtype=src.dtype)
    src = jnp.concatenate([src, loop])
    dst = jnp.concatenate([dst, loop])
    h = x @ W
    deg = jnp.zeros((N,), dtype=x.dtype).at[dst].add(1.0)
    dinv = jnp.where(deg > 0, jax.lax.rsqrt(jnp.maximum(deg, 1e-12)), 0.0)
    norm = dinv[src] * dinv[dst]
    msg = h[src] * norm[:, None]
    out = jnp.zeros((N, W.shape[1]), dtype=x.dtype).at[dst].add(msg)
    return out + b


def reference(x, edge_index, batch, W1, b1, W2, b2, Wfc1, bfc1, Wfc2, bfc2):
    h = jax.nn.relu(gcn_conv(x, edge_index, W1, b1))
    h = jax.nn.relu(gcn_conv(h, edge_index, W2, b2))
    sums = jax.ops.segment_sum(h, batch, num_segments=B)
    counts = jax.ops.segment_sum(jnp.ones((N, 1), dtype=h.dtype), batch, num_segments=B)
    pooled = sums / jnp.maximum(counts, 1.0)
    h = jax.nn.relu(pooled @ Wfc1 + bfc1)
    return h @ Wfc2 + bfc2

if __name__ == "__main__":
    import jax
    _d = setup_inputs()
    print(jax.jit(kernel)(*tuple(_d.values())))

</pallas_src>

<mosaic_0001>
#map = affine_map<(d0, d1) -> (0)>
#map1 = affine_map<(d0, d1) -> (0, 0)>
#map2 = affine_map<(d0, d1) -> (0, 0, 0)>
module attributes {stable_mosaic.version = 14 : i64} {
  func.func @_deg_body(%arg0: i32, %arg1: i32, %arg2: memref<320000xi32, #tpu.memory_space<hbm>>, %arg3: memref<10240x16xf32, #tpu.memory_space<hbm>>, %arg4: memref<1000x16xf32, #tpu.memory_space<hbm>>, %arg5: memref<2x10240x16xf32, #tpu.memory_space<hbm>>, %arg6: memref<1000xi32, #tpu.memory_space<vmem>>, %arg7: memref<1000xi32, #tpu.memory_space<vmem>>, %arg8: memref<1000xi32, #tpu.memory_space<vmem>>, %arg9: memref<1000xi32, #tpu.memory_space<vmem>>, %arg10: memref<1000xi32, #tpu.memory_space<vmem>>, %arg11: memref<1000xi32, #tpu.memory_space<vmem>>, %arg12: memref<1000xi32, #tpu.memory_space<vmem>>, %arg13: memref<1000xi32, #tpu.memory_space<vmem>>, %arg14: memref<1000xi32, #tpu.memory_space<vmem>>, %arg15: memref<1000xi32, #tpu.memory_space<vmem>>, %arg16: memref<1000xi32, #tpu.memory_space<vmem>>, %arg17: memref<1000x16xf32, #tpu.memory_space<vmem>>, %arg18: memref<10240x16xf32, #tpu.memory_space<vmem_shared>>, %arg19: memref<!tpu.dma_semaphore, #tpu.memory_space<semaphore_mem>>) attributes {dimension_semantics = [#tpu.dimension_semantics<core_parallel>, #tpu.dimension_semantics<subcore_parallel>], iteration_bounds = array<i64: 2, 16>, scalar_prefetch = 0 : i64, scratch_operands = 14 : i64, tpu.core_type = #tpu.core_type<sc_vector_subcore>, window_params = [{transform_indices = #map}, {transform_indices = #map1}, {transform_indices = #map1}, {transform_indices = #map2}]} {
    %mul3A = arith.constant 640 : i32
    %mul3A_0 = arith.muli %arg1, %mul3A : i32
    %mul3A_1 = arith.constant 640 : i32
    %mul3A_2 = arith.muli %arg1, %mul3A_1 : i32
    "tpu.region"() ({
      %run_scoped3A = tpu.sem_alloc : memref<!tpu.dma_semaphore, #tpu.memory_space<semaphore_mem>>
      %dma_start3A = arith.constant 0 : i32
      %dma_start3A_25 = tpu.memref_slice %arg18[%mul3A_2, %dma_start3A] : memref<10240x16xf32, #tpu.memory_space<vmem_shared>> -> memref<640x16xf32, #tpu.memory_space<vmem_shared>>
      %dma_start3A_26 = arith.constant 0 : i32
      %dma_start3A_27 = tpu.memref_slice %arg3[%mul3A_0, %dma_start3A_26] : memref<10240x16xf32, #tpu.memory_space<hbm>> -> memref<640x16xf32, #tpu.memory_space<hbm>>
      tpu.enqueue_dma source(%dma_start3A_27 : memref<640x16xf32, #tpu.memory_space<hbm>>) target(%dma_start3A_25 : memref<640x16xf32, #tpu.memory_space<vmem_shared>>) target_semaphore(%run_scoped3A : memref<!tpu.dma_semaphore, #tpu.memory_space<semaphore_mem>>)
      %dma_wait3A = arith.constant 0 : i32
      %dma_wait3A_28 = tpu.memref_slice %arg18[%mul3A_2, %dma_wait3A] : memref<10240x16xf32, #tpu.memory_space<vmem_shared>> -> memref<640x16xf32, #tpu.memory_space<vmem_shared>>
      %dma_wait3A_29 = arith.constant 0 : i32
      %dma_wait3A_30 = tpu.memref_slice %arg3[%mul3A_0, %dma_wait3A_29] : memref<10240x16xf32, #tpu.memory_space<hbm>> -> memref<640x16xf32, #tpu.memory_space<hbm>>
      tpu.wait_dma2 semaphore(%run_scoped3A : memref<!tpu.dma_semaphore, #tpu.memory_space<semaphore_mem>>) src(%dma_wait3A_30 : memref<640x16xf32, #tpu.memory_space<hbm>>) dst(%dma_wait3A_28 : memref<640x16xf32, #tpu.memory_space<vmem_shared>>)
      tpu.yield
    }) : () -> ()
    "tpu.region"() ({
      %run_scoped3A = tpu.sem_alloc : memref<!tpu.dma_semaphore, #tpu.memory_space<semaphore_mem>>
      tpu.enqueue_dma source(%arg4 : memref<1000x16xf32, #tpu.memory_space<hbm>>) target(%arg17 : memref<1000x16xf32, #tpu.memory_space<vmem>>) target_semaphore(%run_scoped3A : memref<!tpu.dma_semaphore, #tpu.memory_space<semaphore_mem>>)
      tpu.wait_dma2 semaphore(%run_scoped3A : memref<!tpu.dma_semaphore, #tpu.memory_space<semaphore_mem>>) src(%arg4 : memref<1000x16xf32, #tpu.memory_space<hbm>>) dst(%arg17 : memref<1000x16xf32, #tpu.memory_space<vmem>>)
      tpu.yield
    }) : () -> ()
    %eq3A = arith.constant 0 : i32
    %eq3A_3 = arith.cmpi eq, %arg0, %eq3A : i32
    %convert_element_type3A = arith.extui %eq3A_3 : i1 to i32
    %cond3A = arith.constant 0 : i32
    %cond3A_4 = arith.cmpi ne, %convert_element_type3A, %cond3A : i32
    scf.if %cond3A_4 {
      %mul3A_25 = arith.constant 11000 : i32
      %mul3A_26 = arith.muli %arg1, %mul3A_25 : i32
      %multiple_of3A = tpu.assume_multiple %mul3A_26, 8 : i32
      %add3A = arith.constant 0 : i32
      %add3A_27 = arith.addi %multiple_of3A, %add3A : i32
      "tpu.region"() ({
        %run_scoped3A = tpu.sem_alloc : memref<!tpu.dma_semaphore, #tpu.memory_space<semaphore_mem>>
        %dma_start3A = tpu.memref_slice %arg2[%add3A_27] : memref<320000xi32, #tpu.memory_space<hbm>> -> memref<1000xi32, #tpu.memory_space<hbm>>
        %dma_start3A_48 = tpu.memref_slice %arg2[%add3A_27] : memref<320000xi32, #tpu.memory_space<hbm>> -> memref<1000xi32, #tpu.memory_space<hbm>>
        tpu.enqueue_dma source(%dma_start3A_48 : memref<1000xi32, #tpu.memory_space<hbm>>) target(%arg6 : memref<1000xi32, #tpu.memory_space<vmem>>) target_semaphore(%run_scoped3A : memref<!tpu.dma_semaphore, #tpu.memory_space<semaphore_mem>>)
        %dma_wait3A = tpu.memref_slice %arg2[%add3A_27] : memref<320000xi32, #tpu.memory_space<hbm>> -> memref<1000xi32, #tpu.memory_space<hbm>>
        %dma_wait3A_49 = tpu.memref_slice %arg2[%add3A_27] : memref<320000xi32, #tpu.memory_space<hbm>> -> memref<1000xi32, #tpu.memory_space<hbm>>
        tpu.wait_dma2 semaphore(%run_scoped3A : memref<!tpu.dma_semaphore, #tpu.memory_space<semaphore_mem>>) src(%dma_wait3A_49 : memref<1000xi32, #tpu.memory_space<hbm>>) dst(%arg6 : memref<1000xi32, #tpu.memory_space<vmem>>)
        tpu.yield
      }) : () -> ()
      %add3A_28 = arith.constant 1000 : i32
      %add3A_29 = arith.addi %multiple_of3A, %add3A_28 : i32
      "tpu.region"() ({
        %run_scoped3A = tpu.sem_alloc : memref<!tpu.dma_semaphore, #tpu.memory_space<semaphore_mem>>
        %dma_start3A = tpu.memref_slice %arg2[%add3A_29] : memref<320000xi32, #tpu.memory_space<hbm>> -> memref<1000xi32, #tpu.memory_space<hbm>>
        %dma_start3A_48 = tpu.memref_slice %arg2[%add3A_29] : memref<320000xi32, #tpu.memory_space<hbm>> -> memref<1000xi32, #tpu.memory_space<hbm>>
        tpu.enqueue_dma source(%dma_start3A_48 : memref<1000xi32, #tpu.memory_space<hbm>>) target(%arg7 : memref<1000xi32, #tpu.memory_space<vmem>>) target_semaphore(%run_scoped3A : memref<!tpu.dma_semaphore, #tpu.memory_space<semaphore_mem>>)
        %dma_wait3A = tpu.memref_slice %arg2[%add3A_29] : memref<320000xi32, #tpu.memory_space<hbm>> -> memref<1000xi32, #tpu.memory_space<hbm>>
        %dma_wait3A_49 = tpu.memref_slice %arg2[%add3A_29] : memref<320000xi32, #tpu.memory_space<hbm>> -> memref<1000xi32, #tpu.memory_space<hbm>>
        tpu.wait_dma2 semaphore(%run_scoped3A : memref<!tpu.dma_semaphore, #tpu.memory_space<semaphore_mem>>) src(%dma_wait3A_49 : memref<1000xi32, #tpu.memory_space<hbm>>) dst(%arg7 : memref<1000xi32, #tpu.memory_space<vmem>>)
        tpu.yield
      }) : () -> ()
      %add3A_30 = arith.constant 2000 : i32
      %add3A_31 = arith.addi %multiple_of3A, %add3A_30 : i32
      "tpu.region"() ({
        %run_scoped3A = tpu.sem_alloc : memref<!tpu.dma_semaphore, #tpu.memory_space<semaphore_mem>>
        %dma_start3A = tpu.memref_slice %arg2[%add3A_31] : memref<320000xi32, #tpu.memory_space<hbm>> -> memref<1000xi32, #tpu.memory_space<hbm>>
        %dma_start3A_48 = tpu.memref_slice %arg2[%add3A_31] : memref<320000xi32, #tpu.memory_space<hbm>> -> memref<1000xi32, #tpu.memory_space<hbm>>
        tpu.enqueue_dma source(%dma_start3A_48 : memref<1000xi32, #tpu.memory_space<hbm>>) target(%arg8 : memref<1000xi32, #tpu.memory_space<vmem>>) target_semaphore(%run_scoped3A : memref<!tpu.dma_semaphore, #tpu.memory_space<semaphore_mem>>)
        %dma_wait3A = tpu.memref_slice %arg2[%add3A_31] : memref<320000xi32, #tpu.memory_space<hbm>> -> memref<1000xi32, #tpu.memory_space<hbm>>
        %dma_wait3A_49 = tpu.memref_slice %arg2[%add3A_31] : memref<320000xi32, #tpu.memory_space<hbm>> -> memref<1000xi32, #tpu.memory_space<hbm>>
        tpu.wait_dma2 semaphore(%run_scoped3A : memref<!tpu.dma_semaphore, #tpu.memory_space<semaphore_mem>>) src(%dma_wait3A_49 : memref<1000xi32, #tpu.memory_space<hbm>>) dst(%arg8 : memref<1000xi32, #tpu.memory_space<vmem>>)
        tpu.yield
      }) : () -> ()
      %add3A_32 = arith.constant 3000 : i32
      %add3A_33 = arith.addi %multiple_of3A, %add3A_32 : i32
      "tpu.region"() ({
        %run_scoped3A = tpu.sem_alloc : memref<!tpu.dma_semaphore, #tpu.memory_space<semaphore_mem>>
        %dma_start3A = tpu.memref_slice %arg2[%add3A_33] : memref<320000xi32, #tpu.memory_space<hbm>> -> memref<1000xi32, #tpu.memory_space<hbm>>
        %dma_start3A_48 = tpu.memref_slice %arg2[%add3A_33] : memref<320000xi32, #tpu.memory_space<hbm>> -> memref<1000xi32, #tpu.memory_space<hbm>>
        tpu.enqueue_dma source(%dma_start3A_48 : memref<1000xi32, #tpu.memory_space<hbm>>) target(%arg9 : memref<1000xi32, #tpu.memory_space<vmem>>) target_semaphore(%run_scoped3A : memref<!tpu.dma_semaphore, #tpu.memory_space<semaphore_mem>>)
        %dma_wait3A = tpu.memref_slice %arg2[%add3A_33] : memref<320000xi32, #tpu.memory_space<hbm>> -> memref<1000xi32, #tpu.memory_space<hbm>>
        %dma_wait3A_49 = tpu.memref_slice %arg2[%add3A_33] : memref<320000xi32, #tpu.memory_space<hbm>> -> memref<1000xi32, #tpu.memory_space<hbm>>
        tpu.wait_dma2 semaphore(%run_scoped3A : memref<!tpu.dma_semaphore, #tpu.memory_space<semaphore_mem>>) src(%dma_wait3A_49 : memref<1000xi32, #tpu.memory_space<hbm>>) dst(%arg9 : memref<1000xi32, #tpu.memory_space<vmem>>)
        tpu.yield
      }) : () -> ()
      %add3A_34 = arith.constant 4000 : i32
      %add3A_35 = arith.addi %multiple_of3A, %add3A_34 : i32
      "tpu.region"() ({
        %run_scoped3A = tpu.sem_alloc : memref<!tpu.dma_semaphore, #tpu.memory_space<semaphore_mem>>
        %dma_start3A = tpu.memref_slice %arg2[%add3A_35] : memref<320000xi32, #tpu.memory_space<hbm>> -> memref<1000xi32, #tpu.memory_space<hbm>>
        %dma_start3A_48 = tpu.memref_slice %arg2[%add3A_35] : memref<320000xi32, #tpu.memory_space<hbm>> -> memref<1000xi32, #tpu.memory_space<hbm>>
        tpu.enqueue_dma source(%dma_start3A_48 : memref<1000xi32, #tpu.memory_space<hbm>>) target(%arg10 : memref<1000xi32, #tpu.memory_space<vmem>>) target_semaphore(%run_scoped3A : memref<!tpu.dma_semaphore, #tpu.memory_space<semaphore_mem>>)
        %dma_wait3A = tpu.memref_slice %arg2[%add3A_35] : memref<320000xi32, #tpu.memory_space<hbm>> -> memref<1000xi32, #tpu.memory_space<hbm>>
        %dma_wait3A_49 = tpu.memref_slice %arg2[%add3A_35] : memref<320000xi32, #tpu.memory_space<hbm>> -> memref<1000xi32, #tpu.memory_space<hbm>>
        tpu.wait_dma2 semaphore(%run_scoped3A : memref<!tpu.dma_semaphore, #tpu.memory_space<semaphore_mem>>) src(%dma_wait3A_49 : memref<1000xi32, #tpu.memory_space<hbm>>) dst(%arg10 : memref<1000xi32, #tpu.memory_space<vmem>>)
        tpu.yield
      }) : () -> ()
      %add3A_36 = arith.constant 5000 : i32
      %add3A_37 = arith.addi %multiple_of3A, %add3A_36 : i32
      "tpu.region"() ({
        %run_scoped3A = tpu.sem_alloc : memref<!tpu.dma_semaphore, #tpu.memory_space<semaphore_mem>>
        %dma_start3A = tpu.memref_slice %arg2[%add3A_37] : memref<320000xi32, #tpu.memory_space<hbm>> -> memref<1000xi32, #tpu.memory_space<hbm>>
        %dma_start3A_48 = tpu.memref_slice %arg2[%add3A_37] : memref<320000xi32, #tpu.memory_space<hbm>> -> memref<1000xi32, #tpu.memory_space<hbm>>
        tpu.enqueue_dma source(%dma_start3A_48 : memref<1000xi32, #tpu.memory_space<hbm>>) target(%arg11 : memref<1000xi32, #tpu.memory_space<vmem>>) target_semaphore(%run_scoped3A : memref<!tpu.dma_semaphore, #tpu.memory_space<semaphore_mem>>)
        %dma_wait3A = tpu.memref_slice %arg2[%add3A_37] : memref<320000xi32, #tpu.memory_space<hbm>> -> memref<1000xi32, #tpu.memory_space<hbm>>
        %dma_wait3A_49 = tpu.memref_slice %arg2[%add3A_37] : memref<320000xi32, #tpu.memory_space<hbm>> -> memref<1000xi32, #tpu.memory_space<hbm>>
        tpu.wait_dma2 semaphore(%run_scoped3A : memref<!tpu.dma_semaphore, #tpu.memory_space<semaphore_mem>>) src(%dma_wait3A_49 : memref<1000xi32, #tpu.memory_space<hbm>>) dst(%arg11 : memref<1000xi32, #tpu.memory_space<vmem>>)
        tpu.yield
      }) : () -> ()
      %add3A_38 = arith.constant 6000 : i32
      %add3A_39 = arith.addi %multiple_of3A, %add3A_38 : i32
      "tpu.region"() ({
        %run_scoped3A = tpu.sem_alloc : memref<!tpu.dma_semaphore, #tpu.memory_space<semaphore_mem>>
        %dma_start3A = tpu.memref_slice %arg2[%add3A_39] : memref<320000xi32, #tpu.memory_space<hbm>> -> memref<1000xi32, #tpu.memory_space<hbm>>
        %dma_start3A_48 = tpu.memref_slice %arg2[%add3A_39] : memref<320000xi32, #tpu.memory_space<hbm>> -> memref<1000xi32, #tpu.memory_space<hbm>>
        tpu.enqueue_dma source(%dma_start3A_48 : memref<1000xi32, #tpu.memory_space<hbm>>) target(%arg12 : memref<1000xi32, #tpu.memory_space<vmem>>) target_semaphore(%run_scoped3A : memref<!tpu.dma_semaphore, #tpu.memory_space<semaphore_mem>>)
        %dma_wait3A = tpu.memref_slice %arg2[%add3A_39] : memref<320000xi32, #tpu.memory_space<hbm>> -> memref<1000xi32, #tpu.memory_space<hbm>>
        %dma_wait3A_49 = tpu.memref_slice %arg2[%add3A_39] : memref<320000xi32, #tpu.memory_space<hbm>> -> memref<1000xi32, #tpu.memory_space<hbm>>
        tpu.wait_dma2 semaphore(%run_scoped3A : memref<!tpu.dma_semaphore, #tpu.memory_space<semaphore_mem>>) src(%dma_wait3A_49 : memref<1000xi32, #tpu.memory_space<hbm>>) dst(%arg12 : memref<1000xi32, #tpu.memory_space<vmem>>)
        tpu.yield
      }) : () -> ()
      %add3A_40 = arith.constant 7000 : i32
      %add3A_41 = arith.addi %multiple_of3A, %add3A_40 : i32
      "tpu.region"() ({
        %run_scoped3A = tpu.sem_alloc : memref<!tpu.dma_semaphore, #tpu.memory_space<semaphore_mem>>
        %dma_start3A = tpu.memref_slice %arg2[%add3A_41] : memref<320000xi32, #tpu.memory_space<hbm>> -> memref<1000xi32, #tpu.memory_space<hbm>>
        %dma_start3A_48 = tpu.memref_slice %arg2[%add3A_41] : memref<320000xi32, #tpu.memory_space<hbm>> -> memref<1000xi32, #tpu.memory_space<hbm>>
        tpu.enqueue_dma source(%dma_start3A_48 : memref<1000xi32, #tpu.memory_space<hbm>>) target(%arg13 : memref<1000xi32, #tpu.memory_space<vmem>>) target_semaphore(%run_scoped3A : memref<!tpu.dma_semaphore, #tpu.memory_space<semaphore_mem>>)
        %dma_wait3A = tpu.memref_slice %arg2[%add3A_41] : memref<320000xi32, #tpu.memory_space<hbm>> -> memref<1000xi32, #tpu.memory_space<hbm>>
        %dma_wait3A_49 = tpu.memref_slice %arg2[%add3A_41] : memref<320000xi32, #tpu.memory_space<hbm>> -> memref<1000xi32, #tpu.memory_space<hbm>>
        tpu.wait_dma2 semaphore(%run_scoped3A : memref<!tpu.dma_semaphore, #tpu.memory_space<semaphore_mem>>) src(%dma_wait3A_49 : memref<1000xi32, #tpu.memory_space<hbm>>) dst(%arg13 : memref<1000xi32, #tpu.memory_space<vmem>>)
        tpu.yield
      }) : () -> ()
      %add3A_42 = arith.constant 8000 : i32
      %add3A_43 = arith.addi %multiple_of3A, %add3A_42 : i32
      "tpu.region"() ({
        %run_scoped3A = tpu.sem_alloc : memref<!tpu.dma_semaphore, #tpu.memory_space<semaphore_mem>>
        %dma_start3A = tpu.memref_slice %arg2[%add3A_43] : memref<320000xi32, #tpu.memory_space<hbm>> -> memref<1000xi32, #tpu.memory_space<hbm>>
        %dma_start3A_48 = tpu.memref_slice %arg2[%add3A_43] : memref<320000xi32, #tpu.memory_space<hbm>> -> memref<1000xi32, #tpu.memory_space<hbm>>
        tpu.enqueue_dma source(%dma_start3A_48 : memref<1000xi32, #tpu.memory_space<hbm>>) target(%arg14 : memref<1000xi32, #tpu.memory_space<vmem>>) target_semaphore(%run_scoped3A : memref<!tpu.dma_semaphore, #tpu.memory_space<semaphore_mem>>)
        %dma_wait3A = tpu.memref_slice %arg2[%add3A_43] : memref<320000xi32, #tpu.memory_space<hbm>> -> memref<1000xi32, #tpu.memory_space<hbm>>
        %dma_wait3A_49 = tpu.memref_slice %arg2[%add3A_43] : memref<320000xi32, #tpu.memory_space<hbm>> -> memref<1000xi32, #tpu.memory_space<hbm>>
        tpu.wait_dma2 semaphore(%run_scoped3A : memref<!tpu.dma_semaphore, #tpu.memory_space<semaphore_mem>>) src(%dma_wait3A_49 : memref<1000xi32, #tpu.memory_space<hbm>>) dst(%arg14 : memref<1000xi32, #tpu.memory_space<vmem>>)
        tpu.yield
      }) : () -> ()
      %add3A_44 = arith.constant 9000 : i32
      %add3A_45 = arith.addi %multiple_of3A, %add3A_44 : i32
      "tpu.region"() ({
        %run_scoped3A = tpu.sem_alloc : memref<!tpu.dma_semaphore, #tpu.memory_space<semaphore_mem>>
        %dma_start3A = tpu.memref_slice %arg2[%add3A_45] : memref<320000xi32, #tpu.memory_space<hbm>> -> memref<1000xi32, #tpu.memory_space<hbm>>
        %dma_start3A_48 = tpu.memref_slice %arg2[%add3A_45] : memref<320000xi32, #tpu.memory_space<hbm>> -> memref<1000xi32, #tpu.memory_space<hbm>>
        tpu.enqueue_dma source(%dma_start3A_48 : memref<1000xi32, #tpu.memory_space<hbm>>) target(%arg15 : memref<1000xi32, #tpu.memory_space<vmem>>) target_semaphore(%run_scoped3A : memref<!tpu.dma_semaphore, #tpu.memory_space<semaphore_mem>>)
        %dma_wait3A = tpu.memref_slice %arg2[%add3A_45] : memref<320000xi32, #tpu.memory_space<hbm>> -> memref<1000xi32, #tpu.memory_space<hbm>>
        %dma_wait3A_49 = tpu.memref_slice %arg2[%add3A_45] : memref<320000xi32, #tpu.memory_space<hbm>> -> memref<1000xi32, #tpu.memory_space<hbm>>
        tpu.wait_dma2 semaphore(%run_scoped3A : memref<!tpu.dma_semaphore, #tpu.memory_space<semaphore_mem>>) src(%dma_wait3A_49 : memref<1000xi32, #tpu.memory_space<hbm>>) dst(%arg15 : memref<1000xi32, #tpu.memory_space<vmem>>)
        tpu.yield
      }) : () -> ()
      %add3A_46 = arith.constant 10000 : i32
      %add3A_47 = arith.addi %multiple_of3A, %add3A_46 : i32
      "tpu.region"() ({
        %run_scoped3A = tpu.sem_alloc : memref<!tpu.dma_semaphore, #tpu.memory_space<semaphore_mem>>
        %dma_start3A = tpu.memref_slice %arg2[%add3A_47] : memref<320000xi32, #tpu.memory_space<hbm>> -> memref<1000xi32, #tpu.memory_space<hbm>>
        %dma_start3A_48 = tpu.memref_slice %arg2[%add3A_47] : memref<320000xi32, #tpu.memory_space<hbm>> -> memref<1000xi32, #tpu.memory_space<hbm>>
        tpu.enqueue_dma source(%dma_start3A_48 : memref<1000xi32, #tpu.memory_space<hbm>>) target(%arg16 : memref<1000xi32, #tpu.memory_space<vmem>>) target_semaphore(%run_scoped3A : memref<!tpu.dma_semaphore, #tpu.memory_space<semaphore_mem>>)
        %dma_wait3A = tpu.memref_slice %arg2[%add3A_47] : memref<320000xi32, #tpu.memory_space<hbm>> -> memref<1000xi32, #tpu.memory_space<hbm>>
        %dma_wait3A_49 = tpu.memref_slice %arg2[%add3A_47] : memref<320000xi32, #tpu.memory_space<hbm>> -> memref<1000xi32, #tpu.memory_space<hbm>>
        tpu.wait_dma2 semaphore(%run_scoped3A : memref<!tpu.dma_semaphore, #tpu.memory_space<semaphore_mem>>) src(%dma_wait3A_49 : memref<1000xi32, #tpu.memory_space<hbm>>) dst(%arg16 : memref<1000xi32, #tpu.memory_space<vmem>>)
        tpu.yield
      }) : () -> ()
    } else {
    }
    %eq3A_5 = arith.constant 1 : i32
    %eq3A_6 = arith.cmpi eq, %arg0, %eq3A_5 : i32
    %convert_element_type3A_7 = arith.extui %eq3A_6 : i1 to i32
    %cond3A_8 = arith.constant 0 : i32
    %cond3A_9 = arith.cmpi ne, %convert_element_type3A_7, %cond3A_8 : i32
    scf.if %cond3A_9 {
      %mul3A_25 = arith.constant 9000 : i32
      %mul3A_26 = arith.muli %arg1, %mul3A_25 : i32
      %add3A = arith.constant 176000 : i32
      %add3A_27 = arith.addi %add3A, %mul3A_26 : i32
      %multiple_of3A = tpu.assume_multiple %add3A_27, 8 : i32
      %add3A_28 = arith.constant 0 : i32
      %add3A_29 = arith.addi %multiple_of3A, %add3A_28 : i32
      "tpu.region"() ({
        %run_scoped3A = tpu.sem_alloc : memref<!tpu.dma_semaphore, #tpu.memory_space<semaphore_mem>>
        %dma_start3A = tpu.memref_slice %arg2[%add3A_29] : memref<320000xi32, #tpu.memory_space<hbm>> -> memref<1000xi32, #tpu.memory_space<hbm>>
        %dma_start3A_46 = tpu.memref_slice %arg2[%add3A_29] : memref<320000xi32, #tpu.memory_space<hbm>> -> memref<1000xi32, #tpu.memory_space<hbm>>
        tpu.enqueue_dma source(%dma_start3A_46 : memref<1000xi32, #tpu.memory_space<hbm>>) target(%arg6 : memref<1000xi32, #tpu.memory_space<vmem>>) target_semaphore(%run_scoped3A : memref<!tpu.dma_semaphore, #tpu.memory_space<semaphore_mem>>)
        %dma_wait3A = tpu.memref_slice %arg2[%add3A_29] : memref<320000xi32, #tpu.memory_space<hbm>> -> memref<1000xi32, #tpu.memory_space<hbm>>
        %dma_wait3A_47 = tpu.memref_slice %arg2[%add3A_29] : memref<320000xi32, #tpu.memory_space<hbm>> -> memref<1000xi32, #tpu.memory_space<hbm>>
        tpu.wait_dma2 semaphore(%run_scoped3A : memref<!tpu.dma_semaphore, #tpu.memory_space<semaphore_mem>>) src(%dma_wait3A_47 : memref<1000xi32, #tpu.memory_space<hbm>>) dst(%arg6 : memref<1000xi32, #tpu.memory_space<vmem>>)
        tpu.yield
      }) : () -> ()
      %add3A_30 = arith.constant 1000 : i32
      %add3A_31 = arith.addi %multiple_of3A, %add3A_30 : i32
      "tpu.region"() ({
        %run_scoped3A = tpu.sem_alloc : memref<!tpu.dma_semaphore, #tpu.memory_space<semaphore_mem>>
        %dma_start3A = tpu.memref_slice %arg2[%add3A_31] : memref<320000xi32, #tpu.memory_space<hbm>> -> memref<1000xi32, #tpu.memory_space<hbm>>
        %dma_start3A_46 = tpu.memref_slice %arg2[%add3A_31] : memref<320000xi32, #tpu.memory_space<hbm>> -> memref<1000xi32, #tpu.memory_space<hbm>>
        tpu.enqueue_dma source(%dma_start3A_46 : memref<1000xi32, #tpu.memory_space<hbm>>) target(%arg7 : memref<1000xi32, #tpu.memory_space<vmem>>) target_semaphore(%run_scoped3A : memref<!tpu.dma_semaphore, #tpu.memory_space<semaphore_mem>>)
        %dma_wait3A = tpu.memref_slice %arg2[%add3A_31] : memref<320000xi32, #tpu.memory_space<hbm>> -> memref<1000xi32, #tpu.memory_space<hbm>>
        %dma_wait3A_47 = tpu.memref_slice %arg2[%add3A_31] : memref<320000xi32, #tpu.memory_space<hbm>> -> memref<1000xi32, #tpu.memory_space<hbm>>
        tpu.wait_dma2 semaphore(%run_scoped3A : memref<!tpu.dma_semaphore, #tpu.memory_space<semaphore_mem>>) src(%dma_wait3A_47 : memref<1000xi32, #tpu.memory_space<hbm>>) dst(%arg7 : memref<1000xi32, #tpu.memory_space<vmem>>)
        tpu.yield
      }) : () -> ()
      %add3A_32 = arith.constant 2000 : i32
      %add3A_33 = arith.addi %multiple_of3A, %add3A_32 : i32
      "tpu.region"() ({
        %run_scoped3A = tpu.sem_alloc : memref<!tpu.dma_semaphore, #tpu.memory_space<semaphore_mem>>
        %dma_start3A = tpu.memref_slice %arg2[%add3A_33] : memref<320000xi32, #tpu.memory_space<hbm>> -> memref<1000xi32, #tpu.memory_space<hbm>>
        %dma_start3A_46 = tpu.memref_slice %arg2[%add3A_33] : memref<320000xi32, #tpu.memory_space<hbm>> -> memref<1000xi32, #tpu.memory_space<hbm>>
        tpu.enqueue_dma source(%dma_start3A_46 : memref<1000xi32, #tpu.memory_space<hbm>>) target(%arg8 : memref<1000xi32, #tpu.memory_space<vmem>>) target_semaphore(%run_scoped3A : memref<!tpu.dma_semaphore, #tpu.memory_space<semaphore_mem>>)
        %dma_wait3A = tpu.memref_slice %arg2[%add3A_33] : memref<320000xi32, #tpu.memory_space<hbm>> -> memref<1000xi32, #tpu.memory_space<hbm>>
        %dma_wait3A_47 = tpu.memref_slice %arg2[%add3A_33] : memref<320000xi32, #tpu.memory_space<hbm>> -> memref<1000xi32, #tpu.memory_space<hbm>>
        tpu.wait_dma2 semaphore(%run_scoped3A : memref<!tpu.dma_semaphore, #tpu.memory_space<semaphore_mem>>) src(%dma_wait3A_47 : memref<1000xi32, #tpu.memory_space<hbm>>) dst(%arg8 : memref<1000xi32, #tpu.memory_space<vmem>>)
        tpu.yield
      }) : () -> ()
      %add3A_34 = arith.constant 3000 : i32
      %add3A_35 = arith.addi %multiple_of3A, %add3A_34 : i32
      "tpu.region"() ({
        %run_scoped3A = tpu.sem_alloc : memref<!tpu.dma_semaphore, #tpu.memory_space<semaphore_mem>>
        %dma_start3A = tpu.memref_slice %arg2[%add3A_35] : memref<320000xi32, #tpu.memory_space<hbm>> -> memref<1000xi32, #tpu.memory_space<hbm>>
        %dma_start3A_46 = tpu.memref_slice %arg2[%add3A_35] : memref<320000xi32, #tpu.memory_space<hbm>> -> memref<1000xi32, #tpu.memory_space<hbm>>
        tpu.enqueue_dma source(%dma_start3A_46 : memref<1000xi32, #tpu.memory_space<hbm>>) target(%arg9 : memref<1000xi32, #tpu.memory_space<vmem>>) target_semaphore(%run_scoped3A : memref<!tpu.dma_semaphore, #tpu.memory_space<semaphore_mem>>)
        %dma_wait3A = tpu.memref_slice %arg2[%add3A_35] : memref<320000xi32, #tpu.memory_space<hbm>> -> memref<1000xi32, #tpu.memory_space<hbm>>
        %dma_wait3A_47 = tpu.memref_slice %arg2[%add3A_35] : memref<320000xi32, #tpu.memory_space<hbm>> -> memref<1000xi32, #tpu.memory_space<hbm>>
        tpu.wait_dma2 semaphore(%run_scoped3A : memref<!tpu.dma_semaphore, #tpu.memory_space<semaphore_mem>>) src(%dma_wait3A_47 : memref<1000xi32, #tpu.memory_space<hbm>>) dst(%arg9 : memref<1000xi32, #tpu.memory_space<vmem>>)
        tpu.yield
      }) : () -> ()
      %add3A_36 = arith.constant 4000 : i32
      %add3A_37 = arith.addi %multiple_of3A, %add3A_36 : i32
      "tpu.region"() ({
        %run_scoped3A = tpu.sem_alloc : memref<!tpu.dma_semaphore, #tpu.memory_space<semaphore_mem>>
        %dma_start3A = tpu.memref_slice %arg2[%add3A_37] : memref<320000xi32, #tpu.memory_space<hbm>> -> memref<1000xi32, #tpu.memory_space<hbm>>
        %dma_start3A_46 = tpu.memref_slice %arg2[%add3A_37] : memref<320000xi32, #tpu.memory_space<hbm>> -> memref<1000xi32, #tpu.memory_space<hbm>>
        tpu.enqueue_dma source(%dma_start3A_46 : memref<1000xi32, #tpu.memory_space<hbm>>) target(%arg10 : memref<1000xi32, #tpu.memory_space<vmem>>) target_semaphore(%run_scoped3A : memref<!tpu.dma_semaphore, #tpu.memory_space<semaphore_mem>>)
        %dma_wait3A = tpu.memref_slice %arg2[%add3A_37] : memref<320000xi32, #tpu.memory_space<hbm>> -> memref<1000xi32, #tpu.memory_space<hbm>>
        %dma_wait3A_47 = tpu.memref_slice %arg2[%add3A_37] : memref<320000xi32, #tpu.memory_space<hbm>> -> memref<1000xi32, #tpu.memory_space<hbm>>
        tpu.wait_dma2 semaphore(%run_scoped3A : memref<!tpu.dma_semaphore, #tpu.memory_space<semaphore_mem>>) src(%dma_wait3A_47 : memref<1000xi32, #tpu.memory_space<hbm>>) dst(%arg10 : memref<1000xi32, #tpu.memory_space<vmem>>)
        tpu.yield
      }) : () -> ()
      %add3A_38 = arith.constant 5000 : i32
      %add3A_39 = arith.addi %multiple_of3A, %add3A_38 : i32
      "tpu.region"() ({
        %run_scoped3A = tpu.sem_alloc : memref<!tpu.dma_semaphore, #tpu.memory_space<semaphore_mem>>
        %dma_start3A = tpu.memref_slice %arg2[%add3A_39] : memref<320000xi32, #tpu.memory_space<hbm>> -> memref<1000xi32, #tpu.memory_space<hbm>>
        %dma_start3A_46 = tpu.memref_slice %arg2[%add3A_39] : memref<320000xi32, #tpu.memory_space<hbm>> -> memref<1000xi32, #tpu.memory_space<hbm>>
        tpu.enqueue_dma source(%dma_start3A_46 : memref<1000xi32, #tpu.memory_space<hbm>>) target(%arg11 : memref<1000xi32, #tpu.memory_space<vmem>>) target_semaphore(%run_scoped3A : memref<!tpu.dma_semaphore, #tpu.memory_space<semaphore_mem>>)
        %dma_wait3A = tpu.memref_slice %arg2[%add3A_39] : memref<320000xi32, #tpu.memory_space<hbm>> -> memref<1000xi32, #tpu.memory_space<hbm>>
        %dma_wait3A_47 = tpu.memref_slice %arg2[%add3A_39] : memref<320000xi32, #tpu.memory_space<hbm>> -> memref<1000xi32, #tpu.memory_space<hbm>>
        tpu.wait_dma2 semaphore(%run_scoped3A : memref<!tpu.dma_semaphore, #tpu.memory_space<semaphore_mem>>) src(%dma_wait3A_47 : memref<1000xi32, #tpu.memory_space<hbm>>) dst(%arg11 : memref<1000xi32, #tpu.memory_space<vmem>>)
        tpu.yield
      }) : () -> ()
      %add3A_40 = arith.constant 6000 : i32
      %add3A_41 = arith.addi %multiple_of3A, %add3A_40 : i32
      "tpu.region"() ({
        %run_scoped3A = tpu.sem_alloc : memref<!tpu.dma_semaphore, #tpu.memory_space<semaphore_mem>>
        %dma_start3A = tpu.memref_slice %arg2[%add3A_41] : memref<320000xi32, #tpu.memory_space<hbm>> -> memref<1000xi32, #tpu.memory_space<hbm>>
        %dma_start3A_46 = tpu.memref_slice %arg2[%add3A_41] : memref<320000xi32, #tpu.memory_space<hbm>> -> memref<1000xi32, #tpu.memory_space<hbm>>
        tpu.enqueue_dma source(%dma_start3A_46 : memref<1000xi32, #tpu.memory_space<hbm>>) target(%arg12 : memref<1000xi32, #tpu.memory_space<vmem>>) target_semaphore(%run_scoped3A : memref<!tpu.dma_semaphore, #tpu.memory_space<semaphore_mem>>)
        %dma_wait3A = tpu.memref_slice %arg2[%add3A_41] : memref<320000xi32, #tpu.memory_space<hbm>> -> memref<1000xi32, #tpu.memory_space<hbm>>
        %dma_wait3A_47 = tpu.memref_slice %arg2[%add3A_41] : memref<320000xi32, #tpu.memory_space<hbm>> -> memref<1000xi32, #tpu.memory_space<hbm>>
        tpu.wait_dma2 semaphore(%run_scoped3A : memref<!tpu.dma_semaphore, #tpu.memory_space<semaphore_mem>>) src(%dma_wait3A_47 : memref<1000xi32, #tpu.memory_space<hbm>>) dst(%arg12 : memref<1000xi32, #tpu.memory_space<vmem>>)
        tpu.yield
      }) : () -> ()
      %add3A_42 = arith.constant 7000 : i32
      %add3A_43 = arith.addi %multiple_of3A, %add3A_42 : i32
      "tpu.region"() ({
        %run_scoped3A = tpu.sem_alloc : memref<!tpu.dma_semaphore, #tpu.memory_space<semaphore_mem>>
        %dma_start3A = tpu.memref_slice %arg2[%add3A_43] : memref<320000xi32, #tpu.memory_space<hbm>> -> memref<1000xi32, #tpu.memory_space<hbm>>
        %dma_start3A_46 = tpu.memref_slice %arg2[%add3A_43] : memref<320000xi32, #tpu.memory_space<hbm>> -> memref<1000xi32, #tpu.memory_space<hbm>>
        tpu.enqueue_dma source(%dma_start3A_46 : memref<1000xi32, #tpu.memory_space<hbm>>) target(%arg13 : memref<1000xi32, #tpu.memory_space<vmem>>) target_semaphore(%run_scoped3A : memref<!tpu.dma_semaphore, #tpu.memory_space<semaphore_mem>>)
        %dma_wait3A = tpu.memref_slice %arg2[%add3A_43] : memref<320000xi32, #tpu.memory_space<hbm>> -> memref<1000xi32, #tpu.memory_space<hbm>>
        %dma_wait3A_47 = tpu.memref_slice %arg2[%add3A_43] : memref<320000xi32, #tpu.memory_space<hbm>> -> memref<1000xi32, #tpu.memory_space<hbm>>
        tpu.wait_dma2 semaphore(%run_scoped3A : memref<!tpu.dma_semaphore, #tpu.memory_space<semaphore_mem>>) src(%dma_wait3A_47 : memref<1000xi32, #tpu.memory_space<hbm>>) dst(%arg13 : memref<1000xi32, #tpu.memory_space<vmem>>)
        tpu.yield
      }) : () -> ()
      %add3A_44 = arith.constant 8000 : i32
      %add3A_45 = arith.addi %multiple_of3A, %add3A_44 : i32
      "tpu.region"() ({
        %run_scoped3A = tpu.sem_alloc : memref<!tpu.dma_semaphore, #tpu.memory_space<semaphore_mem>>
        %dma_start3A = tpu.memref_slice %arg2[%add3A_45] : memref<320000xi32, #tpu.memory_space<hbm>> -> memref<1000xi32, #tpu.memory_space<hbm>>
        %dma_start3A_46 = tpu.memref_slice %arg2[%add3A_45] : memref<320000xi32, #tpu.memory_space<hbm>> -> memref<1000xi32, #tpu.memory_space<hbm>>
        tpu.enqueue_dma source(%dma_start3A_46 : memref<1000xi32, #tpu.memory_space<hbm>>) target(%arg14 : memref<1000xi32, #tpu.memory_space<vmem>>) target_semaphore(%run_scoped3A : memref<!tpu.dma_semaphore, #tpu.memory_space<semaphore_mem>>)
        %dma_wait3A = tpu.memref_slice %arg2[%add3A_45] : memref<320000xi32, #tpu.memory_space<hbm>> -> memref<1000xi32, #tpu.memory_space<hbm>>
        %dma_wait3A_47 = tpu.memref_slice %arg2[%add3A_45] : memref<320000xi32, #tpu.memory_space<hbm>> -> memref<1000xi32, #tpu.memory_space<hbm>>
        tpu.wait_dma2 semaphore(%run_scoped3A : memref<!tpu.dma_semaphore, #tpu.memory_space<semaphore_mem>>) src(%dma_wait3A_47 : memref<1000xi32, #tpu.memory_space<hbm>>) dst(%arg14 : memref<1000xi32, #tpu.memory_space<vmem>>)
        tpu.yield
      }) : () -> ()
    } else {
    }
    %barrier3A = arith.constant 0 : index
    tpu.barrier barrier_id(%barrier3A)
    %eq3A_10 = arith.constant 0 : i32
    %eq3A_11 = arith.cmpi eq, %arg0, %eq3A_10 : i32
    %convert_element_type3A_12 = arith.extui %eq3A_11 : i1 to i32
    %cond3A_13 = arith.constant 0 : i32
    %cond3A_14 = arith.cmpi ne, %convert_element_type3A_12, %cond3A_13 : i32
    scf.if %cond3A_14 {
      %dma_start3A = arith.constant 0 : i32
      %dma_start3A_25 = arith.constant 0 : i32
      %dma_start3A_26 = tpu.memref_slice %arg18[%dma_start3A, %dma_start3A_25] : memref<10240x16xf32, #tpu.memory_space<vmem_shared>> -> memref<10240x16xf32, #tpu.memory_space<vmem_shared>>
      tpu.enqueue_indirect_dma source(%arg17 : memref<1000x16xf32, #tpu.memory_space<vmem>>) target(%dma_start3A_26 : memref<10240x16xf32, #tpu.memory_space<vmem_shared>>) offsets(%arg6 : memref<1000xi32, #tpu.memory_space<vmem>>) semaphore(%arg19 : memref<!tpu.dma_semaphore, #tpu.memory_space<semaphore_mem>>) {add = true}
      %dma_start3A_27 = arith.constant 0 : i32
      %dma_start3A_28 = arith.constant 0 : i32
      %dma_start3A_29 = tpu.memref_slice %arg18[%dma_start3A_27, %dma_start3A_28] : memref<10240x16xf32, #tpu.memory_space<vmem_shared>> -> memref<10240x16xf32, #tpu.memory_space<vmem_shared>>
      tpu.enqueue_indirect_dma source(%arg17 : memref<1000x16xf32, #tpu.memory_space<vmem>>) target(%dma_start3A_29 : memref<10240x16xf32, #tpu.memory_space<vmem_shared>>) offsets(%arg7 : memref<1000xi32, #tpu.memory_space<vmem>>) semaphore(%arg19 : memref<!tpu.dma_semaphore, #tpu.memory_space<semaphore_mem>>) {add = true}
      %dma_start3A_30 = arith.constant 0 : i32
      %dma_start3A_31 = arith.constant 0 : i32
      %dma_start3A_32 = tpu.memref_slice %arg18[%dma_start3A_30, %dma_start3A_31] : memref<10240x16xf32, #tpu.memory_space<vmem_shared>> -> memref<10240x16xf32, #tpu.memory_space<vmem_shared>>
      tpu.enqueue_indirect_dma source(%arg17 : memref<1000x16xf32, #tpu.memory_space<vmem>>) target(%dma_start3A_32 : memref<10240x16xf32, #tpu.memory_space<vmem_shared>>) offsets(%arg8 : memref<1000xi32, #tpu.memory_space<vmem>>) semaphore(%arg19 : memref<!tpu.dma_semaphore, #tpu.memory_space<semaphore_mem>>) {add = true}
      %dma_start3A_33 = arith.constant 0 : i32
      %dma_start3A_34 = arith.constant 0 : i32
      %dma_start3A_35 = tpu.memref_slice %arg18[%dma_start3A_33, %dma_start3A_34] : memref<10240x16xf32, #tpu.memory_space<vmem_shared>> -> memref<10240x16xf32, #tpu.memory_space<vmem_shared>>
      tpu.enqueue_indirect_dma source(%arg17 : memref<1000x16xf32, #tpu.memory_space<vmem>>) target(%dma_start3A_35 : memref<10240x16xf32, #tpu.memory_space<vmem_shared>>) offsets(%arg9 : memref<1000xi32, #tpu.memory_space<vmem>>) semaphore(%arg19 : memref<!tpu.dma_semaphore, #tpu.memory_space<semaphore_mem>>) {add = true}
      %dma_start3A_36 = arith.constant 0 : i32
      %dma_start3A_37 = arith.constant 0 : i32
      %dma_start3A_38 = tpu.memref_slice %arg18[%dma_start3A_36, %dma_start3A_37] : memref<10240x16xf32, #tpu.memory_space<vmem_shared>> -> memref<10240x16xf32, #tpu.memory_space<vmem_shared>>
      tpu.enqueue_indirect_dma source(%arg17 : memref<1000x16xf32, #tpu.memory_space<vmem>>) target(%dma_start3A_38 : memref<10240x16xf32, #tpu.memory_space<vmem_shared>>) offsets(%arg10 : memref<1000xi32, #tpu.memory_space<vmem>>) semaphore(%arg19 : memref<!tpu.dma_semaphore, #tpu.memory_space<semaphore_mem>>) {add = true}
      %dma_start3A_39 = arith.constant 0 : i32
      %dma_start3A_40 = arith.constant 0 : i32
      %dma_start3A_41 = tpu.memref_slice %arg18[%dma_start3A_39, %dma_start3A_40] : memref<10240x16xf32, #tpu.memory_space<vmem_shared>> -> memref<10240x16xf32, #tpu.memory_space<vmem_shared>>
      tpu.enqueue_indirect_dma source(%arg17 : memref<1000x16xf32, #tpu.memory_space<vmem>>) target(%dma_start3A_41 : memref<10240x16xf32, #tpu.memory_space<vmem_shared>>) offsets(%arg11 : memref<1000xi32, #tpu.memory_space<vmem>>) semaphore(%arg19 : memref<!tpu.dma_semaphore, #tpu.memory_space<semaphore_mem>>) {add = true}
      %dma_start3A_42 = arith.constant 0 : i32
      %dma_start3A_43 = arith.constant 0 : i32
      %dma_start3A_44 = tpu.memref_slice %arg18[%dma_start3A_42, %dma_start3A_43] : memref<10240x16xf32, #tpu.memory_space<vmem_shared>> -> memref<10240x16xf32, #tpu.memory_space<vmem_shared>>
      tpu.enqueue_indirect_dma source(%arg17 : memref<1000x16xf32, #tpu.memory_space<vmem>>) target(%dma_start3A_44 : memref<10240x16xf32, #tpu.memory_space<vmem_shared>>) offsets(%arg12 : memref<1000xi32, #tpu.memory_space<vmem>>) semaphore(%arg19 : memref<!tpu.dma_semaphore, #tpu.memory_space<semaphore_mem>>) {add = true}
      %dma_start3A_45 = arith.constant 0 : i32
      %dma_start3A_46 = arith.constant 0 : i32
      %dma_start3A_47 = tpu.memref_slice %arg18[%dma_start3A_45, %dma_start3A_46] : memref<10240x16xf32, #tpu.memory_space<vmem_shared>> -> memref<10240x16xf32, #tpu.memory_space<vmem_shared>>
      tpu.enqueue_indirect_dma source(%arg17 : memref<1000x16xf32, #tpu.memory_space<vmem>>) target(%dma_start3A_47 : memref<10240x16xf32, #tpu.memory_space<vmem_shared>>) offsets(%arg13 : memref<1000xi32, #tpu.memory_space<vmem>>) semaphore(%arg19 : memref<!tpu.dma_semaphore, #tpu.memory_space<semaphore_mem>>) {add = true}
      %dma_start3A_48 = arith.constant 0 : i32
      %dma_start3A_49 = arith.constant 0 : i32
      %dma_start3A_50 = tpu.memref_slice %arg18[%dma_start3A_48, %dma_start3A_49] : memref<10240x16xf32, #tpu.memory_space<vmem_shared>> -> memref<10240x16xf32, #tpu.memory_space<vmem_shared>>
      tpu.enqueue_indirect_dma source(%arg17 : memref<1000x16xf32, #tpu.memory_space<vmem>>) target(%dma_start3A_50 : memref<10240x16xf32, #tpu.memory_space<vmem_shared>>) offsets(%arg14 : memref<1000xi32, #tpu.memory_space<vmem>>) semaphore(%arg19 : memref<!tpu.dma_semaphore, #tpu.memory_space<semaphore_mem>>) {add = true}
      %dma_start3A_51 = arith.constant 0 : i32
      %dma_start3A_52 = arith.constant 0 : i32
      %dma_start3A_53 = tpu.memref_slice %arg18[%dma_start3A_51, %dma_start3A_52] : memref<10240x16xf32, #tpu.memory_space<vmem_shared>> -> memref<10240x16xf32, #tpu.memory_space<vmem_shared>>
      tpu.enqueue_indirect_dma source(%arg17 : memref<1000x16xf32, #tpu.memory_space<vmem>>) target(%dma_start3A_53 : memref<10240x16xf32, #tpu.memory_space<vmem_shared>>) offsets(%arg15 : memref<1000xi32, #tpu.memory_space<vmem>>) semaphore(%arg19 : memref<!tpu.dma_semaphore, #tpu.memory_space<semaphore_mem>>) {add = true}
      %dma_start3A_54 = arith.constant 0 : i32
      %dma_start3A_55 = arith.constant 0 : i32
      %dma_start3A_56 = tpu.memref_slice %arg18[%dma_start3A_54, %dma_start3A_55] : memref<10240x16xf32, #tpu.memory_space<vmem_shared>> -> memref<10240x16xf32, #tpu.memory_space<vmem_shared>>
      tpu.enqueue_indirect_dma source(%arg17 : memref<1000x16xf32, #tpu.memory_space<vmem>>) target(%dma_start3A_56 : memref<10240x16xf32, #tpu.memory_space<vmem_shared>>) offsets(%arg16 : memref<1000xi32, #tpu.memory_space<vmem>>) semaphore(%arg19 : memref<!tpu.dma_semaphore, #tpu.memory_space<semaphore_mem>>) {add = true}
      %dma_wait3A = arith.constant 0 : i32
      %dma_wait3A_57 = arith.constant 0 : i32
      %dma_wait3A_58 = tpu.memref_slice %arg18[%dma_wait3A, %dma_wait3A_57] : memref<10240x16xf32, #tpu.memory_space<vmem_shared>> -> memref<10240x16xf32, #tpu.memory_space<vmem_shared>>
      tpu.wait_indirect_dma semaphore(%arg19 : memref<!tpu.dma_semaphore, #tpu.memory_space<semaphore_mem>>) src(%arg17 : memref<1000x16xf32, #tpu.memory_space<vmem>>) dst(%dma_wait3A_58 : memref<10240x16xf32, #tpu.memory_space<vmem_shared>>)
      %dma_wait3A_59 = arith.constant 0 : i32
      %dma_wait3A_60 = arith.constant 0 : i32
      %dma_wait3A_61 = tpu.memref_slice %arg18[%dma_wait3A_59, %dma_wait3A_60] : memref<10240x16xf32, #tpu.memory_space<vmem_shared>> -> memref<10240x16xf32, #tpu.memory_space<vmem_shared>>
      tpu.wait_indirect_dma semaphore(%arg19 : memref<!tpu.dma_semaphore, #tpu.memory_space<semaphore_mem>>) src(%arg17 : memref<1000x16xf32, #tpu.memory_space<vmem>>) dst(%dma_wait3A_61 : memref<10240x16xf32, #tpu.memory_space<vmem_shared>>)
      %dma_wait3A_62 = arith.constant 0 : i32
      %dma_wait3A_63 = arith.constant 0 : i32
      %dma_wait3A_64 = tpu.memref_slice %arg18[%dma_wait3A_62, %dma_wait3A_63] : memref<10240x16xf32, #tpu.memory_space<vmem_shared>> -> memref<10240x16xf32, #tpu.memory_space<vmem_shared>>
      tpu.wait_indirect_dma semaphore(%arg19 : memref<!tpu.dma_semaphore, #tpu.memory_space<semaphore_mem>>) src(%arg17 : memref<1000x16xf32, #tpu.memory_space<vmem>>) dst(%dma_wait3A_64 : memref<10240x16xf32, #tpu.memory_space<vmem_shared>>)
      %dma_wait3A_65 = arith.constant 0 : i32
      %dma_wait3A_66 = arith.constant 0 : i32
      %dma_wait3A_67 = tpu.memref_slice %arg18[%dma_wait3A_65, %dma_wait3A_66] : memref<10240x16xf32, #tpu.memory_space<vmem_shared>> -> memref<10240x16xf32, #tpu.memory_space<vmem_shared>>
      tpu.wait_indirect_dma semaphore(%arg19 : memref<!tpu.dma_semaphore, #tpu.memory_space<semaphore_mem>>) src(%arg17 : memref<1000x16xf32, #tpu.memory_space<vmem>>) dst(%dma_wait3A_67 : memref<10240x16xf32, #tpu.memory_space<vmem_shared>>)
      %dma_wait3A_68 = arith.constant 0 : i32
      %dma_wait3A_69 = arith.constant 0 : i32
      %dma_wait3A_70 = tpu.memref_slice %arg18[%dma_wait3A_68, %dma_wait3A_69] : memref<10240x16xf32, #tpu.memory_space<vmem_shared>> -> memref<10240x16xf32, #tpu.memory_space<vmem_shared>>
      tpu.wait_indirect_dma semaphore(%arg19 : memref<!tpu.dma_semaphore, #tpu.memory_space<semaphore_mem>>) src(%arg17 : memref<1000x16xf32, #tpu.memory_space<vmem>>) dst(%dma_wait3A_70 : memref<10240x16xf32, #tpu.memory_space<vmem_shared>>)
      %dma_wait3A_71 = arith.constant 0 : i32
      %dma_wait3A_72 = arith.constant 0 : i32
      %dma_wait3A_73 = tpu.memref_slice %arg18[%dma_wait3A_71, %dma_wait3A_72] : memref<10240x16xf32, #tpu.memory_space<vmem_shared>> -> memref<10240x16xf32, #tpu.memory_space<vmem_shared>>
      tpu.wait_indirect_dma semaphore(%arg19 : memref<!tpu.dma_semaphore, #tpu.memory_space<semaphore_mem>>) src(%arg17 : memref<1000x16xf32, #tpu.memory_space<vmem>>) dst(%dma_wait3A_73 : memref<10240x16xf32, #tpu.memory_space<vmem_shared>>)
      %dma_wait3A_74 = arith.constant 0 : i32
      %dma_wait3A_75 = arith.constant 0 : i32
      %dma_wait3A_76 = tpu.memref_slice %arg18[%dma_wait3A_74, %dma_wait3A_75] : memref<10240x16xf32, #tpu.memory_space<vmem_shared>> -> memref<10240x16xf32, #tpu.memory_space<vmem_shared>>
      tpu.wait_indirect_dma semaphore(%arg19 : memref<!tpu.dma_semaphore, #tpu.memory_space<semaphore_mem>>) src(%arg17 : memref<1000x16xf32, #tpu.memory_space<vmem>>) dst(%dma_wait3A_76 : memref<10240x16xf32, #tpu.memory_space<vmem_shared>>)
      %dma_wait3A_77 = arith.constant 0 : i32
      %dma_wait3A_78 = arith.constant 0 : i32
      %dma_wait3A_79 = tpu.memref_slice %arg18[%dma_wait3A_77, %dma_wait3A_78] : memref<10240x16xf32, #tpu.memory_space<vmem_shared>> -> memref<10240x16xf32, #tpu.memory_space<vmem_shared>>
      tpu.wait_indirect_dma semaphore(%arg19 : memref<!tpu.dma_semaphore, #tpu.memory_space<semaphore_mem>>) src(%arg17 : memref<1000x16xf32, #tpu.memory_space<vmem>>) dst(%dma_wait3A_79 : memref<10240x16xf32, #tpu.memory_space<vmem_shared>>)
      %dma_wait3A_80 = arith.constant 0 : i32
      %dma_wait3A_81 = arith.constant 0 : i32
      %dma_wait3A_82 = tpu.memref_slice %arg18[%dma_wait3A_80, %dma_wait3A_81] : memref<10240x16xf32, #tpu.memory_space<vmem_shared>> -> memref<10240x16xf32, #tpu.memory_space<vmem_shared>>
      tpu.wait_indirect_dma semaphore(%arg19 : memref<!tpu.dma_semaphore, #tpu.memory_space<semaphore_mem>>) src(%arg17 : memref<1000x16xf32, #tpu.memory_space<vmem>>) dst(%dma_wait3A_82 : memref<10240x16xf32, #tpu.memory_space<vmem_shared>>)
      %dma_wait3A_83 = arith.constant 0 : i32
      %dma_wait3A_84 = arith.constant 0 : i32
      %dma_wait3A_85 = tpu.memref_slice %arg18[%dma_wait3A_83, %dma_wait3A_84] : memref<10240x16xf32, #tpu.memory_space<vmem_shared>> -> memref<10240x16xf32, #tpu.memory_space<vmem_shared>>
      tpu.wait_indirect_dma semaphore(%arg19 : memref<!tpu.dma_semaphore, #tpu.memory_space<semaphore_mem>>) src(%arg17 : memref<1000x16xf32, #tpu.memory_space<vmem>>) dst(%dma_wait3A_85 : memref<10240x16xf32, #tpu.memory_space<vmem_shared>>)
      %dma_wait3A_86 = arith.constant 0 : i32
      %dma_wait3A_87 = arith.constant 0 : i32
      %dma_wait3A_88 = tpu.memref_slice %arg18[%dma_wait3A_86, %dma_wait3A_87] : memref<10240x16xf32, #tpu.memory_space<vmem_shared>> -> memref<10240x16xf32, #tpu.memory_space<vmem_shared>>
      tpu.wait_indirect_dma semaphore(%arg19 : memref<!tpu.dma_semaphore, #tpu.memory_space<semaphore_mem>>) src(%arg17 : memref<1000x16xf32, #tpu.memory_space<vmem>>) dst(%dma_wait3A_88 : memref<10240x16xf32, #tpu.memory_space<vmem_shared>>)
    } else {
    }
    %eq3A_15 = arith.constant 1 : i32
    %eq3A_16 = arith.cmpi eq, %arg0, %eq3A_15 : i32
    %convert_element_type3A_17 = arith.extui %eq3A_16 : i1 to i32
    %cond3A_18 = arith.constant 0 : i32
    %cond3A_19 = arith.cmpi ne, %convert_element_type3A_17, %cond3A_18 : i32
    scf.if %cond3A_19 {
      %dma_start3A = arith.constant 0 : i32
      %dma_start3A_25 = arith.constant 0 : i32
      %dma_start3A_26 = tpu.memref_slice %arg18[%dma_start3A, %dma_start3A_25] : memref<10240x16xf32, #tpu.memory_space<vmem_shared>> -> memref<10240x16xf32, #tpu.memory_space<vmem_shared>>
      tpu.enqueue_indirect_dma source(%arg17 : memref<1000x16xf32, #tpu.memory_space<vmem>>) target(%dma_start3A_26 : memref<10240x16xf32, #tpu.memory_space<vmem_shared>>) offsets(%arg6 : memref<1000xi32, #tpu.memory_space<vmem>>) semaphore(%arg19 : memref<!tpu.dma_semaphore, #tpu.memory_space<semaphore_mem>>) {add = true}
      %dma_start3A_27 = arith.constant 0 : i32
      %dma_start3A_28 = arith.constant 0 : i32
      %dma_start3A_29 = tpu.memref_slice %arg18[%dma_start3A_27, %dma_start3A_28] : memref<10240x16xf32, #tpu.memory_space<vmem_shared>> -> memref<10240x16xf32, #tpu.memory_space<vmem_shared>>
      tpu.enqueue_indirect_dma source(%arg17 : memref<1000x16xf32, #tpu.memory_space<vmem>>) target(%dma_start3A_29 : memref<10240x16xf32, #tpu.memory_space<vmem_shared>>) offsets(%arg7 : memref<1000xi32, #tpu.memory_space<vmem>>) semaphore(%arg19 : memref<!tpu.dma_semaphore, #tpu.memory_space<semaphore_mem>>) {add = true}
      %dma_start3A_30 = arith.constant 0 : i32
      %dma_start3A_31 = arith.constant 0 : i32
      %dma_start3A_32 = tpu.memref_slice %arg18[%dma_start3A_30, %dma_start3A_31] : memref<10240x16xf32, #tpu.memory_space<vmem_shared>> -> memref<10240x16xf32, #tpu.memory_space<vmem_shared>>
      tpu.enqueue_indirect_dma source(%arg17 : memref<1000x16xf32, #tpu.memory_space<vmem>>) target(%dma_start3A_32 : memref<10240x16xf32, #tpu.memory_space<vmem_shared>>) offsets(%arg8 : memref<1000xi32, #tpu.memory_space<vmem>>) semaphore(%arg19 : memref<!tpu.dma_semaphore, #tpu.memory_space<semaphore_mem>>) {add = true}
      %dma_start3A_33 = arith.constant 0 : i32
      %dma_start3A_34 = arith.constant 0 : i32
      %dma_start3A_35 = tpu.memref_slice %arg18[%dma_start3A_33, %dma_start3A_34] : memref<10240x16xf32, #tpu.memory_space<vmem_shared>> -> memref<10240x16xf32, #tpu.memory_space<vmem_shared>>
      tpu.enqueue_indirect_dma source(%arg17 : memref<1000x16xf32, #tpu.memory_space<vmem>>) target(%dma_start3A_35 : memref<10240x16xf32, #tpu.memory_space<vmem_shared>>) offsets(%arg9 : memref<1000xi32, #tpu.memory_space<vmem>>) semaphore(%arg19 : memref<!tpu.dma_semaphore, #tpu.memory_space<semaphore_mem>>) {add = true}
      %dma_start3A_36 = arith.constant 0 : i32
      %dma_start3A_37 = arith.constant 0 : i32
      %dma_start3A_38 = tpu.memref_slice %arg18[%dma_start3A_36, %dma_start3A_37] : memref<10240x16xf32, #tpu.memory_space<vmem_shared>> -> memref<10240x16xf32, #tpu.memory_space<vmem_shared>>
      tpu.enqueue_indirect_dma source(%arg17 : memref<1000x16xf32, #tpu.memory_space<vmem>>) target(%dma_start3A_38 : memref<10240x16xf32, #tpu.memory_space<vmem_shared>>) offsets(%arg10 : memref<1000xi32, #tpu.memory_space<vmem>>) semaphore(%arg19 : memref<!tpu.dma_semaphore, #tpu.memory_space<semaphore_mem>>) {add = true}
      %dma_start3A_39 = arith.constant 0 : i32
      %dma_start3A_40 = arith.constant 0 : i32
      %dma_start3A_41 = tpu.memref_slice %arg18[%dma_start3A_39, %dma_start3A_40] : memref<10240x16xf32, #tpu.memory_space<vmem_shared>> -> memref<10240x16xf32, #tpu.memory_space<vmem_shared>>
      tpu.enqueue_indirect_dma source(%arg17 : memref<1000x16xf32, #tpu.memory_space<vmem>>) target(%dma_start3A_41 : memref<10240x16xf32, #tpu.memory_space<vmem_shared>>) offsets(%arg11 : memref<1000xi32, #tpu.memory_space<vmem>>) semaphore(%arg19 : memref<!tpu.dma_semaphore, #tpu.memory_space<semaphore_mem>>) {add = true}
      %dma_start3A_42 = arith.constant 0 : i32
      %dma_start3A_43 = arith.constant 0 : i32
      %dma_start3A_44 = tpu.memref_slice %arg18[%dma_start3A_42, %dma_start3A_43] : memref<10240x16xf32, #tpu.memory_space<vmem_shared>> -> memref<10240x16xf32, #tpu.memory_space<vmem_shared>>
      tpu.enqueue_indirect_dma source(%arg17 : memref<1000x16xf32, #tpu.memory_space<vmem>>) target(%dma_start3A_44 : memref<10240x16xf32, #tpu.memory_space<vmem_shared>>) offsets(%arg12 : memref<1000xi32, #tpu.memory_space<vmem>>) semaphore(%arg19 : memref<!tpu.dma_semaphore, #tpu.memory_space<semaphore_mem>>) {add = true}
      %dma_start3A_45 = arith.constant 0 : i32
      %dma_start3A_46 = arith.constant 0 : i32
      %dma_start3A_47 = tpu.memref_slice %arg18[%dma_start3A_45, %dma_start3A_46] : memref<10240x16xf32, #tpu.memory_space<vmem_shared>> -> memref<10240x16xf32, #tpu.memory_space<vmem_shared>>
      tpu.enqueue_indirect_dma source(%arg17 : memref<1000x16xf32, #tpu.memory_space<vmem>>) target(%dma_start3A_47 : memref<10240x16xf32, #tpu.memory_space<vmem_shared>>) offsets(%arg13 : memref<1000xi32, #tpu.memory_space<vmem>>) semaphore(%arg19 : memref<!tpu.dma_semaphore, #tpu.memory_space<semaphore_mem>>) {add = true}
      %dma_start3A_48 = arith.constant 0 : i32
      %dma_start3A_49 = arith.constant 0 : i32
      %dma_start3A_50 = tpu.memref_slice %arg18[%dma_start3A_48, %dma_start3A_49] : memref<10240x16xf32, #tpu.memory_space<vmem_shared>> -> memref<10240x16xf32, #tpu.memory_space<vmem_shared>>
      tpu.enqueue_indirect_dma source(%arg17 : memref<1000x16xf32, #tpu.memory_space<vmem>>) target(%dma_start3A_50 : memref<10240x16xf32, #tpu.memory_space<vmem_shared>>) offsets(%arg14 : memref<1000xi32, #tpu.memory_space<vmem>>) semaphore(%arg19 : memref<!tpu.dma_semaphore, #tpu.memory_space<semaphore_mem>>) {add = true}
      %dma_wait3A = arith.constant 0 : i32
      %dma_wait3A_51 = arith.constant 0 : i32
      %dma_wait3A_52 = tpu.memref_slice %arg18[%dma_wait3A, %dma_wait3A_51] : memref<10240x16xf32, #tpu.memory_space<vmem_shared>> -> memref<10240x16xf32, #tpu.memory_space<vmem_shared>>
      tpu.wait_indirect_dma semaphore(%arg19 : memref<!tpu.dma_semaphore, #tpu.memory_space<semaphore_mem>>) src(%arg17 : memref<1000x16xf32, #tpu.memory_space<vmem>>) dst(%dma_wait3A_52 : memref<10240x16xf32, #tpu.memory_space<vmem_shared>>)
      %dma_wait3A_53 = arith.constant 0 : i32
      %dma_wait3A_54 = arith.constant 0 : i32
      %dma_wait3A_55 = tpu.memref_slice %arg18[%dma_wait3A_53, %dma_wait3A_54] : memref<10240x16xf32, #tpu.memory_space<vmem_shared>> -> memref<10240x16xf32, #tpu.memory_space<vmem_shared>>
      tpu.wait_indirect_dma semaphore(%arg19 : memref<!tpu.dma_semaphore, #tpu.memory_space<semaphore_mem>>) src(%arg17 : memref<1000x16xf32, #tpu.memory_space<vmem>>) dst(%dma_wait3A_55 : memref<10240x16xf32, #tpu.memory_space<vmem_shared>>)
      %dma_wait3A_56 = arith.constant 0 : i32
      %dma_wait3A_57 = arith.constant 0 : i32
      %dma_wait3A_58 = tpu.memref_slice %arg18[%dma_wait3A_56, %dma_wait3A_57] : memref<10240x16xf32, #tpu.memory_space<vmem_shared>> -> memref<10240x16xf32, #tpu.memory_space<vmem_shared>>
      tpu.wait_indirect_dma semaphore(%arg19 : memref<!tpu.dma_semaphore, #tpu.memory_space<semaphore_mem>>) src(%arg17 : memref<1000x16xf32, #tpu.memory_space<vmem>>) dst(%dma_wait3A_58 : memref<10240x16xf32, #tpu.memory_space<vmem_shared>>)
      %dma_wait3A_59 = arith.constant 0 : i32
      %dma_wait3A_60 = arith.constant 0 : i32
      %dma_wait3A_61 = tpu.memref_slice %arg18[%dma_wait3A_59, %dma_wait3A_60] : memref<10240x16xf32, #tpu.memory_space<vmem_shared>> -> memref<10240x16xf32, #tpu.memory_space<vmem_shared>>
      tpu.wait_indirect_dma semaphore(%arg19 : memref<!tpu.dma_semaphore, #tpu.memory_space<semaphore_mem>>) src(%arg17 : memref<1000x16xf32, #tpu.memory_space<vmem>>) dst(%dma_wait3A_61 : memref<10240x16xf32, #tpu.memory_space<vmem_shared>>)
      %dma_wait3A_62 = arith.constant 0 : i32
      %dma_wait3A_63 = arith.constant 0 : i32
      %dma_wait3A_64 = tpu.memref_slice %arg18[%dma_wait3A_62, %dma_wait3A_63] : memref<10240x16xf32, #tpu.memory_space<vmem_shared>> -> memref<10240x16xf32, #tpu.memory_space<vmem_shared>>
      tpu.wait_indirect_dma semaphore(%arg19 : memref<!tpu.dma_semaphore, #tpu.memory_space<semaphore_mem>>) src(%arg17 : memref<1000x16xf32, #tpu.memory_space<vmem>>) dst(%dma_wait3A_64 : memref<10240x16xf32, #tpu.memory_space<vmem_shared>>)
      %dma_wait3A_65 = arith.constant 0 : i32
      %dma_wait3A_66 = arith.constant 0 : i32
      %dma_wait3A_67 = tpu.memref_slice %arg18[%dma_wait3A_65, %dma_wait3A_66] : memref<10240x16xf32, #tpu.memory_space<vmem_shared>> -> memref<10240x16xf32, #tpu.memory_space<vmem_shared>>
      tpu.wait_indirect_dma semaphore(%arg19 : memref<!tpu.dma_semaphore, #tpu.memory_space<semaphore_mem>>) src(%arg17 : memref<1000x16xf32, #tpu.memory_space<vmem>>) dst(%dma_wait3A_67 : memref<10240x16xf32, #tpu.memory_space<vmem_shared>>)
      %dma_wait3A_68 = arith.constant 0 : i32
      %dma_wait3A_69 = arith.constant 0 : i32
      %dma_wait3A_70 = tpu.memref_slice %arg18[%dma_wait3A_68, %dma_wait3A_69] : memref<10240x16xf32, #tpu.memory_space<vmem_shared>> -> memref<10240x16xf32, #tpu.memory_space<vmem_shared>>
      tpu.wait_indirect_dma semaphore(%arg19 : memref<!tpu.dma_semaphore, #tpu.memory_space<semaphore_mem>>) src(%arg17 : memref<1000x16xf32, #tpu.memory_space<vmem>>) dst(%dma_wait3A_70 : memref<10240x16xf32, #tpu.memory_space<vmem_shared>>)
      %dma_wait3A_71 = arith.constant 0 : i32
      %dma_wait3A_72 = arith.constant 0 : i32
      %dma_wait3A_73 = tpu.memref_slice %arg18[%dma_wait3A_71, %dma_wait3A_72] : memref<10240x16xf32, #tpu.memory_space<vmem_shared>> -> memref<10240x16xf32, #tpu.memory_space<vmem_shared>>
      tpu.wait_indirect_dma semaphore(%arg19 : memref<!tpu.dma_semaphore, #tpu.memory_space<semaphore_mem>>) src(%arg17 : memref<1000x16xf32, #tpu.memory_space<vmem>>) dst(%dma_wait3A_73 : memref<10240x16xf32, #tpu.memory_space<vmem_shared>>)
      %dma_wait3A_74 = arith.constant 0 : i32
      %dma_wait3A_75 = arith.constant 0 : i32
      %dma_wait3A_76 = tpu.memref_slice %arg18[%dma_wait3A_74, %dma_wait3A_75] : memref<10240x16xf32, #tpu.memory_space<vmem_shared>> -> memref<10240x16xf32, #tpu.memory_space<vmem_shared>>
      tpu.wait_indirect_dma semaphore(%arg19 : memref<!tpu.dma_semaphore, #tpu.memory_space<semaphore_mem>>) src(%arg17 : memref<1000x16xf32, #tpu.memory_space<vmem>>) dst(%dma_wait3A_76 : memref<10240x16xf32, #tpu.memory_space<vmem_shared>>)
    } else {
    }
    %barrier3A_20 = arith.constant 0 : index
    tpu.barrier barrier_id(%barrier3A_20)
    %mul3A_21 = arith.constant 640 : i32
    %mul3A_22 = arith.muli %arg1, %mul3A_21 : i32
    %mul3A_23 = arith.constant 640 : i32
    %mul3A_24 = arith.muli %arg1, %mul3A_23 : i32
    "tpu.region"() ({
      %run_scoped3A = tpu.sem_alloc : memref<!tpu.dma_semaphore, #tpu.memory_space<semaphore_mem>>
      %dma_start3A = arith.constant 0 : i32
      %dma_start3A_25 = tpu.memref_slice %arg5[%arg0, %mul3A_24, %dma_start3A] : memref<2x10240x16xf32, #tpu.memory_space<hbm>> -> memref<1x640x16xf32, #tpu.memory_space<hbm>>
      %dma_start3A_26 = tpu.memref_squeeze %dma_start3A_25 : memref<1x640x16xf32, #tpu.memory_space<hbm>> -> memref<640x16xf32, #tpu.memory_space<hbm>>
      %dma_start3A_27 = arith.constant 0 : i32
      %dma_start3A_28 = tpu.memref_slice %arg18[%mul3A_22, %dma_start3A_27] : memref<10240x16xf32, #tpu.memory_space<vmem_shared>> -> memref<640x16xf32, #tpu.memory_space<vmem_shared>>
      tpu.enqueue_dma source(%dma_start3A_28 : memref<640x16xf32, #tpu.memory_space<vmem_shared>>) target(%dma_start3A_26 : memref<640x16xf32, #tpu.memory_space<hbm>>) target_semaphore(%run_scoped3A : memref<!tpu.dma_semaphore, #tpu.memory_space<semaphore_mem>>)
      %dma_wait3A = arith.constant 0 : i32
      %dma_wait3A_29 = tpu.memref_slice %arg5[%arg0, %mul3A_24, %dma_wait3A] : memref<2x10240x16xf32, #tpu.memory_space<hbm>> -> memref<1x640x16xf32, #tpu.memory_space<hbm>>
      %dma_wait3A_30 = tpu.memref_squeeze %dma_wait3A_29 : memref<1x640x16xf32, #tpu.memory_space<hbm>> -> memref<640x16xf32, #tpu.memory_space<hbm>>
      %dma_wait3A_31 = arith.constant 0 : i32
      %dma_wait3A_32 = tpu.memref_slice %arg18[%mul3A_22, %dma_wait3A_31] : memref<10240x16xf32, #tpu.memory_space<vmem_shared>> -> memref<640x16xf32, #tpu.memory_space<vmem_shared>>
      tpu.wait_dma2 semaphore(%run_scoped3A : memref<!tpu.dma_semaphore, #tpu.memory_space<semaphore_mem>>) src(%dma_wait3A_32 : memref<640x16xf32, #tpu.memory_space<vmem_shared>>) dst(%dma_wait3A_30 : memref<640x16xf32, #tpu.memory_space<hbm>>)
      tpu.yield
    }) : () -> ()
    return
  }
}

#map = affine_map<(d0, d1) -> (0, 0)>
#map1 = affine_map<(d0, d1) -> (0)>
#map2 = affine_map<(d0, d1) -> (0, 0, 0)>
module attributes {stable_mosaic.version = 14 : i64} {
  func.func @_agg_body(%arg0: i32, %arg1: i32, %arg2: memref<10000x16xf32, #tpu.memory_space<hbm>>, %arg3: memref<320000xi32, #tpu.memory_space<hbm>>, %arg4: memref<320000xi32, #tpu.memory_space<hbm>>, %arg5: memref<10240x16xf32, #tpu.memory_space<hbm>>, %arg6: memref<2x10240x16xf32, #tpu.memory_space<hbm>>, %arg7: memref<1000xi32, #tpu.memory_space<vmem>>, %arg8: memref<1000xi32, #tpu.memory_space<vmem>>, %arg9: memref<1000xi32, #tpu.memory_space<vmem>>, %arg10: memref<1000xi32, #tpu.memory_space<vmem>>, %arg11: memref<1000xi32, #tpu.memory_space<vmem>>, %arg12: memref<1000xi32, #tpu.memory_space<vmem>>, %arg13: memref<1000xi32, #tpu.memory_space<vmem>>, %arg14: memref<1000xi32, #tpu.memory_space<vmem>>, %arg15: memref<1000xi32, #tpu.memory_space<vmem>>, %arg16: memref<1000xi32, #tpu.memory_space<vmem>>, %arg17: memref<1000xi32, #tpu.memory_space<vmem>>, %arg18: memref<1000xi32, #tpu.memory_space<vmem>>, %arg19: memref<1000xi32, #tpu.memory_space<vmem>>, %arg20: memref<1000xi32, #tpu.memory_space<vmem>>, %arg21: memref<1000xi32, #tpu.memory_space<vmem>>, %arg22: memref<1000xi32, #tpu.memory_space<vmem>>, %arg23: memref<1000xi32, #tpu.memory_space<vmem>>, %arg24: memref<1000xi32, #tpu.memory_space<vmem>>, %arg25: memref<1000xi32, #tpu.memory_space<vmem>>, %arg26: memref<1000xi32, #tpu.memory_space<vmem>>, %arg27: memref<1000xi32, #tpu.memory_space<vmem>>, %arg28: memref<1000xi32, #tpu.memory_space<vmem>>, %arg29: memref<1000x16xf32, #tpu.memory_space<vmem>>, %arg30: memref<1000x16xf32, #tpu.memory_space<vmem>>, %arg31: memref<10240x16xf32, #tpu.memory_space<vmem_shared>>, %arg32: memref<!tpu.dma_semaphore, #tpu.memory_space<semaphore_mem>>, %arg33: memref<!tpu.dma_semaphore, #tpu.memory_space<semaphore_mem>>, %arg34: memref<!tpu.dma_semaphore, #tpu.memory_space<semaphore_mem>>, %arg35: memref<!tpu.dma_semaphore, #tpu.memory_space<semaphore_mem>>) attributes {dimension_semantics = [#tpu.dimension_semantics<core_parallel>, #tpu.dimension_semantics<subcore_parallel>], iteration_bounds = array<i64: 2, 16>, scalar_prefetch = 0 : i64, scratch_operands = 29 : i64, tpu.core_type = #tpu.core_type<sc_vector_subcore>, window_params = [{transform_indices = #map}, {transform_indices = #map1}, {transform_indices = #map1}, {transform_indices = #map}, {transform_indices = #map2}]} {
    %mul3A = arith.constant 640 : i32
    %mul3A_0 = arith.muli %arg1, %mul3A : i32
    %mul3A_1 = arith.constant 640 : i32
    %mul3A_2 = arith.muli %arg1, %mul3A_1 : i32
    "tpu.region"() ({
      %run_scoped3A = tpu.sem_alloc : memref<!tpu.dma_semaphore, #tpu.memory_space<semaphore_mem>>
      %dma_start3A = arith.constant 0 : i32
      %dma_start3A_25 = tpu.memref_slice %arg31[%mul3A_2, %dma_start3A] : memref<10240x16xf32, #tpu.memory_space<vmem_shared>> -> memref<640x16xf32, #tpu.memory_space<vmem_shared>>
      %dma_start3A_26 = arith.constant 0 : i32
      %dma_start3A_27 = tpu.memref_slice %arg5[%mul3A_0, %dma_start3A_26] : memref<10240x16xf32, #tpu.memory_space<hbm>> -> memref<640x16xf32, #tpu.memory_space<hbm>>
      tpu.enqueue_dma source(%dma_start3A_27 : memref<640x16xf32, #tpu.memory_space<hbm>>) target(%dma_start3A_25 : memref<640x16xf32, #tpu.memory_space<vmem_shared>>) target_semaphore(%run_scoped3A : memref<!tpu.dma_semaphore, #tpu.memory_space<semaphore_mem>>)
      %dma_wait3A = arith.constant 0 : i32
      %dma_wait3A_28 = tpu.memref_slice %arg31[%mul3A_2, %dma_wait3A] : memref<10240x16xf32, #tpu.memory_space<vmem_shared>> -> memref<640x16xf32, #tpu.memory_space<vmem_shared>>
      %dma_wait3A_29 = arith.constant 0 : i32
      %dma_wait3A_30 = tpu.memref_slice %arg5[%mul3A_0, %dma_wait3A_29] : memref<10240x16xf32, #tpu.memory_space<hbm>> -> memref<640x16xf32, #tpu.memory_space<hbm>>
      tpu.wait_dma2 semaphore(%run_scoped3A : memref<!tpu.dma_semaphore, #tpu.memory_space<semaphore_mem>>) src(%dma_wait3A_30 : memref<640x16xf32, #tpu.memory_space<hbm>>) dst(%dma_wait3A_28 : memref<640x16xf32, #tpu.memory_space<vmem_shared>>)
      tpu.yield
    }) : () -> ()
    %eq3A = arith.constant 0 : i32
    %eq3A_3 = arith.cmpi eq, %arg0, %eq3A : i32
    %convert_element_type3A = arith.extui %eq3A_3 : i1 to i32
    %cond3A = arith.constant 0 : i32
    %cond3A_4 = arith.cmpi ne, %convert_element_type3A, %cond3A : i32
    scf.if %cond3A_4 {
      %mul3A_25 = arith.constant 11000 : i32
      %mul3A_26 = arith.muli %arg1, %mul3A_25 : i32
      %multiple_of3A = tpu.assume_multiple %mul3A_26, 8 : i32
      %add3A = arith.constant 0 : i32
      %add3A_27 = arith.addi %multiple_of3A, %add3A : i32
      "tpu.region"() ({
        %run_scoped3A = tpu.sem_alloc : memref<!tpu.dma_semaphore, #tpu.memory_space<semaphore_mem>>
        %dma_start3A = tpu.memref_slice %arg3[%add3A_27] : memref<320000xi32, #tpu.memory_space<hbm>> -> memref<1000xi32, #tpu.memory_space<hbm>>
        %dma_start3A_70 = tpu.memref_slice %arg3[%add3A_27] : memref<320000xi32, #tpu.memory_space<hbm>> -> memref<1000xi32, #tpu.memory_space<hbm>>
        tpu.enqueue_dma source(%dma_start3A_70 : memref<1000xi32, #tpu.memory_space<hbm>>) target(%arg7 : memref<1000xi32, #tpu.memory_space<vmem>>) target_semaphore(%run_scoped3A : memref<!tpu.dma_semaphore, #tpu.memory_space<semaphore_mem>>)
        %dma_wait3A = tpu.memref_slice %arg3[%add3A_27] : memref<320000xi32, #tpu.memory_space<hbm>> -> memref<1000xi32, #tpu.memory_space<hbm>>
        %dma_wait3A_71 = tpu.memref_slice %arg3[%add3A_27] : memref<320000xi32, #tpu.memory_space<hbm>> -> memref<1000xi32, #tpu.memory_space<hbm>>
        tpu.wait_dma2 semaphore(%run_scoped3A : memref<!tpu.dma_semaphore, #tpu.memory_space<semaphore_mem>>) src(%dma_wait3A_71 : memref<1000xi32, #tpu.memory_space<hbm>>) dst(%arg7 : memref<1000xi32, #tpu.memory_space<vmem>>)
        tpu.yield
      }) : () -> ()
      %add3A_28 = arith.constant 0 : i32
      %add3A_29 = arith.addi %multiple_of3A, %add3A_28 : i32
      "tpu.region"() ({
        %run_scoped3A = tpu.sem_alloc : memref<!tpu.dma_semaphore, #tpu.memory_space<semaphore_mem>>
        %dma_start3A = tpu.memref_slice %arg4[%add3A_29] : memref<320000xi32, #tpu.memory_space<hbm>> -> memref<1000xi32, #tpu.memory_space<hbm>>
        %dma_start3A_70 = tpu.memref_slice %arg4[%add3A_29] : memref<320000xi32, #tpu.memory_space<hbm>> -> memref<1000xi32, #tpu.memory_space<hbm>>
        tpu.enqueue_dma source(%dma_start3A_70 : memref<1000xi32, #tpu.memory_space<hbm>>) target(%arg18 : memref<1000xi32, #tpu.memory_space<vmem>>) target_semaphore(%run_scoped3A : memref<!tpu.dma_semaphore, #tpu.memory_space<semaphore_mem>>)
        %dma_wait3A = tpu.memref_slice %arg4[%add3A_29] : memref<320000xi32, #tpu.memory_space<hbm>> -> memref<1000xi32, #tpu.memory_space<hbm>>
        %dma_wait3A_71 = tpu.memref_slice %arg4[%add3A_29] : memref<320000xi32, #tpu.memory_space<hbm>> -> memref<1000xi32, #tpu.memory_space<hbm>>
        tpu.wait_dma2 semaphore(%run_scoped3A : memref<!tpu.dma_semaphore, #tpu.memory_space<semaphore_mem>>) src(%dma_wait3A_71 : memref<1000xi32, #tpu.memory_space<hbm>>) dst(%arg18 : memref<1000xi32, #tpu.memory_space<vmem>>)
        tpu.yield
      }) : () -> ()
      %add3A_30 = arith.constant 1000 : i32
      %add3A_31 = arith.addi %multiple_of3A, %add3A_30 : i32
      "tpu.region"() ({
        %run_scoped3A = tpu.sem_alloc : memref<!tpu.dma_semaphore, #tpu.memory_space<semaphore_mem>>
        %dma_start3A = tpu.memref_slice %arg3[%add3A_31] : memref<320000xi32, #tpu.memory_space<hbm>> -> memref<1000xi32, #tpu.memory_space<hbm>>
        %dma_start3A_70 = tpu.memref_slice %arg3[%add3A_31] : memref<320000xi32, #tpu.memory_space<hbm>> -> memref<1000xi32, #tpu.memory_space<hbm>>
        tpu.enqueue_dma source(%dma_start3A_70 : memref<1000xi32, #tpu.memory_space<hbm>>) target(%arg8 : memref<1000xi32, #tpu.memory_space<vmem>>) target_semaphore(%run_scoped3A : memref<!tpu.dma_semaphore, #tpu.memory_space<semaphore_mem>>)
        %dma_wait3A = tpu.memref_slice %arg3[%add3A_31] : memref<320000xi32, #tpu.memory_space<hbm>> -> memref<1000xi32, #tpu.memory_space<hbm>>
        %dma_wait3A_71 = tpu.memref_slice %arg3[%add3A_31] : memref<320000xi32, #tpu.memory_space<hbm>> -> memref<1000xi32, #tpu.memory_space<hbm>>
        tpu.wait_dma2 semaphore(%run_scoped3A : memref<!tpu.dma_semaphore, #tpu.memory_space<semaphore_mem>>) src(%dma_wait3A_71 : memref<1000xi32, #tpu.memory_space<hbm>>) dst(%arg8 : memref<1000xi32, #tpu.memory_space<vmem>>)
        tpu.yield
      }) : () -> ()
      %add3A_32 = arith.constant 1000 : i32
      %add3A_33 = arith.addi %multiple_of3A, %add3A_32 : i32
      "tpu.region"() ({
        %run_scoped3A = tpu.sem_alloc : memref<!tpu.dma_semaphore, #tpu.memory_space<semaphore_mem>>
        %dma_start3A = tpu.memref_slice %arg4[%add3A_33] : memref<320000xi32, #tpu.memory_space<hbm>> -> memref<1000xi32, #tpu.memory_space<hbm>>
        %dma_start3A_70 = tpu.memref_slice %arg4[%add3A_33] : memref<320000xi32, #tpu.memory_space<hbm>> -> memref<1000xi32, #tpu.memory_space<hbm>>
        tpu.enqueue_dma source(%dma_start3A_70 : memref<1000xi32, #tpu.memory_space<hbm>>) target(%arg19 : memref<1000xi32, #tpu.memory_space<vmem>>) target_semaphore(%run_scoped3A : memref<!tpu.dma_semaphore, #tpu.memory_space<semaphore_mem>>)
        %dma_wait3A = tpu.memref_slice %arg4[%add3A_33] : memref<320000xi32, #tpu.memory_space<hbm>> -> memref<1000xi32, #tpu.memory_space<hbm>>
        %dma_wait3A_71 = tpu.memref_slice %arg4[%add3A_33] : memref<320000xi32, #tpu.memory_space<hbm>> -> memref<1000xi32, #tpu.memory_space<hbm>>
        tpu.wait_dma2 semaphore(%run_scoped3A : memref<!tpu.dma_semaphore, #tpu.memory_space<semaphore_mem>>) src(%dma_wait3A_71 : memref<1000xi32, #tpu.memory_space<hbm>>) dst(%arg19 : memref<1000xi32, #tpu.memory_space<vmem>>)
        tpu.yield
      }) : () -> ()
      %add3A_34 = arith.constant 2000 : i32
      %add3A_35 = arith.addi %multiple_of3A, %add3A_34 : i32
      "tpu.region"() ({
        %run_scoped3A = tpu.sem_alloc : memref<!tpu.dma_semaphore, #tpu.memory_space<semaphore_mem>>
        %dma_start3A = tpu.memref_slice %arg3[%add3A_35] : memref<320000xi32, #tpu.memory_space<hbm>> -> memref<1000xi32, #tpu.memory_space<hbm>>
        %dma_start3A_70 = tpu.memref_slice %arg3[%add3A_35] : memref<320000xi32, #tpu.memory_space<hbm>> -> memref<1000xi32, #tpu.memory_space<hbm>>
        tpu.enqueue_dma source(%dma_start3A_70 : memref<1000xi32, #tpu.memory_space<hbm>>) target(%arg9 : memref<1000xi32, #tpu.memory_space<vmem>>) target_semaphore(%run_scoped3A : memref<!tpu.dma_semaphore, #tpu.memory_space<semaphore_mem>>)
        %dma_wait3A = tpu.memref_slice %arg3[%add3A_35] : memref<320000xi32, #tpu.memory_space<hbm>> -> memref<1000xi32, #tpu.memory_space<hbm>>
        %dma_wait3A_71 = tpu.memref_slice %arg3[%add3A_35] : memref<320000xi32, #tpu.memory_space<hbm>> -> memref<1000xi32, #tpu.memory_space<hbm>>
        tpu.wait_dma2 semaphore(%run_scoped3A : memref<!tpu.dma_semaphore, #tpu.memory_space<semaphore_mem>>) src(%dma_wait3A_71 : memref<1000xi32, #tpu.memory_space<hbm>>) dst(%arg9 : memref<1000xi32, #tpu.memory_space<vmem>>)
        tpu.yield
      }) : () -> ()
      %add3A_36 = arith.constant 2000 : i32
      %add3A_37 = arith.addi %multiple_of3A, %add3A_36 : i32
      "tpu.region"() ({
        %run_scoped3A = tpu.sem_alloc : memref<!tpu.dma_semaphore, #tpu.memory_space<semaphore_mem>>
        %dma_start3A = tpu.memref_slice %arg4[%add3A_37] : memref<320000xi32, #tpu.memory_space<hbm>> -> memref<1000xi32, #tpu.memory_space<hbm>>
        %dma_start3A_70 = tpu.memref_slice %arg4[%add3A_37] : memref<320000xi32, #tpu.memory_space<hbm>> -> memref<1000xi32, #tpu.memory_space<hbm>>
        tpu.enqueue_dma source(%dma_start3A_70 : memref<1000xi32, #tpu.memory_space<hbm>>) target(%arg20 : memref<1000xi32, #tpu.memory_space<vmem>>) target_semaphore(%run_scoped3A : memref<!tpu.dma_semaphore, #tpu.memory_space<semaphore_mem>>)
        %dma_wait3A = tpu.memref_slice %arg4[%add3A_37] : memref<320000xi32, #tpu.memory_space<hbm>> -> memref<1000xi32, #tpu.memory_space<hbm>>
        %dma_wait3A_71 = tpu.memref_slice %arg4[%add3A_37] : memref<320000xi32, #tpu.memory_space<hbm>> -> memref<1000xi32, #tpu.memory_space<hbm>>
        tpu.wait_dma2 semaphore(%run_scoped3A : memref<!tpu.dma_semaphore, #tpu.memory_space<semaphore_mem>>) src(%dma_wait3A_71 : memref<1000xi32, #tpu.memory_space<hbm>>) dst(%arg20 : memref<1000xi32, #tpu.memory_space<vmem>>)
        tpu.yield
      }) : () -> ()
      %add3A_38 = arith.constant 3000 : i32
      %add3A_39 = arith.addi %multiple_of3A, %add3A_38 : i32
      "tpu.region"() ({
        %run_scoped3A = tpu.sem_alloc : memref<!tpu.dma_semaphore, #tpu.memory_space<semaphore_mem>>
        %dma_start3A = tpu.memref_slice %arg3[%add3A_39] : memref<320000xi32, #tpu.memory_space<hbm>> -> memref<1000xi32, #tpu.memory_space<hbm>>
        %dma_start3A_70 = tpu.memref_slice %arg3[%add3A_39] : memref<320000xi32, #tpu.memory_space<hbm>> -> memref<1000xi32, #tpu.memory_space<hbm>>
        tpu.enqueue_dma source(%dma_start3A_70 : memref<1000xi32, #tpu.memory_space<hbm>>) target(%arg10 : memref<1000xi32, #tpu.memory_space<vmem>>) target_semaphore(%run_scoped3A : memref<!tpu.dma_semaphore, #tpu.memory_space<semaphore_mem>>)
        %dma_wait3A = tpu.memref_slice %arg3[%add3A_39] : memref<320000xi32, #tpu.memory_space<hbm>> -> memref<1000xi32, #tpu.memory_space<hbm>>
        %dma_wait3A_71 = tpu.memref_slice %arg3[%add3A_39] : memref<320000xi32, #tpu.memory_space<hbm>> -> memref<1000xi32, #tpu.memory_space<hbm>>
        tpu.wait_dma2 semaphore(%run_scoped3A : memref<!tpu.dma_semaphore, #tpu.memory_space<semaphore_mem>>) src(%dma_wait3A_71 : memref<1000xi32, #tpu.memory_space<hbm>>) dst(%arg10 : memref<1000xi32, #tpu.memory_space<vmem>>)
        tpu.yield
      }) : () -> ()
      %add3A_40 = arith.constant 3000 : i32
      %add3A_41 = arith.addi %multiple_of3A, %add3A_40 : i32
      "tpu.region"() ({
        %run_scoped3A = tpu.sem_alloc : memref<!tpu.dma_semaphore, #tpu.memory_space<semaphore_mem>>
        %dma_start3A = tpu.memref_slice %arg4[%add3A_41] : memref<320000xi32, #tpu.memory_space<hbm>> -> memref<1000xi32, #tpu.memory_space<hbm>>
        %dma_start3A_70 = tpu.memref_slice %arg4[%add3A_41] : memref<320000xi32, #tpu.memory_space<hbm>> -> memref<1000xi32, #tpu.memory_space<hbm>>
        tpu.enqueue_dma source(%dma_start3A_70 : memref<1000xi32, #tpu.memory_space<hbm>>) target(%arg21 : memref<1000xi32, #tpu.memory_space<vmem>>) target_semaphore(%run_scoped3A : memref<!tpu.dma_semaphore, #tpu.memory_space<semaphore_mem>>)
        %dma_wait3A = tpu.memref_slice %arg4[%add3A_41] : memref<320000xi32, #tpu.memory_space<hbm>> -> memref<1000xi32, #tpu.memory_space<hbm>>
        %dma_wait3A_71 = tpu.memref_slice %arg4[%add3A_41] : memref<320000xi32, #tpu.memory_space<hbm>> -> memref<1000xi32, #tpu.memory_space<hbm>>
        tpu.wait_dma2 semaphore(%run_scoped3A : memref<!tpu.dma_semaphore, #tpu.memory_space<semaphore_mem>>) src(%dma_wait3A_71 : memref<1000xi32, #tpu.memory_space<hbm>>) dst(%arg21 : memref<1000xi32, #tpu.memory_space<vmem>>)
        tpu.yield
      }) : () -> ()
      %add3A_42 = arith.constant 4000 : i32
      %add3A_43 = arith.addi %multiple_of3A, %add3A_42 : i32
      "tpu.region"() ({
        %run_scoped3A = tpu.sem_alloc : memref<!tpu.dma_semaphore, #tpu.memory_space<semaphore_mem>>
        %dma_start3A = tpu.memref_slice %arg3[%add3A_43] : memref<320000xi32, #tpu.memory_space<hbm>> -> memref<1000xi32, #tpu.memory_space<hbm>>
        %dma_start3A_70 = tpu.memref_slice %arg3[%add3A_43] : memref<320000xi32, #tpu.memory_space<hbm>> -> memref<1000xi32, #tpu.memory_space<hbm>>
        tpu.enqueue_dma source(%dma_start3A_70 : memref<1000xi32, #tpu.memory_space<hbm>>) target(%arg11 : memref<1000xi32, #tpu.memory_space<vmem>>) target_semaphore(%run_scoped3A : memref<!tpu.dma_semaphore, #tpu.memory_space<semaphore_mem>>)
        %dma_wait3A = tpu.memref_slice %arg3[%add3A_43] : memref<320000xi32, #tpu.memory_space<hbm>> -> memref<1000xi32, #tpu.memory_space<hbm>>
        %dma_wait3A_71 = tpu.memref_slice %arg3[%add3A_43] : memref<320000xi32, #tpu.memory_space<hbm>> -> memref<1000xi32, #tpu.memory_space<hbm>>
        tpu.wait_dma2 semaphore(%run_scoped3A : memref<!tpu.dma_semaphore, #tpu.memory_space<semaphore_mem>>) src(%dma_wait3A_71 : memref<1000xi32, #tpu.memory_space<hbm>>) dst(%arg11 : memref<1000xi32, #tpu.memory_space<vmem>>)
        tpu.yield
      }) : () -> ()
      %add3A_44 = arith.constant 4000 : i32
      %add3A_45 = arith.addi %multiple_of3A, %add3A_44 : i32
      "tpu.region"() ({
        %run_scoped3A = tpu.sem_alloc : memref<!tpu.dma_semaphore, #tpu.memory_space<semaphore_mem>>
        %dma_start3A = tpu.memref_slice %arg4[%add3A_45] : memref<320000xi32, #tpu.memory_space<hbm>> -> memref<1000xi32, #tpu.memory_space<hbm>>
        %dma_start3A_70 = tpu.memref_slice %arg4[%add3A_45] : memref<320000xi32, #tpu.memory_space<hbm>> -> memref<1000xi32, #tpu.memory_space<hbm>>
        tpu.enqueue_dma source(%dma_start3A_70 : memref<1000xi32, #tpu.memory_space<hbm>>) target(%arg22 : memref<1000xi32, #tpu.memory_space<vmem>>) target_semaphore(%run_scoped3A : memref<!tpu.dma_semaphore, #tpu.memory_space<semaphore_mem>>)
        %dma_wait3A = tpu.memref_slice %arg4[%add3A_45] : memref<320000xi32, #tpu.memory_space<hbm>> -> memref<1000xi32, #tpu.memory_space<hbm>>
        %dma_wait3A_71 = tpu.memref_slice %arg4[%add3A_45] : memref<320000xi32, #tpu.memory_space<hbm>> -> memref<1000xi32, #tpu.memory_space<hbm>>
        tpu.wait_dma2 semaphore(%run_scoped3A : memref<!tpu.dma_semaphore, #tpu.memory_space<semaphore_mem>>) src(%dma_wait3A_71 : memref<1000xi32, #tpu.memory_space<hbm>>) dst(%arg22 : memref<1000xi32, #tpu.memory_space<vmem>>)
        tpu.yield
      }) : () -> ()
      %add3A_46 = arith.constant 5000 : i32
      %add3A_47 = arith.addi %multiple_of3A, %add3A_46 : i32
      "tpu.region"() ({
        %run_scoped3A = tpu.sem_alloc : memref<!tpu.dma_semaphore, #tpu.memory_space<semaphore_mem>>
        %dma_start3A = tpu.memref_slice %arg3[%add3A_47] : memref<320000xi32, #tpu.memory_space<hbm>> -> memref<1000xi32, #tpu.memory_space<hbm>>
        %dma_start3A_70 = tpu.memref_slice %arg3[%add3A_47] : memref<320000xi32, #tpu.memory_space<hbm>> -> memref<1000xi32, #tpu.memory_space<hbm>>
        tpu.enqueue_dma source(%dma_start3A_70 : memref<1000xi32, #tpu.memory_space<hbm>>) target(%arg12 : memref<1000xi32, #tpu.memory_space<vmem>>) target_semaphore(%run_scoped3A : memref<!tpu.dma_semaphore, #tpu.memory_space<semaphore_mem>>)
        %dma_wait3A = tpu.memref_slice %arg3[%add3A_47] : memref<320000xi32, #tpu.memory_space<hbm>> -> memref<1000xi32, #tpu.memory_space<hbm>>
        %dma_wait3A_71 = tpu.memref_slice %arg3[%add3A_47] : memref<320000xi32, #tpu.memory_space<hbm>> -> memref<1000xi32, #tpu.memory_space<hbm>>
        tpu.wait_dma2 semaphore(%run_scoped3A : memref<!tpu.dma_semaphore, #tpu.memory_space<semaphore_mem>>) src(%dma_wait3A_71 : memref<1000xi32, #tpu.memory_space<hbm>>) dst(%arg12 : memref<1000xi32, #tpu.memory_space<vmem>>)
        tpu.yield
      }) : () -> ()
      %add3A_48 = arith.constant 5000 : i32
      %add3A_49 = arith.addi %multiple_of3A, %add3A_48 : i32
      "tpu.region"() ({
        %run_scoped3A = tpu.sem_alloc : memref<!tpu.dma_semaphore, #tpu.memory_space<semaphore_mem>>
        %dma_start3A = tpu.memref_slice %arg4[%add3A_49] : memref<320000xi32, #tpu.memory_space<hbm>> -> memref<1000xi32, #tpu.memory_space<hbm>>
        %dma_start3A_70 = tpu.memref_slice %arg4[%add3A_49] : memref<320000xi32, #tpu.memory_space<hbm>> -> memref<1000xi32, #tpu.memory_space<hbm>>
        tpu.enqueue_dma source(%dma_start3A_70 : memref<1000xi32, #tpu.memory_space<hbm>>) target(%arg23 : memref<1000xi32, #tpu.memory_space<vmem>>) target_semaphore(%run_scoped3A : memref<!tpu.dma_semaphore, #tpu.memory_space<semaphore_mem>>)
        %dma_wait3A = tpu.memref_slice %arg4[%add3A_49] : memref<320000xi32, #tpu.memory_space<hbm>> -> memref<1000xi32, #tpu.memory_space<hbm>>
        %dma_wait3A_71 = tpu.memref_slice %arg4[%add3A_49] : memref<320000xi32, #tpu.memory_space<hbm>> -> memref<1000xi32, #tpu.memory_space<hbm>>
        tpu.wait_dma2 semaphore(%run_scoped3A : memref<!tpu.dma_semaphore, #tpu.memory_space<semaphore_mem>>) src(%dma_wait3A_71 : memref<1000xi32, #tpu.memory_space<hbm>>) dst(%arg23 : memref<1000xi32, #tpu.memory_space<vmem>>)
        tpu.yield
      }) : () -> ()
      %add3A_50 = arith.constant 6000 : i32
      %add3A_51 = arith.addi %multiple_of3A, %add3A_50 : i32
      "tpu.region"() ({
        %run_scoped3A = tpu.sem_alloc : memref<!tpu.dma_semaphore, #tpu.memory_space<semaphore_mem>>
        %dma_start3A = tpu.memref_slice %arg3[%add3A_51] : memref<320000xi32, #tpu.memory_space<hbm>> -> memref<1000xi32, #tpu.memory_space<hbm>>
        %dma_start3A_70 = tpu.memref_slice %arg3[%add3A_51] : memref<320000xi32, #tpu.memory_space<hbm>> -> memref<1000xi32, #tpu.memory_space<hbm>>
        tpu.enqueue_dma source(%dma_start3A_70 : memref<1000xi32, #tpu.memory_space<hbm>>) target(%arg13 : memref<1000xi32, #tpu.memory_space<vmem>>) target_semaphore(%run_scoped3A : memref<!tpu.dma_semaphore, #tpu.memory_space<semaphore_mem>>)
        %dma_wait3A = tpu.memref_slice %arg3[%add3A_51] : memref<320000xi32, #tpu.memory_space<hbm>> -> memref<1000xi32, #tpu.memory_space<hbm>>
        %dma_wait3A_71 = tpu.memref_slice %arg3[%add3A_51] : memref<320000xi32, #tpu.memory_space<hbm>> -> memref<1000xi32, #tpu.memory_space<hbm>>
        tpu.wait_dma2 semaphore(%run_scoped3A : memref<!tpu.dma_semaphore, #tpu.memory_space<semaphore_mem>>) src(%dma_wait3A_71 : memref<1000xi32, #tpu.memory_space<hbm>>) dst(%arg13 : memref<1000xi32, #tpu.memory_space<vmem>>)
        tpu.yield
      }) : () -> ()
      %add3A_52 = arith.constant 6000 : i32
      %add3A_53 = arith.addi %multiple_of3A, %add3A_52 : i32
      "tpu.region"() ({
        %run_scoped3A = tpu.sem_alloc : memref<!tpu.dma_semaphore, #tpu.memory_space<semaphore_mem>>
        %dma_start3A = tpu.memref_slice %arg4[%add3A_53] : memref<320000xi32, #tpu.memory_space<hbm>> -> memref<1000xi32, #tpu.memory_space<hbm>>
        %dma_start3A_70 = tpu.memref_slice %arg4[%add3A_53] : memref<320000xi32, #tpu.memory_space<hbm>> -> memref<1000xi32, #tpu.memory_space<hbm>>
        tpu.enqueue_dma source(%dma_start3A_70 : memref<1000xi32, #tpu.memory_space<hbm>>) target(%arg24 : memref<1000xi32, #tpu.memory_space<vmem>>) target_semaphore(%run_scoped3A : memref<!tpu.dma_semaphore, #tpu.memory_space<semaphore_mem>>)
        %dma_wait3A = tpu.memref_slice %arg4[%add3A_53] : memref<320000xi32, #tpu.memory_space<hbm>> -> memref<1000xi32, #tpu.memory_space<hbm>>
        %dma_wait3A_71 = tpu.memref_slice %arg4[%add3A_53] : memref<320000xi32, #tpu.memory_space<hbm>> -> memref<1000xi32, #tpu.memory_space<hbm>>
        tpu.wait_dma2 semaphore(%run_scoped3A : memref<!tpu.dma_semaphore, #tpu.memory_space<semaphore_mem>>) src(%dma_wait3A_71 : memref<1000xi32, #tpu.memory_space<hbm>>) dst(%arg24 : memref<1000xi32, #tpu.memory_space<vmem>>)
        tpu.yield
      }) : () -> ()
      %add3A_54 = arith.constant 7000 : i32
      %add3A_55 = arith.addi %multiple_of3A, %add3A_54 : i32
      "tpu.region"() ({
        %run_scoped3A = tpu.sem_alloc : memref<!tpu.dma_semaphore, #tpu.memory_space<semaphore_mem>>
        %dma_start3A = tpu.memref_slice %arg3[%add3A_55] : memref<320000xi32, #tpu.memory_space<hbm>> -> memref<1000xi32, #tpu.memory_space<hbm>>
        %dma_start3A_70 = tpu.memref_slice %arg3[%add3A_55] : memref<320000xi32, #tpu.memory_space<hbm>> -> memref<1000xi32, #tpu.memory_space<hbm>>
        tpu.enqueue_dma source(%dma_start3A_70 : memref<1000xi32, #tpu.memory_space<hbm>>) target(%arg14 : memref<1000xi32, #tpu.memory_space<vmem>>) target_semaphore(%run_scoped3A : memref<!tpu.dma_semaphore, #tpu.memory_space<semaphore_mem>>)
        %dma_wait3A = tpu.memref_slice %arg3[%add3A_55] : memref<320000xi32, #tpu.memory_space<hbm>> -> memref<1000xi32, #tpu.memory_space<hbm>>
        %dma_wait3A_71 = tpu.memref_slice %arg3[%add3A_55] : memref<320000xi32, #tpu.memory_space<hbm>> -> memref<1000xi32, #tpu.memory_space<hbm>>
        tpu.wait_dma2 semaphore(%run_scoped3A : memref<!tpu.dma_semaphore, #tpu.memory_space<semaphore_mem>>) src(%dma_wait3A_71 : memref<1000xi32, #tpu.memory_space<hbm>>) dst(%arg14 : memref<1000xi32, #tpu.memory_space<vmem>>)
        tpu.yield
      }) : () -> ()
      %add3A_56 = arith.constant 7000 : i32
      %add3A_57 = arith.addi %multiple_of3A, %add3A_56 : i32
      "tpu.region"() ({
        %run_scoped3A = tpu.sem_alloc : memref<!tpu.dma_semaphore, #tpu.memory_space<semaphore_mem>>
        %dma_start3A = tpu.memref_slice %arg4[%add3A_57] : memref<320000xi32, #tpu.memory_space<hbm>> -> memref<1000xi32, #tpu.memory_space<hbm>>
        %dma_start3A_70 = tpu.memref_slice %arg4[%add3A_57] : memref<320000xi32, #tpu.memory_space<hbm>> -> memref<1000xi32, #tpu.memory_space<hbm>>
        tpu.enqueue_dma source(%dma_start3A_70 : memref<1000xi32, #tpu.memory_space<hbm>>) target(%arg25 : memref<1000xi32, #tpu.memory_space<vmem>>) target_semaphore(%run_scoped3A : memref<!tpu.dma_semaphore, #tpu.memory_space<semaphore_mem>>)
        %dma_wait3A = tpu.memref_slice %arg4[%add3A_57] : memref<320000xi32, #tpu.memory_space<hbm>> -> memref<1000xi32, #tpu.memory_space<hbm>>
        %dma_wait3A_71 = tpu.memref_slice %arg4[%add3A_57] : memref<320000xi32, #tpu.memory_space<hbm>> -> memref<1000xi32, #tpu.memory_space<hbm>>
        tpu.wait_dma2 semaphore(%run_scoped3A : memref<!tpu.dma_semaphore, #tpu.memory_space<semaphore_mem>>) src(%dma_wait3A_71 : memref<1000xi32, #tpu.memory_space<hbm>>) dst(%arg25 : memref<1000xi32, #tpu.memory_space<vmem>>)
        tpu.yield
      }) : () -> ()
      %add3A_58 = arith.constant 8000 : i32
      %add3A_59 = arith.addi %multiple_of3A, %add3A_58 : i32
      "tpu.region"() ({
        %run_scoped3A = tpu.sem_alloc : memref<!tpu.dma_semaphore, #tpu.memory_space<semaphore_mem>>
        %dma_start3A = tpu.memref_slice %arg3[%add3A_59] : memref<320000xi32, #tpu.memory_space<hbm>> -> memref<1000xi32, #tpu.memory_space<hbm>>
        %dma_start3A_70 = tpu.memref_slice %arg3[%add3A_59] : memref<320000xi32, #tpu.memory_space<hbm>> -> memref<1000xi32, #tpu.memory_space<hbm>>
        tpu.enqueue_dma source(%dma_start3A_70 : memref<1000xi32, #tpu.memory_space<hbm>>) target(%arg15 : memref<1000xi32, #tpu.memory_space<vmem>>) target_semaphore(%run_scoped3A : memref<!tpu.dma_semaphore, #tpu.memory_space<semaphore_mem>>)
        %dma_wait3A = tpu.memref_slice %arg3[%add3A_59] : memref<320000xi32, #tpu.memory_space<hbm>> -> memref<1000xi32, #tpu.memory_space<hbm>>
        %dma_wait3A_71 = tpu.memref_slice %arg3[%add3A_59] : memref<320000xi32, #tpu.memory_space<hbm>> -> memref<1000xi32, #tpu.memory_space<hbm>>
        tpu.wait_dma2 semaphore(%run_scoped3A : memref<!tpu.dma_semaphore, #tpu.memory_space<semaphore_mem>>) src(%dma_wait3A_71 : memref<1000xi32, #tpu.memory_space<hbm>>) dst(%arg15 : memref<1000xi32, #tpu.memory_space<vmem>>)
        tpu.yield
      }) : () -> ()
      %add3A_60 = arith.constant 8000 : i32
      %add3A_61 = arith.addi %multiple_of3A, %add3A_60 : i32
      "tpu.region"() ({
        %run_scoped3A = tpu.sem_alloc : memref<!tpu.dma_semaphore, #tpu.memory_space<semaphore_mem>>
        %dma_start3A = tpu.memref_slice %arg4[%add3A_61] : memref<320000xi32, #tpu.memory_space<hbm>> -> memref<1000xi32, #tpu.memory_space<hbm>>
        %dma_start3A_70 = tpu.memref_slice %arg4[%add3A_61] : memref<320000xi32, #tpu.memory_space<hbm>> -> memref<1000xi32, #tpu.memory_space<hbm>>
        tpu.enqueue_dma source(%dma_start3A_70 : memref<1000xi32, #tpu.memory_space<hbm>>) target(%arg26 : memref<1000xi32, #tpu.memory_space<vmem>>) target_semaphore(%run_scoped3A : memref<!tpu.dma_semaphore, #tpu.memory_space<semaphore_mem>>)
        %dma_wait3A = tpu.memref_slice %arg4[%add3A_61] : memref<320000xi32, #tpu.memory_space<hbm>> -> memref<1000xi32, #tpu.memory_space<hbm>>
        %dma_wait3A_71 = tpu.memref_slice %arg4[%add3A_61] : memref<320000xi32, #tpu.memory_space<hbm>> -> memref<1000xi32, #tpu.memory_space<hbm>>
        tpu.wait_dma2 semaphore(%run_scoped3A : memref<!tpu.dma_semaphore, #tpu.memory_space<semaphore_mem>>) src(%dma_wait3A_71 : memref<1000xi32, #tpu.memory_space<hbm>>) dst(%arg26 : memref<1000xi32, #tpu.memory_space<vmem>>)
        tpu.yield
      }) : () -> ()
      %add3A_62 = arith.constant 9000 : i32
      %add3A_63 = arith.addi %multiple_of3A, %add3A_62 : i32
      "tpu.region"() ({
        %run_scoped3A = tpu.sem_alloc : memref<!tpu.dma_semaphore, #tpu.memory_space<semaphore_mem>>
        %dma_start3A = tpu.memref_slice %arg3[%add3A_63] : memref<320000xi32, #tpu.memory_space<hbm>> -> memref<1000xi32, #tpu.memory_space<hbm>>
        %dma_start3A_70 = tpu.memref_slice %arg3[%add3A_63] : memref<320000xi32, #tpu.memory_space<hbm>> -> memref<1000xi32, #tpu.memory_space<hbm>>
        tpu.enqueue_dma source(%dma_start3A_70 : memref<1000xi32, #tpu.memory_space<hbm>>) target(%arg16 : memref<1000xi32, #tpu.memory_space<vmem>>) target_semaphore(%run_scoped3A : memref<!tpu.dma_semaphore, #tpu.memory_space<semaphore_mem>>)
        %dma_wait3A = tpu.memref_slice %arg3[%add3A_63] : memref<320000xi32, #tpu.memory_space<hbm>> -> memref<1000xi32, #tpu.memory_space<hbm>>
        %dma_wait3A_71 = tpu.memref_slice %arg3[%add3A_63] : memref<320000xi32, #tpu.memory_space<hbm>> -> memref<1000xi32, #tpu.memory_space<hbm>>
        tpu.wait_dma2 semaphore(%run_scoped3A : memref<!tpu.dma_semaphore, #tpu.memory_space<semaphore_mem>>) src(%dma_wait3A_71 : memref<1000xi32, #tpu.memory_space<hbm>>) dst(%arg16 : memref<1000xi32, #tpu.memory_space<vmem>>)
        tpu.yield
      }) : () -> ()
      %add3A_64 = arith.constant 9000 : i32
      %add3A_65 = arith.addi %multiple_of3A, %add3A_64 : i32
      "tpu.region"() ({
        %run_scoped3A = tpu.sem_alloc : memref<!tpu.dma_semaphore, #tpu.memory_space<semaphore_mem>>
        %dma_start3A = tpu.memref_slice %arg4[%add3A_65] : memref<320000xi32, #tpu.memory_space<hbm>> -> memref<1000xi32, #tpu.memory_space<hbm>>
        %dma_start3A_70 = tpu.memref_slice %arg4[%add3A_65] : memref<320000xi32, #tpu.memory_space<hbm>> -> memref<1000xi32, #tpu.memory_space<hbm>>
        tpu.enqueue_dma source(%dma_start3A_70 : memref<1000xi32, #tpu.memory_space<hbm>>) target(%arg27 : memref<1000xi32, #tpu.memory_space<vmem>>) target_semaphore(%run_scoped3A : memref<!tpu.dma_semaphore, #tpu.memory_space<semaphore_mem>>)
        %dma_wait3A = tpu.memref_slice %arg4[%add3A_65] : memref<320000xi32, #tpu.memory_space<hbm>> -> memref<1000xi32, #tpu.memory_space<hbm>>
        %dma_wait3A_71 = tpu.memref_slice %arg4[%add3A_65] : memref<320000xi32, #tpu.memory_space<hbm>> -> memref<1000xi32, #tpu.memory_space<hbm>>
        tpu.wait_dma2 semaphore(%run_scoped3A : memref<!tpu.dma_semaphore, #tpu.memory_space<semaphore_mem>>) src(%dma_wait3A_71 : memref<1000xi32, #tpu.memory_space<hbm>>) dst(%arg27 : memref<1000xi32, #tpu.memory_space<vmem>>)
        tpu.yield
      }) : () -> ()
      %add3A_66 = arith.constant 10000 : i32
      %add3A_67 = arith.addi %multiple_of3A, %add3A_66 : i32
      "tpu.region"() ({
        %run_scoped3A = tpu.sem_alloc : memref<!tpu.dma_semaphore, #tpu.memory_space<semaphore_mem>>
        %dma_start3A = tpu.memref_slice %arg3[%add3A_67] : memref<320000xi32, #tpu.memory_space<hbm>> -> memref<1000xi32, #tpu.memory_space<hbm>>
        %dma_start3A_70 = tpu.memref_slice %arg3[%add3A_67] : memref<320000xi32, #tpu.memory_space<hbm>> -> memref<1000xi32, #tpu.memory_space<hbm>>
        tpu.enqueue_dma source(%dma_start3A_70 : memref<1000xi32, #tpu.memory_space<hbm>>) target(%arg17 : memref<1000xi32, #tpu.memory_space<vmem>>) target_semaphore(%run_scoped3A : memref<!tpu.dma_semaphore, #tpu.memory_space<semaphore_mem>>)
        %dma_wait3A = tpu.memref_slice %arg3[%add3A_67] : memref<320000xi32, #tpu.memory_space<hbm>> -> memref<1000xi32, #tpu.memory_space<hbm>>
        %dma_wait3A_71 = tpu.memref_slice %arg3[%add3A_67] : memref<320000xi32, #tpu.memory_space<hbm>> -> memref<1000xi32, #tpu.memory_space<hbm>>
        tpu.wait_dma2 semaphore(%run_scoped3A : memref<!tpu.dma_semaphore, #tpu.memory_space<semaphore_mem>>) src(%dma_wait3A_71 : memref<1000xi32, #tpu.memory_space<hbm>>) dst(%arg17 : memref<1000xi32, #tpu.memory_space<vmem>>)
        tpu.yield
      }) : () -> ()
      %add3A_68 = arith.constant 10000 : i32
      %add3A_69 = arith.addi %multiple_of3A, %add3A_68 : i32
      "tpu.region"() ({
        %run_scoped3A = tpu.sem_alloc : memref<!tpu.dma_semaphore, #tpu.memory_space<semaphore_mem>>
        %dma_start3A = tpu.memref_slice %arg4[%add3A_69] : memref<320000xi32, #tpu.memory_space<hbm>> -> memref<1000xi32, #tpu.memory_space<hbm>>
        %dma_start3A_70 = tpu.memref_slice %arg4[%add3A_69] : memref<320000xi32, #tpu.memory_space<hbm>> -> memref<1000xi32, #tpu.memory_space<hbm>>
        tpu.enqueue_dma source(%dma_start3A_70 : memref<1000xi32, #tpu.memory_space<hbm>>) target(%arg28 : memref<1000xi32, #tpu.memory_space<vmem>>) target_semaphore(%run_scoped3A : memref<!tpu.dma_semaphore, #tpu.memory_space<semaphore_mem>>)
        %dma_wait3A = tpu.memref_slice %arg4[%add3A_69] : memref<320000xi32, #tpu.memory_space<hbm>> -> memref<1000xi32, #tpu.memory_space<hbm>>
        %dma_wait3A_71 = tpu.memref_slice %arg4[%add3A_69] : memref<320000xi32, #tpu.memory_space<hbm>> -> memref<1000xi32, #tpu.memory_space<hbm>>
        tpu.wait_dma2 semaphore(%run_scoped3A : memref<!tpu.dma_semaphore, #tpu.memory_space<semaphore_mem>>) src(%dma_wait3A_71 : memref<1000xi32, #tpu.memory_space<hbm>>) dst(%arg28 : memref<1000xi32, #tpu.memory_space<vmem>>)
        tpu.yield
      }) : () -> ()
    } else {
    }
    %eq3A_5 = arith.constant 1 : i32
    %eq3A_6 = arith.cmpi eq, %arg0, %eq3A_5 : i32
    %convert_element_type3A_7 = arith.extui %eq3A_6 : i1 to i32
    %cond3A_8 = arith.constant 0 : i32
    %cond3A_9 = arith.cmpi ne, %convert_element_type3A_7, %cond3A_8 : i32
    scf.if %cond3A_9 {
      %mul3A_25 = arith.constant 9000 : i32
      %mul3A_26 = arith.muli %arg1, %mul3A_25 : i32
      %add3A = arith.constant 176000 : i32
      %add3A_27 = arith.addi %add3A, %mul3A_26 : i32
      %multiple_of3A = tpu.assume_multiple %add3A_27, 8 : i32
      %add3A_28 = arith.constant 0 : i32
      %add3A_29 = arith.addi %multiple_of3A, %add3A_28 : i32
      "tpu.region"() ({
        %run_scoped3A = tpu.sem_alloc : memref<!tpu.dma_semaphore, #tpu.memory_space<semaphore_mem>>
        %dma_start3A = tpu.memref_slice %arg3[%add3A_29] : memref<320000xi32, #tpu.memory_space<hbm>> -> memref<1000xi32, #tpu.memory_space<hbm>>
        %dma_start3A_64 = tpu.memref_slice %arg3[%add3A_29] : memref<320000xi32, #tpu.memory_space<hbm>> -> memref<1000xi32, #tpu.memory_space<hbm>>
        tpu.enqueue_dma source(%dma_start3A_64 : memref<1000xi32, #tpu.memory_space<hbm>>) target(%arg7 : memref<1000xi32, #tpu.memory_space<vmem>>) target_semaphore(%run_scoped3A : memref<!tpu.dma_semaphore, #tpu.memory_space<semaphore_mem>>)
        %dma_wait3A = tpu.memref_slice %arg3[%add3A_29] : memref<320000xi32, #tpu.memory_space<hbm>> -> memref<1000xi32, #tpu.memory_space<hbm>>
        %dma_wait3A_65 = tpu.memref_slice %arg3[%add3A_29] : memref<320000xi32, #tpu.memory_space<hbm>> -> memref<1000xi32, #tpu.memory_space<hbm>>
        tpu.wait_dma2 semaphore(%run_scoped3A : memref<!tpu.dma_semaphore, #tpu.memory_space<semaphore_mem>>) src(%dma_wait3A_65 : memref<1000xi32, #tpu.memory_space<hbm>>) dst(%arg7 : memref<1000xi32, #tpu.memory_space<vmem>>)
        tpu.yield
      }) : () -> ()
      %add3A_30 = arith.constant 0 : i32
      %add3A_31 = arith.addi %multiple_of3A, %add3A_30 : i32
      "tpu.region"() ({
        %run_scoped3A = tpu.sem_alloc : memref<!tpu.dma_semaphore, #tpu.memory_space<semaphore_mem>>
        %dma_start3A = tpu.memref_slice %arg4[%add3A_31] : memref<320000xi32, #tpu.memory_space<hbm>> -> memref<1000xi32, #tpu.memory_space<hbm>>
        %dma_start3A_64 = tpu.memref_slice %arg4[%add3A_31] : memref<320000xi32, #tpu.memory_space<hbm>> -> memref<1000xi32, #tpu.memory_space<hbm>>
        tpu.enqueue_dma source(%dma_start3A_64 : memref<1000xi32, #tpu.memory_space<hbm>>) target(%arg18 : memref<1000xi32, #tpu.memory_space<vmem>>) target_semaphore(%run_scoped3A : memref<!tpu.dma_semaphore, #tpu.memory_space<semaphore_mem>>)
        %dma_wait3A = tpu.memref_slice %arg4[%add3A_31] : memref<320000xi32, #tpu.memory_space<hbm>> -> memref<1000xi32, #tpu.memory_space<hbm>>
        %dma_wait3A_65 = tpu.memref_slice %arg4[%add3A_31] : memref<320000xi32, #tpu.memory_space<hbm>> -> memref<1000xi32, #tpu.memory_space<hbm>>
        tpu.wait_dma2 semaphore(%run_scoped3A : memref<!tpu.dma_semaphore, #tpu.memory_space<semaphore_mem>>) src(%dma_wait3A_65 : memref<1000xi32, #tpu.memory_space<hbm>>) dst(%arg18 : memref<1000xi32, #tpu.memory_space<vmem>>)
        tpu.yield
      }) : () -> ()
      %add3A_32 = arith.constant 1000 : i32
      %add3A_33 = arith.addi %multiple_of3A, %add3A_32 : i32
      "tpu.region"() ({
        %run_scoped3A = tpu.sem_alloc : memref<!tpu.dma_semaphore, #tpu.memory_space<semaphore_mem>>
        %dma_start3A = tpu.memref_slice %arg3[%add3A_33] : memref<320000xi32, #tpu.memory_space<hbm>> -> memref<1000xi32, #tpu.memory_space<hbm>>
        %dma_start3A_64 = tpu.memref_slice %arg3[%add3A_33] : memref<320000xi32, #tpu.memory_space<hbm>> -> memref<1000xi32, #tpu.memory_space<hbm>>
        tpu.enqueue_dma source(%dma_start3A_64 : memref<1000xi32, #tpu.memory_space<hbm>>) target(%arg8 : memref<1000xi32, #tpu.memory_space<vmem>>) target_semaphore(%run_scoped3A : memref<!tpu.dma_semaphore, #tpu.memory_space<semaphore_mem>>)
        %dma_wait3A = tpu.memref_slice %arg3[%add3A_33] : memref<320000xi32, #tpu.memory_space<hbm>> -> memref<1000xi32, #tpu.memory_space<hbm>>
        %dma_wait3A_65 = tpu.memref_slice %arg3[%add3A_33] : memref<320000xi32, #tpu.memory_space<hbm>> -> memref<1000xi32, #tpu.memory_space<hbm>>
        tpu.wait_dma2 semaphore(%run_scoped3A : memref<!tpu.dma_semaphore, #tpu.memory_space<semaphore_mem>>) src(%dma_wait3A_65 : memref<1000xi32, #tpu.memory_space<hbm>>) dst(%arg8 : memref<1000xi32, #tpu.memory_space<vmem>>)
        tpu.yield
      }) : () -> ()
      %add3A_34 = arith.constant 1000 : i32
      %add3A_35 = arith.addi %multiple_of3A, %add3A_34 : i32
      "tpu.region"() ({
        %run_scoped3A = tpu.sem_alloc : memref<!tpu.dma_semaphore, #tpu.memory_space<semaphore_mem>>
        %dma_start3A = tpu.memref_slice %arg4[%add3A_35] : memref<320000xi32, #tpu.memory_space<hbm>> -> memref<1000xi32, #tpu.memory_space<hbm>>
        %dma_start3A_64 = tpu.memref_slice %arg4[%add3A_35] : memref<320000xi32, #tpu.memory_space<hbm>> -> memref<1000xi32, #tpu.memory_space<hbm>>
        tpu.enqueue_dma source(%dma_start3A_64 : memref<1000xi32, #tpu.memory_space<hbm>>) target(%arg19 : memref<1000xi32, #tpu.memory_space<vmem>>) target_semaphore(%run_scoped3A : memref<!tpu.dma_semaphore, #tpu.memory_space<semaphore_mem>>)
        %dma_wait3A = tpu.memref_slice %arg4[%add3A_35] : memref<320000xi32, #tpu.memory_space<hbm>> -> memref<1000xi32, #tpu.memory_space<hbm>>
        %dma_wait3A_65 = tpu.memref_slice %arg4[%add3A_35] : memref<320000xi32, #tpu.memory_space<hbm>> -> memref<1000xi32, #tpu.memory_space<hbm>>
        tpu.wait_dma2 semaphore(%run_scoped3A : memref<!tpu.dma_semaphore, #tpu.memory_space<semaphore_mem>>) src(%dma_wait3A_65 : memref<1000xi32, #tpu.memory_space<hbm>>) dst(%arg19 : memref<1000xi32, #tpu.memory_space<vmem>>)
        tpu.yield
      }) : () -> ()
      %add3A_36 = arith.constant 2000 : i32
      %add3A_37 = arith.addi %multiple_of3A, %add3A_36 : i32
      "tpu.region"() ({
        %run_scoped3A = tpu.sem_alloc : memref<!tpu.dma_semaphore, #tpu.memory_space<semaphore_mem>>
        %dma_start3A = tpu.memref_slice %arg3[%add3A_37] : memref<320000xi32, #tpu.memory_space<hbm>> -> memref<1000xi32, #tpu.memory_space<hbm>>
        %dma_start3A_64 = tpu.memref_slice %arg3[%add3A_37] : memref<320000xi32, #tpu.memory_space<hbm>> -> memref<1000xi32, #tpu.memory_space<hbm>>
        tpu.enqueue_dma source(%dma_start3A_64 : memref<1000xi32, #tpu.memory_space<hbm>>) target(%arg9 : memref<1000xi32, #tpu.memory_space<vmem>>) target_semaphore(%run_scoped3A : memref<!tpu.dma_semaphore, #tpu.memory_space<semaphore_mem>>)
        %dma_wait3A = tpu.memref_slice %arg3[%add3A_37] : memref<320000xi32, #tpu.memory_space<hbm>> -> memref<1000xi32, #tpu.memory_space<hbm>>
        %dma_wait3A_65 = tpu.memref_slice %arg3[%add3A_37] : memref<320000xi32, #tpu.memory_space<hbm>> -> memref<1000xi32, #tpu.memory_space<hbm>>
        tpu.wait_dma2 semaphore(%run_scoped3A : memref<!tpu.dma_semaphore, #tpu.memory_space<semaphore_mem>>) src(%dma_wait3A_65 : memref<1000xi32, #tpu.memory_space<hbm>>) dst(%arg9 : memref<1000xi32, #tpu.memory_space<vmem>>)
        tpu.yield
      }) : () -> ()
      %add3A_38 = arith.constant 2000 : i32
      %add3A_39 = arith.addi %multiple_of3A, %add3A_38 : i32
      "tpu.region"() ({
        %run_scoped3A = tpu.sem_alloc : memref<!tpu.dma_semaphore, #tpu.memory_space<semaphore_mem>>
        %dma_start3A = tpu.memref_slice %arg4[%add3A_39] : memref<320000xi32, #tpu.memory_space<hbm>> -> memref<1000xi32, #tpu.memory_space<hbm>>
        %dma_start3A_64 = tpu.memref_slice %arg4[%add3A_39] : memref<320000xi32, #tpu.memory_space<hbm>> -> memref<1000xi32, #tpu.memory_space<hbm>>
        tpu.enqueue_dma source(%dma_start3A_64 : memref<1000xi32, #tpu.memory_space<hbm>>) target(%arg20 : memref<1000xi32, #tpu.memory_space<vmem>>) target_semaphore(%run_scoped3A : memref<!tpu.dma_semaphore, #tpu.memory_space<semaphore_mem>>)
        %dma_wait3A = tpu.memref_slice %arg4[%add3A_39] : memref<320000xi32, #tpu.memory_space<hbm>> -> memref<1000xi32, #tpu.memory_space<hbm>>
        %dma_wait3A_65 = tpu.memref_slice %arg4[%add3A_39] : memref<320000xi32, #tpu.memory_space<hbm>> -> memref<1000xi32, #tpu.memory_space<hbm>>
        tpu.wait_dma2 semaphore(%run_scoped3A : memref<!tpu.dma_semaphore, #tpu.memory_space<semaphore_mem>>) src(%dma_wait3A_65 : memref<1000xi32, #tpu.memory_space<hbm>>) dst(%arg20 : memref<1000xi32, #tpu.memory_space<vmem>>)
        tpu.yield
      }) : () -> ()
      %add3A_40 = arith.constant 3000 : i32
      %add3A_41 = arith.addi %multiple_of3A, %add3A_40 : i32
      "tpu.region"() ({
        %run_scoped3A = tpu.sem_alloc : memref<!tpu.dma_semaphore, #tpu.memory_space<semaphore_mem>>
        %dma_start3A = tpu.memref_slice %arg3[%add3A_41] : memref<320000xi32, #tpu.memory_space<hbm>> -> memref<1000xi32, #tpu.memory_space<hbm>>
        %dma_start3A_64 = tpu.memref_slice %arg3[%add3A_41] : memref<320000xi32, #tpu.memory_space<hbm>> -> memref<1000xi32, #tpu.memory_space<hbm>>
        tpu.enqueue_dma source(%dma_start3A_64 : memref<1000xi32, #tpu.memory_space<hbm>>) target(%arg10 : memref<1000xi32, #tpu.memory_space<vmem>>) target_semaphore(%run_scoped3A : memref<!tpu.dma_semaphore, #tpu.memory_space<semaphore_mem>>)
        %dma_wait3A = tpu.memref_slice %arg3[%add3A_41] : memref<320000xi32, #tpu.memory_space<hbm>> -> memref<1000xi32, #tpu.memory_space<hbm>>
        %dma_wait3A_65 = tpu.memref_slice %arg3[%add3A_41] : memref<320000xi32, #tpu.memory_space<hbm>> -> memref<1000xi32, #tpu.memory_space<hbm>>
        tpu.wait_dma2 semaphore(%run_scoped3A : memref<!tpu.dma_semaphore, #tpu.memory_space<semaphore_mem>>) src(%dma_wait3A_65 : memref<1000xi32, #tpu.memory_space<hbm>>) dst(%arg10 : memref<1000xi32, #tpu.memory_space<vmem>>)
        tpu.yield
      }) : () -> ()
      %add3A_42 = arith.constant 3000 : i32
      %add3A_43 = arith.addi %multiple_of3A, %add3A_42 : i32
      "tpu.region"() ({
        %run_scoped3A = tpu.sem_alloc : memref<!tpu.dma_semaphore, #tpu.memory_space<semaphore_mem>>
        %dma_start3A = tpu.memref_slice %arg4[%add3A_43] : memref<320000xi32, #tpu.memory_space<hbm>> -> memref<1000xi32, #tpu.memory_space<hbm>>
        %dma_start3A_64 = tpu.memref_slice %arg4[%add3A_43] : memref<320000xi32, #tpu.memory_space<hbm>> -> memref<1000xi32, #tpu.memory_space<hbm>>
        tpu.enqueue_dma source(%dma_start3A_64 : memref<1000xi32, #tpu.memory_space<hbm>>) target(%arg21 : memref<1000xi32, #tpu.memory_space<vmem>>) target_semaphore(%run_scoped3A : memref<!tpu.dma_semaphore, #tpu.memory_space<semaphore_mem>>)
        %dma_wait3A = tpu.memref_slice %arg4[%add3A_43] : memref<320000xi32, #tpu.memory_space<hbm>> -> memref<1000xi32, #tpu.memory_space<hbm>>
        %dma_wait3A_65 = tpu.memref_slice %arg4[%add3A_43] : memref<320000xi32, #tpu.memory_space<hbm>> -> memref<1000xi32, #tpu.memory_space<hbm>>
        tpu.wait_dma2 semaphore(%run_scoped3A : memref<!tpu.dma_semaphore, #tpu.memory_space<semaphore_mem>>) src(%dma_wait3A_65 : memref<1000xi32, #tpu.memory_space<hbm>>) dst(%arg21 : memref<1000xi32, #tpu.memory_space<vmem>>)
        tpu.yield
      }) : () -> ()
      %add3A_44 = arith.constant 4000 : i32
      %add3A_45 = arith.addi %multiple_of3A, %add3A_44 : i32
      "tpu.region"() ({
        %run_scoped3A = tpu.sem_alloc : memref<!tpu.dma_semaphore, #tpu.memory_space<semaphore_mem>>
        %dma_start3A = tpu.memref_slice %arg3[%add3A_45] : memref<320000xi32, #tpu.memory_space<hbm>> -> memref<1000xi32, #tpu.memory_space<hbm>>
        %dma_start3A_64 = tpu.memref_slice %arg3[%add3A_45] : memref<320000xi32, #tpu.memory_space<hbm>> -> memref<1000xi32, #tpu.memory_space<hbm>>
        tpu.enqueue_dma source(%dma_start3A_64 : memref<1000xi32, #tpu.memory_space<hbm>>) target(%arg11 : memref<1000xi32, #tpu.memory_space<vmem>>) target_semaphore(%run_scoped3A : memref<!tpu.dma_semaphore, #tpu.memory_space<semaphore_mem>>)
        %dma_wait3A = tpu.memref_slice %arg3[%add3A_45] : memref<320000xi32, #tpu.memory_space<hbm>> -> memref<1000xi32, #tpu.memory_space<hbm>>
        %dma_wait3A_65 = tpu.memref_slice %arg3[%add3A_45] : memref<320000xi32, #tpu.memory_space<hbm>> -> memref<1000xi32, #tpu.memory_space<hbm>>
        tpu.wait_dma2 semaphore(%run_scoped3A : memref<!tpu.dma_semaphore, #tpu.memory_space<semaphore_mem>>) src(%dma_wait3A_65 : memref<1000xi32, #tpu.memory_space<hbm>>) dst(%arg11 : memref<1000xi32, #tpu.memory_space<vmem>>)
        tpu.yield
      }) : () -> ()
      %add3A_46 = arith.constant 4000 : i32
      %add3A_47 = arith.addi %multiple_of3A, %add3A_46 : i32
      "tpu.region"() ({
        %run_scoped3A = tpu.sem_alloc : memref<!tpu.dma_semaphore, #tpu.memory_space<semaphore_mem>>
        %dma_start3A = tpu.memref_slice %arg4[%add3A_47] : memref<320000xi32, #tpu.memory_space<hbm>> -> memref<1000xi32, #tpu.memory_space<hbm>>
        %dma_start3A_64 = tpu.memref_slice %arg4[%add3A_47] : memref<320000xi32, #tpu.memory_space<hbm>> -> memref<1000xi32, #tpu.memory_space<hbm>>
        tpu.enqueue_dma source(%dma_start3A_64 : memref<1000xi32, #tpu.memory_space<hbm>>) target(%arg22 : memref<1000xi32, #tpu.memory_space<vmem>>) target_semaphore(%run_scoped3A : memref<!tpu.dma_semaphore, #tpu.memory_space<semaphore_mem>>)
        %dma_wait3A = tpu.memref_slice %arg4[%add3A_47] : memref<320000xi32, #tpu.memory_space<hbm>> -> memref<1000xi32, #tpu.memory_space<hbm>>
        %dma_wait3A_65 = tpu.memref_slice %arg4[%add3A_47] : memref<320000xi32, #tpu.memory_space<hbm>> -> memref<1000xi32, #tpu.memory_space<hbm>>
        tpu.wait_dma2 semaphore(%run_scoped3A : memref<!tpu.dma_semaphore, #tpu.memory_space<semaphore_mem>>) src(%dma_wait3A_65 : memref<1000xi32, #tpu.memory_space<hbm>>) dst(%arg22 : memref<1000xi32, #tpu.memory_space<vmem>>)
        tpu.yield
      }) : () -> ()
      %add3A_48 = arith.constant 5000 : i32
      %add3A_49 = arith.addi %multiple_of3A, %add3A_48 : i32
      "tpu.region"() ({
        %run_scoped3A = tpu.sem_alloc : memref<!tpu.dma_semaphore, #tpu.memory_space<semaphore_mem>>
        %dma_start3A = tpu.memref_slice %arg3[%add3A_49] : memref<320000xi32, #tpu.memory_space<hbm>> -> memref<1000xi32, #tpu.memory_space<hbm>>
        %dma_start3A_64 = tpu.memref_slice %arg3[%add3A_49] : memref<320000xi32, #tpu.memory_space<hbm>> -> memref<1000xi32, #tpu.memory_space<hbm>>
        tpu.enqueue_dma source(%dma_start3A_64 : memref<1000xi32, #tpu.memory_space<hbm>>) target(%arg12 : memref<1000xi32, #tpu.memory_space<vmem>>) target_semaphore(%run_scoped3A : memref<!tpu.dma_semaphore, #tpu.memory_space<semaphore_mem>>)
        %dma_wait3A = tpu.memref_slice %arg3[%add3A_49] : memref<320000xi32, #tpu.memory_space<hbm>> -> memref<1000xi32, #tpu.memory_space<hbm>>
        %dma_wait3A_65 = tpu.memref_slice %arg3[%add3A_49] : memref<320000xi32, #tpu.memory_space<hbm>> -> memref<1000xi32, #tpu.memory_space<hbm>>
        tpu.wait_dma2 semaphore(%run_scoped3A : memref<!tpu.dma_semaphore, #tpu.memory_space<semaphore_mem>>) src(%dma_wait3A_65 : memref<1000xi32, #tpu.memory_space<hbm>>) dst(%arg12 : memref<1000xi32, #tpu.memory_space<vmem>>)
        tpu.yield
      }) : () -> ()
      %add3A_50 = arith.constant 5000 : i32
      %add3A_51 = arith.addi %multiple_of3A, %add3A_50 : i32
      "tpu.region"() ({
        %run_scoped3A = tpu.sem_alloc : memref<!tpu.dma_semaphore, #tpu.memory_space<semaphore_mem>>
        %dma_start3A = tpu.memref_slice %arg4[%add3A_51] : memref<320000xi32, #tpu.memory_space<hbm>> -> memref<1000xi32, #tpu.memory_space<hbm>>
        %dma_start3A_64 = tpu.memref_slice %arg4[%add3A_51] : memref<320000xi32, #tpu.memory_space<hbm>> -> memref<1000xi32, #tpu.memory_space<hbm>>
        tpu.enqueue_dma source(%dma_start3A_64 : memref<1000xi32, #tpu.memory_space<hbm>>) target(%arg23 : memref<1000xi32, #tpu.memory_space<vmem>>) target_semaphore(%run_scoped3A : memref<!tpu.dma_semaphore, #tpu.memory_space<semaphore_mem>>)
        %dma_wait3A = tpu.memref_slice %arg4[%add3A_51] : memref<320000xi32, #tpu.memory_space<hbm>> -> memref<1000xi32, #tpu.memory_space<hbm>>
        %dma_wait3A_65 = tpu.memref_slice %arg4[%add3A_51] : memref<320000xi32, #tpu.memory_space<hbm>> -> memref<1000xi32, #tpu.memory_space<hbm>>
        tpu.wait_dma2 semaphore(%run_scoped3A : memref<!tpu.dma_semaphore, #tpu.memory_space<semaphore_mem>>) src(%dma_wait3A_65 : memref<1000xi32, #tpu.memory_space<hbm>>) dst(%arg23 : memref<1000xi32, #tpu.memory_space<vmem>>)
        tpu.yield
      }) : () -> ()
      %add3A_52 = arith.constant 6000 : i32
      %add3A_53 = arith.addi %multiple_of3A, %add3A_52 : i32
      "tpu.region"() ({
        %run_scoped3A = tpu.sem_alloc : memref<!tpu.dma_semaphore, #tpu.memory_space<semaphore_mem>>
        %dma_start3A = tpu.memref_slice %arg3[%add3A_53] : memref<320000xi32, #tpu.memory_space<hbm>> -> memref<1000xi32, #tpu.memory_space<hbm>>
        %dma_start3A_64 = tpu.memref_slice %arg3[%add3A_53] : memref<320000xi32, #tpu.memory_space<hbm>> -> memref<1000xi32, #tpu.memory_space<hbm>>
        tpu.enqueue_dma source(%dma_start3A_64 : memref<1000xi32, #tpu.memory_space<hbm>>) target(%arg13 : memref<1000xi32, #tpu.memory_space<vmem>>) target_semaphore(%run_scoped3A : memref<!tpu.dma_semaphore, #tpu.memory_space<semaphore_mem>>)
        %dma_wait3A = tpu.memref_slice %arg3[%add3A_53] : memref<320000xi32, #tpu.memory_space<hbm>> -> memref<1000xi32, #tpu.memory_space<hbm>>
        %dma_wait3A_65 = tpu.memref_slice %arg3[%add3A_53] : memref<320000xi32, #tpu.memory_space<hbm>> -> memref<1000xi32, #tpu.memory_space<hbm>>
        tpu.wait_dma2 semaphore(%run_scoped3A : memref<!tpu.dma_semaphore, #tpu.memory_space<semaphore_mem>>) src(%dma_wait3A_65 : memref<1000xi32, #tpu.memory_space<hbm>>) dst(%arg13 : memref<1000xi32, #tpu.memory_space<vmem>>)
        tpu.yield
      }) : () -> ()
      %add3A_54 = arith.constant 6000 : i32
      %add3A_55 = arith.addi %multiple_of3A, %add3A_54 : i32
      "tpu.region"() ({
        %run_scoped3A = tpu.sem_alloc : memref<!tpu.dma_semaphore, #tpu.memory_space<semaphore_mem>>
        %dma_start3A = tpu.memref_slice %arg4[%add3A_55] : memref<320000xi32, #tpu.memory_space<hbm>> -> memref<1000xi32, #tpu.memory_space<hbm>>
        %dma_start3A_64 = tpu.memref_slice %arg4[%add3A_55] : memref<320000xi32, #tpu.memory_space<hbm>> -> memref<1000xi32, #tpu.memory_space<hbm>>
        tpu.enqueue_dma source(%dma_start3A_64 : memref<1000xi32, #tpu.memory_space<hbm>>) target(%arg24 : memref<1000xi32, #tpu.memory_space<vmem>>) target_semaphore(%run_scoped3A : memref<!tpu.dma_semaphore, #tpu.memory_space<semaphore_mem>>)
        %dma_wait3A = tpu.memref_slice %arg4[%add3A_55] : memref<320000xi32, #tpu.memory_space<hbm>> -> memref<1000xi32, #tpu.memory_space<hbm>>
        %dma_wait3A_65 = tpu.memref_slice %arg4[%add3A_55] : memref<320000xi32, #tpu.memory_space<hbm>> -> memref<1000xi32, #tpu.memory_space<hbm>>
        tpu.wait_dma2 semaphore(%run_scoped3A : memref<!tpu.dma_semaphore, #tpu.memory_space<semaphore_mem>>) src(%dma_wait3A_65 : memref<1000xi32, #tpu.memory_space<hbm>>) dst(%arg24 : memref<1000xi32, #tpu.memory_space<vmem>>)
        tpu.yield
      }) : () -> ()
      %add3A_56 = arith.constant 7000 : i32
      %add3A_57 = arith.addi %multiple_of3A, %add3A_56 : i32
      "tpu.region"() ({
        %run_scoped3A = tpu.sem_alloc : memref<!tpu.dma_semaphore, #tpu.memory_space<semaphore_mem>>
        %dma_start3A = tpu.memref_slice %arg3[%add3A_57] : memref<320000xi32, #tpu.memory_space<hbm>> -> memref<1000xi32, #tpu.memory_space<hbm>>
        %dma_start3A_64 = tpu.memref_slice %arg3[%add3A_57] : memref<320000xi32, #tpu.memory_space<hbm>> -> memref<1000xi32, #tpu.memory_space<hbm>>
        tpu.enqueue_dma source(%dma_start3A_64 : memref<1000xi32, #tpu.memory_space<hbm>>) target(%arg14 : memref<1000xi32, #tpu.memory_space<vmem>>) target_semaphore(%run_scoped3A : memref<!tpu.dma_semaphore, #tpu.memory_space<semaphore_mem>>)
        %dma_wait3A = tpu.memref_slice %arg3[%add3A_57] : memref<320000xi32, #tpu.memory_space<hbm>> -> memref<1000xi32, #tpu.memory_space<hbm>>
        %dma_wait3A_65 = tpu.memref_slice %arg3[%add3A_57] : memref<320000xi32, #tpu.memory_space<hbm>> -> memref<1000xi32, #tpu.memory_space<hbm>>
        tpu.wait_dma2 semaphore(%run_scoped3A : memref<!tpu.dma_semaphore, #tpu.memory_space<semaphore_mem>>) src(%dma_wait3A_65 : memref<1000xi32, #tpu.memory_space<hbm>>) dst(%arg14 : memref<1000xi32, #tpu.memory_space<vmem>>)
        tpu.yield
      }) : () -> ()
      %add3A_58 = arith.constant 7000 : i32
      %add3A_59 = arith.addi %multiple_of3A, %add3A_58 : i32
      "tpu.region"() ({
        %run_scoped3A = tpu.sem_alloc : memref<!tpu.dma_semaphore, #tpu.memory_space<semaphore_mem>>
        %dma_start3A = tpu.memref_slice %arg4[%add3A_59] : memref<320000xi32, #tpu.memory_space<hbm>> -> memref<1000xi32, #tpu.memory_space<hbm>>
        %dma_start3A_64 = tpu.memref_slice %arg4[%add3A_59] : memref<320000xi32, #tpu.memory_space<hbm>> -> memref<1000xi32, #tpu.memory_space<hbm>>
        tpu.enqueue_dma source(%dma_start3A_64 : memref<1000xi32, #tpu.memory_space<hbm>>) target(%arg25 : memref<1000xi32, #tpu.memory_space<vmem>>) target_semaphore(%run_scoped3A : memref<!tpu.dma_semaphore, #tpu.memory_space<semaphore_mem>>)
        %dma_wait3A = tpu.memref_slice %arg4[%add3A_59] : memref<320000xi32, #tpu.memory_space<hbm>> -> memref<1000xi32, #tpu.memory_space<hbm>>
        %dma_wait3A_65 = tpu.memref_slice %arg4[%add3A_59] : memref<320000xi32, #tpu.memory_space<hbm>> -> memref<1000xi32, #tpu.memory_space<hbm>>
        tpu.wait_dma2 semaphore(%run_scoped3A : memref<!tpu.dma_semaphore, #tpu.memory_space<semaphore_mem>>) src(%dma_wait3A_65 : memref<1000xi32, #tpu.memory_space<hbm>>) dst(%arg25 : memref<1000xi32, #tpu.memory_space<vmem>>)
        tpu.yield
      }) : () -> ()
      %add3A_60 = arith.constant 8000 : i32
      %add3A_61 = arith.addi %multiple_of3A, %add3A_60 : i32
      "tpu.region"() ({
        %run_scoped3A = tpu.sem_alloc : memref<!tpu.dma_semaphore, #tpu.memory_space<semaphore_mem>>
        %dma_start3A = tpu.memref_slice %arg3[%add3A_61] : memref<320000xi32, #tpu.memory_space<hbm>> -> memref<1000xi32, #tpu.memory_space<hbm>>
        %dma_start3A_64 = tpu.memref_slice %arg3[%add3A_61] : memref<320000xi32, #tpu.memory_space<hbm>> -> memref<1000xi32, #tpu.memory_space<hbm>>
        tpu.enqueue_dma source(%dma_start3A_64 : memref<1000xi32, #tpu.memory_space<hbm>>) target(%arg15 : memref<1000xi32, #tpu.memory_space<vmem>>) target_semaphore(%run_scoped3A : memref<!tpu.dma_semaphore, #tpu.memory_space<semaphore_mem>>)
        %dma_wait3A = tpu.memref_slice %arg3[%add3A_61] : memref<320000xi32, #tpu.memory_space<hbm>> -> memref<1000xi32, #tpu.memory_space<hbm>>
        %dma_wait3A_65 = tpu.memref_slice %arg3[%add3A_61] : memref<320000xi32, #tpu.memory_space<hbm>> -> memref<1000xi32, #tpu.memory_space<hbm>>
        tpu.wait_dma2 semaphore(%run_scoped3A : memref<!tpu.dma_semaphore, #tpu.memory_space<semaphore_mem>>) src(%dma_wait3A_65 : memref<1000xi32, #tpu.memory_space<hbm>>) dst(%arg15 : memref<1000xi32, #tpu.memory_space<vmem>>)
        tpu.yield
      }) : () -> ()
      %add3A_62 = arith.constant 8000 : i32
      %add3A_63 = arith.addi %multiple_of3A, %add3A_62 : i32
      "tpu.region"() ({
        %run_scoped3A = tpu.sem_alloc : memref<!tpu.dma_semaphore, #tpu.memory_space<semaphore_mem>>
        %dma_start3A = tpu.memref_slice %arg4[%add3A_63] : memref<320000xi32, #tpu.memory_space<hbm>> -> memref<1000xi32, #tpu.memory_space<hbm>>
        %dma_start3A_64 = tpu.memref_slice %arg4[%add3A_63] : memref<320000xi32, #tpu.memory_space<hbm>> -> memref<1000xi32, #tpu.memory_space<hbm>>
        tpu.enqueue_dma source(%dma_start3A_64 : memref<1000xi32, #tpu.memory_space<hbm>>) target(%arg26 : memref<1000xi32, #tpu.memory_space<vmem>>) target_semaphore(%run_scoped3A : memref<!tpu.dma_semaphore, #tpu.memory_space<semaphore_mem>>)
        %dma_wait3A = tpu.memref_slice %arg4[%add3A_63] : memref<320000xi32, #tpu.memory_space<hbm>> -> memref<1000xi32, #tpu.memory_space<hbm>>
        %dma_wait3A_65 = tpu.memref_slice %arg4[%add3A_63] : memref<320000xi32, #tpu.memory_space<hbm>> -> memref<1000xi32, #tpu.memory_space<hbm>>
        tpu.wait_dma2 semaphore(%run_scoped3A : memref<!tpu.dma_semaphore, #tpu.memory_space<semaphore_mem>>) src(%dma_wait3A_65 : memref<1000xi32, #tpu.memory_space<hbm>>) dst(%arg26 : memref<1000xi32, #tpu.memory_space<vmem>>)
        tpu.yield
      }) : () -> ()
    } else {
    }
    %barrier3A = arith.constant 0 : index
    tpu.barrier barrier_id(%barrier3A)
    %eq3A_10 = arith.constant 0 : i32
    %eq3A_11 = arith.cmpi eq, %arg0, %eq3A_10 : i32
    %convert_element_type3A_12 = arith.extui %eq3A_11 : i1 to i32
    %cond3A_13 = arith.constant 0 : i32
    %cond3A_14 = arith.cmpi ne, %convert_element_type3A_12, %cond3A_13 : i32
    scf.if %cond3A_14 {
      %dma_start3A = arith.constant 0 : i32
      %dma_start3A_25 = arith.constant 0 : i32
      %dma_start3A_26 = tpu.memref_slice %arg2[%dma_start3A, %dma_start3A_25] : memref<10000x16xf32, #tpu.memory_space<hbm>> -> memref<10000x16xf32, #tpu.memory_space<hbm>>
      tpu.enqueue_indirect_dma source(%dma_start3A_26 : memref<10000x16xf32, #tpu.memory_space<hbm>>) target(%arg29 : memref<1000x16xf32, #tpu.memory_space<vmem>>) offsets(%arg7 : memref<1000xi32, #tpu.memory_space<vmem>>) semaphore(%arg32 : memref<!tpu.dma_semaphore, #tpu.memory_space<semaphore_mem>>)
      %dma_wait3A = arith.constant 0 : i32
      %dma_wait3A_27 = arith.constant 0 : i32
      %dma_wait3A_28 = tpu.memref_slice %arg2[%dma_wait3A, %dma_wait3A_27] : memref<10000x16xf32, #tpu.memory_space<hbm>> -> memref<10000x16xf32, #tpu.memory_space<hbm>>
      tpu.wait_indirect_dma semaphore(%arg32 : memref<!tpu.dma_semaphore, #tpu.memory_space<semaphore_mem>>) src(%dma_wait3A_28 : memref<10000x16xf32, #tpu.memory_space<hbm>>) dst(%arg29 : memref<1000x16xf32, #tpu.memory_space<vmem>>)
      %dma_start3A_29 = arith.constant 0 : i32
      %dma_start3A_30 = arith.constant 0 : i32
      %dma_start3A_31 = tpu.memref_slice %arg31[%dma_start3A_29, %dma_start3A_30] : memref<10240x16xf32, #tpu.memory_space<vmem_shared>> -> memref<10240x16xf32, #tpu.memory_space<vmem_shared>>
      tpu.enqueue_indirect_dma source(%arg29 : memref<1000x16xf32, #tpu.memory_space<vmem>>) target(%dma_start3A_31 : memref<10240x16xf32, #tpu.memory_space<vmem_shared>>) offsets(%arg18 : memref<1000xi32, #tpu.memory_space<vmem>>) semaphore(%arg34 : memref<!tpu.dma_semaphore, #tpu.memory_space<semaphore_mem>>) {add = true}
      %dma_start3A_32 = arith.constant 0 : i32
      %dma_start3A_33 = arith.constant 0 : i32
      %dma_start3A_34 = tpu.memref_slice %arg2[%dma_start3A_32, %dma_start3A_33] : memref<10000x16xf32, #tpu.memory_space<hbm>> -> memref<10000x16xf32, #tpu.memory_space<hbm>>
      tpu.enqueue_indirect_dma source(%dma_start3A_34 : memref<10000x16xf32, #tpu.memory_space<hbm>>) target(%arg30 : memref<1000x16xf32, #tpu.memory_space<vmem>>) offsets(%arg8 : memref<1000xi32, #tpu.memory_space<vmem>>) semaphore(%arg33 : memref<!tpu.dma_semaphore, #tpu.memory_space<semaphore_mem>>)
      %dma_wait3A_35 = arith.constant 0 : i32
      %dma_wait3A_36 = arith.constant 0 : i32
      %dma_wait3A_37 = tpu.memref_slice %arg2[%dma_wait3A_35, %dma_wait3A_36] : memref<10000x16xf32, #tpu.memory_space<hbm>> -> memref<10000x16xf32, #tpu.memory_space<hbm>>
      tpu.wait_indirect_dma semaphore(%arg33 : memref<!tpu.dma_semaphore, #tpu.memory_space<semaphore_mem>>) src(%dma_wait3A_37 : memref<10000x16xf32, #tpu.memory_space<hbm>>) dst(%arg30 : memref<1000x16xf32, #tpu.memory_space<vmem>>)
      %dma_start3A_38 = arith.constant 0 : i32
      %dma_start3A_39 = arith.constant 0 : i32
      %dma_start3A_40 = tpu.memref_slice %arg31[%dma_start3A_38, %dma_start3A_39] : memref<10240x16xf32, #tpu.memory_space<vmem_shared>> -> memref<10240x16xf32, #tpu.memory_space<vmem_shared>>
      tpu.enqueue_indirect_dma source(%arg30 : memref<1000x16xf32, #tpu.memory_space<vmem>>) target(%dma_start3A_40 : memref<10240x16xf32, #tpu.memory_space<vmem_shared>>) offsets(%arg19 : memref<1000xi32, #tpu.memory_space<vmem>>) semaphore(%arg35 : memref<!tpu.dma_semaphore, #tpu.memory_space<semaphore_mem>>) {add = true}
      %dma_wait3A_41 = arith.constant 0 : i32
      %dma_wait3A_42 = arith.constant 0 : i32
      %dma_wait3A_43 = tpu.memref_slice %arg31[%dma_wait3A_41, %dma_wait3A_42] : memref<10240x16xf32, #tpu.memory_space<vmem_shared>> -> memref<10240x16xf32, #tpu.memory_space<vmem_shared>>
      tpu.wait_indirect_dma semaphore(%arg34 : memref<!tpu.dma_semaphore, #tpu.memory_space<semaphore_mem>>) src(%arg29 : memref<1000x16xf32, #tpu.memory_space<vmem>>) dst(%dma_wait3A_43 : memref<10240x16xf32, #tpu.memory_space<vmem_shared>>)
      %dma_start3A_44 = arith.constant 0 : i32
      %dma_start3A_45 = arith.constant 0 : i32
      %dma_start3A_46 = tpu.memref_slice %arg2[%dma_start3A_44, %dma_start3A_45] : memref<10000x16xf32, #tpu.memory_space<hbm>> -> memref<10000x16xf32, #tpu.memory_space<hbm>>
      tpu.enqueue_indirect_dma source(%dma_start3A_46 : memref<10000x16xf32, #tpu.memory_space<hbm>>) target(%arg29 : memref<1000x16xf32, #tpu.memory_space<vmem>>) offsets(%arg9 : memref<1000xi32, #tpu.memory_space<vmem>>) semaphore(%arg32 : memref<!tpu.dma_semaphore, #tpu.memory_space<semaphore_mem>>)
      %dma_wait3A_47 = arith.constant 0 : i32
      %dma_wait3A_48 = arith.constant 0 : i32
      %dma_wait3A_49 = tpu.memref_slice %arg2[%dma_wait3A_47, %dma_wait3A_48] : memref<10000x16xf32, #tpu.memory_space<hbm>> -> memref<10000x16xf32, #tpu.memory_space<hbm>>
      tpu.wait_indirect_dma semaphore(%arg32 : memref<!tpu.dma_semaphore, #tpu.memory_space<semaphore_mem>>) src(%dma_wait3A_49 : memref<10000x16xf32, #tpu.memory_space<hbm>>) dst(%arg29 : memref<1000x16xf32, #tpu.memory_space<vmem>>)
      %dma_start3A_50 = arith.constant 0 : i32
      %dma_start3A_51 = arith.constant 0 : i32
      %dma_start3A_52 = tpu.memref_slice %arg31[%dma_start3A_50, %dma_start3A_51] : memref<10240x16xf32, #tpu.memory_space<vmem_shared>> -> memref<10240x16xf32, #tpu.memory_space<vmem_shared>>
      tpu.enqueue_indirect_dma source(%arg29 : memref<1000x16xf32, #tpu.memory_space<vmem>>) target(%dma_start3A_52 : memref<10240x16xf32, #tpu.memory_space<vmem_shared>>) offsets(%arg20 : memref<1000xi32, #tpu.memory_space<vmem>>) semaphore(%arg34 : memref<!tpu.dma_semaphore, #tpu.memory_space<semaphore_mem>>) {add = true}
      %dma_wait3A_53 = arith.constant 0 : i32
      %dma_wait3A_54 = arith.constant 0 : i32
      %dma_wait3A_55 = tpu.memref_slice %arg31[%dma_wait3A_53, %dma_wait3A_54] : memref<10240x16xf32, #tpu.memory_space<vmem_shared>> -> memref<10240x16xf32, #tpu.memory_space<vmem_shared>>
      tpu.wait_indirect_dma semaphore(%arg35 : memref<!tpu.dma_semaphore, #tpu.memory_space<semaphore_mem>>) src(%arg30 : memref<1000x16xf32, #tpu.memory_space<vmem>>) dst(%dma_wait3A_55 : memref<10240x16xf32, #tpu.memory_space<vmem_shared>>)
      %dma_start3A_56 = arith.constant 0 : i32
      %dma_start3A_57 = arith.constant 0 : i32
      %dma_start3A_58 = tpu.memref_slice %arg2[%dma_start3A_56, %dma_start3A_57] : memref<10000x16xf32, #tpu.memory_space<hbm>> -> memref<10000x16xf32, #tpu.memory_space<hbm>>
      tpu.enqueue_indirect_dma source(%dma_start3A_58 : memref<10000x16xf32, #tpu.memory_space<hbm>>) target(%arg30 : memref<1000x16xf32, #tpu.memory_space<vmem>>) offsets(%arg10 : memref<1000xi32, #tpu.memory_space<vmem>>) semaphore(%arg33 : memref<!tpu.dma_semaphore, #tpu.memory_space<semaphore_mem>>)
      %dma_wait3A_59 = arith.constant 0 : i32
      %dma_wait3A_60 = arith.constant 0 : i32
      %dma_wait3A_61 = tpu.memref_slice %arg2[%dma_wait3A_59, %dma_wait3A_60] : memref<10000x16xf32, #tpu.memory_space<hbm>> -> memref<10000x16xf32, #tpu.memory_space<hbm>>
      tpu.wait_indirect_dma semaphore(%arg33 : memref<!tpu.dma_semaphore, #tpu.memory_space<semaphore_mem>>) src(%dma_wait3A_61 : memref<10000x16xf32, #tpu.memory_space<hbm>>) dst(%arg30 : memref<1000x16xf32, #tpu.memory_space<vmem>>)
      %dma_start3A_62 = arith.constant 0 : i32
      %dma_start3A_63 = arith.constant 0 : i32
      %dma_start3A_64 = tpu.memref_slice %arg31[%dma_start3A_62, %dma_start3A_63] : memref<10240x16xf32, #tpu.memory_space<vmem_shared>> -> memref<10240x16xf32, #tpu.memory_space<vmem_shared>>
      tpu.enqueue_indirect_dma source(%arg30 : memref<1000x16xf32, #tpu.memory_space<vmem>>) target(%dma_start3A_64 : memref<10240x16xf32, #tpu.memory_space<vmem_shared>>) offsets(%arg21 : memref<1000xi32, #tpu.memory_space<vmem>>) semaphore(%arg35 : memref<!tpu.dma_semaphore, #tpu.memory_space<semaphore_mem>>) {add = true}
      %dma_wait3A_65 = arith.constant 0 : i32
      %dma_wait3A_66 = arith.constant 0 : i32
      %dma_wait3A_67 = tpu.memref_slice %arg31[%dma_wait3A_65, %dma_wait3A_66] : memref<10240x16xf32, #tpu.memory_space<vmem_shared>> -> memref<10240x16xf32, #tpu.memory_space<vmem_shared>>
      tpu.wait_indirect_dma semaphore(%arg34 : memref<!tpu.dma_semaphore, #tpu.memory_space<semaphore_mem>>) src(%arg29 : memref<1000x16xf32, #tpu.memory_space<vmem>>) dst(%dma_wait3A_67 : memref<10240x16xf32, #tpu.memory_space<vmem_shared>>)
      %dma_start3A_68 = arith.constant 0 : i32
      %dma_start3A_69 = arith.constant 0 : i32
      %dma_start3A_70 = tpu.memref_slice %arg2[%dma_start3A_68, %dma_start3A_69] : memref<10000x16xf32, #tpu.memory_space<hbm>> -> memref<10000x16xf32, #tpu.memory_space<hbm>>
      tpu.enqueue_indirect_dma source(%dma_start3A_70 : memref<10000x16xf32, #tpu.memory_space<hbm>>) target(%arg29 : memref<1000x16xf32, #tpu.memory_space<vmem>>) offsets(%arg11 : memref<1000xi32, #tpu.memory_space<vmem>>) semaphore(%arg32 : memref<!tpu.dma_semaphore, #tpu.memory_space<semaphore_mem>>)
      %dma_wait3A_71 = arith.constant 0 : i32
      %dma_wait3A_72 = arith.constant 0 : i32
      %dma_wait3A_73 = tpu.memref_slice %arg2[%dma_wait3A_71, %dma_wait3A_72] : memref<10000x16xf32, #tpu.memory_space<hbm>> -> memref<10000x16xf32, #tpu.memory_space<hbm>>
      tpu.wait_indirect_dma semaphore(%arg32 : memref<!tpu.dma_semaphore, #tpu.memory_space<semaphore_mem>>) src(%dma_wait3A_73 : memref<10000x16xf32, #tpu.memory_space<hbm>>) dst(%arg29 : memref<1000x16xf32, #tpu.memory_space<vmem>>)
      %dma_start3A_74 = arith.constant 0 : i32
      %dma_start3A_75 = arith.constant 0 : i32
      %dma_start3A_76 = tpu.memref_slice %arg31[%dma_start3A_74, %dma_start3A_75] : memref<10240x16xf32, #tpu.memory_space<vmem_shared>> -> memref<10240x16xf32, #tpu.memory_space<vmem_shared>>
      tpu.enqueue_indirect_dma source(%arg29 : memref<1000x16xf32, #tpu.memory_space<vmem>>) target(%dma_start3A_76 : memref<10240x16xf32, #tpu.memory_space<vmem_shared>>) offsets(%arg22 : memref<1000xi32, #tpu.memory_space<vmem>>) semaphore(%arg34 : memref<!tpu.dma_semaphore, #tpu.memory_space<semaphore_mem>>) {add = true}
      %dma_wait3A_77 = arith.constant 0 : i32
      %dma_wait3A_78 = arith.constant 0 : i32
      %dma_wait3A_79 = tpu.memref_slice %arg31[%dma_wait3A_77, %dma_wait3A_78] : memref<10240x16xf32, #tpu.memory_space<vmem_shared>> -> memref<10240x16xf32, #tpu.memory_space<vmem_shared>>
      tpu.wait_indirect_dma semaphore(%arg35 : memref<!tpu.dma_semaphore, #tpu.memory_space<semaphore_mem>>) src(%arg30 : memref<1000x16xf32, #tpu.memory_space<vmem>>) dst(%dma_wait3A_79 : memref<10240x16xf32, #tpu.memory_space<vmem_shared>>)
      %dma_start3A_80 = arith.constant 0 : i32
      %dma_start3A_81 = arith.constant 0 : i32
      %dma_start3A_82 = tpu.memref_slice %arg2[%dma_start3A_80, %dma_start3A_81] : memref<10000x16xf32, #tpu.memory_space<hbm>> -> memref<10000x16xf32, #tpu.memory_space<hbm>>
      tpu.enqueue_indirect_dma source(%dma_start3A_82 : memref<10000x16xf32, #tpu.memory_space<hbm>>) target(%arg30 : memref<1000x16xf32, #tpu.memory_space<vmem>>) offsets(%arg12 : memref<1000xi32, #tpu.memory_space<vmem>>) semaphore(%arg33 : memref<!tpu.dma_semaphore, #tpu.memory_space<semaphore_mem>>)
      %dma_wait3A_83 = arith.constant 0 : i32
      %dma_wait3A_84 = arith.constant 0 : i32
      %dma_wait3A_85 = tpu.memref_slice %arg2[%dma_wait3A_83, %dma_wait3A_84] : memref<10000x16xf32, #tpu.memory_space<hbm>> -> memref<10000x16xf32, #tpu.memory_space<hbm>>
      tpu.wait_indirect_dma semaphore(%arg33 : memref<!tpu.dma_semaphore, #tpu.memory_space<semaphore_mem>>) src(%dma_wait3A_85 : memref<10000x16xf32, #tpu.memory_space<hbm>>) dst(%arg30 : memref<1000x16xf32, #tpu.memory_space<vmem>>)
      %dma_start3A_86 = arith.constant 0 : i32
      %dma_start3A_87 = arith.constant 0 : i32
      %dma_start3A_88 = tpu.memref_slice %arg31[%dma_start3A_86, %dma_start3A_87] : memref<10240x16xf32, #tpu.memory_space<vmem_shared>> -> memref<10240x16xf32, #tpu.memory_space<vmem_shared>>
      tpu.enqueue_indirect_dma source(%arg30 : memref<1000x16xf32, #tpu.memory_space<vmem>>) target(%dma_start3A_88 : memref<10240x16xf32, #tpu.memory_space<vmem_shared>>) offsets(%arg23 : memref<1000xi32, #tpu.memory_space<vmem>>) semaphore(%arg35 : memref<!tpu.dma_semaphore, #tpu.memory_space<semaphore_mem>>) {add = true}
      %dma_wait3A_89 = arith.constant 0 : i32
      %dma_wait3A_90 = arith.constant 0 : i32
      %dma_wait3A_91 = tpu.memref_slice %arg31[%dma_wait3A_89, %dma_wait3A_90] : memref<10240x16xf32, #tpu.memory_space<vmem_shared>> -> memref<10240x16xf32, #tpu.memory_space<vmem_shared>>
      tpu.wait_indirect_dma semaphore(%arg34 : memref<!tpu.dma_semaphore, #tpu.memory_space<semaphore_mem>>) src(%arg29 : memref<1000x16xf32, #tpu.memory_space<vmem>>) dst(%dma_wait3A_91 : memref<10240x16xf32, #tpu.memory_space<vmem_shared>>)
      %dma_start3A_92 = arith.constant 0 : i32
      %dma_start3A_93 = arith.constant 0 : i32
      %dma_start3A_94 = tpu.memref_slice %arg2[%dma_start3A_92, %dma_start3A_93] : memref<10000x16xf32, #tpu.memory_space<hbm>> -> memref<10000x16xf32, #tpu.memory_space<hbm>>
      tpu.enqueue_indirect_dma source(%dma_start3A_94 : memref<10000x16xf32, #tpu.memory_space<hbm>>) target(%arg29 : memref<1000x16xf32, #tpu.memory_space<vmem>>) offsets(%arg13 : memref<1000xi32, #tpu.memory_space<vmem>>) semaphore(%arg32 : memref<!tpu.dma_semaphore, #tpu.memory_space<semaphore_mem>>)
      %dma_wait3A_95 = arith.constant 0 : i32
      %dma_wait3A_96 = arith.constant 0 : i32
      %dma_wait3A_97 = tpu.memref_slice %arg2[%dma_wait3A_95, %dma_wait3A_96] : memref<10000x16xf32, #tpu.memory_space<hbm>> -> memref<10000x16xf32, #tpu.memory_space<hbm>>
      tpu.wait_indirect_dma semaphore(%arg32 : memref<!tpu.dma_semaphore, #tpu.memory_space<semaphore_mem>>) src(%dma_wait3A_97 : memref<10000x16xf32, #tpu.memory_space<hbm>>) dst(%arg29 : memref<1000x16xf32, #tpu.memory_space<vmem>>)
      %dma_start3A_98 = arith.constant 0 : i32
      %dma_start3A_99 = arith.constant 0 : i32
      %dma_start3A_100 = tpu.memref_slice %arg31[%dma_start3A_98, %dma_start3A_99] : memref<10240x16xf32, #tpu.memory_space<vmem_shared>> -> memref<10240x16xf32, #tpu.memory_space<vmem_shared>>
      tpu.enqueue_indirect_dma source(%arg29 : memref<1000x16xf32, #tpu.memory_space<vmem>>) target(%dma_start3A_100 : memref<10240x16xf32, #tpu.memory_space<vmem_shared>>) offsets(%arg24 : memref<1000xi32, #tpu.memory_space<vmem>>) semaphore(%arg34 : memref<!tpu.dma_semaphore, #tpu.memory_space<semaphore_mem>>) {add = true}
      %dma_wait3A_101 = arith.constant 0 : i32
      %dma_wait3A_102 = arith.constant 0 : i32
      %dma_wait3A_103 = tpu.memref_slice %arg31[%dma_wait3A_101, %dma_wait3A_102] : memref<10240x16xf32, #tpu.memory_space<vmem_shared>> -> memref<10240x16xf32, #tpu.memory_space<vmem_shared>>
      tpu.wait_indirect_dma semaphore(%arg35 : memref<!tpu.dma_semaphore, #tpu.memory_space<semaphore_mem>>) src(%arg30 : memref<1000x16xf32, #tpu.memory_space<vmem>>) dst(%dma_wait3A_103 : memref<10240x16xf32, #tpu.memory_space<vmem_shared>>)
      %dma_start3A_104 = arith.constant 0 : i32
      %dma_start3A_105 = arith.constant 0 : i32
      %dma_start3A_106 = tpu.memref_slice %arg2[%dma_start3A_104, %dma_start3A_105] : memref<10000x16xf32, #tpu.memory_space<hbm>> -> memref<10000x16xf32, #tpu.memory_space<hbm>>
      tpu.enqueue_indirect_dma source(%dma_start3A_106 : memref<10000x16xf32, #tpu.memory_space<hbm>>) target(%arg30 : memref<1000x16xf32, #tpu.memory_space<vmem>>) offsets(%arg14 : memref<1000xi32, #tpu.memory_space<vmem>>) semaphore(%arg33 : memref<!tpu.dma_semaphore, #tpu.memory_space<semaphore_mem>>)
      %dma_wait3A_107 = arith.constant 0 : i32
      %dma_wait3A_108 = arith.constant 0 : i32
      %dma_wait3A_109 = tpu.memref_slice %arg2[%dma_wait3A_107, %dma_wait3A_108] : memref<10000x16xf32, #tpu.memory_space<hbm>> -> memref<10000x16xf32, #tpu.memory_space<hbm>>
      tpu.wait_indirect_dma semaphore(%arg33 : memref<!tpu.dma_semaphore, #tpu.memory_space<semaphore_mem>>) src(%dma_wait3A_109 : memref<10000x16xf32, #tpu.memory_space<hbm>>) dst(%arg30 : memref<1000x16xf32, #tpu.memory_space<vmem>>)
      %dma_start3A_110 = arith.constant 0 : i32
      %dma_start3A_111 = arith.constant 0 : i32
      %dma_start3A_112 = tpu.memref_slice %arg31[%dma_start3A_110, %dma_start3A_111] : memref<10240x16xf32, #tpu.memory_space<vmem_shared>> -> memref<10240x16xf32, #tpu.memory_space<vmem_shared>>
      tpu.enqueue_indirect_dma source(%arg30 : memref<1000x16xf32, #tpu.memory_space<vmem>>) target(%dma_start3A_112 : memref<10240x16xf32, #tpu.memory_space<vmem_shared>>) offsets(%arg25 : memref<1000xi32, #tpu.memory_space<vmem>>) semaphore(%arg35 : memref<!tpu.dma_semaphore, #tpu.memory_space<semaphore_mem>>) {add = true}
      %dma_wait3A_113 = arith.constant 0 : i32
      %dma_wait3A_114 = arith.constant 0 : i32
      %dma_wait3A_115 = tpu.memref_slice %arg31[%dma_wait3A_113, %dma_wait3A_114] : memref<10240x16xf32, #tpu.memory_space<vmem_shared>> -> memref<10240x16xf32, #tpu.memory_space<vmem_shared>>
      tpu.wait_indirect_dma semaphore(%arg34 : memref<!tpu.dma_semaphore, #tpu.memory_space<semaphore_mem>>) src(%arg29 : memref<1000x16xf32, #tpu.memory_space<vmem>>) dst(%dma_wait3A_115 : memref<10240x16xf32, #tpu.memory_space<vmem_shared>>)
      %dma_start3A_116 = arith.constant 0 : i32
      %dma_start3A_117 = arith.constant 0 : i32
      %dma_start3A_118 = tpu.memref_slice %arg2[%dma_start3A_116, %dma_start3A_117] : memref<10000x16xf32, #tpu.memory_space<hbm>> -> memref<10000x16xf32, #tpu.memory_space<hbm>>
      tpu.enqueue_indirect_dma source(%dma_start3A_118 : memref<10000x16xf32, #tpu.memory_space<hbm>>) target(%arg29 : memref<1000x16xf32, #tpu.memory_space<vmem>>) offsets(%arg15 : memref<1000xi32, #tpu.memory_space<vmem>>) semaphore(%arg32 : memref<!tpu.dma_semaphore, #tpu.memory_space<semaphore_mem>>)
      %dma_wait3A_119 = arith.constant 0 : i32
      %dma_wait3A_120 = arith.constant 0 : i32
      %dma_wait3A_121 = tpu.memref_slice %arg2[%dma_wait3A_119, %dma_wait3A_120] : memref<10000x16xf32, #tpu.memory_space<hbm>> -> memref<10000x16xf32, #tpu.memory_space<hbm>>
      tpu.wait_indirect_dma semaphore(%arg32 : memref<!tpu.dma_semaphore, #tpu.memory_space<semaphore_mem>>) src(%dma_wait3A_121 : memref<10000x16xf32, #tpu.memory_space<hbm>>) dst(%arg29 : memref<1000x16xf32, #tpu.memory_space<vmem>>)
      %dma_start3A_122 = arith.constant 0 : i32
      %dma_start3A_123 = arith.constant 0 : i32
      %dma_start3A_124 = tpu.memref_slice %arg31[%dma_start3A_122, %dma_start3A_123] : memref<10240x16xf32, #tpu.memory_space<vmem_shared>> -> memref<10240x16xf32, #tpu.memory_space<vmem_shared>>
      tpu.enqueue_indirect_dma source(%arg29 : memref<1000x16xf32, #tpu.memory_space<vmem>>) target(%dma_start3A_124 : memref<10240x16xf32, #tpu.memory_space<vmem_shared>>) offsets(%arg26 : memref<1000xi32, #tpu.memory_space<vmem>>) semaphore(%arg34 : memref<!tpu.dma_semaphore, #tpu.memory_space<semaphore_mem>>) {add = true}
      %dma_wait3A_125 = arith.constant 0 : i32
      %dma_wait3A_126 = arith.constant 0 : i32
      %dma_wait3A_127 = tpu.memref_slice %arg31[%dma_wait3A_125, %dma_wait3A_126] : memref<10240x16xf32, #tpu.memory_space<vmem_shared>> -> memref<10240x16xf32, #tpu.memory_space<vmem_shared>>
      tpu.wait_indirect_dma semaphore(%arg35 : memref<!tpu.dma_semaphore, #tpu.memory_space<semaphore_mem>>) src(%arg30 : memref<1000x16xf32, #tpu.memory_space<vmem>>) dst(%dma_wait3A_127 : memref<10240x16xf32, #tpu.memory_space<vmem_shared>>)
      %dma_start3A_128 = arith.constant 0 : i32
      %dma_start3A_129 = arith.constant 0 : i32
      %dma_start3A_130 = tpu.memref_slice %arg2[%dma_start3A_128, %dma_start3A_129] : memref<10000x16xf32, #tpu.memory_space<hbm>> -> memref<10000x16xf32, #tpu.memory_space<hbm>>
      tpu.enqueue_indirect_dma source(%dma_start3A_130 : memref<10000x16xf32, #tpu.memory_space<hbm>>) target(%arg30 : memref<1000x16xf32, #tpu.memory_space<vmem>>) offsets(%arg16 : memref<1000xi32, #tpu.memory_space<vmem>>) semaphore(%arg33 : memref<!tpu.dma_semaphore, #tpu.memory_space<semaphore_mem>>)
      %dma_wait3A_131 = arith.constant 0 : i32
      %dma_wait3A_132 = arith.constant 0 : i32
      %dma_wait3A_133 = tpu.memref_slice %arg2[%dma_wait3A_131, %dma_wait3A_132] : memref<10000x16xf32, #tpu.memory_space<hbm>> -> memref<10000x16xf32, #tpu.memory_space<hbm>>
      tpu.wait_indirect_dma semaphore(%arg33 : memref<!tpu.dma_semaphore, #tpu.memory_space<semaphore_mem>>) src(%dma_wait3A_133 : memref<10000x16xf32, #tpu.memory_space<hbm>>) dst(%arg30 : memref<1000x16xf32, #tpu.memory_space<vmem>>)
      %dma_start3A_134 = arith.constant 0 : i32
      %dma_start3A_135 = arith.constant 0 : i32
      %dma_start3A_136 = tpu.memref_slice %arg31[%dma_start3A_134, %dma_start3A_135] : memref<10240x16xf32, #tpu.memory_space<vmem_shared>> -> memref<10240x16xf32, #tpu.memory_space<vmem_shared>>
      tpu.enqueue_indirect_dma source(%arg30 : memref<1000x16xf32, #tpu.memory_space<vmem>>) target(%dma_start3A_136 : memref<10240x16xf32, #tpu.memory_space<vmem_shared>>) offsets(%arg27 : memref<1000xi32, #tpu.memory_space<vmem>>) semaphore(%arg35 : memref<!tpu.dma_semaphore, #tpu.memory_space<semaphore_mem>>) {add = true}
      %dma_wait3A_137 = arith.constant 0 : i32
      %dma_wait3A_138 = arith.constant 0 : i32
      %dma_wait3A_139 = tpu.memref_slice %arg31[%dma_wait3A_137, %dma_wait3A_138] : memref<10240x16xf32, #tpu.memory_space<vmem_shared>> -> memref<10240x16xf32, #tpu.memory_space<vmem_shared>>
      tpu.wait_indirect_dma semaphore(%arg34 : memref<!tpu.dma_semaphore, #tpu.memory_space<semaphore_mem>>) src(%arg29 : memref<1000x16xf32, #tpu.memory_space<vmem>>) dst(%dma_wait3A_139 : memref<10240x16xf32, #tpu.memory_space<vmem_shared>>)
      %dma_start3A_140 = arith.constant 0 : i32
      %dma_start3A_141 = arith.constant 0 : i32
      %dma_start3A_142 = tpu.memref_slice %arg2[%dma_start3A_140, %dma_start3A_141] : memref<10000x16xf32, #tpu.memory_space<hbm>> -> memref<10000x16xf32, #tpu.memory_space<hbm>>
      tpu.enqueue_indirect_dma source(%dma_start3A_142 : memref<10000x16xf32, #tpu.memory_space<hbm>>) target(%arg29 : memref<1000x16xf32, #tpu.memory_space<vmem>>) offsets(%arg17 : memref<1000xi32, #tpu.memory_space<vmem>>) semaphore(%arg32 : memref<!tpu.dma_semaphore, #tpu.memory_space<semaphore_mem>>)
      %dma_wait3A_143 = arith.constant 0 : i32
      %dma_wait3A_144 = arith.constant 0 : i32
      %dma_wait3A_145 = tpu.memref_slice %arg2[%dma_wait3A_143, %dma_wait3A_144] : memref<10000x16xf32, #tpu.memory_space<hbm>> -> memref<10000x16xf32, #tpu.memory_space<hbm>>
      tpu.wait_indirect_dma semaphore(%arg32 : memref<!tpu.dma_semaphore, #tpu.memory_space<semaphore_mem>>) src(%dma_wait3A_145 : memref<10000x16xf32, #tpu.memory_space<hbm>>) dst(%arg29 : memref<1000x16xf32, #tpu.memory_space<vmem>>)
      %dma_start3A_146 = arith.constant 0 : i32
      %dma_start3A_147 = arith.constant 0 : i32
      %dma_start3A_148 = tpu.memref_slice %arg31[%dma_start3A_146, %dma_start3A_147] : memref<10240x16xf32, #tpu.memory_space<vmem_shared>> -> memref<10240x16xf32, #tpu.memory_space<vmem_shared>>
      tpu.enqueue_indirect_dma source(%arg29 : memref<1000x16xf32, #tpu.memory_space<vmem>>) target(%dma_start3A_148 : memref<10240x16xf32, #tpu.memory_space<vmem_shared>>) offsets(%arg28 : memref<1000xi32, #tpu.memory_space<vmem>>) semaphore(%arg34 : memref<!tpu.dma_semaphore, #tpu.memory_space<semaphore_mem>>) {add = true}
      %dma_wait3A_149 = arith.constant 0 : i32
      %dma_wait3A_150 = arith.constant 0 : i32
      %dma_wait3A_151 = tpu.memref_slice %arg31[%dma_wait3A_149, %dma_wait3A_150] : memref<10240x16xf32, #tpu.memory_space<vmem_shared>> -> memref<10240x16xf32, #tpu.memory_space<vmem_shared>>
      tpu.wait_indirect_dma semaphore(%arg35 : memref<!tpu.dma_semaphore, #tpu.memory_space<semaphore_mem>>) src(%arg30 : memref<1000x16xf32, #tpu.memory_space<vmem>>) dst(%dma_wait3A_151 : memref<10240x16xf32, #tpu.memory_space<vmem_shared>>)
      %dma_wait3A_152 = arith.constant 0 : i32
      %dma_wait3A_153 = arith.constant 0 : i32
      %dma_wait3A_154 = tpu.memref_slice %arg31[%dma_wait3A_152, %dma_wait3A_153] : memref<10240x16xf32, #tpu.memory_space<vmem_shared>> -> memref<10240x16xf32, #tpu.memory_space<vmem_shared>>
      tpu.wait_indirect_dma semaphore(%arg34 : memref<!tpu.dma_semaphore, #tpu.memory_space<semaphore_mem>>) src(%arg29 : memref<1000x16xf32, #tpu.memory_space<vmem>>) dst(%dma_wait3A_154 : memref<10240x16xf32, #tpu.memory_space<vmem_shared>>)
    } else {
    }
    %eq3A_15 = arith.constant 1 : i32
    %eq3A_16 = arith.cmpi eq, %arg0, %eq3A_15 : i32
    %convert_element_type3A_17 = arith.extui %eq3A_16 : i1 to i32
    %cond3A_18 = arith.constant 0 : i32
    %cond3A_19 = arith.cmpi ne, %convert_element_type3A_17, %cond3A_18 : i32
    scf.if %cond3A_19 {
      %dma_start3A = arith.constant 0 : i32
      %dma_start3A_25 = arith.constant 0 : i32
      %dma_start3A_26 = tpu.memref_slice %arg2[%dma_start3A, %dma_start3A_25] : memref<10000x16xf32, #tpu.memory_space<hbm>> -> memref<10000x16xf32, #tpu.memory_space<hbm>>
      tpu.enqueue_indirect_dma source(%dma_start3A_26 : memref<10000x16xf32, #tpu.memory_space<hbm>>) target(%arg29 : memref<1000x16xf32, #tpu.memory_space<vmem>>) offsets(%arg7 : memref<1000xi32, #tpu.memory_space<vmem>>) semaphore(%arg32 : memref<!tpu.dma_semaphore, #tpu.memory_space<semaphore_mem>>)
      %dma_wait3A = arith.constant 0 : i32
      %dma_wait3A_27 = arith.constant 0 : i32
      %dma_wait3A_28 = tpu.memref_slice %arg2[%dma_wait3A, %dma_wait3A_27] : memref<10000x16xf32, #tpu.memory_space<hbm>> -> memref<10000x16xf32, #tpu.memory_space<hbm>>
      tpu.wait_indirect_dma semaphore(%arg32 : memref<!tpu.dma_semaphore, #tpu.memory_space<semaphore_mem>>) src(%dma_wait3A_28 : memref<10000x16xf32, #tpu.memory_space<hbm>>) dst(%arg29 : memref<1000x16xf32, #tpu.memory_space<vmem>>)
      %dma_start3A_29 = arith.constant 0 : i32
      %dma_start3A_30 = arith.constant 0 : i32
      %dma_start3A_31 = tpu.memref_slice %arg31[%dma_start3A_29, %dma_start3A_30] : memref<10240x16xf32, #tpu.memory_space<vmem_shared>> -> memref<10240x16xf32, #tpu.memory_space<vmem_shared>>
      tpu.enqueue_indirect_dma source(%arg29 : memref<1000x16xf32, #tpu.memory_space<vmem>>) target(%dma_start3A_31 : memref<10240x16xf32, #tpu.memory_space<vmem_shared>>) offsets(%arg18 : memref<1000xi32, #tpu.memory_space<vmem>>) semaphore(%arg34 : memref<!tpu.dma_semaphore, #tpu.memory_space<semaphore_mem>>) {add = true}
      %dma_start3A_32 = arith.constant 0 : i32
      %dma_start3A_33 = arith.constant 0 : i32
      %dma_start3A_34 = tpu.memref_slice %arg2[%dma_start3A_32, %dma_start3A_33] : memref<10000x16xf32, #tpu.memory_space<hbm>> -> memref<10000x16xf32, #tpu.memory_space<hbm>>
      tpu.enqueue_indirect_dma source(%dma_start3A_34 : memref<10000x16xf32, #tpu.memory_space<hbm>>) target(%arg30 : memref<1000x16xf32, #tpu.memory_space<vmem>>) offsets(%arg8 : memref<1000xi32, #tpu.memory_space<vmem>>) semaphore(%arg33 : memref<!tpu.dma_semaphore, #tpu.memory_space<semaphore_mem>>)
      %dma_wait3A_35 = arith.constant 0 : i32
      %dma_wait3A_36 = arith.constant 0 : i32
      %dma_wait3A_37 = tpu.memref_slice %arg2[%dma_wait3A_35, %dma_wait3A_36] : memref<10000x16xf32, #tpu.memory_space<hbm>> -> memref<10000x16xf32, #tpu.memory_space<hbm>>
      tpu.wait_indirect_dma semaphore(%arg33 : memref<!tpu.dma_semaphore, #tpu.memory_space<semaphore_mem>>) src(%dma_wait3A_37 : memref<10000x16xf32, #tpu.memory_space<hbm>>) dst(%arg30 : memref<1000x16xf32, #tpu.memory_space<vmem>>)
      %dma_start3A_38 = arith.constant 0 : i32
      %dma_start3A_39 = arith.constant 0 : i32
      %dma_start3A_40 = tpu.memref_slice %arg31[%dma_start3A_38, %dma_start3A_39] : memref<10240x16xf32, #tpu.memory_space<vmem_shared>> -> memref<10240x16xf32, #tpu.memory_space<vmem_shared>>
      tpu.enqueue_indirect_dma source(%arg30 : memref<1000x16xf32, #tpu.memory_space<vmem>>) target(%dma_start3A_40 : memref<10240x16xf32, #tpu.memory_space<vmem_shared>>) offsets(%arg19 : memref<1000xi32, #tpu.memory_space<vmem>>) semaphore(%arg35 : memref<!tpu.dma_semaphore, #tpu.memory_space<semaphore_mem>>) {add = true}
      %dma_wait3A_41 = arith.constant 0 : i32
      %dma_wait3A_42 = arith.constant 0 : i32
      %dma_wait3A_43 = tpu.memref_slice %arg31[%dma_wait3A_41, %dma_wait3A_42] : memref<10240x16xf32, #tpu.memory_space<vmem_shared>> -> memref<10240x16xf32, #tpu.memory_space<vmem_shared>>
      tpu.wait_indirect_dma semaphore(%arg34 : memref<!tpu.dma_semaphore, #tpu.memory_space<semaphore_mem>>) src(%arg29 : memref<1000x16xf32, #tpu.memory_space<vmem>>) dst(%dma_wait3A_43 : memref<10240x16xf32, #tpu.memory_space<vmem_shared>>)
      %dma_start3A_44 = arith.constant 0 : i32
      %dma_start3A_45 = arith.constant 0 : i32
      %dma_start3A_46 = tpu.memref_slice %arg2[%dma_start3A_44, %dma_start3A_45] : memref<10000x16xf32, #tpu.memory_space<hbm>> -> memref<10000x16xf32, #tpu.memory_space<hbm>>
      tpu.enqueue_indirect_dma source(%dma_start3A_46 : memref<10000x16xf32, #tpu.memory_space<hbm>>) target(%arg29 : memref<1000x16xf32, #tpu.memory_space<vmem>>) offsets(%arg9 : memref<1000xi32, #tpu.memory_space<vmem>>) semaphore(%arg32 : memref<!tpu.dma_semaphore, #tpu.memory_space<semaphore_mem>>)
      %dma_wait3A_47 = arith.constant 0 : i32
      %dma_wait3A_48 = arith.constant 0 : i32
      %dma_wait3A_49 = tpu.memref_slice %arg2[%dma_wait3A_47, %dma_wait3A_48] : memref<10000x16xf32, #tpu.memory_space<hbm>> -> memref<10000x16xf32, #tpu.memory_space<hbm>>
      tpu.wait_indirect_dma semaphore(%arg32 : memref<!tpu.dma_semaphore, #tpu.memory_space<semaphore_mem>>) src(%dma_wait3A_49 : memref<10000x16xf32, #tpu.memory_space<hbm>>) dst(%arg29 : memref<1000x16xf32, #tpu.memory_space<vmem>>)
      %dma_start3A_50 = arith.constant 0 : i32
      %dma_start3A_51 = arith.constant 0 : i32
      %dma_start3A_52 = tpu.memref_slice %arg31[%dma_start3A_50, %dma_start3A_51] : memref<10240x16xf32, #tpu.memory_space<vmem_shared>> -> memref<10240x16xf32, #tpu.memory_space<vmem_shared>>
      tpu.enqueue_indirect_dma source(%arg29 : memref<1000x16xf32, #tpu.memory_space<vmem>>) target(%dma_start3A_52 : memref<10240x16xf32, #tpu.memory_space<vmem_shared>>) offsets(%arg20 : memref<1000xi32, #tpu.memory_space<vmem>>) semaphore(%arg34 : memref<!tpu.dma_semaphore, #tpu.memory_space<semaphore_mem>>) {add = true}
      %dma_wait3A_53 = arith.constant 0 : i32
      %dma_wait3A_54 = arith.constant 0 : i32
      %dma_wait3A_55 = tpu.memref_slice %arg31[%dma_wait3A_53, %dma_wait3A_54] : memref<10240x16xf32, #tpu.memory_space<vmem_shared>> -> memref<10240x16xf32, #tpu.memory_space<vmem_shared>>
      tpu.wait_indirect_dma semaphore(%arg35 : memref<!tpu.dma_semaphore, #tpu.memory_space<semaphore_mem>>) src(%arg30 : memref<1000x16xf32, #tpu.memory_space<vmem>>) dst(%dma_wait3A_55 : memref<10240x16xf32, #tpu.memory_space<vmem_shared>>)
      %dma_start3A_56 = arith.constant 0 : i32
      %dma_start3A_57 = arith.constant 0 : i32
      %dma_start3A_58 = tpu.memref_slice %arg2[%dma_start3A_56, %dma_start3A_57] : memref<10000x16xf32, #tpu.memory_space<hbm>> -> memref<10000x16xf32, #tpu.memory_space<hbm>>
      tpu.enqueue_indirect_dma source(%dma_start3A_58 : memref<10000x16xf32, #tpu.memory_space<hbm>>) target(%arg30 : memref<1000x16xf32, #tpu.memory_space<vmem>>) offsets(%arg10 : memref<1000xi32, #tpu.memory_space<vmem>>) semaphore(%arg33 : memref<!tpu.dma_semaphore, #tpu.memory_space<semaphore_mem>>)
      %dma_wait3A_59 = arith.constant 0 : i32
      %dma_wait3A_60 = arith.constant 0 : i32
      %dma_wait3A_61 = tpu.memref_slice %arg2[%dma_wait3A_59, %dma_wait3A_60] : memref<10000x16xf32, #tpu.memory_space<hbm>> -> memref<10000x16xf32, #tpu.memory_space<hbm>>
      tpu.wait_indirect_dma semaphore(%arg33 : memref<!tpu.dma_semaphore, #tpu.memory_space<semaphore_mem>>) src(%dma_wait3A_61 : memref<10000x16xf32, #tpu.memory_space<hbm>>) dst(%arg30 : memref<1000x16xf32, #tpu.memory_space<vmem>>)
      %dma_start3A_62 = arith.constant 0 : i32
      %dma_start3A_63 = arith.constant 0 : i32
      %dma_start3A_64 = tpu.memref_slice %arg31[%dma_start3A_62, %dma_start3A_63] : memref<10240x16xf32, #tpu.memory_space<vmem_shared>> -> memref<10240x16xf32, #tpu.memory_space<vmem_shared>>
      tpu.enqueue_indirect_dma source(%arg30 : memref<1000x16xf32, #tpu.memory_space<vmem>>) target(%dma_start3A_64 : memref<10240x16xf32, #tpu.memory_space<vmem_shared>>) offsets(%arg21 : memref<1000xi32, #tpu.memory_space<vmem>>) semaphore(%arg35 : memref<!tpu.dma_semaphore, #tpu.memory_space<semaphore_mem>>) {add = true}
      %dma_wait3A_65 = arith.constant 0 : i32
      %dma_wait3A_66 = arith.constant 0 : i32
      %dma_wait3A_67 = tpu.memref_slice %arg31[%dma_wait3A_65, %dma_wait3A_66] : memref<10240x16xf32, #tpu.memory_space<vmem_shared>> -> memref<10240x16xf32, #tpu.memory_space<vmem_shared>>
      tpu.wait_indirect_dma semaphore(%arg34 : memref<!tpu.dma_semaphore, #tpu.memory_space<semaphore_mem>>) src(%arg29 : memref<1000x16xf32, #tpu.memory_space<vmem>>) dst(%dma_wait3A_67 : memref<10240x16xf32, #tpu.memory_space<vmem_shared>>)
      %dma_start3A_68 = arith.constant 0 : i32
      %dma_start3A_69 = arith.constant 0 : i32
      %dma_start3A_70 = tpu.memref_slice %arg2[%dma_start3A_68, %dma_start3A_69] : memref<10000x16xf32, #tpu.memory_space<hbm>> -> memref<10000x16xf32, #tpu.memory_space<hbm>>
      tpu.enqueue_indirect_dma source(%dma_start3A_70 : memref<10000x16xf32, #tpu.memory_space<hbm>>) target(%arg29 : memref<1000x16xf32, #tpu.memory_space<vmem>>) offsets(%arg11 : memref<1000xi32, #tpu.memory_space<vmem>>) semaphore(%arg32 : memref<!tpu.dma_semaphore, #tpu.memory_space<semaphore_mem>>)
      %dma_wait3A_71 = arith.constant 0 : i32
      %dma_wait3A_72 = arith.constant 0 : i32
      %dma_wait3A_73 = tpu.memref_slice %arg2[%dma_wait3A_71, %dma_wait3A_72] : memref<10000x16xf32, #tpu.memory_space<hbm>> -> memref<10000x16xf32, #tpu.memory_space<hbm>>
      tpu.wait_indirect_dma semaphore(%arg32 : memref<!tpu.dma_semaphore, #tpu.memory_space<semaphore_mem>>) src(%dma_wait3A_73 : memref<10000x16xf32, #tpu.memory_space<hbm>>) dst(%arg29 : memref<1000x16xf32, #tpu.memory_space<vmem>>)
      %dma_start3A_74 = arith.constant 0 : i32
      %dma_start3A_75 = arith.constant 0 : i32
      %dma_start3A_76 = tpu.memref_slice %arg31[%dma_start3A_74, %dma_start3A_75] : memref<10240x16xf32, #tpu.memory_space<vmem_shared>> -> memref<10240x16xf32, #tpu.memory_space<vmem_shared>>
      tpu.enqueue_indirect_dma source(%arg29 : memref<1000x16xf32, #tpu.memory_space<vmem>>) target(%dma_start3A_76 : memref<10240x16xf32, #tpu.memory_space<vmem_shared>>) offsets(%arg22 : memref<1000xi32, #tpu.memory_space<vmem>>) semaphore(%arg34 : memref<!tpu.dma_semaphore, #tpu.memory_space<semaphore_mem>>) {add = true}
      %dma_wait3A_77 = arith.constant 0 : i32
      %dma_wait3A_78 = arith.constant 0 : i32
      %dma_wait3A_79 = tpu.memref_slice %arg31[%dma_wait3A_77, %dma_wait3A_78] : memref<10240x16xf32, #tpu.memory_space<vmem_shared>> -> memref<10240x16xf32, #tpu.memory_space<vmem_shared>>
      tpu.wait_indirect_dma semaphore(%arg35 : memref<!tpu.dma_semaphore, #tpu.memory_space<semaphore_mem>>) src(%arg30 : memref<1000x16xf32, #tpu.memory_space<vmem>>) dst(%dma_wait3A_79 : memref<10240x16xf32, #tpu.memory_space<vmem_shared>>)
      %dma_start3A_80 = arith.constant 0 : i32
      %dma_start3A_81 = arith.constant 0 : i32
      %dma_start3A_82 = tpu.memref_slice %arg2[%dma_start3A_80, %dma_start3A_81] : memref<10000x16xf32, #tpu.memory_space<hbm>> -> memref<10000x16xf32, #tpu.memory_space<hbm>>
      tpu.enqueue_indirect_dma source(%dma_start3A_82 : memref<10000x16xf32, #tpu.memory_space<hbm>>) target(%arg30 : memref<1000x16xf32, #tpu.memory_space<vmem>>) offsets(%arg12 : memref<1000xi32, #tpu.memory_space<vmem>>) semaphore(%arg33 : memref<!tpu.dma_semaphore, #tpu.memory_space<semaphore_mem>>)
      %dma_wait3A_83 = arith.constant 0 : i32
      %dma_wait3A_84 = arith.constant 0 : i32
      %dma_wait3A_85 = tpu.memref_slice %arg2[%dma_wait3A_83, %dma_wait3A_84] : memref<10000x16xf32, #tpu.memory_space<hbm>> -> memref<10000x16xf32, #tpu.memory_space<hbm>>
      tpu.wait_indirect_dma semaphore(%arg33 : memref<!tpu.dma_semaphore, #tpu.memory_space<semaphore_mem>>) src(%dma_wait3A_85 : memref<10000x16xf32, #tpu.memory_space<hbm>>) dst(%arg30 : memref<1000x16xf32, #tpu.memory_space<vmem>>)
      %dma_start3A_86 = arith.constant 0 : i32
      %dma_start3A_87 = arith.constant 0 : i32
      %dma_start3A_88 = tpu.memref_slice %arg31[%dma_start3A_86, %dma_start3A_87] : memref<10240x16xf32, #tpu.memory_space<vmem_shared>> -> memref<10240x16xf32, #tpu.memory_space<vmem_shared>>
      tpu.enqueue_indirect_dma source(%arg30 : memref<1000x16xf32, #tpu.memory_space<vmem>>) target(%dma_start3A_88 : memref<10240x16xf32, #tpu.memory_space<vmem_shared>>) offsets(%arg23 : memref<1000xi32, #tpu.memory_space<vmem>>) semaphore(%arg35 : memref<!tpu.dma_semaphore, #tpu.memory_space<semaphore_mem>>) {add = true}
      %dma_wait3A_89 = arith.constant 0 : i32
      %dma_wait3A_90 = arith.constant 0 : i32
      %dma_wait3A_91 = tpu.memref_slice %arg31[%dma_wait3A_89, %dma_wait3A_90] : memref<10240x16xf32, #tpu.memory_space<vmem_shared>> -> memref<10240x16xf32, #tpu.memory_space<vmem_shared>>
      tpu.wait_indirect_dma semaphore(%arg34 : memref<!tpu.dma_semaphore, #tpu.memory_space<semaphore_mem>>) src(%arg29 : memref<1000x16xf32, #tpu.memory_space<vmem>>) dst(%dma_wait3A_91 : memref<10240x16xf32, #tpu.memory_space<vmem_shared>>)
      %dma_start3A_92 = arith.constant 0 : i32
      %dma_start3A_93 = arith.constant 0 : i32
      %dma_start3A_94 = tpu.memref_slice %arg2[%dma_start3A_92, %dma_start3A_93] : memref<10000x16xf32, #tpu.memory_space<hbm>> -> memref<10000x16xf32, #tpu.memory_space<hbm>>
      tpu.enqueue_indirect_dma source(%dma_start3A_94 : memref<10000x16xf32, #tpu.memory_space<hbm>>) target(%arg29 : memref<1000x16xf32, #tpu.memory_space<vmem>>) offsets(%arg13 : memref<1000xi32, #tpu.memory_space<vmem>>) semaphore(%arg32 : memref<!tpu.dma_semaphore, #tpu.memory_space<semaphore_mem>>)
      %dma_wait3A_95 = arith.constant 0 : i32
      %dma_wait3A_96 = arith.constant 0 : i32
      %dma_wait3A_97 = tpu.memref_slice %arg2[%dma_wait3A_95, %dma_wait3A_96] : memref<10000x16xf32, #tpu.memory_space<hbm>> -> memref<10000x16xf32, #tpu.memory_space<hbm>>
      tpu.wait_indirect_dma semaphore(%arg32 : memref<!tpu.dma_semaphore, #tpu.memory_space<semaphore_mem>>) src(%dma_wait3A_97 : memref<10000x16xf32, #tpu.memory_space<hbm>>) dst(%arg29 : memref<1000x16xf32, #tpu.memory_space<vmem>>)
      %dma_start3A_98 = arith.constant 0 : i32
      %dma_start3A_99 = arith.constant 0 : i32
      %dma_start3A_100 = tpu.memref_slice %arg31[%dma_start3A_98, %dma_start3A_99] : memref<10240x16xf32, #tpu.memory_space<vmem_shared>> -> memref<10240x16xf32, #tpu.memory_space<vmem_shared>>
      tpu.enqueue_indirect_dma source(%arg29 : memref<1000x16xf32, #tpu.memory_space<vmem>>) target(%dma_start3A_100 : memref<10240x16xf32, #tpu.memory_space<vmem_shared>>) offsets(%arg24 : memref<1000xi32, #tpu.memory_space<vmem>>) semaphore(%arg34 : memref<!tpu.dma_semaphore, #tpu.memory_space<semaphore_mem>>) {add = true}
      %dma_wait3A_101 = arith.constant 0 : i32
      %dma_wait3A_102 = arith.constant 0 : i32
      %dma_wait3A_103 = tpu.memref_slice %arg31[%dma_wait3A_101, %dma_wait3A_102] : memref<10240x16xf32, #tpu.memory_space<vmem_shared>> -> memref<10240x16xf32, #tpu.memory_space<vmem_shared>>
      tpu.wait_indirect_dma semaphore(%arg35 : memref<!tpu.dma_semaphore, #tpu.memory_space<semaphore_mem>>) src(%arg30 : memref<1000x16xf32, #tpu.memory_space<vmem>>) dst(%dma_wait3A_103 : memref<10240x16xf32, #tpu.memory_space<vmem_shared>>)
      %dma_start3A_104 = arith.constant 0 : i32
      %dma_start3A_105 = arith.constant 0 : i32
      %dma_start3A_106 = tpu.memref_slice %arg2[%dma_start3A_104, %dma_start3A_105] : memref<10000x16xf32, #tpu.memory_space<hbm>> -> memref<10000x16xf32, #tpu.memory_space<hbm>>
      tpu.enqueue_indirect_dma source(%dma_start3A_106 : memref<10000x16xf32, #tpu.memory_space<hbm>>) target(%arg30 : memref<1000x16xf32, #tpu.memory_space<vmem>>) offsets(%arg14 : memref<1000xi32, #tpu.memory_space<vmem>>) semaphore(%arg33 : memref<!tpu.dma_semaphore, #tpu.memory_space<semaphore_mem>>)
      %dma_wait3A_107 = arith.constant 0 : i32
      %dma_wait3A_108 = arith.constant 0 : i32
      %dma_wait3A_109 = tpu.memref_slice %arg2[%dma_wait3A_107, %dma_wait3A_108] : memref<10000x16xf32, #tpu.memory_space<hbm>> -> memref<10000x16xf32, #tpu.memory_space<hbm>>
      tpu.wait_indirect_dma semaphore(%arg33 : memref<!tpu.dma_semaphore, #tpu.memory_space<semaphore_mem>>) src(%dma_wait3A_109 : memref<10000x16xf32, #tpu.memory_space<hbm>>) dst(%arg30 : memref<1000x16xf32, #tpu.memory_space<vmem>>)
      %dma_start3A_110 = arith.constant 0 : i32
      %dma_start3A_111 = arith.constant 0 : i32
      %dma_start3A_112 = tpu.memref_slice %arg31[%dma_start3A_110, %dma_start3A_111] : memref<10240x16xf32, #tpu.memory_space<vmem_shared>> -> memref<10240x16xf32, #tpu.memory_space<vmem_shared>>
      tpu.enqueue_indirect_dma source(%arg30 : memref<1000x16xf32, #tpu.memory_space<vmem>>) target(%dma_start3A_112 : memref<10240x16xf32, #tpu.memory_space<vmem_shared>>) offsets(%arg25 : memref<1000xi32, #tpu.memory_space<vmem>>) semaphore(%arg35 : memref<!tpu.dma_semaphore, #tpu.memory_space<semaphore_mem>>) {add = true}
      %dma_wait3A_113 = arith.constant 0 : i32
      %dma_wait3A_114 = arith.constant 0 : i32
      %dma_wait3A_115 = tpu.memref_slice %arg31[%dma_wait3A_113, %dma_wait3A_114] : memref<10240x16xf32, #tpu.memory_space<vmem_shared>> -> memref<10240x16xf32, #tpu.memory_space<vmem_shared>>
      tpu.wait_indirect_dma semaphore(%arg34 : memref<!tpu.dma_semaphore, #tpu.memory_space<semaphore_mem>>) src(%arg29 : memref<1000x16xf32, #tpu.memory_space<vmem>>) dst(%dma_wait3A_115 : memref<10240x16xf32, #tpu.memory_space<vmem_shared>>)
      %dma_start3A_116 = arith.constant 0 : i32
      %dma_start3A_117 = arith.constant 0 : i32
      %dma_start3A_118 = tpu.memref_slice %arg2[%dma_start3A_116, %dma_start3A_117] : memref<10000x16xf32, #tpu.memory_space<hbm>> -> memref<10000x16xf32, #tpu.memory_space<hbm>>
      tpu.enqueue_indirect_dma source(%dma_start3A_118 : memref<10000x16xf32, #tpu.memory_space<hbm>>) target(%arg29 : memref<1000x16xf32, #tpu.memory_space<vmem>>) offsets(%arg15 : memref<1000xi32, #tpu.memory_space<vmem>>) semaphore(%arg32 : memref<!tpu.dma_semaphore, #tpu.memory_space<semaphore_mem>>)
      %dma_wait3A_119 = arith.constant 0 : i32
      %dma_wait3A_120 = arith.constant 0 : i32
      %dma_wait3A_121 = tpu.memref_slice %arg2[%dma_wait3A_119, %dma_wait3A_120] : memref<10000x16xf32, #tpu.memory_space<hbm>> -> memref<10000x16xf32, #tpu.memory_space<hbm>>
      tpu.wait_indirect_dma semaphore(%arg32 : memref<!tpu.dma_semaphore, #tpu.memory_space<semaphore_mem>>) src(%dma_wait3A_121 : memref<10000x16xf32, #tpu.memory_space<hbm>>) dst(%arg29 : memref<1000x16xf32, #tpu.memory_space<vmem>>)
      %dma_start3A_122 = arith.constant 0 : i32
      %dma_start3A_123 = arith.constant 0 : i32
      %dma_start3A_124 = tpu.memref_slice %arg31[%dma_start3A_122, %dma_start3A_123] : memref<10240x16xf32, #tpu.memory_space<vmem_shared>> -> memref<10240x16xf32, #tpu.memory_space<vmem_shared>>
      tpu.enqueue_indirect_dma source(%arg29 : memref<1000x16xf32, #tpu.memory_space<vmem>>) target(%dma_start3A_124 : memref<10240x16xf32, #tpu.memory_space<vmem_shared>>) offsets(%arg26 : memref<1000xi32, #tpu.memory_space<vmem>>) semaphore(%arg34 : memref<!tpu.dma_semaphore, #tpu.memory_space<semaphore_mem>>) {add = true}
      %dma_wait3A_125 = arith.constant 0 : i32
      %dma_wait3A_126 = arith.constant 0 : i32
      %dma_wait3A_127 = tpu.memref_slice %arg31[%dma_wait3A_125, %dma_wait3A_126] : memref<10240x16xf32, #tpu.memory_space<vmem_shared>> -> memref<10240x16xf32, #tpu.memory_space<vmem_shared>>
      tpu.wait_indirect_dma semaphore(%arg35 : memref<!tpu.dma_semaphore, #tpu.memory_space<semaphore_mem>>) src(%arg30 : memref<1000x16xf32, #tpu.memory_space<vmem>>) dst(%dma_wait3A_127 : memref<10240x16xf32, #tpu.memory_space<vmem_shared>>)
      %dma_wait3A_128 = arith.constant 0 : i32
      %dma_wait3A_129 = arith.constant 0 : i32
      %dma_wait3A_130 = tpu.memref_slice %arg31[%dma_wait3A_128, %dma_wait3A_129] : memref<10240x16xf32, #tpu.memory_space<vmem_shared>> -> memref<10240x16xf32, #tpu.memory_space<vmem_shared>>
      tpu.wait_indirect_dma semaphore(%arg34 : memref<!tpu.dma_semaphore, #tpu.memory_space<semaphore_mem>>) src(%arg29 : memref<1000x16xf32, #tpu.memory_space<vmem>>) dst(%dma_wait3A_130 : memref<10240x16xf32, #tpu.memory_space<vmem_shared>>)
    } else {
    }
    %barrier3A_20 = arith.constant 0 : index
    tpu.barrier barrier_id(%barrier3A_20)
    %mul3A_21 = arith.constant 640 : i32
    %mul3A_22 = arith.muli %arg1, %mul3A_21 : i32
    %mul3A_23 = arith.constant 640 : i32
    %mul3A_24 = arith.muli %arg1, %mul3A_23 : i32
    "tpu.region"() ({
      %run_scoped3A = tpu.sem_alloc : memref<!tpu.dma_semaphore, #tpu.memory_space<semaphore_mem>>
      %dma_start3A = arith.constant 0 : i32
      %dma_start3A_25 = tpu.memref_slice %arg6[%arg0, %mul3A_24, %dma_start3A] : memref<2x10240x16xf32, #tpu.memory_space<hbm>> -> memref<1x640x16xf32, #tpu.memory_space<hbm>>
      %dma_start3A_26 = tpu.memref_squeeze %dma_start3A_25 : memref<1x640x16xf32, #tpu.memory_space<hbm>> -> memref<640x16xf32, #tpu.memory_space<hbm>>
      %dma_start3A_27 = arith.constant 0 : i32
      %dma_start3A_28 = tpu.memref_slice %arg31[%mul3A_22, %dma_start3A_27] : memref<10240x16xf32, #tpu.memory_space<vmem_shared>> -> memref<640x16xf32, #tpu.memory_space<vmem_shared>>
      tpu.enqueue_dma source(%dma_start3A_28 : memref<640x16xf32, #tpu.memory_space<vmem_shared>>) target(%dma_start3A_26 : memref<640x16xf32, #tpu.memory_space<hbm>>) target_semaphore(%run_scoped3A : memref<!tpu.dma_semaphore, #tpu.memory_space<semaphore_mem>>)
      %dma_wait3A = arith.constant 0 : i32
      %dma_wait3A_29 = tpu.memref_slice %arg6[%arg0, %mul3A_24, %dma_wait3A] : memref<2x10240x16xf32, #tpu.memory_space<hbm>> -> memref<1x640x16xf32, #tpu.memory_space<hbm>>
      %dma_wait3A_30 = tpu.memref_squeeze %dma_wait3A_29 : memref<1x640x16xf32, #tpu.memory_space<hbm>> -> memref<640x16xf32, #tpu.memory_space<hbm>>
      %dma_wait3A_31 = arith.constant 0 : i32
      %dma_wait3A_32 = tpu.memref_slice %arg31[%mul3A_22, %dma_wait3A_31] : memref<10240x16xf32, #tpu.memory_space<vmem_shared>> -> memref<640x16xf32, #tpu.memory_space<vmem_shared>>
      tpu.wait_dma2 semaphore(%run_scoped3A : memref<!tpu.dma_semaphore, #tpu.memory_space<semaphore_mem>>) src(%dma_wait3A_32 : memref<640x16xf32, #tpu.memory_space<vmem_shared>>) dst(%dma_wait3A_30 : memref<640x16xf32, #tpu.memory_space<hbm>>)
      tpu.yield
    }) : () -> ()
    return
  }
}

#map = affine_map<(d0, d1) -> (0, 0)>
#map1 = affine_map<(d0, d1) -> (0)>
#map2 = affine_map<(d0, d1) -> (0, 0, 0)>
module attributes {stable_mosaic.version = 14 : i64} {
  func.func @_agg_body(%arg0: i32, %arg1: i32, %arg2: memref<10000x16xf32, #tpu.memory_space<hbm>>, %arg3: memref<320000xi32, #tpu.memory_space<hbm>>, %arg4: memref<320000xi32, #tpu.memory_space<hbm>>, %arg5: memref<10240x16xf32, #tpu.memory_space<hbm>>, %arg6: memref<2x10240x16xf32, #tpu.memory_space<hbm>>, %arg7: memref<1000xi32, #tpu.memory_space<vmem>>, %arg8: memref<1000xi32, #tpu.memory_space<vmem>>, %arg9: memref<1000xi32, #tpu.memory_space<vmem>>, %arg10: memref<1000xi32, #tpu.memory_space<vmem>>, %arg11: memref<1000xi32, #tpu.memory_space<vmem>>, %arg12: memref<1000xi32, #tpu.memory_space<vmem>>, %arg13: memref<1000xi32, #tpu.memory_space<vmem>>, %arg14: memref<1000xi32, #tpu.memory_space<vmem>>, %arg15: memref<1000xi32, #tpu.memory_space<vmem>>, %arg16: memref<1000xi32, #tpu.memory_space<vmem>>, %arg17: memref<1000xi32, #tpu.memory_space<vmem>>, %arg18: memref<1000xi32, #tpu.memory_space<vmem>>, %arg19: memref<1000xi32, #tpu.memory_space<vmem>>, %arg20: memref<1000xi32, #tpu.memory_space<vmem>>, %arg21: memref<1000xi32, #tpu.memory_space<vmem>>, %arg22: memref<1000xi32, #tpu.memory_space<vmem>>, %arg23: memref<1000xi32, #tpu.memory_space<vmem>>, %arg24: memref<1000xi32, #tpu.memory_space<vmem>>, %arg25: memref<1000xi32, #tpu.memory_space<vmem>>, %arg26: memref<1000xi32, #tpu.memory_space<vmem>>, %arg27: memref<1000xi32, #tpu.memory_space<vmem>>, %arg28: memref<1000xi32, #tpu.memory_space<vmem>>, %arg29: memref<1000x16xf32, #tpu.memory_space<vmem>>, %arg30: memref<1000x16xf32, #tpu.memory_space<vmem>>, %arg31: memref<10240x16xf32, #tpu.memory_space<vmem_shared>>, %arg32: memref<!tpu.dma_semaphore, #tpu.memory_space<semaphore_mem>>, %arg33: memref<!tpu.dma_semaphore, #tpu.memory_space<semaphore_mem>>, %arg34: memref<!tpu.dma_semaphore, #tpu.memory_space<semaphore_mem>>, %arg35: memref<!tpu.dma_semaphore, #tpu.memory_space<semaphore_mem>>) attributes {dimension_semantics = [#tpu.dimension_semantics<core_parallel>, #tpu.dimension_semantics<subcore_parallel>], iteration_bounds = array<i64: 2, 16>, scalar_prefetch = 0 : i64, scratch_operands = 29 : i64, tpu.core_type = #tpu.core_type<sc_vector_subcore>, window_params = [{transform_indices = #map}, {transform_indices = #map1}, {transform_indices = #map1}, {transform_indices = #map}, {transform_indices = #map2}]} {
    %mul3A = arith.constant 640 : i32
    %mul3A_0 = arith.muli %arg1, %mul3A : i32
    %mul3A_1 = arith.constant 640 : i32
    %mul3A_2 = arith.muli %arg1, %mul3A_1 : i32
    "tpu.region"() ({
      %run_scoped3A = tpu.sem_alloc : memref<!tpu.dma_semaphore, #tpu.memory_space<semaphore_mem>>
      %dma_start3A = arith.constant 0 : i32
      %dma_start3A_25 = tpu.memref_slice %arg31[%mul3A_2, %dma_start3A] : memref<10240x16xf32, #tpu.memory_space<vmem_shared>> -> memref<640x16xf32, #tpu.memory_space<vmem_shared>>
      %dma_start3A_26 = arith.constant 0 : i32
      %dma_start3A_27 = tpu.memref_slice %arg5[%mul3A_0, %dma_start3A_26] : memref<10240x16xf32, #tpu.memory_space<hbm>> -> memref<640x16xf32, #tpu.memory_space<hbm>>
      tpu.enqueue_dma source(%dma_start3A_27 : memref<640x16xf32, #tpu.memory_space<hbm>>) target(%dma_start3A_25 : memref<640x16xf32, #tpu.memory_space<vmem_shared>>) target_semaphore(%run_scoped3A : memref<!tpu.dma_semaphore, #tpu.memory_space<semaphore_mem>>)
      %dma_wait3A = arith.constant 0 : i32
      %dma_wait3A_28 = tpu.memref_slice %arg31[%mul3A_2, %dma_wait3A] : memref<10240x16xf32, #tpu.memory_space<vmem_shared>> -> memref<640x16xf32, #tpu.memory_space<vmem_shared>>
      %dma_wait3A_29 = arith.constant 0 : i32
      %dma_wait3A_30 = tpu.memref_slice %arg5[%mul3A_0, %dma_wait3A_29] : memref<10240x16xf32, #tpu.memory_space<hbm>> -> memref<640x16xf32, #tpu.memory_space<hbm>>
      tpu.wait_dma2 semaphore(%run_scoped3A : memref<!tpu.dma_semaphore, #tpu.memory_space<semaphore_mem>>) src(%dma_wait3A_30 : memref<640x16xf32, #tpu.memory_space<hbm>>) dst(%dma_wait3A_28 : memref<640x16xf32, #tpu.memory_space<vmem_shared>>)
      tpu.yield
    }) : () -> ()
    %eq3A = arith.constant 0 : i32
    %eq3A_3 = arith.cmpi eq, %arg0, %eq3A : i32
    %convert_element_type3A = arith.extui %eq3A_3 : i1 to i32
    %cond3A = arith.constant 0 : i32
    %cond3A_4 = arith.cmpi ne, %convert_element_type3A, %cond3A : i32
    scf.if %cond3A_4 {
      %mul3A_25 = arith.constant 11000 : i32
      %mul3A_26 = arith.muli %arg1, %mul3A_25 : i32
      %multiple_of3A = tpu.assume_multiple %mul3A_26, 8 : i32
      %add3A = arith.constant 0 : i32
      %add3A_27 = arith.addi %multiple_of3A, %add3A : i32
      "tpu.region"() ({
        %run_scoped3A = tpu.sem_alloc : memref<!tpu.dma_semaphore, #tpu.memory_space<semaphore_mem>>
        %dma_start3A = tpu.memref_slice %arg3[%add3A_27] : memref<320000xi32, #tpu.memory_space<hbm>> -> memref<1000xi32, #tpu.memory_space<hbm>>
        %dma_start3A_70 = tpu.memref_slice %arg3[%add3A_27] : memref<320000xi32, #tpu.memory_space<hbm>> -> memref<1000xi32, #tpu.memory_space<hbm>>
        tpu.enqueue_dma source(%dma_start3A_70 : memref<1000xi32, #tpu.memory_space<hbm>>) target(%arg7 : memref<1000xi32, #tpu.memory_space<vmem>>) target_semaphore(%run_scoped3A : memref<!tpu.dma_semaphore, #tpu.memory_space<semaphore_mem>>)
        %dma_wait3A = tpu.memref_slice %arg3[%add3A_27] : memref<320000xi32, #tpu.memory_space<hbm>> -> memref<1000xi32, #tpu.memory_space<hbm>>
        %dma_wait3A_71 = tpu.memref_slice %arg3[%add3A_27] : memref<320000xi32, #tpu.memory_space<hbm>> -> memref<1000xi32, #tpu.memory_space<hbm>>
        tpu.wait_dma2 semaphore(%run_scoped3A : memref<!tpu.dma_semaphore, #tpu.memory_space<semaphore_mem>>) src(%dma_wait3A_71 : memref<1000xi32, #tpu.memory_space<hbm>>) dst(%arg7 : memref<1000xi32, #tpu.memory_space<vmem>>)
        tpu.yield
      }) : () -> ()
      %add3A_28 = arith.constant 0 : i32
      %add3A_29 = arith.addi %multiple_of3A, %add3A_28 : i32
      "tpu.region"() ({
        %run_scoped3A = tpu.sem_alloc : memref<!tpu.dma_semaphore, #tpu.memory_space<semaphore_mem>>
        %dma_start3A = tpu.memref_slice %arg4[%add3A_29] : memref<320000xi32, #tpu.memory_space<hbm>> -> memref<1000xi32, #tpu.memory_space<hbm>>
        %dma_start3A_70 = tpu.memref_slice %arg4[%add3A_29] : memref<320000xi32, #tpu.memory_space<hbm>> -> memref<1000xi32, #tpu.memory_space<hbm>>
        tpu.enqueue_dma source(%dma_start3A_70 : memref<1000xi32, #tpu.memory_space<hbm>>) target(%arg18 : memref<1000xi32, #tpu.memory_space<vmem>>) target_semaphore(%run_scoped3A : memref<!tpu.dma_semaphore, #tpu.memory_space<semaphore_mem>>)
        %dma_wait3A = tpu.memref_slice %arg4[%add3A_29] : memref<320000xi32, #tpu.memory_space<hbm>> -> memref<1000xi32, #tpu.memory_space<hbm>>
        %dma_wait3A_71 = tpu.memref_slice %arg4[%add3A_29] : memref<320000xi32, #tpu.memory_space<hbm>> -> memref<1000xi32, #tpu.memory_space<hbm>>
        tpu.wait_dma2 semaphore(%run_scoped3A : memref<!tpu.dma_semaphore, #tpu.memory_space<semaphore_mem>>) src(%dma_wait3A_71 : memref<1000xi32, #tpu.memory_space<hbm>>) dst(%arg18 : memref<1000xi32, #tpu.memory_space<vmem>>)
        tpu.yield
      }) : () -> ()
      %add3A_30 = arith.constant 1000 : i32
      %add3A_31 = arith.addi %multiple_of3A, %add3A_30 : i32
      "tpu.region"() ({
        %run_scoped3A = tpu.sem_alloc : memref<!tpu.dma_semaphore, #tpu.memory_space<semaphore_mem>>
        %dma_start3A = tpu.memref_slice %arg3[%add3A_31] : memref<320000xi32, #tpu.memory_space<hbm>> -> memref<1000xi32, #tpu.memory_space<hbm>>
        %dma_start3A_70 = tpu.memref_slice %arg3[%add3A_31] : memref<320000xi32, #tpu.memory_space<hbm>> -> memref<1000xi32, #tpu.memory_space<hbm>>
        tpu.enqueue_dma source(%dma_start3A_70 : memref<1000xi32, #tpu.memory_space<hbm>>) target(%arg8 : memref<1000xi32, #tpu.memory_space<vmem>>) target_semaphore(%run_scoped3A : memref<!tpu.dma_semaphore, #tpu.memory_space<semaphore_mem>>)
        %dma_wait3A = tpu.memref_slice %arg3[%add3A_31] : memref<320000xi32, #tpu.memory_space<hbm>> -> memref<1000xi32, #tpu.memory_space<hbm>>
        %dma_wait3A_71 = tpu.memref_slice %arg3[%add3A_31] : memref<320000xi32, #tpu.memory_space<hbm>> -> memref<1000xi32, #tpu.memory_space<hbm>>
        tpu.wait_dma2 semaphore(%run_scoped3A : memref<!tpu.dma_semaphore, #tpu.memory_space<semaphore_mem>>) src(%dma_wait3A_71 : memref<1000xi32, #tpu.memory_space<hbm>>) dst(%arg8 : memref<1000xi32, #tpu.memory_space<vmem>>)
        tpu.yield
      }) : () -> ()
      %add3A_32 = arith.constant 1000 : i32
      %add3A_33 = arith.addi %multiple_of3A, %add3A_32 : i32
      "tpu.region"() ({
        %run_scoped3A = tpu.sem_alloc : memref<!tpu.dma_semaphore, #tpu.memory_space<semaphore_mem>>
        %dma_start3A = tpu.memref_slice %arg4[%add3A_33] : memref<320000xi32, #tpu.memory_space<hbm>> -> memref<1000xi32, #tpu.memory_space<hbm>>
        %dma_start3A_70 = tpu.memref_slice %arg4[%add3A_33] : memref<320000xi32, #tpu.memory_space<hbm>> -> memref<1000xi32, #tpu.memory_space<hbm>>
        tpu.enqueue_dma source(%dma_start3A_70 : memref<1000xi32, #tpu.memory_space<hbm>>) target(%arg19 : memref<1000xi32, #tpu.memory_space<vmem>>) target_semaphore(%run_scoped3A : memref<!tpu.dma_semaphore, #tpu.memory_space<semaphore_mem>>)
        %dma_wait3A = tpu.memref_slice %arg4[%add3A_33] : memref<320000xi32, #tpu.memory_space<hbm>> -> memref<1000xi32, #tpu.memory_space<hbm>>
        %dma_wait3A_71 = tpu.memref_slice %arg4[%add3A_33] : memref<320000xi32, #tpu.memory_space<hbm>> -> memref<1000xi32, #tpu.memory_space<hbm>>
        tpu.wait_dma2 semaphore(%run_scoped3A : memref<!tpu.dma_semaphore, #tpu.memory_space<semaphore_mem>>) src(%dma_wait3A_71 : memref<1000xi32, #tpu.memory_space<hbm>>) dst(%arg19 : memref<1000xi32, #tpu.memory_space<vmem>>)
        tpu.yield
      }) : () -> ()
      %add3A_34 = arith.constant 2000 : i32
      %add3A_35 = arith.addi %multiple_of3A, %add3A_34 : i32
      "tpu.region"() ({
        %run_scoped3A = tpu.sem_alloc : memref<!tpu.dma_semaphore, #tpu.memory_space<semaphore_mem>>
        %dma_start3A = tpu.memref_slice %arg3[%add3A_35] : memref<320000xi32, #tpu.memory_space<hbm>> -> memref<1000xi32, #tpu.memory_space<hbm>>
        %dma_start3A_70 = tpu.memref_slice %arg3[%add3A_35] : memref<320000xi32, #tpu.memory_space<hbm>> -> memref<1000xi32, #tpu.memory_space<hbm>>
        tpu.enqueue_dma source(%dma_start3A_70 : memref<1000xi32, #tpu.memory_space<hbm>>) target(%arg9 : memref<1000xi32, #tpu.memory_space<vmem>>) target_semaphore(%run_scoped3A : memref<!tpu.dma_semaphore, #tpu.memory_space<semaphore_mem>>)
        %dma_wait3A = tpu.memref_slice %arg3[%add3A_35] : memref<320000xi32, #tpu.memory_space<hbm>> -> memref<1000xi32, #tpu.memory_space<hbm>>
        %dma_wait3A_71 = tpu.memref_slice %arg3[%add3A_35] : memref<320000xi32, #tpu.memory_space<hbm>> -> memref<1000xi32, #tpu.memory_space<hbm>>
        tpu.wait_dma2 semaphore(%run_scoped3A : memref<!tpu.dma_semaphore, #tpu.memory_space<semaphore_mem>>) src(%dma_wait3A_71 : memref<1000xi32, #tpu.memory_space<hbm>>) dst(%arg9 : memref<1000xi32, #tpu.memory_space<vmem>>)
        tpu.yield
      }) : () -> ()
      %add3A_36 = arith.constant 2000 : i32
      %add3A_37 = arith.addi %multiple_of3A, %add3A_36 : i32
      "tpu.region"() ({
        %run_scoped3A = tpu.sem_alloc : memref<!tpu.dma_semaphore, #tpu.memory_space<semaphore_mem>>
        %dma_start3A = tpu.memref_slice %arg4[%add3A_37] : memref<320000xi32, #tpu.memory_space<hbm>> -> memref<1000xi32, #tpu.memory_space<hbm>>
        %dma_start3A_70 = tpu.memref_slice %arg4[%add3A_37] : memref<320000xi32, #tpu.memory_space<hbm>> -> memref<1000xi32, #tpu.memory_space<hbm>>
        tpu.enqueue_dma source(%dma_start3A_70 : memref<1000xi32, #tpu.memory_space<hbm>>) target(%arg20 : memref<1000xi32, #tpu.memory_space<vmem>>) target_semaphore(%run_scoped3A : memref<!tpu.dma_semaphore, #tpu.memory_space<semaphore_mem>>)
        %dma_wait3A = tpu.memref_slice %arg4[%add3A_37] : memref<320000xi32, #tpu.memory_space<hbm>> -> memref<1000xi32, #tpu.memory_space<hbm>>
        %dma_wait3A_71 = tpu.memref_slice %arg4[%add3A_37] : memref<320000xi32, #tpu.memory_space<hbm>> -> memref<1000xi32, #tpu.memory_space<hbm>>
        tpu.wait_dma2 semaphore(%run_scoped3A : memref<!tpu.dma_semaphore, #tpu.memory_space<semaphore_mem>>) src(%dma_wait3A_71 : memref<1000xi32, #tpu.memory_space<hbm>>) dst(%arg20 : memref<1000xi32, #tpu.memory_space<vmem>>)
        tpu.yield
      }) : () -> ()
      %add3A_38 = arith.constant 3000 : i32
      %add3A_39 = arith.addi %multiple_of3A, %add3A_38 : i32
      "tpu.region"() ({
        %run_scoped3A = tpu.sem_alloc : memref<!tpu.dma_semaphore, #tpu.memory_space<semaphore_mem>>
        %dma_start3A = tpu.memref_slice %arg3[%add3A_39] : memref<320000xi32, #tpu.memory_space<hbm>> -> memref<1000xi32, #tpu.memory_space<hbm>>
        %dma_start3A_70 = tpu.memref_slice %arg3[%add3A_39] : memref<320000xi32, #tpu.memory_space<hbm>> -> memref<1000xi32, #tpu.memory_space<hbm>>
        tpu.enqueue_dma source(%dma_start3A_70 : memref<1000xi32, #tpu.memory_space<hbm>>) target(%arg10 : memref<1000xi32, #tpu.memory_space<vmem>>) target_semaphore(%run_scoped3A : memref<!tpu.dma_semaphore, #tpu.memory_space<semaphore_mem>>)
        %dma_wait3A = tpu.memref_slice %arg3[%add3A_39] : memref<320000xi32, #tpu.memory_space<hbm>> -> memref<1000xi32, #tpu.memory_space<hbm>>
        %dma_wait3A_71 = tpu.memref_slice %arg3[%add3A_39] : memref<320000xi32, #tpu.memory_space<hbm>> -> memref<1000xi32, #tpu.memory_space<hbm>>
        tpu.wait_dma2 semaphore(%run_scoped3A : memref<!tpu.dma_semaphore, #tpu.memory_space<semaphore_mem>>) src(%dma_wait3A_71 : memref<1000xi32, #tpu.memory_space<hbm>>) dst(%arg10 : memref<1000xi32, #tpu.memory_space<vmem>>)
        tpu.yield
      }) : () -> ()
      %add3A_40 = arith.constant 3000 : i32
      %add3A_41 = arith.addi %multiple_of3A, %add3A_40 : i32
      "tpu.region"() ({
        %run_scoped3A = tpu.sem_alloc : memref<!tpu.dma_semaphore, #tpu.memory_space<semaphore_mem>>
        %dma_start3A = tpu.memref_slice %arg4[%add3A_41] : memref<320000xi32, #tpu.memory_space<hbm>> -> memref<1000xi32, #tpu.memory_space<hbm>>
        %dma_start3A_70 = tpu.memref_slice %arg4[%add3A_41] : memref<320000xi32, #tpu.memory_space<hbm>> -> memref<1000xi32, #tpu.memory_space<hbm>>
        tpu.enqueue_dma source(%dma_start3A_70 : memref<1000xi32, #tpu.memory_space<hbm>>) target(%arg21 : memref<1000xi32, #tpu.memory_space<vmem>>) target_semaphore(%run_scoped3A : memref<!tpu.dma_semaphore, #tpu.memory_space<semaphore_mem>>)
        %dma_wait3A = tpu.memref_slice %arg4[%add3A_41] : memref<320000xi32, #tpu.memory_space<hbm>> -> memref<1000xi32, #tpu.memory_space<hbm>>
        %dma_wait3A_71 = tpu.memref_slice %arg4[%add3A_41] : memref<320000xi32, #tpu.memory_space<hbm>> -> memref<1000xi32, #tpu.memory_space<hbm>>
        tpu.wait_dma2 semaphore(%run_scoped3A : memref<!tpu.dma_semaphore, #tpu.memory_space<semaphore_mem>>) src(%dma_wait3A_71 : memref<1000xi32, #tpu.memory_space<hbm>>) dst(%arg21 : memref<1000xi32, #tpu.memory_space<vmem>>)
        tpu.yield
      }) : () -> ()
      %add3A_42 = arith.constant 4000 : i32
      %add3A_43 = arith.addi %multiple_of3A, %add3A_42 : i32
      "tpu.region"() ({
        %run_scoped3A = tpu.sem_alloc : memref<!tpu.dma_semaphore, #tpu.memory_space<semaphore_mem>>
        %dma_start3A = tpu.memref_slice %arg3[%add3A_43] : memref<320000xi32, #tpu.memory_space<hbm>> -> memref<1000xi32, #tpu.memory_space<hbm>>
        %dma_start3A_70 = tpu.memref_slice %arg3[%add3A_43] : memref<320000xi32, #tpu.memory_space<hbm>> -> memref<1000xi32, #tpu.memory_space<hbm>>
        tpu.enqueue_dma source(%dma_start3A_70 : memref<1000xi32, #tpu.memory_space<hbm>>) target(%arg11 : memref<1000xi32, #tpu.memory_space<vmem>>) target_semaphore(%run_scoped3A : memref<!tpu.dma_semaphore, #tpu.memory_space<semaphore_mem>>)
        %dma_wait3A = tpu.memref_slice %arg3[%add3A_43] : memref<320000xi32, #tpu.memory_space<hbm>> -> memref<1000xi32, #tpu.memory_space<hbm>>
        %dma_wait3A_71 = tpu.memref_slice %arg3[%add3A_43] : memref<320000xi32, #tpu.memory_space<hbm>> -> memref<1000xi32, #tpu.memory_space<hbm>>
        tpu.wait_dma2 semaphore(%run_scoped3A : memref<!tpu.dma_semaphore, #tpu.memory_space<semaphore_mem>>) src(%dma_wait3A_71 : memref<1000xi32, #tpu.memory_space<hbm>>) dst(%arg11 : memref<1000xi32, #tpu.memory_space<vmem>>)
        tpu.yield
      }) : () -> ()
      %add3A_44 = arith.constant 4000 : i32
      %add3A_45 = arith.addi %multiple_of3A, %add3A_44 : i32
      "tpu.region"() ({
        %run_scoped3A = tpu.sem_alloc : memref<!tpu.dma_semaphore, #tpu.memory_space<semaphore_mem>>
        %dma_start3A = tpu.memref_slice %arg4[%add3A_45] : memref<320000xi32, #tpu.memory_space<hbm>> -> memref<1000xi32, #tpu.memory_space<hbm>>
        %dma_start3A_70 = tpu.memref_slice %arg4[%add3A_45] : memref<320000xi32, #tpu.memory_space<hbm>> -> memref<1000xi32, #tpu.memory_space<hbm>>
        tpu.enqueue_dma source(%dma_start3A_70 : memref<1000xi32, #tpu.memory_space<hbm>>) target(%arg22 : memref<1000xi32, #tpu.memory_space<vmem>>) target_semaphore(%run_scoped3A : memref<!tpu.dma_semaphore, #tpu.memory_space<semaphore_mem>>)
        %dma_wait3A = tpu.memref_slice %arg4[%add3A_45] : memref<320000xi32, #tpu.memory_space<hbm>> -> memref<1000xi32, #tpu.memory_space<hbm>>
        %dma_wait3A_71 = tpu.memref_slice %arg4[%add3A_45] : memref<320000xi32, #tpu.memory_space<hbm>> -> memref<1000xi32, #tpu.memory_space<hbm>>
        tpu.wait_dma2 semaphore(%run_scoped3A : memref<!tpu.dma_semaphore, #tpu.memory_space<semaphore_mem>>) src(%dma_wait3A_71 : memref<1000xi32, #tpu.memory_space<hbm>>) dst(%arg22 : memref<1000xi32, #tpu.memory_space<vmem>>)
        tpu.yield
      }) : () -> ()
      %add3A_46 = arith.constant 5000 : i32
      %add3A_47 = arith.addi %multiple_of3A, %add3A_46 : i32
      "tpu.region"() ({
        %run_scoped3A = tpu.sem_alloc : memref<!tpu.dma_semaphore, #tpu.memory_space<semaphore_mem>>
        %dma_start3A = tpu.memref_slice %arg3[%add3A_47] : memref<320000xi32, #tpu.memory_space<hbm>> -> memref<1000xi32, #tpu.memory_space<hbm>>
        %dma_start3A_70 = tpu.memref_slice %arg3[%add3A_47] : memref<320000xi32, #tpu.memory_space<hbm>> -> memref<1000xi32, #tpu.memory_space<hbm>>
        tpu.enqueue_dma source(%dma_start3A_70 : memref<1000xi32, #tpu.memory_space<hbm>>) target(%arg12 : memref<1000xi32, #tpu.memory_space<vmem>>) target_semaphore(%run_scoped3A : memref<!tpu.dma_semaphore, #tpu.memory_space<semaphore_mem>>)
        %dma_wait3A = tpu.memref_slice %arg3[%add3A_47] : memref<320000xi32, #tpu.memory_space<hbm>> -> memref<1000xi32, #tpu.memory_space<hbm>>
        %dma_wait3A_71 = tpu.memref_slice %arg3[%add3A_47] : memref<320000xi32, #tpu.memory_space<hbm>> -> memref<1000xi32, #tpu.memory_space<hbm>>
        tpu.wait_dma2 semaphore(%run_scoped3A : memref<!tpu.dma_semaphore, #tpu.memory_space<semaphore_mem>>) src(%dma_wait3A_71 : memref<1000xi32, #tpu.memory_space<hbm>>) dst(%arg12 : memref<1000xi32, #tpu.memory_space<vmem>>)
        tpu.yield
      }) : () -> ()
      %add3A_48 = arith.constant 5000 : i32
      %add3A_49 = arith.addi %multiple_of3A, %add3A_48 : i32
      "tpu.region"() ({
        %run_scoped3A = tpu.sem_alloc : memref<!tpu.dma_semaphore, #tpu.memory_space<semaphore_mem>>
        %dma_start3A = tpu.memref_slice %arg4[%add3A_49] : memref<320000xi32, #tpu.memory_space<hbm>> -> memref<1000xi32, #tpu.memory_space<hbm>>
        %dma_start3A_70 = tpu.memref_slice %arg4[%add3A_49] : memref<320000xi32, #tpu.memory_space<hbm>> -> memref<1000xi32, #tpu.memory_space<hbm>>
        tpu.enqueue_dma source(%dma_start3A_70 : memref<1000xi32, #tpu.memory_space<hbm>>) target(%arg23 : memref<1000xi32, #tpu.memory_space<vmem>>) target_semaphore(%run_scoped3A : memref<!tpu.dma_semaphore, #tpu.memory_space<semaphore_mem>>)
        %dma_wait3A = tpu.memref_slice %arg4[%add3A_49] : memref<320000xi32, #tpu.memory_space<hbm>> -> memref<1000xi32, #tpu.memory_space<hbm>>
        %dma_wait3A_71 = tpu.memref_slice %arg4[%add3A_49] : memref<320000xi32, #tpu.memory_space<hbm>> -> memref<1000xi32, #tpu.memory_space<hbm>>
        tpu.wait_dma2 semaphore(%run_scoped3A : memref<!tpu.dma_semaphore, #tpu.memory_space<semaphore_mem>>) src(%dma_wait3A_71 : memref<1000xi32, #tpu.memory_space<hbm>>) dst(%arg23 : memref<1000xi32, #tpu.memory_space<vmem>>)
        tpu.yield
      }) : () -> ()
      %add3A_50 = arith.constant 6000 : i32
      %add3A_51 = arith.addi %multiple_of3A, %add3A_50 : i32
      "tpu.region"() ({
        %run_scoped3A = tpu.sem_alloc : memref<!tpu.dma_semaphore, #tpu.memory_space<semaphore_mem>>
        %dma_start3A = tpu.memref_slice %arg3[%add3A_51] : memref<320000xi32, #tpu.memory_space<hbm>> -> memref<1000xi32, #tpu.memory_space<hbm>>
        %dma_start3A_70 = tpu.memref_slice %arg3[%add3A_51] : memref<320000xi32, #tpu.memory_space<hbm>> -> memref<1000xi32, #tpu.memory_space<hbm>>
        tpu.enqueue_dma source(%dma_start3A_70 : memref<1000xi32, #tpu.memory_space<hbm>>) target(%arg13 : memref<1000xi32, #tpu.memory_space<vmem>>) target_semaphore(%run_scoped3A : memref<!tpu.dma_semaphore, #tpu.memory_space<semaphore_mem>>)
        %dma_wait3A = tpu.memref_slice %arg3[%add3A_51] : memref<320000xi32, #tpu.memory_space<hbm>> -> memref<1000xi32, #tpu.memory_space<hbm>>
        %dma_wait3A_71 = tpu.memref_slice %arg3[%add3A_51] : memref<320000xi32, #tpu.memory_space<hbm>> -> memref<1000xi32, #tpu.memory_space<hbm>>
        tpu.wait_dma2 semaphore(%run_scoped3A : memref<!tpu.dma_semaphore, #tpu.memory_space<semaphore_mem>>) src(%dma_wait3A_71 : memref<1000xi32, #tpu.memory_space<hbm>>) dst(%arg13 : memref<1000xi32, #tpu.memory_space<vmem>>)
        tpu.yield
      }) : () -> ()
      %add3A_52 = arith.constant 6000 : i32
      %add3A_53 = arith.addi %multiple_of3A, %add3A_52 : i32
      "tpu.region"() ({
        %run_scoped3A = tpu.sem_alloc : memref<!tpu.dma_semaphore, #tpu.memory_space<semaphore_mem>>
        %dma_start3A = tpu.memref_slice %arg4[%add3A_53] : memref<320000xi32, #tpu.memory_space<hbm>> -> memref<1000xi32, #tpu.memory_space<hbm>>
        %dma_start3A_70 = tpu.memref_slice %arg4[%add3A_53] : memref<320000xi32, #tpu.memory_space<hbm>> -> memref<1000xi32, #tpu.memory_space<hbm>>
        tpu.enqueue_dma source(%dma_start3A_70 : memref<1000xi32, #tpu.memory_space<hbm>>) target(%arg24 : memref<1000xi32, #tpu.memory_space<vmem>>) target_semaphore(%run_scoped3A : memref<!tpu.dma_semaphore, #tpu.memory_space<semaphore_mem>>)
        %dma_wait3A = tpu.memref_slice %arg4[%add3A_53] : memref<320000xi32, #tpu.memory_space<hbm>> -> memref<1000xi32, #tpu.memory_space<hbm>>
        %dma_wait3A_71 = tpu.memref_slice %arg4[%add3A_53] : memref<320000xi32, #tpu.memory_space<hbm>> -> memref<1000xi32, #tpu.memory_space<hbm>>
        tpu.wait_dma2 semaphore(%run_scoped3A : memref<!tpu.dma_semaphore, #tpu.memory_space<semaphore_mem>>) src(%dma_wait3A_71 : memref<1000xi32, #tpu.memory_space<hbm>>) dst(%arg24 : memref<1000xi32, #tpu.memory_space<vmem>>)
        tpu.yield
      }) : () -> ()
      %add3A_54 = arith.constant 7000 : i32
      %add3A_55 = arith.addi %multiple_of3A, %add3A_54 : i32
      "tpu.region"() ({
        %run_scoped3A = tpu.sem_alloc : memref<!tpu.dma_semaphore, #tpu.memory_space<semaphore_mem>>
        %dma_start3A = tpu.memref_slice %arg3[%add3A_55] : memref<320000xi32, #tpu.memory_space<hbm>> -> memref<1000xi32, #tpu.memory_space<hbm>>
        %dma_start3A_70 = tpu.memref_slice %arg3[%add3A_55] : memref<320000xi32, #tpu.memory_space<hbm>> -> memref<1000xi32, #tpu.memory_space<hbm>>
        tpu.enqueue_dma source(%dma_start3A_70 : memref<1000xi32, #tpu.memory_space<hbm>>) target(%arg14 : memref<1000xi32, #tpu.memory_space<vmem>>) target_semaphore(%run_scoped3A : memref<!tpu.dma_semaphore, #tpu.memory_space<semaphore_mem>>)
        %dma_wait3A = tpu.memref_slice %arg3[%add3A_55] : memref<320000xi32, #tpu.memory_space<hbm>> -> memref<1000xi32, #tpu.memory_space<hbm>>
        %dma_wait3A_71 = tpu.memref_slice %arg3[%add3A_55] : memref<320000xi32, #tpu.memory_space<hbm>> -> memref<1000xi32, #tpu.memory_space<hbm>>
        tpu.wait_dma2 semaphore(%run_scoped3A : memref<!tpu.dma_semaphore, #tpu.memory_space<semaphore_mem>>) src(%dma_wait3A_71 : memref<1000xi32, #tpu.memory_space<hbm>>) dst(%arg14 : memref<1000xi32, #tpu.memory_space<vmem>>)
        tpu.yield
      }) : () -> ()
      %add3A_56 = arith.constant 7000 : i32
      %add3A_57 = arith.addi %multiple_of3A, %add3A_56 : i32
      "tpu.region"() ({
        %run_scoped3A = tpu.sem_alloc : memref<!tpu.dma_semaphore, #tpu.memory_space<semaphore_mem>>
        %dma_start3A = tpu.memref_slice %arg4[%add3A_57] : memref<320000xi32, #tpu.memory_space<hbm>> -> memref<1000xi32, #tpu.memory_space<hbm>>
        %dma_start3A_70 = tpu.memref_slice %arg4[%add3A_57] : memref<320000xi32, #tpu.memory_space<hbm>> -> memref<1000xi32, #tpu.memory_space<hbm>>
        tpu.enqueue_dma source(%dma_start3A_70 : memref<1000xi32, #tpu.memory_space<hbm>>) target(%arg25 : memref<1000xi32, #tpu.memory_space<vmem>>) target_semaphore(%run_scoped3A : memref<!tpu.dma_semaphore, #tpu.memory_space<semaphore_mem>>)
        %dma_wait3A = tpu.memref_slice %arg4[%add3A_57] : memref<320000xi32, #tpu.memory_space<hbm>> -> memref<1000xi32, #tpu.memory_space<hbm>>
        %dma_wait3A_71 = tpu.memref_slice %arg4[%add3A_57] : memref<320000xi32, #tpu.memory_space<hbm>> -> memref<1000xi32, #tpu.memory_space<hbm>>
        tpu.wait_dma2 semaphore(%run_scoped3A : memref<!tpu.dma_semaphore, #tpu.memory_space<semaphore_mem>>) src(%dma_wait3A_71 : memref<1000xi32, #tpu.memory_space<hbm>>) dst(%arg25 : memref<1000xi32, #tpu.memory_space<vmem>>)
        tpu.yield
      }) : () -> ()
      %add3A_58 = arith.constant 8000 : i32
      %add3A_59 = arith.addi %multiple_of3A, %add3A_58 : i32
      "tpu.region"() ({
        %run_scoped3A = tpu.sem_alloc : memref<!tpu.dma_semaphore, #tpu.memory_space<semaphore_mem>>
        %dma_start3A = tpu.memref_slice %arg3[%add3A_59] : memref<320000xi32, #tpu.memory_space<hbm>> -> memref<1000xi32, #tpu.memory_space<hbm>>
        %dma_start3A_70 = tpu.memref_slice %arg3[%add3A_59] : memref<320000xi32, #tpu.memory_space<hbm>> -> memref<1000xi32, #tpu.memory_space<hbm>>
        tpu.enqueue_dma source(%dma_start3A_70 : memref<1000xi32, #tpu.memory_space<hbm>>) target(%arg15 : memref<1000xi32, #tpu.memory_space<vmem>>) target_semaphore(%run_scoped3A : memref<!tpu.dma_semaphore, #tpu.memory_space<semaphore_mem>>)
        %dma_wait3A = tpu.memref_slice %arg3[%add3A_59] : memref<320000xi32, #tpu.memory_space<hbm>> -> memref<1000xi32, #tpu.memory_space<hbm>>
        %dma_wait3A_71 = tpu.memref_slice %arg3[%add3A_59] : memref<320000xi32, #tpu.memory_space<hbm>> -> memref<1000xi32, #tpu.memory_space<hbm>>
        tpu.wait_dma2 semaphore(%run_scoped3A : memref<!tpu.dma_semaphore, #tpu.memory_space<semaphore_mem>>) src(%dma_wait3A_71 : memref<1000xi32, #tpu.memory_space<hbm>>) dst(%arg15 : memref<1000xi32, #tpu.memory_space<vmem>>)
        tpu.yield
      }) : () -> ()
      %add3A_60 = arith.constant 8000 : i32
      %add3A_61 = arith.addi %multiple_of3A, %add3A_60 : i32
      "tpu.region"() ({
        %run_scoped3A = tpu.sem_alloc : memref<!tpu.dma_semaphore, #tpu.memory_space<semaphore_mem>>
        %dma_start3A = tpu.memref_slice %arg4[%add3A_61] : memref<320000xi32, #tpu.memory_space<hbm>> -> memref<1000xi32, #tpu.memory_space<hbm>>
        %dma_start3A_70 = tpu.memref_slice %arg4[%add3A_61] : memref<320000xi32, #tpu.memory_space<hbm>> -> memref<1000xi32, #tpu.memory_space<hbm>>
        tpu.enqueue_dma source(%dma_start3A_70 : memref<1000xi32, #tpu.memory_space<hbm>>) target(%arg26 : memref<1000xi32, #tpu.memory_space<vmem>>) target_semaphore(%run_scoped3A : memref<!tpu.dma_semaphore, #tpu.memory_space<semaphore_mem>>)
        %dma_wait3A = tpu.memref_slice %arg4[%add3A_61] : memref<320000xi32, #tpu.memory_space<hbm>> -> memref<1000xi32, #tpu.memory_space<hbm>>
        %dma_wait3A_71 = tpu.memref_slice %arg4[%add3A_61] : memref<320000xi32, #tpu.memory_space<hbm>> -> memref<1000xi32, #tpu.memory_space<hbm>>
        tpu.wait_dma2 semaphore(%run_scoped3A : memref<!tpu.dma_semaphore, #tpu.memory_space<semaphore_mem>>) src(%dma_wait3A_71 : memref<1000xi32, #tpu.memory_space<hbm>>) dst(%arg26 : memref<1000xi32, #tpu.memory_space<vmem>>)
        tpu.yield
      }) : () -> ()
      %add3A_62 = arith.constant 9000 : i32
      %add3A_63 = arith.addi %multiple_of3A, %add3A_62 : i32
      "tpu.region"() ({
        %run_scoped3A = tpu.sem_alloc : memref<!tpu.dma_semaphore, #tpu.memory_space<semaphore_mem>>
        %dma_start3A = tpu.memref_slice %arg3[%add3A_63] : memref<320000xi32, #tpu.memory_space<hbm>> -> memref<1000xi32, #tpu.memory_space<hbm>>
        %dma_start3A_70 = tpu.memref_slice %arg3[%add3A_63] : memref<320000xi32, #tpu.memory_space<hbm>> -> memref<1000xi32, #tpu.memory_space<hbm>>
        tpu.enqueue_dma source(%dma_start3A_70 : memref<1000xi32, #tpu.memory_space<hbm>>) target(%arg16 : memref<1000xi32, #tpu.memory_space<vmem>>) target_semaphore(%run_scoped3A : memref<!tpu.dma_semaphore, #tpu.memory_space<semaphore_mem>>)
        %dma_wait3A = tpu.memref_slice %arg3[%add3A_63] : memref<320000xi32, #tpu.memory_space<hbm>> -> memref<1000xi32, #tpu.memory_space<hbm>>
        %dma_wait3A_71 = tpu.memref_slice %arg3[%add3A_63] : memref<320000xi32, #tpu.memory_space<hbm>> -> memref<1000xi32, #tpu.memory_space<hbm>>
        tpu.wait_dma2 semaphore(%run_scoped3A : memref<!tpu.dma_semaphore, #tpu.memory_space<semaphore_mem>>) src(%dma_wait3A_71 : memref<1000xi32, #tpu.memory_space<hbm>>) dst(%arg16 : memref<1000xi32, #tpu.memory_space<vmem>>)
        tpu.yield
      }) : () -> ()
      %add3A_64 = arith.constant 9000 : i32
      %add3A_65 = arith.addi %multiple_of3A, %add3A_64 : i32
      "tpu.region"() ({
        %run_scoped3A = tpu.sem_alloc : memref<!tpu.dma_semaphore, #tpu.memory_space<semaphore_mem>>
        %dma_start3A = tpu.memref_slice %arg4[%add3A_65] : memref<320000xi32, #tpu.memory_space<hbm>> -> memref<1000xi32, #tpu.memory_space<hbm>>
        %dma_start3A_70 = tpu.memref_slice %arg4[%add3A_65] : memref<320000xi32, #tpu.memory_space<hbm>> -> memref<1000xi32, #tpu.memory_space<hbm>>
        tpu.enqueue_dma source(%dma_start3A_70 : memref<1000xi32, #tpu.memory_space<hbm>>) target(%arg27 : memref<1000xi32, #tpu.memory_space<vmem>>) target_semaphore(%run_scoped3A : memref<!tpu.dma_semaphore, #tpu.memory_space<semaphore_mem>>)
        %dma_wait3A = tpu.memref_slice %arg4[%add3A_65] : memref<320000xi32, #tpu.memory_space<hbm>> -> memref<1000xi32, #tpu.memory_space<hbm>>
        %dma_wait3A_71 = tpu.memref_slice %arg4[%add3A_65] : memref<320000xi32, #tpu.memory_space<hbm>> -> memref<1000xi32, #tpu.memory_space<hbm>>
        tpu.wait_dma2 semaphore(%run_scoped3A : memref<!tpu.dma_semaphore, #tpu.memory_space<semaphore_mem>>) src(%dma_wait3A_71 : memref<1000xi32, #tpu.memory_space<hbm>>) dst(%arg27 : memref<1000xi32, #tpu.memory_space<vmem>>)
        tpu.yield
      }) : () -> ()
      %add3A_66 = arith.constant 10000 : i32
      %add3A_67 = arith.addi %multiple_of3A, %add3A_66 : i32
      "tpu.region"() ({
        %run_scoped3A = tpu.sem_alloc : memref<!tpu.dma_semaphore, #tpu.memory_space<semaphore_mem>>
        %dma_start3A = tpu.memref_slice %arg3[%add3A_67] : memref<320000xi32, #tpu.memory_space<hbm>> -> memref<1000xi32, #tpu.memory_space<hbm>>
        %dma_start3A_70 = tpu.memref_slice %arg3[%add3A_67] : memref<320000xi32, #tpu.memory_space<hbm>> -> memref<1000xi32, #tpu.memory_space<hbm>>
        tpu.enqueue_dma source(%dma_start3A_70 : memref<1000xi32, #tpu.memory_space<hbm>>) target(%arg17 : memref<1000xi32, #tpu.memory_space<vmem>>) target_semaphore(%run_scoped3A : memref<!tpu.dma_semaphore, #tpu.memory_space<semaphore_mem>>)
        %dma_wait3A = tpu.memref_slice %arg3[%add3A_67] : memref<320000xi32, #tpu.memory_space<hbm>> -> memref<1000xi32, #tpu.memory_space<hbm>>
        %dma_wait3A_71 = tpu.memref_slice %arg3[%add3A_67] : memref<320000xi32, #tpu.memory_space<hbm>> -> memref<1000xi32, #tpu.memory_space<hbm>>
        tpu.wait_dma2 semaphore(%run_scoped3A : memref<!tpu.dma_semaphore, #tpu.memory_space<semaphore_mem>>) src(%dma_wait3A_71 : memref<1000xi32, #tpu.memory_space<hbm>>) dst(%arg17 : memref<1000xi32, #tpu.memory_space<vmem>>)
        tpu.yield
      }) : () -> ()
      %add3A_68 = arith.constant 10000 : i32
      %add3A_69 = arith.addi %multiple_of3A, %add3A_68 : i32
      "tpu.region"() ({
        %run_scoped3A = tpu.sem_alloc : memref<!tpu.dma_semaphore, #tpu.memory_space<semaphore_mem>>
        %dma_start3A = tpu.memref_slice %arg4[%add3A_69] : memref<320000xi32, #tpu.memory_space<hbm>> -> memref<1000xi32, #tpu.memory_space<hbm>>
        %dma_start3A_70 = tpu.memref_slice %arg4[%add3A_69] : memref<320000xi32, #tpu.memory_space<hbm>> -> memref<1000xi32, #tpu.memory_space<hbm>>
        tpu.enqueue_dma source(%dma_start3A_70 : memref<1000xi32, #tpu.memory_space<hbm>>) target(%arg28 : memref<1000xi32, #tpu.memory_space<vmem>>) target_semaphore(%run_scoped3A : memref<!tpu.dma_semaphore, #tpu.memory_space<semaphore_mem>>)
        %dma_wait3A = tpu.memref_slice %arg4[%add3A_69] : memref<320000xi32, #tpu.memory_space<hbm>> -> memref<1000xi32, #tpu.memory_space<hbm>>
        %dma_wait3A_71 = tpu.memref_slice %arg4[%add3A_69] : memref<320000xi32, #tpu.memory_space<hbm>> -> memref<1000xi32, #tpu.memory_space<hbm>>
        tpu.wait_dma2 semaphore(%run_scoped3A : memref<!tpu.dma_semaphore, #tpu.memory_space<semaphore_mem>>) src(%dma_wait3A_71 : memref<1000xi32, #tpu.memory_space<hbm>>) dst(%arg28 : memref<1000xi32, #tpu.memory_space<vmem>>)
        tpu.yield
      }) : () -> ()
    } else {
    }
    %eq3A_5 = arith.constant 1 : i32
    %eq3A_6 = arith.cmpi eq, %arg0, %eq3A_5 : i32
    %convert_element_type3A_7 = arith.extui %eq3A_6 : i1 to i32
    %cond3A_8 = arith.constant 0 : i32
    %cond3A_9 = arith.cmpi ne, %convert_element_type3A_7, %cond3A_8 : i32
    scf.if %cond3A_9 {
      %mul3A_25 = arith.constant 9000 : i32
      %mul3A_26 = arith.muli %arg1, %mul3A_25 : i32
      %add3A = arith.constant 176000 : i32
      %add3A_27 = arith.addi %add3A, %mul3A_26 : i32
      %multiple_of3A = tpu.assume_multiple %add3A_27, 8 : i32
      %add3A_28 = arith.constant 0 : i32
      %add3A_29 = arith.addi %multiple_of3A, %add3A_28 : i32
      "tpu.region"() ({
        %run_scoped3A = tpu.sem_alloc : memref<!tpu.dma_semaphore, #tpu.memory_space<semaphore_mem>>
        %dma_start3A = tpu.memref_slice %arg3[%add3A_29] : memref<320000xi32, #tpu.memory_space<hbm>> -> memref<1000xi32, #tpu.memory_space<hbm>>
        %dma_start3A_64 = tpu.memref_slice %arg3[%add3A_29] : memref<320000xi32, #tpu.memory_space<hbm>> -> memref<1000xi32, #tpu.memory_space<hbm>>
        tpu.enqueue_dma source(%dma_start3A_64 : memref<1000xi32, #tpu.memory_space<hbm>>) target(%arg7 : memref<1000xi32, #tpu.memory_space<vmem>>) target_semaphore(%run_scoped3A : memref<!tpu.dma_semaphore, #tpu.memory_space<semaphore_mem>>)
        %dma_wait3A = tpu.memref_slice %arg3[%add3A_29] : memref<320000xi32, #tpu.memory_space<hbm>> -> memref<1000xi32, #tpu.memory_space<hbm>>
        %dma_wait3A_65 = tpu.memref_slice %arg3[%add3A_29] : memref<320000xi32, #tpu.memory_space<hbm>> -> memref<1000xi32, #tpu.memory_space<hbm>>
        tpu.wait_dma2 semaphore(%run_scoped3A : memref<!tpu.dma_semaphore, #tpu.memory_space<semaphore_mem>>) src(%dma_wait3A_65 : memref<1000xi32, #tpu.memory_space<hbm>>) dst(%arg7 : memref<1000xi32, #tpu.memory_space<vmem>>)
        tpu.yield
      }) : () -> ()
      %add3A_30 = arith.constant 0 : i32
      %add3A_31 = arith.addi %multiple_of3A, %add3A_30 : i32
      "tpu.region"() ({
        %run_scoped3A = tpu.sem_alloc : memref<!tpu.dma_semaphore, #tpu.memory_space<semaphore_mem>>
        %dma_start3A = tpu.memref_slice %arg4[%add3A_31] : memref<320000xi32, #tpu.memory_space<hbm>> -> memref<1000xi32, #tpu.memory_space<hbm>>
        %dma_start3A_64 = tpu.memref_slice %arg4[%add3A_31] : memref<320000xi32, #tpu.memory_space<hbm>> -> memref<1000xi32, #tpu.memory_space<hbm>>
        tpu.enqueue_dma source(%dma_start3A_64 : memref<1000xi32, #tpu.memory_space<hbm>>) target(%arg18 : memref<1000xi32, #tpu.memory_space<vmem>>) target_semaphore(%run_scoped3A : memref<!tpu.dma_semaphore, #tpu.memory_space<semaphore_mem>>)
        %dma_wait3A = tpu.memref_slice %arg4[%add3A_31] : memref<320000xi32, #tpu.memory_space<hbm>> -> memref<1000xi32, #tpu.memory_space<hbm>>
        %dma_wait3A_65 = tpu.memref_slice %arg4[%add3A_31] : memref<320000xi32, #tpu.memory_space<hbm>> -> memref<1000xi32, #tpu.memory_space<hbm>>
        tpu.wait_dma2 semaphore(%run_scoped3A : memref<!tpu.dma_semaphore, #tpu.memory_space<semaphore_mem>>) src(%dma_wait3A_65 : memref<1000xi32, #tpu.memory_space<hbm>>) dst(%arg18 : memref<1000xi32, #tpu.memory_space<vmem>>)
        tpu.yield
      }) : () -> ()
      %add3A_32 = arith.constant 1000 : i32
      %add3A_33 = arith.addi %multiple_of3A, %add3A_32 : i32
      "tpu.region"() ({
        %run_scoped3A = tpu.sem_alloc : memref<!tpu.dma_semaphore, #tpu.memory_space<semaphore_mem>>
        %dma_start3A = tpu.memref_slice %arg3[%add3A_33] : memref<320000xi32, #tpu.memory_space<hbm>> -> memref<1000xi32, #tpu.memory_space<hbm>>
        %dma_start3A_64 = tpu.memref_slice %arg3[%add3A_33] : memref<320000xi32, #tpu.memory_space<hbm>> -> memref<1000xi32, #tpu.memory_space<hbm>>
        tpu.enqueue_dma source(%dma_start3A_64 : memref<1000xi32, #tpu.memory_space<hbm>>) target(%arg8 : memref<1000xi32, #tpu.memory_space<vmem>>) target_semaphore(%run_scoped3A : memref<!tpu.dma_semaphore, #tpu.memory_space<semaphore_mem>>)
        %dma_wait3A = tpu.memref_slice %arg3[%add3A_33] : memref<320000xi32, #tpu.memory_space<hbm>> -> memref<1000xi32, #tpu.memory_space<hbm>>
        %dma_wait3A_65 = tpu.memref_slice %arg3[%add3A_33] : memref<320000xi32, #tpu.memory_space<hbm>> -> memref<1000xi32, #tpu.memory_space<hbm>>
        tpu.wait_dma2 semaphore(%run_scoped3A : memref<!tpu.dma_semaphore, #tpu.memory_space<semaphore_mem>>) src(%dma_wait3A_65 : memref<1000xi32, #tpu.memory_space<hbm>>) dst(%arg8 : memref<1000xi32, #tpu.memory_space<vmem>>)
        tpu.yield
      }) : () -> ()
      %add3A_34 = arith.constant 1000 : i32
      %add3A_35 = arith.addi %multiple_of3A, %add3A_34 : i32
      "tpu.region"() ({
        %run_scoped3A = tpu.sem_alloc : memref<!tpu.dma_semaphore, #tpu.memory_space<semaphore_mem>>
        %dma_start3A = tpu.memref_slice %arg4[%add3A_35] : memref<320000xi32, #tpu.memory_space<hbm>> -> memref<1000xi32, #tpu.memory_space<hbm>>
        %dma_start3A_64 = tpu.memref_slice %arg4[%add3A_35] : memref<320000xi32, #tpu.memory_space<hbm>> -> memref<1000xi32, #tpu.memory_space<hbm>>
        tpu.enqueue_dma source(%dma_start3A_64 : memref<1000xi32, #tpu.memory_space<hbm>>) target(%arg19 : memref<1000xi32, #tpu.memory_space<vmem>>) target_semaphore(%run_scoped3A : memref<!tpu.dma_semaphore, #tpu.memory_space<semaphore_mem>>)
        %dma_wait3A = tpu.memref_slice %arg4[%add3A_35] : memref<320000xi32, #tpu.memory_space<hbm>> -> memref<1000xi32, #tpu.memory_space<hbm>>
        %dma_wait3A_65 = tpu.memref_slice %arg4[%add3A_35] : memref<320000xi32, #tpu.memory_space<hbm>> -> memref<1000xi32, #tpu.memory_space<hbm>>
        tpu.wait_dma2 semaphore(%run_scoped3A : memref<!tpu.dma_semaphore, #tpu.memory_space<semaphore_mem>>) src(%dma_wait3A_65 : memref<1000xi32, #tpu.memory_space<hbm>>) dst(%arg19 : memref<1000xi32, #tpu.memory_space<vmem>>)
        tpu.yield
      }) : () -> ()
      %add3A_36 = arith.constant 2000 : i32
      %add3A_37 = arith.addi %multiple_of3A, %add3A_36 : i32
      "tpu.region"() ({
        %run_scoped3A = tpu.sem_alloc : memref<!tpu.dma_semaphore, #tpu.memory_space<semaphore_mem>>
        %dma_start3A = tpu.memref_slice %arg3[%add3A_37] : memref<320000xi32, #tpu.memory_space<hbm>> -> memref<1000xi32, #tpu.memory_space<hbm>>
        %dma_start3A_64 = tpu.memref_slice %arg3[%add3A_37] : memref<320000xi32, #tpu.memory_space<hbm>> -> memref<1000xi32, #tpu.memory_space<hbm>>
        tpu.enqueue_dma source(%dma_start3A_64 : memref<1000xi32, #tpu.memory_space<hbm>>) target(%arg9 : memref<1000xi32, #tpu.memory_space<vmem>>) target_semaphore(%run_scoped3A : memref<!tpu.dma_semaphore, #tpu.memory_space<semaphore_mem>>)
        %dma_wait3A = tpu.memref_slice %arg3[%add3A_37] : memref<320000xi32, #tpu.memory_space<hbm>> -> memref<1000xi32, #tpu.memory_space<hbm>>
        %dma_wait3A_65 = tpu.memref_slice %arg3[%add3A_37] : memref<320000xi32, #tpu.memory_space<hbm>> -> memref<1000xi32, #tpu.memory_space<hbm>>
        tpu.wait_dma2 semaphore(%run_scoped3A : memref<!tpu.dma_semaphore, #tpu.memory_space<semaphore_mem>>) src(%dma_wait3A_65 : memref<1000xi32, #tpu.memory_space<hbm>>) dst(%arg9 : memref<1000xi32, #tpu.memory_space<vmem>>)
        tpu.yield
      }) : () -> ()
      %add3A_38 = arith.constant 2000 : i32
      %add3A_39 = arith.addi %multiple_of3A, %add3A_38 : i32
      "tpu.region"() ({
        %run_scoped3A = tpu.sem_alloc : memref<!tpu.dma_semaphore, #tpu.memory_space<semaphore_mem>>
        %dma_start3A = tpu.memref_slice %arg4[%add3A_39] : memref<320000xi32, #tpu.memory_space<hbm>> -> memref<1000xi32, #tpu.memory_space<hbm>>
        %dma_start3A_64 = tpu.memref_slice %arg4[%add3A_39] : memref<320000xi32, #tpu.memory_space<hbm>> -> memref<1000xi32, #tpu.memory_space<hbm>>
        tpu.enqueue_dma source(%dma_start3A_64 : memref<1000xi32, #tpu.memory_space<hbm>>) target(%arg20 : memref<1000xi32, #tpu.memory_space<vmem>>) target_semaphore(%run_scoped3A : memref<!tpu.dma_semaphore, #tpu.memory_space<semaphore_mem>>)
        %dma_wait3A = tpu.memref_slice %arg4[%add3A_39] : memref<320000xi32, #tpu.memory_space<hbm>> -> memref<1000xi32, #tpu.memory_space<hbm>>
        %dma_wait3A_65 = tpu.memref_slice %arg4[%add3A_39] : memref<320000xi32, #tpu.memory_space<hbm>> -> memref<1000xi32, #tpu.memory_space<hbm>>
        tpu.wait_dma2 semaphore(%run_scoped3A : memref<!tpu.dma_semaphore, #tpu.memory_space<semaphore_mem>>) src(%dma_wait3A_65 : memref<1000xi32, #tpu.memory_space<hbm>>) dst(%arg20 : memref<1000xi32, #tpu.memory_space<vmem>>)
        tpu.yield
      }) : () -> ()
      %add3A_40 = arith.constant 3000 : i32
      %add3A_41 = arith.addi %multiple_of3A, %add3A_40 : i32
      "tpu.region"() ({
        %run_scoped3A = tpu.sem_alloc : memref<!tpu.dma_semaphore, #tpu.memory_space<semaphore_mem>>
        %dma_start3A = tpu.memref_slice %arg3[%add3A_41] : memref<320000xi32, #tpu.memory_space<hbm>> -> memref<1000xi32, #tpu.memory_space<hbm>>
        %dma_start3A_64 = tpu.memref_slice %arg3[%add3A_41] : memref<320000xi32, #tpu.memory_space<hbm>> -> memref<1000xi32, #tpu.memory_space<hbm>>
        tpu.enqueue_dma source(%dma_start3A_64 : memref<1000xi32, #tpu.memory_space<hbm>>) target(%arg10 : memref<1000xi32, #tpu.memory_space<vmem>>) target_semaphore(%run_scoped3A : memref<!tpu.dma_semaphore, #tpu.memory_space<semaphore_mem>>)
        %dma_wait3A = tpu.memref_slice %arg3[%add3A_41] : memref<320000xi32, #tpu.memory_space<hbm>> -> memref<1000xi32, #tpu.memory_space<hbm>>
        %dma_wait3A_65 = tpu.memref_slice %arg3[%add3A_41] : memref<320000xi32, #tpu.memory_space<hbm>> -> memref<1000xi32, #tpu.memory_space<hbm>>
        tpu.wait_dma2 semaphore(%run_scoped3A : memref<!tpu.dma_semaphore, #tpu.memory_space<semaphore_mem>>) src(%dma_wait3A_65 : memref<1000xi32, #tpu.memory_space<hbm>>) dst(%arg10 : memref<1000xi32, #tpu.memory_space<vmem>>)
        tpu.yield
      }) : () -> ()
      %add3A_42 = arith.constant 3000 : i32
      %add3A_43 = arith.addi %multiple_of3A, %add3A_42 : i32
      "tpu.region"() ({
        %run_scoped3A = tpu.sem_alloc : memref<!tpu.dma_semaphore, #tpu.memory_space<semaphore_mem>>
        %dma_start3A = tpu.memref_slice %arg4[%add3A_43] : memref<320000xi32, #tpu.memory_space<hbm>> -> memref<1000xi32, #tpu.memory_space<hbm>>
        %dma_start3A_64 = tpu.memref_slice %arg4[%add3A_43] : memref<320000xi32, #tpu.memory_space<hbm>> -> memref<1000xi32, #tpu.memory_space<hbm>>
        tpu.enqueue_dma source(%dma_start3A_64 : memref<1000xi32, #tpu.memory_space<hbm>>) target(%arg21 : memref<1000xi32, #tpu.memory_space<vmem>>) target_semaphore(%run_scoped3A : memref<!tpu.dma_semaphore, #tpu.memory_space<semaphore_mem>>)
        %dma_wait3A = tpu.memref_slice %arg4[%add3A_43] : memref<320000xi32, #tpu.memory_space<hbm>> -> memref<1000xi32, #tpu.memory_space<hbm>>
        %dma_wait3A_65 = tpu.memref_slice %arg4[%add3A_43] : memref<320000xi32, #tpu.memory_space<hbm>> -> memref<1000xi32, #tpu.memory_space<hbm>>
        tpu.wait_dma2 semaphore(%run_scoped3A : memref<!tpu.dma_semaphore, #tpu.memory_space<semaphore_mem>>) src(%dma_wait3A_65 : memref<1000xi32, #tpu.memory_space<hbm>>) dst(%arg21 : memref<1000xi32, #tpu.memory_space<vmem>>)
        tpu.yield
      }) : () -> ()
      %add3A_44 = arith.constant 4000 : i32
      %add3A_45 = arith.addi %multiple_of3A, %add3A_44 : i32
      "tpu.region"() ({
        %run_scoped3A = tpu.sem_alloc : memref<!tpu.dma_semaphore, #tpu.memory_space<semaphore_mem>>
        %dma_start3A = tpu.memref_slice %arg3[%add3A_45] : memref<320000xi32, #tpu.memory_space<hbm>> -> memref<1000xi32, #tpu.memory_space<hbm>>
        %dma_start3A_64 = tpu.memref_slice %arg3[%add3A_45] : memref<320000xi32, #tpu.memory_space<hbm>> -> memref<1000xi32, #tpu.memory_space<hbm>>
        tpu.enqueue_dma source(%dma_start3A_64 : memref<1000xi32, #tpu.memory_space<hbm>>) target(%arg11 : memref<1000xi32, #tpu.memory_space<vmem>>) target_semaphore(%run_scoped3A : memref<!tpu.dma_semaphore, #tpu.memory_space<semaphore_mem>>)
        %dma_wait3A = tpu.memref_slice %arg3[%add3A_45] : memref<320000xi32, #tpu.memory_space<hbm>> -> memref<1000xi32, #tpu.memory_space<hbm>>
        %dma_wait3A_65 = tpu.memref_slice %arg3[%add3A_45] : memref<320000xi32, #tpu.memory_space<hbm>> -> memref<1000xi32, #tpu.memory_space<hbm>>
        tpu.wait_dma2 semaphore(%run_scoped3A : memref<!tpu.dma_semaphore, #tpu.memory_space<semaphore_mem>>) src(%dma_wait3A_65 : memref<1000xi32, #tpu.memory_space<hbm>>) dst(%arg11 : memref<1000xi32, #tpu.memory_space<vmem>>)
        tpu.yield
      }) : () -> ()
      %add3A_46 = arith.constant 4000 : i32
      %add3A_47 = arith.addi %multiple_of3A, %add3A_46 : i32
      "tpu.region"() ({
        %run_scoped3A = tpu.sem_alloc : memref<!tpu.dma_semaphore, #tpu.memory_space<semaphore_mem>>
        %dma_start3A = tpu.memref_slice %arg4[%add3A_47] : memref<320000xi32, #tpu.memory_space<hbm>> -> memref<1000xi32, #tpu.memory_space<hbm>>
        %dma_start3A_64 = tpu.memref_slice %arg4[%add3A_47] : memref<320000xi32, #tpu.memory_space<hbm>> -> memref<1000xi32, #tpu.memory_space<hbm>>
        tpu.enqueue_dma source(%dma_start3A_64 : memref<1000xi32, #tpu.memory_space<hbm>>) target(%arg22 : memref<1000xi32, #tpu.memory_space<vmem>>) target_semaphore(%run_scoped3A : memref<!tpu.dma_semaphore, #tpu.memory_space<semaphore_mem>>)
        %dma_wait3A = tpu.memref_slice %arg4[%add3A_47] : memref<320000xi32, #tpu.memory_space<hbm>> -> memref<1000xi32, #tpu.memory_space<hbm>>
        %dma_wait3A_65 = tpu.memref_slice %arg4[%add3A_47] : memref<320000xi32, #tpu.memory_space<hbm>> -> memref<1000xi32, #tpu.memory_space<hbm>>
        tpu.wait_dma2 semaphore(%run_scoped3A : memref<!tpu.dma_semaphore, #tpu.memory_space<semaphore_mem>>) src(%dma_wait3A_65 : memref<1000xi32, #tpu.memory_space<hbm>>) dst(%arg22 : memref<1000xi32, #tpu.memory_space<vmem>>)
        tpu.yield
      }) : () -> ()
      %add3A_48 = arith.constant 5000 : i32
      %add3A_49 = arith.addi %multiple_of3A, %add3A_48 : i32
      "tpu.region"() ({
        %run_scoped3A = tpu.sem_alloc : memref<!tpu.dma_semaphore, #tpu.memory_space<semaphore_mem>>
        %dma_start3A = tpu.memref_slice %arg3[%add3A_49] : memref<320000xi32, #tpu.memory_space<hbm>> -> memref<1000xi32, #tpu.memory_space<hbm>>
        %dma_start3A_64 = tpu.memref_slice %arg3[%add3A_49] : memref<320000xi32, #tpu.memory_space<hbm>> -> memref<1000xi32, #tpu.memory_space<hbm>>
        tpu.enqueue_dma source(%dma_start3A_64 : memref<1000xi32, #tpu.memory_space<hbm>>) target(%arg12 : memref<1000xi32, #tpu.memory_space<vmem>>) target_semaphore(%run_scoped3A : memref<!tpu.dma_semaphore, #tpu.memory_space<semaphore_mem>>)
        %dma_wait3A = tpu.memref_slice %arg3[%add3A_49] : memref<320000xi32, #tpu.memory_space<hbm>> -> memref<1000xi32, #tpu.memory_space<hbm>>
        %dma_wait3A_65 = tpu.memref_slice %arg3[%add3A_49] : memref<320000xi32, #tpu.memory_space<hbm>> -> memref<1000xi32, #tpu.memory_space<hbm>>
        tpu.wait_dma2 semaphore(%run_scoped3A : memref<!tpu.dma_semaphore, #tpu.memory_space<semaphore_mem>>) src(%dma_wait3A_65 : memref<1000xi32, #tpu.memory_space<hbm>>) dst(%arg12 : memref<1000xi32, #tpu.memory_space<vmem>>)
        tpu.yield
      }) : () -> ()
      %add3A_50 = arith.constant 5000 : i32
      %add3A_51 = arith.addi %multiple_of3A, %add3A_50 : i32
      "tpu.region"() ({
        %run_scoped3A = tpu.sem_alloc : memref<!tpu.dma_semaphore, #tpu.memory_space<semaphore_mem>>
        %dma_start3A = tpu.memref_slice %arg4[%add3A_51] : memref<320000xi32, #tpu.memory_space<hbm>> -> memref<1000xi32, #tpu.memory_space<hbm>>
        %dma_start3A_64 = tpu.memref_slice %arg4[%add3A_51] : memref<320000xi32, #tpu.memory_space<hbm>> -> memref<1000xi32, #tpu.memory_space<hbm>>
        tpu.enqueue_dma source(%dma_start3A_64 : memref<1000xi32, #tpu.memory_space<hbm>>) target(%arg23 : memref<1000xi32, #tpu.memory_space<vmem>>) target_semaphore(%run_scoped3A : memref<!tpu.dma_semaphore, #tpu.memory_space<semaphore_mem>>)
        %dma_wait3A = tpu.memref_slice %arg4[%add3A_51] : memref<320000xi32, #tpu.memory_space<hbm>> -> memref<1000xi32, #tpu.memory_space<hbm>>
        %dma_wait3A_65 = tpu.memref_slice %arg4[%add3A_51] : memref<320000xi32, #tpu.memory_space<hbm>> -> memref<1000xi32, #tpu.memory_space<hbm>>
        tpu.wait_dma2 semaphore(%run_scoped3A : memref<!tpu.dma_semaphore, #tpu.memory_space<semaphore_mem>>) src(%dma_wait3A_65 : memref<1000xi32, #tpu.memory_space<hbm>>) dst(%arg23 : memref<1000xi32, #tpu.memory_space<vmem>>)
        tpu.yield
      }) : () -> ()
      %add3A_52 = arith.constant 6000 : i32
      %add3A_53 = arith.addi %multiple_of3A, %add3A_52 : i32
      "tpu.region"() ({
        %run_scoped3A = tpu.sem_alloc : memref<!tpu.dma_semaphore, #tpu.memory_space<semaphore_mem>>
        %dma_start3A = tpu.memref_slice %arg3[%add3A_53] : memref<320000xi32, #tpu.memory_space<hbm>> -> memref<1000xi32, #tpu.memory_space<hbm>>
        %dma_start3A_64 = tpu.memref_slice %arg3[%add3A_53] : memref<320000xi32, #tpu.memory_space<hbm>> -> memref<1000xi32, #tpu.memory_space<hbm>>
        tpu.enqueue_dma source(%dma_start3A_64 : memref<1000xi32, #tpu.memory_space<hbm>>) target(%arg13 : memref<1000xi32, #tpu.memory_space<vmem>>) target_semaphore(%run_scoped3A : memref<!tpu.dma_semaphore, #tpu.memory_space<semaphore_mem>>)
        %dma_wait3A = tpu.memref_slice %arg3[%add3A_53] : memref<320000xi32, #tpu.memory_space<hbm>> -> memref<1000xi32, #tpu.memory_space<hbm>>
        %dma_wait3A_65 = tpu.memref_slice %arg3[%add3A_53] : memref<320000xi32, #tpu.memory_space<hbm>> -> memref<1000xi32, #tpu.memory_space<hbm>>
        tpu.wait_dma2 semaphore(%run_scoped3A : memref<!tpu.dma_semaphore, #tpu.memory_space<semaphore_mem>>) src(%dma_wait3A_65 : memref<1000xi32, #tpu.memory_space<hbm>>) dst(%arg13 : memref<1000xi32, #tpu.memory_space<vmem>>)
        tpu.yield
      }) : () -> ()
      %add3A_54 = arith.constant 6000 : i32
      %add3A_55 = arith.addi %multiple_of3A, %add3A_54 : i32
      "tpu.region"() ({
        %run_scoped3A = tpu.sem_alloc : memref<!tpu.dma_semaphore, #tpu.memory_space<semaphore_mem>>
        %dma_start3A = tpu.memref_slice %arg4[%add3A_55] : memref<320000xi32, #tpu.memory_space<hbm>> -> memref<1000xi32, #tpu.memory_space<hbm>>
        %dma_start3A_64 = tpu.memref_slice %arg4[%add3A_55] : memref<320000xi32, #tpu.memory_space<hbm>> -> memref<1000xi32, #tpu.memory_space<hbm>>
        tpu.enqueue_dma source(%dma_start3A_64 : memref<1000xi32, #tpu.memory_space<hbm>>) target(%arg24 : memref<1000xi32, #tpu.memory_space<vmem>>) target_semaphore(%run_scoped3A : memref<!tpu.dma_semaphore, #tpu.memory_space<semaphore_mem>>)
        %dma_wait3A = tpu.memref_slice %arg4[%add3A_55] : memref<320000xi32, #tpu.memory_space<hbm>> -> memref<1000xi32, #tpu.memory_space<hbm>>
        %dma_wait3A_65 = tpu.memref_slice %arg4[%add3A_55] : memref<320000xi32, #tpu.memory_space<hbm>> -> memref<1000xi32, #tpu.memory_space<hbm>>
        tpu.wait_dma2 semaphore(%run_scoped3A : memref<!tpu.dma_semaphore, #tpu.memory_space<semaphore_mem>>) src(%dma_wait3A_65 : memref<1000xi32, #tpu.memory_space<hbm>>) dst(%arg24 : memref<1000xi32, #tpu.memory_space<vmem>>)
        tpu.yield
      }) : () -> ()
      %add3A_56 = arith.constant 7000 : i32
      %add3A_57 = arith.addi %multiple_of3A, %add3A_56 : i32
      "tpu.region"() ({
        %run_scoped3A = tpu.sem_alloc : memref<!tpu.dma_semaphore, #tpu.memory_space<semaphore_mem>>
        %dma_start3A = tpu.memref_slice %arg3[%add3A_57] : memref<320000xi32, #tpu.memory_space<hbm>> -> memref<1000xi32, #tpu.memory_space<hbm>>
        %dma_start3A_64 = tpu.memref_slice %arg3[%add3A_57] : memref<320000xi32, #tpu.memory_space<hbm>> -> memref<1000xi32, #tpu.memory_space<hbm>>
        tpu.enqueue_dma source(%dma_start3A_64 : memref<1000xi32, #tpu.memory_space<hbm>>) target(%arg14 : memref<1000xi32, #tpu.memory_space<vmem>>) target_semaphore(%run_scoped3A : memref<!tpu.dma_semaphore, #tpu.memory_space<semaphore_mem>>)
        %dma_wait3A = tpu.memref_slice %arg3[%add3A_57] : memref<320000xi32, #tpu.memory_space<hbm>> -> memref<1000xi32, #tpu.memory_space<hbm>>
        %dma_wait3A_65 = tpu.memref_slice %arg3[%add3A_57] : memref<320000xi32, #tpu.memory_space<hbm>> -> memref<1000xi32, #tpu.memory_space<hbm>>
        tpu.wait_dma2 semaphore(%run_scoped3A : memref<!tpu.dma_semaphore, #tpu.memory_space<semaphore_mem>>) src(%dma_wait3A_65 : memref<1000xi32, #tpu.memory_space<hbm>>) dst(%arg14 : memref<1000xi32, #tpu.memory_space<vmem>>)
        tpu.yield
      }) : () -> ()
      %add3A_58 = arith.constant 7000 : i32
      %add3A_59 = arith.addi %multiple_of3A, %add3A_58 : i32
      "tpu.region"() ({
        %run_scoped3A = tpu.sem_alloc : memref<!tpu.dma_semaphore, #tpu.memory_space<semaphore_mem>>
        %dma_start3A = tpu.memref_slice %arg4[%add3A_59] : memref<320000xi32, #tpu.memory_space<hbm>> -> memref<1000xi32, #tpu.memory_space<hbm>>
        %dma_start3A_64 = tpu.memref_slice %arg4[%add3A_59] : memref<320000xi32, #tpu.memory_space<hbm>> -> memref<1000xi32, #tpu.memory_space<hbm>>
        tpu.enqueue_dma source(%dma_start3A_64 : memref<1000xi32, #tpu.memory_space<hbm>>) target(%arg25 : memref<1000xi32, #tpu.memory_space<vmem>>) target_semaphore(%run_scoped3A : memref<!tpu.dma_semaphore, #tpu.memory_space<semaphore_mem>>)
        %dma_wait3A = tpu.memref_slice %arg4[%add3A_59] : memref<320000xi32, #tpu.memory_space<hbm>> -> memref<1000xi32, #tpu.memory_space<hbm>>
        %dma_wait3A_65 = tpu.memref_slice %arg4[%add3A_59] : memref<320000xi32, #tpu.memory_space<hbm>> -> memref<1000xi32, #tpu.memory_space<hbm>>
        tpu.wait_dma2 semaphore(%run_scoped3A : memref<!tpu.dma_semaphore, #tpu.memory_space<semaphore_mem>>) src(%dma_wait3A_65 : memref<1000xi32, #tpu.memory_space<hbm>>) dst(%arg25 : memref<1000xi32, #tpu.memory_space<vmem>>)
        tpu.yield
      }) : () -> ()
      %add3A_60 = arith.constant 8000 : i32
      %add3A_61 = arith.addi %multiple_of3A, %add3A_60 : i32
      "tpu.region"() ({
        %run_scoped3A = tpu.sem_alloc : memref<!tpu.dma_semaphore, #tpu.memory_space<semaphore_mem>>
        %dma_start3A = tpu.memref_slice %arg3[%add3A_61] : memref<320000xi32, #tpu.memory_space<hbm>> -> memref<1000xi32, #tpu.memory_space<hbm>>
        %dma_start3A_64 = tpu.memref_slice %arg3[%add3A_61] : memref<320000xi32, #tpu.memory_space<hbm>> -> memref<1000xi32, #tpu.memory_space<hbm>>
        tpu.enqueue_dma source(%dma_start3A_64 : memref<1000xi32, #tpu.memory_space<hbm>>) target(%arg15 : memref<1000xi32, #tpu.memory_space<vmem>>) target_semaphore(%run_scoped3A : memref<!tpu.dma_semaphore, #tpu.memory_space<semaphore_mem>>)
        %dma_wait3A = tpu.memref_slice %arg3[%add3A_61] : memref<320000xi32, #tpu.memory_space<hbm>> -> memref<1000xi32, #tpu.memory_space<hbm>>
        %dma_wait3A_65 = tpu.memref_slice %arg3[%add3A_61] : memref<320000xi32, #tpu.memory_space<hbm>> -> memref<1000xi32, #tpu.memory_space<hbm>>
        tpu.wait_dma2 semaphore(%run_scoped3A : memref<!tpu.dma_semaphore, #tpu.memory_space<semaphore_mem>>) src(%dma_wait3A_65 : memref<1000xi32, #tpu.memory_space<hbm>>) dst(%arg15 : memref<1000xi32, #tpu.memory_space<vmem>>)
        tpu.yield
      }) : () -> ()
      %add3A_62 = arith.constant 8000 : i32
      %add3A_63 = arith.addi %multiple_of3A, %add3A_62 : i32
      "tpu.region"() ({
        %run_scoped3A = tpu.sem_alloc : memref<!tpu.dma_semaphore, #tpu.memory_space<semaphore_mem>>
        %dma_start3A = tpu.memref_slice %arg4[%add3A_63] : memref<320000xi32, #tpu.memory_space<hbm>> -> memref<1000xi32, #tpu.memory_space<hbm>>
        %dma_start3A_64 = tpu.memref_slice %arg4[%add3A_63] : memref<320000xi32, #tpu.memory_space<hbm>> -> memref<1000xi32, #tpu.memory_space<hbm>>
        tpu.enqueue_dma source(%dma_start3A_64 : memref<1000xi32, #tpu.memory_space<hbm>>) target(%arg26 : memref<1000xi32, #tpu.memory_space<vmem>>) target_semaphore(%run_scoped3A : memref<!tpu.dma_semaphore, #tpu.memory_space<semaphore_mem>>)
        %dma_wait3A = tpu.memref_slice %arg4[%add3A_63] : memref<320000xi32, #tpu.memory_space<hbm>> -> memref<1000xi32, #tpu.memory_space<hbm>>
        %dma_wait3A_65 = tpu.memref_slice %arg4[%add3A_63] : memref<320000xi32, #tpu.memory_space<hbm>> -> memref<1000xi32, #tpu.memory_space<hbm>>
        tpu.wait_dma2 semaphore(%run_scoped3A : memref<!tpu.dma_semaphore, #tpu.memory_space<semaphore_mem>>) src(%dma_wait3A_65 : memref<1000xi32, #tpu.memory_space<hbm>>) dst(%arg26 : memref<1000xi32, #tpu.memory_space<vmem>>)
        tpu.yield
      }) : () -> ()
    } else {
    }
    %barrier3A = arith.constant 0 : index
    tpu.barrier barrier_id(%barrier3A)
    %eq3A_10 = arith.constant 0 : i32
    %eq3A_11 = arith.cmpi eq, %arg0, %eq3A_10 : i32
    %convert_element_type3A_12 = arith.extui %eq3A_11 : i1 to i32
    %cond3A_13 = arith.constant 0 : i32
    %cond3A_14 = arith.cmpi ne, %convert_element_type3A_12, %cond3A_13 : i32
    scf.if %cond3A_14 {
      %dma_start3A = arith.constant 0 : i32
      %dma_start3A_25 = arith.constant 0 : i32
      %dma_start3A_26 = tpu.memref_slice %arg2[%dma_start3A, %dma_start3A_25] : memref<10000x16xf32, #tpu.memory_space<hbm>> -> memref<10000x16xf32, #tpu.memory_space<hbm>>
      tpu.enqueue_indirect_dma source(%dma_start3A_26 : memref<10000x16xf32, #tpu.memory_space<hbm>>) target(%arg29 : memref<1000x16xf32, #tpu.memory_space<vmem>>) offsets(%arg7 : memref<1000xi32, #tpu.memory_space<vmem>>) semaphore(%arg32 : memref<!tpu.dma_semaphore, #tpu.memory_space<semaphore_mem>>)
      %dma_wait3A = arith.constant 0 : i32
      %dma_wait3A_27 = arith.constant 0 : i32
      %dma_wait3A_28 = tpu.memref_slice %arg2[%dma_wait3A, %dma_wait3A_27] : memref<10000x16xf32, #tpu.memory_space<hbm>> -> memref<10000x16xf32, #tpu.memory_space<hbm>>
      tpu.wait_indirect_dma semaphore(%arg32 : memref<!tpu.dma_semaphore, #tpu.memory_space<semaphore_mem>>) src(%dma_wait3A_28 : memref<10000x16xf32, #tpu.memory_space<hbm>>) dst(%arg29 : memref<1000x16xf32, #tpu.memory_space<vmem>>)
      %dma_start3A_29 = arith.constant 0 : i32
      %dma_start3A_30 = arith.constant 0 : i32
      %dma_start3A_31 = tpu.memref_slice %arg31[%dma_start3A_29, %dma_start3A_30] : memref<10240x16xf32, #tpu.memory_space<vmem_shared>> -> memref<10240x16xf32, #tpu.memory_space<vmem_shared>>
      tpu.enqueue_indirect_dma source(%arg29 : memref<1000x16xf32, #tpu.memory_space<vmem>>) target(%dma_start3A_31 : memref<10240x16xf32, #tpu.memory_space<vmem_shared>>) offsets(%arg18 : memref<1000xi32, #tpu.memory_space<vmem>>) semaphore(%arg34 : memref<!tpu.dma_semaphore, #tpu.memory_space<semaphore_mem>>) {add = true}
      %dma_start3A_32 = arith.constant 0 : i32
      %dma_start3A_33 = arith.constant 0 : i32
      %dma_start3A_34 = tpu.memref_slice %arg2[%dma_start3A_32, %dma_start3A_33] : memref<10000x16xf32, #tpu.memory_space<hbm>> -> memref<10000x16xf32, #tpu.memory_space<hbm>>
      tpu.enqueue_indirect_dma source(%dma_start3A_34 : memref<10000x16xf32, #tpu.memory_space<hbm>>) target(%arg30 : memref<1000x16xf32, #tpu.memory_space<vmem>>) offsets(%arg8 : memref<1000xi32, #tpu.memory_space<vmem>>) semaphore(%arg33 : memref<!tpu.dma_semaphore, #tpu.memory_space<semaphore_mem>>)
      %dma_wait3A_35 = arith.constant 0 : i32
      %dma_wait3A_36 = arith.constant 0 : i32
      %dma_wait3A_37 = tpu.memref_slice %arg2[%dma_wait3A_35, %dma_wait3A_36] : memref<10000x16xf32, #tpu.memory_space<hbm>> -> memref<10000x16xf32, #tpu.memory_space<hbm>>
      tpu.wait_indirect_dma semaphore(%arg33 : memref<!tpu.dma_semaphore, #tpu.memory_space<semaphore_mem>>) src(%dma_wait3A_37 : memref<10000x16xf32, #tpu.memory_space<hbm>>) dst(%arg30 : memref<1000x16xf32, #tpu.memory_space<vmem>>)
      %dma_start3A_38 = arith.constant 0 : i32
      %dma_start3A_39 = arith.constant 0 : i32
      %dma_start3A_40 = tpu.memref_slice %arg31[%dma_start3A_38, %dma_start3A_39] : memref<10240x16xf32, #tpu.memory_space<vmem_shared>> -> memref<10240x16xf32, #tpu.memory_space<vmem_shared>>
      tpu.enqueue_indirect_dma source(%arg30 : memref<1000x16xf32, #tpu.memory_space<vmem>>) target(%dma_start3A_40 : memref<10240x16xf32, #tpu.memory_space<vmem_shared>>) offsets(%arg19 : memref<1000xi32, #tpu.memory_space<vmem>>) semaphore(%arg35 : memref<!tpu.dma_semaphore, #tpu.memory_space<semaphore_mem>>) {add = true}
      %dma_wait3A_41 = arith.constant 0 : i32
      %dma_wait3A_42 = arith.constant 0 : i32
      %dma_wait3A_43 = tpu.memref_slice %arg31[%dma_wait3A_41, %dma_wait3A_42] : memref<10240x16xf32, #tpu.memory_space<vmem_shared>> -> memref<10240x16xf32, #tpu.memory_space<vmem_shared>>
      tpu.wait_indirect_dma semaphore(%arg34 : memref<!tpu.dma_semaphore, #tpu.memory_space<semaphore_mem>>) src(%arg29 : memref<1000x16xf32, #tpu.memory_space<vmem>>) dst(%dma_wait3A_43 : memref<10240x16xf32, #tpu.memory_space<vmem_shared>>)
      %dma_start3A_44 = arith.constant 0 : i32
      %dma_start3A_45 = arith.constant 0 : i32
      %dma_start3A_46 = tpu.memref_slice %arg2[%dma_start3A_44, %dma_start3A_45] : memref<10000x16xf32, #tpu.memory_space<hbm>> -> memref<10000x16xf32, #tpu.memory_space<hbm>>
      tpu.enqueue_indirect_dma source(%dma_start3A_46 : memref<10000x16xf32, #tpu.memory_space<hbm>>) target(%arg29 : memref<1000x16xf32, #tpu.memory_space<vmem>>) offsets(%arg9 : memref<1000xi32, #tpu.memory_space<vmem>>) semaphore(%arg32 : memref<!tpu.dma_semaphore, #tpu.memory_space<semaphore_mem>>)
      %dma_wait3A_47 = arith.constant 0 : i32
      %dma_wait3A_48 = arith.constant 0 : i32
      %dma_wait3A_49 = tpu.memref_slice %arg2[%dma_wait3A_47, %dma_wait3A_48] : memref<10000x16xf32, #tpu.memory_space<hbm>> -> memref<10000x16xf32, #tpu.memory_space<hbm>>
      tpu.wait_indirect_dma semaphore(%arg32 : memref<!tpu.dma_semaphore, #tpu.memory_space<semaphore_mem>>) src(%dma_wait3A_49 : memref<10000x16xf32, #tpu.memory_space<hbm>>) dst(%arg29 : memref<1000x16xf32, #tpu.memory_space<vmem>>)
      %dma_start3A_50 = arith.constant 0 : i32
      %dma_start3A_51 = arith.constant 0 : i32
      %dma_start3A_52 = tpu.memref_slice %arg31[%dma_start3A_50, %dma_start3A_51] : memref<10240x16xf32, #tpu.memory_space<vmem_shared>> -> memref<10240x16xf32, #tpu.memory_space<vmem_shared>>
      tpu.enqueue_indirect_dma source(%arg29 : memref<1000x16xf32, #tpu.memory_space<vmem>>) target(%dma_start3A_52 : memref<10240x16xf32, #tpu.memory_space<vmem_shared>>) offsets(%arg20 : memref<1000xi32, #tpu.memory_space<vmem>>) semaphore(%arg34 : memref<!tpu.dma_semaphore, #tpu.memory_space<semaphore_mem>>) {add = true}
      %dma_wait3A_53 = arith.constant 0 : i32
      %dma_wait3A_54 = arith.constant 0 : i32
      %dma_wait3A_55 = tpu.memref_slice %arg31[%dma_wait3A_53, %dma_wait3A_54] : memref<10240x16xf32, #tpu.memory_space<vmem_shared>> -> memref<10240x16xf32, #tpu.memory_space<vmem_shared>>
      tpu.wait_indirect_dma semaphore(%arg35 : memref<!tpu.dma_semaphore, #tpu.memory_space<semaphore_mem>>) src(%arg30 : memref<1000x16xf32, #tpu.memory_space<vmem>>) dst(%dma_wait3A_55 : memref<10240x16xf32, #tpu.memory_space<vmem_shared>>)
      %dma_start3A_56 = arith.constant 0 : i32
      %dma_start3A_57 = arith.constant 0 : i32
      %dma_start3A_58 = tpu.memref_slice %arg2[%dma_start3A_56, %dma_start3A_57] : memref<10000x16xf32, #tpu.memory_space<hbm>> -> memref<10000x16xf32, #tpu.memory_space<hbm>>
      tpu.enqueue_indirect_dma source(%dma_start3A_58 : memref<10000x16xf32, #tpu.memory_space<hbm>>) target(%arg30 : memref<1000x16xf32, #tpu.memory_space<vmem>>) offsets(%arg10 : memref<1000xi32, #tpu.memory_space<vmem>>) semaphore(%arg33 : memref<!tpu.dma_semaphore, #tpu.memory_space<semaphore_mem>>)
      %dma_wait3A_59 = arith.constant 0 : i32
      %dma_wait3A_60 = arith.constant 0 : i32
      %dma_wait3A_61 = tpu.memref_slice %arg2[%dma_wait3A_59, %dma_wait3A_60] : memref<10000x16xf32, #tpu.memory_space<hbm>> -> memref<10000x16xf32, #tpu.memory_space<hbm>>
      tpu.wait_indirect_dma semaphore(%arg33 : memref<!tpu.dma_semaphore, #tpu.memory_space<semaphore_mem>>) src(%dma_wait3A_61 : memref<10000x16xf32, #tpu.memory_space<hbm>>) dst(%arg30 : memref<1000x16xf32, #tpu.memory_space<vmem>>)
      %dma_start3A_62 = arith.constant 0 : i32
      %dma_start3A_63 = arith.constant 0 : i32
      %dma_start3A_64 = tpu.memref_slice %arg31[%dma_start3A_62, %dma_start3A_63] : memref<10240x16xf32, #tpu.memory_space<vmem_shared>> -> memref<10240x16xf32, #tpu.memory_space<vmem_shared>>
      tpu.enqueue_indirect_dma source(%arg30 : memref<1000x16xf32, #tpu.memory_space<vmem>>) target(%dma_start3A_64 : memref<10240x16xf32, #tpu.memory_space<vmem_shared>>) offsets(%arg21 : memref<1000xi32, #tpu.memory_space<vmem>>) semaphore(%arg35 : memref<!tpu.dma_semaphore, #tpu.memory_space<semaphore_mem>>) {add = true}
      %dma_wait3A_65 = arith.constant 0 : i32
      %dma_wait3A_66 = arith.constant 0 : i32
      %dma_wait3A_67 = tpu.memref_slice %arg31[%dma_wait3A_65, %dma_wait3A_66] : memref<10240x16xf32, #tpu.memory_space<vmem_shared>> -> memref<10240x16xf32, #tpu.memory_space<vmem_shared>>
      tpu.wait_indirect_dma semaphore(%arg34 : memref<!tpu.dma_semaphore, #tpu.memory_space<semaphore_mem>>) src(%arg29 : memref<1000x16xf32, #tpu.memory_space<vmem>>) dst(%dma_wait3A_67 : memref<10240x16xf32, #tpu.memory_space<vmem_shared>>)
      %dma_start3A_68 = arith.constant 0 : i32
      %dma_start3A_69 = arith.constant 0 : i32
      %dma_start3A_70 = tpu.memref_slice %arg2[%dma_start3A_68, %dma_start3A_69] : memref<10000x16xf32, #tpu.memory_space<hbm>> -> memref<10000x16xf32, #tpu.memory_space<hbm>>
      tpu.enqueue_indirect_dma source(%dma_start3A_70 : memref<10000x16xf32, #tpu.memory_space<hbm>>) target(%arg29 : memref<1000x16xf32, #tpu.memory_space<vmem>>) offsets(%arg11 : memref<1000xi32, #tpu.memory_space<vmem>>) semaphore(%arg32 : memref<!tpu.dma_semaphore, #tpu.memory_space<semaphore_mem>>)
      %dma_wait3A_71 = arith.constant 0 : i32
      %dma_wait3A_72 = arith.constant 0 : i32
      %dma_wait3A_73 = tpu.memref_slice %arg2[%dma_wait3A_71, %dma_wait3A_72] : memref<10000x16xf32, #tpu.memory_space<hbm>> -> memref<10000x16xf32, #tpu.memory_space<hbm>>
      tpu.wait_indirect_dma semaphore(%arg32 : memref<!tpu.dma_semaphore, #tpu.memory_space<semaphore_mem>>) src(%dma_wait3A_73 : memref<10000x16xf32, #tpu.memory_space<hbm>>) dst(%arg29 : memref<1000x16xf32, #tpu.memory_space<vmem>>)
      %dma_start3A_74 = arith.constant 0 : i32
      %dma_start3A_75 = arith.constant 0 : i32
      %dma_start3A_76 = tpu.memref_slice %arg31[%dma_start3A_74, %dma_start3A_75] : memref<10240x16xf32, #tpu.memory_space<vmem_shared>> -> memref<10240x16xf32, #tpu.memory_space<vmem_shared>>
      tpu.enqueue_indirect_dma source(%arg29 : memref<1000x16xf32, #tpu.memory_space<vmem>>) target(%dma_start3A_76 : memref<10240x16xf32, #tpu.memory_space<vmem_shared>>) offsets(%arg22 : memref<1000xi32, #tpu.memory_space<vmem>>) semaphore(%arg34 : memref<!tpu.dma_semaphore, #tpu.memory_space<semaphore_mem>>) {add = true}
      %dma_wait3A_77 = arith.constant 0 : i32
      %dma_wait3A_78 = arith.constant 0 : i32
      %dma_wait3A_79 = tpu.memref_slice %arg31[%dma_wait3A_77, %dma_wait3A_78] : memref<10240x16xf32, #tpu.memory_space<vmem_shared>> -> memref<10240x16xf32, #tpu.memory_space<vmem_shared>>
      tpu.wait_indirect_dma semaphore(%arg35 : memref<!tpu.dma_semaphore, #tpu.memory_space<semaphore_mem>>) src(%arg30 : memref<1000x16xf32, #tpu.memory_space<vmem>>) dst(%dma_wait3A_79 : memref<10240x16xf32, #tpu.memory_space<vmem_shared>>)
      %dma_start3A_80 = arith.constant 0 : i32
      %dma_start3A_81 = arith.constant 0 : i32
      %dma_start3A_82 = tpu.memref_slice %arg2[%dma_start3A_80, %dma_start3A_81] : memref<10000x16xf32, #tpu.memory_space<hbm>> -> memref<10000x16xf32, #tpu.memory_space<hbm>>
      tpu.enqueue_indirect_dma source(%dma_start3A_82 : memref<10000x16xf32, #tpu.memory_space<hbm>>) target(%arg30 : memref<1000x16xf32, #tpu.memory_space<vmem>>) offsets(%arg12 : memref<1000xi32, #tpu.memory_space<vmem>>) semaphore(%arg33 : memref<!tpu.dma_semaphore, #tpu.memory_space<semaphore_mem>>)
      %dma_wait3A_83 = arith.constant 0 : i32
      %dma_wait3A_84 = arith.constant 0 : i32
      %dma_wait3A_85 = tpu.memref_slice %arg2[%dma_wait3A_83, %dma_wait3A_84] : memref<10000x16xf32, #tpu.memory_space<hbm>> -> memref<10000x16xf32, #tpu.memory_space<hbm>>
      tpu.wait_indirect_dma semaphore(%arg33 : memref<!tpu.dma_semaphore, #tpu.memory_space<semaphore_mem>>) src(%dma_wait3A_85 : memref<10000x16xf32, #tpu.memory_space<hbm>>) dst(%arg30 : memref<1000x16xf32, #tpu.memory_space<vmem>>)
      %dma_start3A_86 = arith.constant 0 : i32
      %dma_start3A_87 = arith.constant 0 : i32
      %dma_start3A_88 = tpu.memref_slice %arg31[%dma_start3A_86, %dma_start3A_87] : memref<10240x16xf32, #tpu.memory_space<vmem_shared>> -> memref<10240x16xf32, #tpu.memory_space<vmem_shared>>
      tpu.enqueue_indirect_dma source(%arg30 : memref<1000x16xf32, #tpu.memory_space<vmem>>) target(%dma_start3A_88 : memref<10240x16xf32, #tpu.memory_space<vmem_shared>>) offsets(%arg23 : memref<1000xi32, #tpu.memory_space<vmem>>) semaphore(%arg35 : memref<!tpu.dma_semaphore, #tpu.memory_space<semaphore_mem>>) {add = true}
      %dma_wait3A_89 = arith.constant 0 : i32
      %dma_wait3A_90 = arith.constant 0 : i32
      %dma_wait3A_91 = tpu.memref_slice %arg31[%dma_wait3A_89, %dma_wait3A_90] : memref<10240x16xf32, #tpu.memory_space<vmem_shared>> -> memref<10240x16xf32, #tpu.memory_space<vmem_shared>>
      tpu.wait_indirect_dma semaphore(%arg34 : memref<!tpu.dma_semaphore, #tpu.memory_space<semaphore_mem>>) src(%arg29 : memref<1000x16xf32, #tpu.memory_space<vmem>>) dst(%dma_wait3A_91 : memref<10240x16xf32, #tpu.memory_space<vmem_shared>>)
      %dma_start3A_92 = arith.constant 0 : i32
      %dma_start3A_93 = arith.constant 0 : i32
      %dma_start3A_94 = tpu.memref_slice %arg2[%dma_start3A_92, %dma_start3A_93] : memref<10000x16xf32, #tpu.memory_space<hbm>> -> memref<10000x16xf32, #tpu.memory_space<hbm>>
      tpu.enqueue_indirect_dma source(%dma_start3A_94 : memref<10000x16xf32, #tpu.memory_space<hbm>>) target(%arg29 : memref<1000x16xf32, #tpu.memory_space<vmem>>) offsets(%arg13 : memref<1000xi32, #tpu.memory_space<vmem>>) semaphore(%arg32 : memref<!tpu.dma_semaphore, #tpu.memory_space<semaphore_mem>>)
      %dma_wait3A_95 = arith.constant 0 : i32
      %dma_wait3A_96 = arith.constant 0 : i32
      %dma_wait3A_97 = tpu.memref_slice %arg2[%dma_wait3A_95, %dma_wait3A_96] : memref<10000x16xf32, #tpu.memory_space<hbm>> -> memref<10000x16xf32, #tpu.memory_space<hbm>>
      tpu.wait_indirect_dma semaphore(%arg32 : memref<!tpu.dma_semaphore, #tpu.memory_space<semaphore_mem>>) src(%dma_wait3A_97 : memref<10000x16xf32, #tpu.memory_space<hbm>>) dst(%arg29 : memref<1000x16xf32, #tpu.memory_space<vmem>>)
      %dma_start3A_98 = arith.constant 0 : i32
      %dma_start3A_99 = arith.constant 0 : i32
      %dma_start3A_100 = tpu.memref_slice %arg31[%dma_start3A_98, %dma_start3A_99] : memref<10240x16xf32, #tpu.memory_space<vmem_shared>> -> memref<10240x16xf32, #tpu.memory_space<vmem_shared>>
      tpu.enqueue_indirect_dma source(%arg29 : memref<1000x16xf32, #tpu.memory_space<vmem>>) target(%dma_start3A_100 : memref<10240x16xf32, #tpu.memory_space<vmem_shared>>) offsets(%arg24 : memref<1000xi32, #tpu.memory_space<vmem>>) semaphore(%arg34 : memref<!tpu.dma_semaphore, #tpu.memory_space<semaphore_mem>>) {add = true}
      %dma_wait3A_101 = arith.constant 0 : i32
      %dma_wait3A_102 = arith.constant 0 : i32
      %dma_wait3A_103 = tpu.memref_slice %arg31[%dma_wait3A_101, %dma_wait3A_102] : memref<10240x16xf32, #tpu.memory_space<vmem_shared>> -> memref<10240x16xf32, #tpu.memory_space<vmem_shared>>
      tpu.wait_indirect_dma semaphore(%arg35 : memref<!tpu.dma_semaphore, #tpu.memory_space<semaphore_mem>>) src(%arg30 : memref<1000x16xf32, #tpu.memory_space<vmem>>) dst(%dma_wait3A_103 : memref<10240x16xf32, #tpu.memory_space<vmem_shared>>)
      %dma_start3A_104 = arith.constant 0 : i32
      %dma_start3A_105 = arith.constant 0 : i32
      %dma_start3A_106 = tpu.memref_slice %arg2[%dma_start3A_104, %dma_start3A_105] : memref<10000x16xf32, #tpu.memory_space<hbm>> -> memref<10000x16xf32, #tpu.memory_space<hbm>>
      tpu.enqueue_indirect_dma source(%dma_start3A_106 : memref<10000x16xf32, #tpu.memory_space<hbm>>) target(%arg30 : memref<1000x16xf32, #tpu.memory_space<vmem>>) offsets(%arg14 : memref<1000xi32, #tpu.memory_space<vmem>>) semaphore(%arg33 : memref<!tpu.dma_semaphore, #tpu.memory_space<semaphore_mem>>)
      %dma_wait3A_107 = arith.constant 0 : i32
      %dma_wait3A_108 = arith.constant 0 : i32
      %dma_wait3A_109 = tpu.memref_slice %arg2[%dma_wait3A_107, %dma_wait3A_108] : memref<10000x16xf32, #tpu.memory_space<hbm>> -> memref<10000x16xf32, #tpu.memory_space<hbm>>
      tpu.wait_indirect_dma semaphore(%arg33 : memref<!tpu.dma_semaphore, #tpu.memory_space<semaphore_mem>>) src(%dma_wait3A_109 : memref<10000x16xf32, #tpu.memory_space<hbm>>) dst(%arg30 : memref<1000x16xf32, #tpu.memory_space<vmem>>)
      %dma_start3A_110 = arith.constant 0 : i32
      %dma_start3A_111 = arith.constant 0 : i32
      %dma_start3A_112 = tpu.memref_slice %arg31[%dma_start3A_110, %dma_start3A_111] : memref<10240x16xf32, #tpu.memory_space<vmem_shared>> -> memref<10240x16xf32, #tpu.memory_space<vmem_shared>>
      tpu.enqueue_indirect_dma source(%arg30 : memref<1000x16xf32, #tpu.memory_space<vmem>>) target(%dma_start3A_112 : memref<10240x16xf32, #tpu.memory_space<vmem_shared>>) offsets(%arg25 : memref<1000xi32, #tpu.memory_space<vmem>>) semaphore(%arg35 : memref<!tpu.dma_semaphore, #tpu.memory_space<semaphore_mem>>) {add = true}
      %dma_wait3A_113 = arith.constant 0 : i32
      %dma_wait3A_114 = arith.constant 0 : i32
      %dma_wait3A_115 = tpu.memref_slice %arg31[%dma_wait3A_113, %dma_wait3A_114] : memref<10240x16xf32, #tpu.memory_space<vmem_shared>> -> memref<10240x16xf32, #tpu.memory_space<vmem_shared>>
      tpu.wait_indirect_dma semaphore(%arg34 : memref<!tpu.dma_semaphore, #tpu.memory_space<semaphore_mem>>) src(%arg29 : memref<1000x16xf32, #tpu.memory_space<vmem>>) dst(%dma_wait3A_115 : memref<10240x16xf32, #tpu.memory_space<vmem_shared>>)
      %dma_start3A_116 = arith.constant 0 : i32
      %dma_start3A_117 = arith.constant 0 : i32
      %dma_start3A_118 = tpu.memref_slice %arg2[%dma_start3A_116, %dma_start3A_117] : memref<10000x16xf32, #tpu.memory_space<hbm>> -> memref<10000x16xf32, #tpu.memory_space<hbm>>
      tpu.enqueue_indirect_dma source(%dma_start3A_118 : memref<10000x16xf32, #tpu.memory_space<hbm>>) target(%arg29 : memref<1000x16xf32, #tpu.memory_space<vmem>>) offsets(%arg15 : memref<1000xi32, #tpu.memory_space<vmem>>) semaphore(%arg32 : memref<!tpu.dma_semaphore, #tpu.memory_space<semaphore_mem>>)
      %dma_wait3A_119 = arith.constant 0 : i32
      %dma_wait3A_120 = arith.constant 0 : i32
      %dma_wait3A_121 = tpu.memref_slice %arg2[%dma_wait3A_119, %dma_wait3A_120] : memref<10000x16xf32, #tpu.memory_space<hbm>> -> memref<10000x16xf32, #tpu.memory_space<hbm>>
      tpu.wait_indirect_dma semaphore(%arg32 : memref<!tpu.dma_semaphore, #tpu.memory_space<semaphore_mem>>) src(%dma_wait3A_121 : memref<10000x16xf32, #tpu.memory_space<hbm>>) dst(%arg29 : memref<1000x16xf32, #tpu.memory_space<vmem>>)
      %dma_start3A_122 = arith.constant 0 : i32
      %dma_start3A_123 = arith.constant 0 : i32
      %dma_start3A_124 = tpu.memref_slice %arg31[%dma_start3A_122, %dma_start3A_123] : memref<10240x16xf32, #tpu.memory_space<vmem_shared>> -> memref<10240x16xf32, #tpu.memory_space<vmem_shared>>
      tpu.enqueue_indirect_dma source(%arg29 : memref<1000x16xf32, #tpu.memory_space<vmem>>) target(%dma_start3A_124 : memref<10240x16xf32, #tpu.memory_space<vmem_shared>>) offsets(%arg26 : memref<1000xi32, #tpu.memory_space<vmem>>) semaphore(%arg34 : memref<!tpu.dma_semaphore, #tpu.memory_space<semaphore_mem>>) {add = true}
      %dma_wait3A_125 = arith.constant 0 : i32
      %dma_wait3A_126 = arith.constant 0 : i32
      %dma_wait3A_127 = tpu.memref_slice %arg31[%dma_wait3A_125, %dma_wait3A_126] : memref<10240x16xf32, #tpu.memory_space<vmem_shared>> -> memref<10240x16xf32, #tpu.memory_space<vmem_shared>>
      tpu.wait_indirect_dma semaphore(%arg35 : memref<!tpu.dma_semaphore, #tpu.memory_space<semaphore_mem>>) src(%arg30 : memref<1000x16xf32, #tpu.memory_space<vmem>>) dst(%dma_wait3A_127 : memref<10240x16xf32, #tpu.memory_space<vmem_shared>>)
      %dma_start3A_128 = arith.constant 0 : i32
      %dma_start3A_129 = arith.constant 0 : i32
      %dma_start3A_130 = tpu.memref_slice %arg2[%dma_start3A_128, %dma_start3A_129] : memref<10000x16xf32, #tpu.memory_space<hbm>> -> memref<10000x16xf32, #tpu.memory_space<hbm>>
      tpu.enqueue_indirect_dma source(%dma_start3A_130 : memref<10000x16xf32, #tpu.memory_space<hbm>>) target(%arg30 : memref<1000x16xf32, #tpu.memory_space<vmem>>) offsets(%arg16 : memref<1000xi32, #tpu.memory_space<vmem>>) semaphore(%arg33 : memref<!tpu.dma_semaphore, #tpu.memory_space<semaphore_mem>>)
      %dma_wait3A_131 = arith.constant 0 : i32
      %dma_wait3A_132 = arith.constant 0 : i32
      %dma_wait3A_133 = tpu.memref_slice %arg2[%dma_wait3A_131, %dma_wait3A_132] : memref<10000x16xf32, #tpu.memory_space<hbm>> -> memref<10000x16xf32, #tpu.memory_space<hbm>>
      tpu.wait_indirect_dma semaphore(%arg33 : memref<!tpu.dma_semaphore, #tpu.memory_space<semaphore_mem>>) src(%dma_wait3A_133 : memref<10000x16xf32, #tpu.memory_space<hbm>>) dst(%arg30 : memref<1000x16xf32, #tpu.memory_space<vmem>>)
      %dma_start3A_134 = arith.constant 0 : i32
      %dma_start3A_135 = arith.constant 0 : i32
      %dma_start3A_136 = tpu.memref_slice %arg31[%dma_start3A_134, %dma_start3A_135] : memref<10240x16xf32, #tpu.memory_space<vmem_shared>> -> memref<10240x16xf32, #tpu.memory_space<vmem_shared>>
      tpu.enqueue_indirect_dma source(%arg30 : memref<1000x16xf32, #tpu.memory_space<vmem>>) target(%dma_start3A_136 : memref<10240x16xf32, #tpu.memory_space<vmem_shared>>) offsets(%arg27 : memref<1000xi32, #tpu.memory_space<vmem>>) semaphore(%arg35 : memref<!tpu.dma_semaphore, #tpu.memory_space<semaphore_mem>>) {add = true}
      %dma_wait3A_137 = arith.constant 0 : i32
      %dma_wait3A_138 = arith.constant 0 : i32
      %dma_wait3A_139 = tpu.memref_slice %arg31[%dma_wait3A_137, %dma_wait3A_138] : memref<10240x16xf32, #tpu.memory_space<vmem_shared>> -> memref<10240x16xf32, #tpu.memory_space<vmem_shared>>
      tpu.wait_indirect_dma semaphore(%arg34 : memref<!tpu.dma_semaphore, #tpu.memory_space<semaphore_mem>>) src(%arg29 : memref<1000x16xf32, #tpu.memory_space<vmem>>) dst(%dma_wait3A_139 : memref<10240x16xf32, #tpu.memory_space<vmem_shared>>)
      %dma_start3A_140 = arith.constant 0 : i32
      %dma_start3A_141 = arith.constant 0 : i32
      %dma_start3A_142 = tpu.memref_slice %arg2[%dma_start3A_140, %dma_start3A_141] : memref<10000x16xf32, #tpu.memory_space<hbm>> -> memref<10000x16xf32, #tpu.memory_space<hbm>>
      tpu.enqueue_indirect_dma source(%dma_start3A_142 : memref<10000x16xf32, #tpu.memory_space<hbm>>) target(%arg29 : memref<1000x16xf32, #tpu.memory_space<vmem>>) offsets(%arg17 : memref<1000xi32, #tpu.memory_space<vmem>>) semaphore(%arg32 : memref<!tpu.dma_semaphore, #tpu.memory_space<semaphore_mem>>)
      %dma_wait3A_143 = arith.constant 0 : i32
      %dma_wait3A_144 = arith.constant 0 : i32
      %dma_wait3A_145 = tpu.memref_slice %arg2[%dma_wait3A_143, %dma_wait3A_144] : memref<10000x16xf32, #tpu.memory_space<hbm>> -> memref<10000x16xf32, #tpu.memory_space<hbm>>
      tpu.wait_indirect_dma semaphore(%arg32 : memref<!tpu.dma_semaphore, #tpu.memory_space<semaphore_mem>>) src(%dma_wait3A_145 : memref<10000x16xf32, #tpu.memory_space<hbm>>) dst(%arg29 : memref<1000x16xf32, #tpu.memory_space<vmem>>)
      %dma_start3A_146 = arith.constant 0 : i32
      %dma_start3A_147 = arith.constant 0 : i32
      %dma_start3A_148 = tpu.memref_slice %arg31[%dma_start3A_146, %dma_start3A_147] : memref<10240x16xf32, #tpu.memory_space<vmem_shared>> -> memref<10240x16xf32, #tpu.memory_space<vmem_shared>>
      tpu.enqueue_indirect_dma source(%arg29 : memref<1000x16xf32, #tpu.memory_space<vmem>>) target(%dma_start3A_148 : memref<10240x16xf32, #tpu.memory_space<vmem_shared>>) offsets(%arg28 : memref<1000xi32, #tpu.memory_space<vmem>>) semaphore(%arg34 : memref<!tpu.dma_semaphore, #tpu.memory_space<semaphore_mem>>) {add = true}
      %dma_wait3A_149 = arith.constant 0 : i32
      %dma_wait3A_150 = arith.constant 0 : i32
      %dma_wait3A_151 = tpu.memref_slice %arg31[%dma_wait3A_149, %dma_wait3A_150] : memref<10240x16xf32, #tpu.memory_space<vmem_shared>> -> memref<10240x16xf32, #tpu.memory_space<vmem_shared>>
      tpu.wait_indirect_dma semaphore(%arg35 : memref<!tpu.dma_semaphore, #tpu.memory_space<semaphore_mem>>) src(%arg30 : memref<1000x16xf32, #tpu.memory_space<vmem>>) dst(%dma_wait3A_151 : memref<10240x16xf32, #tpu.memory_space<vmem_shared>>)
      %dma_wait3A_152 = arith.constant 0 : i32
      %dma_wait3A_153 = arith.constant 0 : i32
      %dma_wait3A_154 = tpu.memref_slice %arg31[%dma_wait3A_152, %dma_wait3A_153] : memref<10240x16xf32, #tpu.memory_space<vmem_shared>> -> memref<10240x16xf32, #tpu.memory_space<vmem_shared>>
      tpu.wait_indirect_dma semaphore(%arg34 : memref<!tpu.dma_semaphore, #tpu.memory_space<semaphore_mem>>) src(%arg29 : memref<1000x16xf32, #tpu.memory_space<vmem>>) dst(%dma_wait3A_154 : memref<10240x16xf32, #tpu.memory_space<vmem_shared>>)
    } else {
    }
    %eq3A_15 = arith.constant 1 : i32
    %eq3A_16 = arith.cmpi eq, %arg0, %eq3A_15 : i32
    %convert_element_type3A_17 = arith.extui %eq3A_16 : i1 to i32
    %cond3A_18 = arith.constant 0 : i32
    %cond3A_19 = arith.cmpi ne, %convert_element_type3A_17, %cond3A_18 : i32
    scf.if %cond3A_19 {
      %dma_start3A = arith.constant 0 : i32
      %dma_start3A_25 = arith.constant 0 : i32
      %dma_start3A_26 = tpu.memref_slice %arg2[%dma_start3A, %dma_start3A_25] : memref<10000x16xf32, #tpu.memory_space<hbm>> -> memref<10000x16xf32, #tpu.memory_space<hbm>>
      tpu.enqueue_indirect_dma source(%dma_start3A_26 : memref<10000x16xf32, #tpu.memory_space<hbm>>) target(%arg29 : memref<1000x16xf32, #tpu.memory_space<vmem>>) offsets(%arg7 : memref<1000xi32, #tpu.memory_space<vmem>>) semaphore(%arg32 : memref<!tpu.dma_semaphore, #tpu.memory_space<semaphore_mem>>)
      %dma_wait3A = arith.constant 0 : i32
      %dma_wait3A_27 = arith.constant 0 : i32
      %dma_wait3A_28 = tpu.memref_slice %arg2[%dma_wait3A, %dma_wait3A_27] : memref<10000x16xf32, #tpu.memory_space<hbm>> -> memref<10000x16xf32, #tpu.memory_space<hbm>>
      tpu.wait_indirect_dma semaphore(%arg32 : memref<!tpu.dma_semaphore, #tpu.memory_space<semaphore_mem>>) src(%dma_wait3A_28 : memref<10000x16xf32, #tpu.memory_space<hbm>>) dst(%arg29 : memref<1000x16xf32, #tpu.memory_space<vmem>>)
      %dma_start3A_29 = arith.constant 0 : i32
      %dma_start3A_30 = arith.constant 0 : i32
      %dma_start3A_31 = tpu.memref_slice %arg31[%dma_start3A_29, %dma_start3A_30] : memref<10240x16xf32, #tpu.memory_space<vmem_shared>> -> memref<10240x16xf32, #tpu.memory_space<vmem_shared>>
      tpu.enqueue_indirect_dma source(%arg29 : memref<1000x16xf32, #tpu.memory_space<vmem>>) target(%dma_start3A_31 : memref<10240x16xf32, #tpu.memory_space<vmem_shared>>) offsets(%arg18 : memref<1000xi32, #tpu.memory_space<vmem>>) semaphore(%arg34 : memref<!tpu.dma_semaphore, #tpu.memory_space<semaphore_mem>>) {add = true}
      %dma_start3A_32 = arith.constant 0 : i32
      %dma_start3A_33 = arith.constant 0 : i32
      %dma_start3A_34 = tpu.memref_slice %arg2[%dma_start3A_32, %dma_start3A_33] : memref<10000x16xf32, #tpu.memory_space<hbm>> -> memref<10000x16xf32, #tpu.memory_space<hbm>>
      tpu.enqueue_indirect_dma source(%dma_start3A_34 : memref<10000x16xf32, #tpu.memory_space<hbm>>) target(%arg30 : memref<1000x16xf32, #tpu.memory_space<vmem>>) offsets(%arg8 : memref<1000xi32, #tpu.memory_space<vmem>>) semaphore(%arg33 : memref<!tpu.dma_semaphore, #tpu.memory_space<semaphore_mem>>)
      %dma_wait3A_35 = arith.constant 0 : i32
      %dma_wait3A_36 = arith.constant 0 : i32
      %dma_wait3A_37 = tpu.memref_slice %arg2[%dma_wait3A_35, %dma_wait3A_36] : memref<10000x16xf32, #tpu.memory_space<hbm>> -> memref<10000x16xf32, #tpu.memory_space<hbm>>
      tpu.wait_indirect_dma semaphore(%arg33 : memref<!tpu.dma_semaphore, #tpu.memory_space<semaphore_mem>>) src(%dma_wait3A_37 : memref<10000x16xf32, #tpu.memory_space<hbm>>) dst(%arg30 : memref<1000x16xf32, #tpu.memory_space<vmem>>)
      %dma_start3A_38 = arith.constant 0 : i32
      %dma_start3A_39 = arith.constant 0 : i32
      %dma_start3A_40 = tpu.memref_slice %arg31[%dma_start3A_38, %dma_start3A_39] : memref<10240x16xf32, #tpu.memory_space<vmem_shared>> -> memref<10240x16xf32, #tpu.memory_space<vmem_shared>>
      tpu.enqueue_indirect_dma source(%arg30 : memref<1000x16xf32, #tpu.memory_space<vmem>>) target(%dma_start3A_40 : memref<10240x16xf32, #tpu.memory_space<vmem_shared>>) offsets(%arg19 : memref<1000xi32, #tpu.memory_space<vmem>>) semaphore(%arg35 : memref<!tpu.dma_semaphore, #tpu.memory_space<semaphore_mem>>) {add = true}
      %dma_wait3A_41 = arith.constant 0 : i32
      %dma_wait3A_42 = arith.constant 0 : i32
      %dma_wait3A_43 = tpu.memref_slice %arg31[%dma_wait3A_41, %dma_wait3A_42] : memref<10240x16xf32, #tpu.memory_space<vmem_shared>> -> memref<10240x16xf32, #tpu.memory_space<vmem_shared>>
      tpu.wait_indirect_dma semaphore(%arg34 : memref<!tpu.dma_semaphore, #tpu.memory_space<semaphore_mem>>) src(%arg29 : memref<1000x16xf32, #tpu.memory_space<vmem>>) dst(%dma_wait3A_43 : memref<10240x16xf32, #tpu.memory_space<vmem_shared>>)
      %dma_start3A_44 = arith.constant 0 : i32
      %dma_start3A_45 = arith.constant 0 : i32
      %dma_start3A_46 = tpu.memref_slice %arg2[%dma_start3A_44, %dma_start3A_45] : memref<10000x16xf32, #tpu.memory_space<hbm>> -> memref<10000x16xf32, #tpu.memory_space<hbm>>
      tpu.enqueue_indirect_dma source(%dma_start3A_46 : memref<10000x16xf32, #tpu.memory_space<hbm>>) target(%arg29 : memref<1000x16xf32, #tpu.memory_space<vmem>>) offsets(%arg9 : memref<1000xi32, #tpu.memory_space<vmem>>) semaphore(%arg32 : memref<!tpu.dma_semaphore, #tpu.memory_space<semaphore_mem>>)
      %dma_wait3A_47 = arith.constant 0 : i32
      %dma_wait3A_48 = arith.constant 0 : i32
      %dma_wait3A_49 = tpu.memref_slice %arg2[%dma_wait3A_47, %dma_wait3A_48] : memref<10000x16xf32, #tpu.memory_space<hbm>> -> memref<10000x16xf32, #tpu.memory_space<hbm>>
      tpu.wait_indirect_dma semaphore(%arg32 : memref<!tpu.dma_semaphore, #tpu.memory_space<semaphore_mem>>) src(%dma_wait3A_49 : memref<10000x16xf32, #tpu.memory_space<hbm>>) dst(%arg29 : memref<1000x16xf32, #tpu.memory_space<vmem>>)
      %dma_start3A_50 = arith.constant 0 : i32
      %dma_start3A_51 = arith.constant 0 : i32
      %dma_start3A_52 = tpu.memref_slice %arg31[%dma_start3A_50, %dma_start3A_51] : memref<10240x16xf32, #tpu.memory_space<vmem_shared>> -> memref<10240x16xf32, #tpu.memory_space<vmem_shared>>
      tpu.enqueue_indirect_dma source(%arg29 : memref<1000x16xf32, #tpu.memory_space<vmem>>) target(%dma_start3A_52 : memref<10240x16xf32, #tpu.memory_space<vmem_shared>>) offsets(%arg20 : memref<1000xi32, #tpu.memory_space<vmem>>) semaphore(%arg34 : memref<!tpu.dma_semaphore, #tpu.memory_space<semaphore_mem>>) {add = true}
      %dma_wait3A_53 = arith.constant 0 : i32
      %dma_wait3A_54 = arith.constant 0 : i32
      %dma_wait3A_55 = tpu.memref_slice %arg31[%dma_wait3A_53, %dma_wait3A_54] : memref<10240x16xf32, #tpu.memory_space<vmem_shared>> -> memref<10240x16xf32, #tpu.memory_space<vmem_shared>>
      tpu.wait_indirect_dma semaphore(%arg35 : memref<!tpu.dma_semaphore, #tpu.memory_space<semaphore_mem>>) src(%arg30 : memref<1000x16xf32, #tpu.memory_space<vmem>>) dst(%dma_wait3A_55 : memref<10240x16xf32, #tpu.memory_space<vmem_shared>>)
      %dma_start3A_56 = arith.constant 0 : i32
      %dma_start3A_57 = arith.constant 0 : i32
      %dma_start3A_58 = tpu.memref_slice %arg2[%dma_start3A_56, %dma_start3A_57] : memref<10000x16xf32, #tpu.memory_space<hbm>> -> memref<10000x16xf32, #tpu.memory_space<hbm>>
      tpu.enqueue_indirect_dma source(%dma_start3A_58 : memref<10000x16xf32, #tpu.memory_space<hbm>>) target(%arg30 : memref<1000x16xf32, #tpu.memory_space<vmem>>) offsets(%arg10 : memref<1000xi32, #tpu.memory_space<vmem>>) semaphore(%arg33 : memref<!tpu.dma_semaphore, #tpu.memory_space<semaphore_mem>>)
      %dma_wait3A_59 = arith.constant 0 : i32
      %dma_wait3A_60 = arith.constant 0 : i32
      %dma_wait3A_61 = tpu.memref_slice %arg2[%dma_wait3A_59, %dma_wait3A_60] : memref<10000x16xf32, #tpu.memory_space<hbm>> -> memref<10000x16xf32, #tpu.memory_space<hbm>>
      tpu.wait_indirect_dma semaphore(%arg33 : memref<!tpu.dma_semaphore, #tpu.memory_space<semaphore_mem>>) src(%dma_wait3A_61 : memref<10000x16xf32, #tpu.memory_space<hbm>>) dst(%arg30 : memref<1000x16xf32, #tpu.memory_space<vmem>>)
      %dma_start3A_62 = arith.constant 0 : i32
      %dma_start3A_63 = arith.constant 0 : i32
      %dma_start3A_64 = tpu.memref_slice %arg31[%dma_start3A_62, %dma_start3A_63] : memref<10240x16xf32, #tpu.memory_space<vmem_shared>> -> memref<10240x16xf32, #tpu.memory_space<vmem_shared>>
      tpu.enqueue_indirect_dma source(%arg30 : memref<1000x16xf32, #tpu.memory_space<vmem>>) target(%dma_start3A_64 : memref<10240x16xf32, #tpu.memory_space<vmem_shared>>) offsets(%arg21 : memref<1000xi32, #tpu.memory_space<vmem>>) semaphore(%arg35 : memref<!tpu.dma_semaphore, #tpu.memory_space<semaphore_mem>>) {add = true}
      %dma_wait3A_65 = arith.constant 0 : i32
      %dma_wait3A_66 = arith.constant 0 : i32
      %dma_wait3A_67 = tpu.memref_slice %arg31[%dma_wait3A_65, %dma_wait3A_66] : memref<10240x16xf32, #tpu.memory_space<vmem_shared>> -> memref<10240x16xf32, #tpu.memory_space<vmem_shared>>
      tpu.wait_indirect_dma semaphore(%arg34 : memref<!tpu.dma_semaphore, #tpu.memory_space<semaphore_mem>>) src(%arg29 : memref<1000x16xf32, #tpu.memory_space<vmem>>) dst(%dma_wait3A_67 : memref<10240x16xf32, #tpu.memory_space<vmem_shared>>)
      %dma_start3A_68 = arith.constant 0 : i32
      %dma_start3A_69 = arith.constant 0 : i32
      %dma_start3A_70 = tpu.memref_slice %arg2[%dma_start3A_68, %dma_start3A_69] : memref<10000x16xf32, #tpu.memory_space<hbm>> -> memref<10000x16xf32, #tpu.memory_space<hbm>>
      tpu.enqueue_indirect_dma source(%dma_start3A_70 : memref<10000x16xf32, #tpu.memory_space<hbm>>) target(%arg29 : memref<1000x16xf32, #tpu.memory_space<vmem>>) offsets(%arg11 : memref<1000xi32, #tpu.memory_space<vmem>>) semaphore(%arg32 : memref<!tpu.dma_semaphore, #tpu.memory_space<semaphore_mem>>)
      %dma_wait3A_71 = arith.constant 0 : i32
      %dma_wait3A_72 = arith.constant 0 : i32
      %dma_wait3A_73 = tpu.memref_slice %arg2[%dma_wait3A_71, %dma_wait3A_72] : memref<10000x16xf32, #tpu.memory_space<hbm>> -> memref<10000x16xf32, #tpu.memory_space<hbm>>
      tpu.wait_indirect_dma semaphore(%arg32 : memref<!tpu.dma_semaphore, #tpu.memory_space<semaphore_mem>>) src(%dma_wait3A_73 : memref<10000x16xf32, #tpu.memory_space<hbm>>) dst(%arg29 : memref<1000x16xf32, #tpu.memory_space<vmem>>)
      %dma_start3A_74 = arith.constant 0 : i32
      %dma_start3A_75 = arith.constant 0 : i32
      %dma_start3A_76 = tpu.memref_slice %arg31[%dma_start3A_74, %dma_start3A_75] : memref<10240x16xf32, #tpu.memory_space<vmem_shared>> -> memref<10240x16xf32, #tpu.memory_space<vmem_shared>>
      tpu.enqueue_indirect_dma source(%arg29 : memref<1000x16xf32, #tpu.memory_space<vmem>>) target(%dma_start3A_76 : memref<10240x16xf32, #tpu.memory_space<vmem_shared>>) offsets(%arg22 : memref<1000xi32, #tpu.memory_space<vmem>>) semaphore(%arg34 : memref<!tpu.dma_semaphore, #tpu.memory_space<semaphore_mem>>) {add = true}
      %dma_wait3A_77 = arith.constant 0 : i32
      %dma_wait3A_78 = arith.constant 0 : i32
      %dma_wait3A_79 = tpu.memref_slice %arg31[%dma_wait3A_77, %dma_wait3A_78] : memref<10240x16xf32, #tpu.memory_space<vmem_shared>> -> memref<10240x16xf32, #tpu.memory_space<vmem_shared>>
      tpu.wait_indirect_dma semaphore(%arg35 : memref<!tpu.dma_semaphore, #tpu.memory_space<semaphore_mem>>) src(%arg30 : memref<1000x16xf32, #tpu.memory_space<vmem>>) dst(%dma_wait3A_79 : memref<10240x16xf32, #tpu.memory_space<vmem_shared>>)
      %dma_start3A_80 = arith.constant 0 : i32
      %dma_start3A_81 = arith.constant 0 : i32
      %dma_start3A_82 = tpu.memref_slice %arg2[%dma_start3A_80, %dma_start3A_81] : memref<10000x16xf32, #tpu.memory_space<hbm>> -> memref<10000x16xf32, #tpu.memory_space<hbm>>
      tpu.enqueue_indirect_dma source(%dma_start3A_82 : memref<10000x16xf32, #tpu.memory_space<hbm>>) target(%arg30 : memref<1000x16xf32, #tpu.memory_space<vmem>>) offsets(%arg12 : memref<1000xi32, #tpu.memory_space<vmem>>) semaphore(%arg33 : memref<!tpu.dma_semaphore, #tpu.memory_space<semaphore_mem>>)
      %dma_wait3A_83 = arith.constant 0 : i32
      %dma_wait3A_84 = arith.constant 0 : i32
      %dma_wait3A_85 = tpu.memref_slice %arg2[%dma_wait3A_83, %dma_wait3A_84] : memref<10000x16xf32, #tpu.memory_space<hbm>> -> memref<10000x16xf32, #tpu.memory_space<hbm>>
      tpu.wait_indirect_dma semaphore(%arg33 : memref<!tpu.dma_semaphore, #tpu.memory_space<semaphore_mem>>) src(%dma_wait3A_85 : memref<10000x16xf32, #tpu.memory_space<hbm>>) dst(%arg30 : memref<1000x16xf32, #tpu.memory_space<vmem>>)
      %dma_start3A_86 = arith.constant 0 : i32
      %dma_start3A_87 = arith.constant 0 : i32
      %dma_start3A_88 = tpu.memref_slice %arg31[%dma_start3A_86, %dma_start3A_87] : memref<10240x16xf32, #tpu.memory_space<vmem_shared>> -> memref<10240x16xf32, #tpu.memory_space<vmem_shared>>
      tpu.enqueue_indirect_dma source(%arg30 : memref<1000x16xf32, #tpu.memory_space<vmem>>) target(%dma_start3A_88 : memref<10240x16xf32, #tpu.memory_space<vmem_shared>>) offsets(%arg23 : memref<1000xi32, #tpu.memory_space<vmem>>) semaphore(%arg35 : memref<!tpu.dma_semaphore, #tpu.memory_space<semaphore_mem>>) {add = true}
      %dma_wait3A_89 = arith.constant 0 : i32
      %dma_wait3A_90 = arith.constant 0 : i32
      %dma_wait3A_91 = tpu.memref_slice %arg31[%dma_wait3A_89, %dma_wait3A_90] : memref<10240x16xf32, #tpu.memory_space<vmem_shared>> -> memref<10240x16xf32, #tpu.memory_space<vmem_shared>>
      tpu.wait_indirect_dma semaphore(%arg34 : memref<!tpu.dma_semaphore, #tpu.memory_space<semaphore_mem>>) src(%arg29 : memref<1000x16xf32, #tpu.memory_space<vmem>>) dst(%dma_wait3A_91 : memref<10240x16xf32, #tpu.memory_space<vmem_shared>>)
      %dma_start3A_92 = arith.constant 0 : i32
      %dma_start3A_93 = arith.constant 0 : i32
      %dma_start3A_94 = tpu.memref_slice %arg2[%dma_start3A_92, %dma_start3A_93] : memref<10000x16xf32, #tpu.memory_space<hbm>> -> memref<10000x16xf32, #tpu.memory_space<hbm>>
      tpu.enqueue_indirect_dma source(%dma_start3A_94 : memref<10000x16xf32, #tpu.memory_space<hbm>>) target(%arg29 : memref<1000x16xf32, #tpu.memory_space<vmem>>) offsets(%arg13 : memref<1000xi32, #tpu.memory_space<vmem>>) semaphore(%arg32 : memref<!tpu.dma_semaphore, #tpu.memory_space<semaphore_mem>>)
      %dma_wait3A_95 = arith.constant 0 : i32
      %dma_wait3A_96 = arith.constant 0 : i32
      %dma_wait3A_97 = tpu.memref_slice %arg2[%dma_wait3A_95, %dma_wait3A_96] : memref<10000x16xf32, #tpu.memory_space<hbm>> -> memref<10000x16xf32, #tpu.memory_space<hbm>>
      tpu.wait_indirect_dma semaphore(%arg32 : memref<!tpu.dma_semaphore, #tpu.memory_space<semaphore_mem>>) src(%dma_wait3A_97 : memref<10000x16xf32, #tpu.memory_space<hbm>>) dst(%arg29 : memref<1000x16xf32, #tpu.memory_space<vmem>>)
      %dma_start3A_98 = arith.constant 0 : i32
      %dma_start3A_99 = arith.constant 0 : i32
      %dma_start3A_100 = tpu.memref_slice %arg31[%dma_start3A_98, %dma_start3A_99] : memref<10240x16xf32, #tpu.memory_space<vmem_shared>> -> memref<10240x16xf32, #tpu.memory_space<vmem_shared>>
      tpu.enqueue_indirect_dma source(%arg29 : memref<1000x16xf32, #tpu.memory_space<vmem>>) target(%dma_start3A_100 : memref<10240x16xf32, #tpu.memory_space<vmem_shared>>) offsets(%arg24 : memref<1000xi32, #tpu.memory_space<vmem>>) semaphore(%arg34 : memref<!tpu.dma_semaphore, #tpu.memory_space<semaphore_mem>>) {add = true}
      %dma_wait3A_101 = arith.constant 0 : i32
      %dma_wait3A_102 = arith.constant 0 : i32
      %dma_wait3A_103 = tpu.memref_slice %arg31[%dma_wait3A_101, %dma_wait3A_102] : memref<10240x16xf32, #tpu.memory_space<vmem_shared>> -> memref<10240x16xf32, #tpu.memory_space<vmem_shared>>
      tpu.wait_indirect_dma semaphore(%arg35 : memref<!tpu.dma_semaphore, #tpu.memory_space<semaphore_mem>>) src(%arg30 : memref<1000x16xf32, #tpu.memory_space<vmem>>) dst(%dma_wait3A_103 : memref<10240x16xf32, #tpu.memory_space<vmem_shared>>)
      %dma_start3A_104 = arith.constant 0 : i32
      %dma_start3A_105 = arith.constant 0 : i32
      %dma_start3A_106 = tpu.memref_slice %arg2[%dma_start3A_104, %dma_start3A_105] : memref<10000x16xf32, #tpu.memory_space<hbm>> -> memref<10000x16xf32, #tpu.memory_space<hbm>>
      tpu.enqueue_indirect_dma source(%dma_start3A_106 : memref<10000x16xf32, #tpu.memory_space<hbm>>) target(%arg30 : memref<1000x16xf32, #tpu.memory_space<vmem>>) offsets(%arg14 : memref<1000xi32, #tpu.memory_space<vmem>>) semaphore(%arg33 : memref<!tpu.dma_semaphore, #tpu.memory_space<semaphore_mem>>)
      %dma_wait3A_107 = arith.constant 0 : i32
      %dma_wait3A_108 = arith.constant 0 : i32
      %dma_wait3A_109 = tpu.memref_slice %arg2[%dma_wait3A_107, %dma_wait3A_108] : memref<10000x16xf32, #tpu.memory_space<hbm>> -> memref<10000x16xf32, #tpu.memory_space<hbm>>
      tpu.wait_indirect_dma semaphore(%arg33 : memref<!tpu.dma_semaphore, #tpu.memory_space<semaphore_mem>>) src(%dma_wait3A_109 : memref<10000x16xf32, #tpu.memory_space<hbm>>) dst(%arg30 : memref<1000x16xf32, #tpu.memory_space<vmem>>)
      %dma_start3A_110 = arith.constant 0 : i32
      %dma_start3A_111 = arith.constant 0 : i32
      %dma_start3A_112 = tpu.memref_slice %arg31[%dma_start3A_110, %dma_start3A_111] : memref<10240x16xf32, #tpu.memory_space<vmem_shared>> -> memref<10240x16xf32, #tpu.memory_space<vmem_shared>>
      tpu.enqueue_indirect_dma source(%arg30 : memref<1000x16xf32, #tpu.memory_space<vmem>>) target(%dma_start3A_112 : memref<10240x16xf32, #tpu.memory_space<vmem_shared>>) offsets(%arg25 : memref<1000xi32, #tpu.memory_space<vmem>>) semaphore(%arg35 : memref<!tpu.dma_semaphore, #tpu.memory_space<semaphore_mem>>) {add = true}
      %dma_wait3A_113 = arith.constant 0 : i32
      %dma_wait3A_114 = arith.constant 0 : i32
      %dma_wait3A_115 = tpu.memref_slice %arg31[%dma_wait3A_113, %dma_wait3A_114] : memref<10240x16xf32, #tpu.memory_space<vmem_shared>> -> memref<10240x16xf32, #tpu.memory_space<vmem_shared>>
      tpu.wait_indirect_dma semaphore(%arg34 : memref<!tpu.dma_semaphore, #tpu.memory_space<semaphore_mem>>) src(%arg29 : memref<1000x16xf32, #tpu.memory_space<vmem>>) dst(%dma_wait3A_115 : memref<10240x16xf32, #tpu.memory_space<vmem_shared>>)
      %dma_start3A_116 = arith.constant 0 : i32
      %dma_start3A_117 = arith.constant 0 : i32
      %dma_start3A_118 = tpu.memref_slice %arg2[%dma_start3A_116, %dma_start3A_117] : memref<10000x16xf32, #tpu.memory_space<hbm>> -> memref<10000x16xf32, #tpu.memory_space<hbm>>
      tpu.enqueue_indirect_dma source(%dma_start3A_118 : memref<10000x16xf32, #tpu.memory_space<hbm>>) target(%arg29 : memref<1000x16xf32, #tpu.memory_space<vmem>>) offsets(%arg15 : memref<1000xi32, #tpu.memory_space<vmem>>) semaphore(%arg32 : memref<!tpu.dma_semaphore, #tpu.memory_space<semaphore_mem>>)
      %dma_wait3A_119 = arith.constant 0 : i32
      %dma_wait3A_120 = arith.constant 0 : i32
      %dma_wait3A_121 = tpu.memref_slice %arg2[%dma_wait3A_119, %dma_wait3A_120] : memref<10000x16xf32, #tpu.memory_space<hbm>> -> memref<10000x16xf32, #tpu.memory_space<hbm>>
      tpu.wait_indirect_dma semaphore(%arg32 : memref<!tpu.dma_semaphore, #tpu.memory_space<semaphore_mem>>) src(%dma_wait3A_121 : memref<10000x16xf32, #tpu.memory_space<hbm>>) dst(%arg29 : memref<1000x16xf32, #tpu.memory_space<vmem>>)
      %dma_start3A_122 = arith.constant 0 : i32
      %dma_start3A_123 = arith.constant 0 : i32
      %dma_start3A_124 = tpu.memref_slice %arg31[%dma_start3A_122, %dma_start3A_123] : memref<10240x16xf32, #tpu.memory_space<vmem_shared>> -> memref<10240x16xf32, #tpu.memory_space<vmem_shared>>
      tpu.enqueue_indirect_dma source(%arg29 : memref<1000x16xf32, #tpu.memory_space<vmem>>) target(%dma_start3A_124 : memref<10240x16xf32, #tpu.memory_space<vmem_shared>>) offsets(%arg26 : memref<1000xi32, #tpu.memory_space<vmem>>) semaphore(%arg34 : memref<!tpu.dma_semaphore, #tpu.memory_space<semaphore_mem>>) {add = true}
      %dma_wait3A_125 = arith.constant 0 : i32
      %dma_wait3A_126 = arith.constant 0 : i32
      %dma_wait3A_127 = tpu.memref_slice %arg31[%dma_wait3A_125, %dma_wait3A_126] : memref<10240x16xf32, #tpu.memory_space<vmem_shared>> -> memref<10240x16xf32, #tpu.memory_space<vmem_shared>>
      tpu.wait_indirect_dma semaphore(%arg35 : memref<!tpu.dma_semaphore, #tpu.memory_space<semaphore_mem>>) src(%arg30 : memref<1000x16xf32, #tpu.memory_space<vmem>>) dst(%dma_wait3A_127 : memref<10240x16xf32, #tpu.memory_space<vmem_shared>>)
      %dma_wait3A_128 = arith.constant 0 : i32
      %dma_wait3A_129 = arith.constant 0 : i32
      %dma_wait3A_130 = tpu.memref_slice %arg31[%dma_wait3A_128, %dma_wait3A_129] : memref<10240x16xf32, #tpu.memory_space<vmem_shared>> -> memref<10240x16xf32, #tpu.memory_space<vmem_shared>>
      tpu.wait_indirect_dma semaphore(%arg34 : memref<!tpu.dma_semaphore, #tpu.memory_space<semaphore_mem>>) src(%arg29 : memref<1000x16xf32, #tpu.memory_space<vmem>>) dst(%dma_wait3A_130 : memref<10240x16xf32, #tpu.memory_space<vmem_shared>>)
    } else {
    }
    %barrier3A_20 = arith.constant 0 : index
    tpu.barrier barrier_id(%barrier3A_20)
    %mul3A_21 = arith.constant 640 : i32
    %mul3A_22 = arith.muli %arg1, %mul3A_21 : i32
    %mul3A_23 = arith.constant 640 : i32
    %mul3A_24 = arith.muli %arg1, %mul3A_23 : i32
    "tpu.region"() ({
      %run_scoped3A = tpu.sem_alloc : memref<!tpu.dma_semaphore, #tpu.memory_space<semaphore_mem>>
      %dma_start3A = arith.constant 0 : i32
      %dma_start3A_25 = tpu.memref_slice %arg6[%arg0, %mul3A_24, %dma_start3A] : memref<2x10240x16xf32, #tpu.memory_space<hbm>> -> memref<1x640x16xf32, #tpu.memory_space<hbm>>
      %dma_start3A_26 = tpu.memref_squeeze %dma_start3A_25 : memref<1x640x16xf32, #tpu.memory_space<hbm>> -> memref<640x16xf32, #tpu.memory_space<hbm>>
      %dma_start3A_27 = arith.constant 0 : i32
      %dma_start3A_28 = tpu.memref_slice %arg31[%mul3A_22, %dma_start3A_27] : memref<10240x16xf32, #tpu.memory_space<vmem_shared>> -> memref<640x16xf32, #tpu.memory_space<vmem_shared>>
      tpu.enqueue_dma source(%dma_start3A_28 : memref<640x16xf32, #tpu.memory_space<vmem_shared>>) target(%dma_start3A_26 : memref<640x16xf32, #tpu.memory_space<hbm>>) target_semaphore(%run_scoped3A : memref<!tpu.dma_semaphore, #tpu.memory_space<semaphore_mem>>)
      %dma_wait3A = arith.constant 0 : i32
      %dma_wait3A_29 = tpu.memref_slice %arg6[%arg0, %mul3A_24, %dma_wait3A] : memref<2x10240x16xf32, #tpu.memory_space<hbm>> -> memref<1x640x16xf32, #tpu.memory_space<hbm>>
      %dma_wait3A_30 = tpu.memref_squeeze %dma_wait3A_29 : memref<1x640x16xf32, #tpu.memory_space<hbm>> -> memref<640x16xf32, #tpu.memory_space<hbm>>
      %dma_wait3A_31 = arith.constant 0 : i32
      %dma_wait3A_32 = tpu.memref_slice %arg31[%mul3A_22, %dma_wait3A_31] : memref<10240x16xf32, #tpu.memory_space<vmem_shared>> -> memref<640x16xf32, #tpu.memory_space<vmem_shared>>
      tpu.wait_dma2 semaphore(%run_scoped3A : memref<!tpu.dma_semaphore, #tpu.memory_space<semaphore_mem>>) src(%dma_wait3A_32 : memref<640x16xf32, #tpu.memory_space<vmem_shared>>) dst(%dma_wait3A_30 : memref<640x16xf32, #tpu.memory_space<hbm>>)
      tpu.yield
    }) : () -> ()
    return
  }
}

module attributes {stable_mosaic.version = 14 : i64} {
  func.func @_tc1_body(%arg0: memref<10000x128xf32, #tpu.memory_space<vmem>>, %arg1: memref<128x16xf32, #tpu.memory_space<vmem>>, %arg2: memref<2x10240x16xf32, #tpu.memory_space<vmem>>, %arg3: memref<10000x16xf32, #tpu.memory_space<vmem>>, %arg4: memref<10240x1xf32, #tpu.memory_space<vmem>>) attributes {dimension_semantics = [], scalar_prefetch = 0 : i64, scratch_operands = 0 : i64, tpu.core_type = #tpu.core_type<tc>} {
    %get3A = arith.constant 0 : index
    %get3A_0 = arith.constant 0 : index
    %get3A_1 = arith.constant 0 : index
    %get3A_2 = vector.load %arg2[%get3A, %get3A_0, %get3A_1] : memref<2x10240x16xf32, #tpu.memory_space<vmem>>, vector<1x10240x16xf32>
    %get3A_3 = vector.shape_cast %get3A_2 : vector<1x10240x16xf32> to vector<10240x16xf32>
    %slice3A = vector.extract_strided_slice %get3A_3 {offsets = [0, 0], sizes = [10240, 1], strides = [1, 1]} : vector<10240x16xf32> to vector<10240x1xf32>
    %get3A_4 = arith.constant 1 : index
    %get3A_5 = arith.constant 0 : index
    %get3A_6 = arith.constant 0 : index
    %get3A_7 = vector.load %arg2[%get3A_4, %get3A_5, %get3A_6] : memref<2x10240x16xf32, #tpu.memory_space<vmem>>, vector<1x10240x16xf32>
    %get3A_8 = vector.shape_cast %get3A_7 : vector<1x10240x16xf32> to vector<10240x16xf32>
    %slice3A_9 = vector.extract_strided_slice %get3A_8 {offsets = [0, 0], sizes = [10240, 1], strides = [1, 1]} : vector<10240x16xf32> to vector<10240x1xf32>
    %add3A = arith.addf %slice3A, %slice3A_9 : vector<10240x1xf32>
    %add3A_10 = arith.constant 1.000000e+00 : f32
    %add3A_11 = vector.broadcast %add3A_10 : f32 to vector<10240x1xf32>
    %add3A_12 = arith.addf %add3A, %add3A_11 : vector<10240x1xf32>
    %rsqrt3A = math.rsqrt %add3A_12 : vector<10240x1xf32>
    %swap3A = arith.constant 0 : index
    %swap3A_13 = arith.constant 0 : index
    %swap3A_14 = vector.load %arg4[%swap3A, %swap3A_13] : memref<10240x1xf32, #tpu.memory_space<vmem>>, vector<10240x1xf32>
    tpu.vector_store %arg4[%swap3A, %swap3A_13], %rsqrt3A {strides = array<i32>} : memref<10240x1xf32, #tpu.memory_space<vmem>>, vector<10240x1xf32>,
    %get3A_15 = arith.constant 0 : index
    %get3A_16 = arith.constant 0 : index
    %get3A_17 = vector.load %arg0[%get3A_15, %get3A_16] : memref<10000x128xf32, #tpu.memory_space<vmem>>, vector<10000x128xf32>
    %get3A_18 = arith.constant 0 : index
    %get3A_19 = arith.constant 0 : index
    %get3A_20 = vector.load %arg1[%get3A_18, %get3A_19] : memref<128x16xf32, #tpu.memory_space<vmem>>, vector<128x16xf32>
    %dot_general3A = arith.constant dense<0.000000e+00> : vector<10000x16xf32>
    %dot_general3A_21 = tpu.matmul %get3A_17, %get3A_20, %dot_general3A {dimension_numbers = #tpu.dot_dimension_numbers<[1], [0], [0], [1], [0, 0, 1, 1], [], []>, transpose_lhs_hint = false} : vector<10000x128xf32>, vector<128x16xf32>, vector<10000x16xf32> -> vector<10000x16xf32>
    %slice3A_22 = vector.extract_strided_slice %rsqrt3A {offsets = [0, 0], sizes = [10000, 1], strides = [1, 1]} : vector<10240x1xf32> to vector<10000x1xf32>
    %mul3A = vector.broadcast %slice3A_22 : vector<10000x1xf32> to vector<10000x16xf32>
    %mul3A_23 = arith.mulf %dot_general3A_21, %mul3A : vector<10000x16xf32>
    %swap3A_24 = arith.constant 0 : index
    %swap3A_25 = arith.constant 0 : index
    %swap3A_26 = vector.load %arg3[%swap3A_24, %swap3A_25] : memref<10000x16xf32, #tpu.memory_space<vmem>>, vector<10000x16xf32>
    tpu.vector_store %arg3[%swap3A_24, %swap3A_25], %mul3A_23 {strides = array<i32>} : memref<10000x16xf32, #tpu.memory_space<vmem>>, vector<10000x16xf32>,
    return
  }
}

module attributes {stable_mosaic.version = 14 : i64} {
  func.func @_tc2_body(%arg0: memref<2x10240x16xf32, #tpu.memory_space<vmem>>, %arg1: memref<10000x16xf32, #tpu.memory_space<vmem>>, %arg2: memref<10240x1xf32, #tpu.memory_space<vmem>>, %arg3: memref<1x16xf32, #tpu.memory_space<vmem>>, %arg4: memref<10000x16xf32, #tpu.memory_space<vmem>>) attributes {dimension_semantics = [], scalar_prefetch = 0 : i64, scratch_operands = 0 : i64, tpu.core_type = #tpu.core_type<tc>} {
    %get3A = arith.constant 0 : index
    %get3A_0 = arith.constant 0 : index
    %get3A_1 = vector.load %arg2[%get3A, %get3A_0] : memref<10240x1xf32, #tpu.memory_space<vmem>>, vector<10240x1xf32>
    %slice3A = vector.extract_strided_slice %get3A_1 {offsets = [0, 0], sizes = [10000, 1], strides = [1, 1]} : vector<10240x1xf32> to vector<10000x1xf32>
    %get3A_2 = arith.constant 0 : index
    %get3A_3 = arith.constant 0 : index
    %get3A_4 = arith.constant 0 : index
    %get3A_5 = vector.load %arg0[%get3A_2, %get3A_3, %get3A_4] : memref<2x10240x16xf32, #tpu.memory_space<vmem>>, vector<1x10240x16xf32>
    %get3A_6 = vector.shape_cast %get3A_5 : vector<1x10240x16xf32> to vector<10240x16xf32>
    %slice3A_7 = vector.extract_strided_slice %get3A_6 {offsets = [0, 0], sizes = [10000, 16], strides = [1, 1]} : vector<10240x16xf32> to vector<10000x16xf32>
    %get3A_8 = arith.constant 1 : index
    %get3A_9 = arith.constant 0 : index
    %get3A_10 = arith.constant 0 : index
    %get3A_11 = vector.load %arg0[%get3A_8, %get3A_9, %get3A_10] : memref<2x10240x16xf32, #tpu.memory_space<vmem>>, vector<1x10240x16xf32>
    %get3A_12 = vector.shape_cast %get3A_11 : vector<1x10240x16xf32> to vector<10240x16xf32>
    %slice3A_13 = vector.extract_strided_slice %get3A_12 {offsets = [0, 0], sizes = [10000, 16], strides = [1, 1]} : vector<10240x16xf32> to vector<10000x16xf32>
    %add3A = arith.addf %slice3A_7, %slice3A_13 : vector<10000x16xf32>
    %get3A_14 = arith.constant 0 : index
    %get3A_15 = arith.constant 0 : index
    %get3A_16 = vector.load %arg1[%get3A_14, %get3A_15] : memref<10000x16xf32, #tpu.memory_space<vmem>>, vector<10000x16xf32>
    %add3A_17 = arith.addf %add3A, %get3A_16 : vector<10000x16xf32>
    %mul3A = vector.broadcast %slice3A : vector<10000x1xf32> to vector<10000x16xf32>
    %mul3A_18 = arith.mulf %add3A_17, %mul3A : vector<10000x16xf32>
    %get3A_19 = arith.constant 0 : index
    %get3A_20 = arith.constant 0 : index
    %get3A_21 = vector.load %arg3[%get3A_19, %get3A_20] : memref<1x16xf32, #tpu.memory_space<vmem>>, vector<1x16xf32>
    %add3A_22 = vector.broadcast %get3A_21 : vector<1x16xf32> to vector<10000x16xf32>
    %add3A_23 = arith.addf %mul3A_18, %add3A_22 : vector<10000x16xf32>
    %max3A = arith.constant 0.000000e+00 : f32
    %max3A_24 = vector.broadcast %max3A : f32 to vector<10000x16xf32>
    %max3A_25 = arith.maximumf %add3A_23, %max3A_24 : vector<10000x16xf32>
    %mul3A_26 = vector.broadcast %slice3A : vector<10000x1xf32> to vector<10000x16xf32>
    %mul3A_27 = arith.mulf %max3A_25, %mul3A_26 : vector<10000x16xf32>
    %swap3A = arith.constant 0 : index
    %swap3A_28 = arith.constant 0 : index
    %swap3A_29 = vector.load %arg4[%swap3A, %swap3A_28] : memref<10000x16xf32, #tpu.memory_space<vmem>>, vector<10000x16xf32>
    tpu.vector_store %arg4[%swap3A, %swap3A_28], %mul3A_27 {strides = array<i32>} : memref<10000x16xf32, #tpu.memory_space<vmem>>, vector<10000x16xf32>,
    return
  }
}

module attributes {stable_mosaic.version = 14 : i64} {
  func.func @_tc3_body(%arg0: memref<2x10240x16xf32, #tpu.memory_space<vmem>>, %arg1: memref<10000x16xf32, #tpu.memory_space<vmem>>, %arg2: memref<10240x1xf32, #tpu.memory_space<vmem>>, %arg3: memref<1x32xf32, #tpu.memory_space<vmem>>, %arg4: memref<16x32xf32, #tpu.memory_space<vmem>>, %arg5: memref<1x10000xi32, #tpu.memory_space<vmem>>, %arg6: memref<32x64xf32, #tpu.memory_space<vmem>>, %arg7: memref<1x64xf32, #tpu.memory_space<vmem>>, %arg8: memref<64x10xf32, #tpu.memory_space<vmem>>, %arg9: memref<1x10xf32, #tpu.memory_space<vmem>>, %arg10: memref<128x10xf32, #tpu.memory_space<vmem>>) attributes {dimension_semantics = [], scalar_prefetch = 0 : i64, scratch_operands = 0 : i64, tpu.core_type = #tpu.core_type<tc>} {
    %get3A = arith.constant 0 : index
    %get3A_0 = arith.constant 0 : index
    %get3A_1 = vector.load %arg2[%get3A, %get3A_0] : memref<10240x1xf32, #tpu.memory_space<vmem>>, vector<10240x1xf32>
    %slice3A = vector.extract_strided_slice %get3A_1 {offsets = [0, 0], sizes = [10000, 1], strides = [1, 1]} : vector<10240x1xf32> to vector<10000x1xf32>
    %get3A_2 = arith.constant 0 : index
    %get3A_3 = arith.constant 0 : index
    %get3A_4 = arith.constant 0 : index
    %get3A_5 = vector.load %arg0[%get3A_2, %get3A_3, %get3A_4] : memref<2x10240x16xf32, #tpu.memory_space<vmem>>, vector<1x10240x16xf32>
    %get3A_6 = vector.shape_cast %get3A_5 : vector<1x10240x16xf32> to vector<10240x16xf32>
    %slice3A_7 = vector.extract_strided_slice %get3A_6 {offsets = [0, 0], sizes = [10000, 16], strides = [1, 1]} : vector<10240x16xf32> to vector<10000x16xf32>
    %get3A_8 = arith.constant 1 : index
    %get3A_9 = arith.constant 0 : index
    %get3A_10 = arith.constant 0 : index
    %get3A_11 = vector.load %arg0[%get3A_8, %get3A_9, %get3A_10] : memref<2x10240x16xf32, #tpu.memory_space<vmem>>, vector<1x10240x16xf32>
    %get3A_12 = vector.shape_cast %get3A_11 : vector<1x10240x16xf32> to vector<10240x16xf32>
    %slice3A_13 = vector.extract_strided_slice %get3A_12 {offsets = [0, 0], sizes = [10000, 16], strides = [1, 1]} : vector<10240x16xf32> to vector<10000x16xf32>
    %add3A = arith.addf %slice3A_7, %slice3A_13 : vector<10000x16xf32>
    %get3A_14 = arith.constant 0 : index
    %get3A_15 = arith.constant 0 : index
    %get3A_16 = vector.load %arg1[%get3A_14, %get3A_15] : memref<10000x16xf32, #tpu.memory_space<vmem>>, vector<10000x16xf32>
    %add3A_17 = arith.addf %add3A, %get3A_16 : vector<10000x16xf32>
    %mul3A = vector.broadcast %slice3A : vector<10000x1xf32> to vector<10000x16xf32>
    %mul3A_18 = arith.mulf %add3A_17, %mul3A : vector<10000x16xf32>
    %get3A_19 = arith.constant 0 : index
    %get3A_20 = arith.constant 0 : index
    %get3A_21 = vector.load %arg4[%get3A_19, %get3A_20] : memref<16x32xf32, #tpu.memory_space<vmem>>, vector<16x32xf32>
    %dot_general3A = arith.constant dense<0.000000e+00> : vector<10000x32xf32>
    %dot_general3A_22 = tpu.matmul %mul3A_18, %get3A_21, %dot_general3A {dimension_numbers = #tpu.dot_dimension_numbers<[1], [0], [0], [1], [0, 0, 1, 1], [], []>, transpose_lhs_hint = false} : vector<10000x16xf32>, vector<16x32xf32>, vector<10000x32xf32> -> vector<10000x32xf32>
    %get3A_23 = arith.constant 0 : index
    %get3A_24 = arith.constant 0 : index
    %get3A_25 = vector.load %arg3[%get3A_23, %get3A_24] : memref<1x32xf32, #tpu.memory_space<vmem>>, vector<1x32xf32>
    %add3A_26 = vector.broadcast %get3A_25 : vector<1x32xf32> to vector<10000x32xf32>
    %add3A_27 = arith.addf %dot_general3A_22, %add3A_26 : vector<10000x32xf32>
    %max3A = arith.constant 0.000000e+00 : f32
    %max3A_28 = vector.broadcast %max3A : f32 to vector<10000x32xf32>
    %max3A_29 = arith.maximumf %add3A_27, %max3A_28 : vector<10000x32xf32>
    %get3A_30 = arith.constant 0 : index
    %get3A_31 = arith.constant 0 : index
    %get3A_32 = vector.load %arg5[%get3A_30, %get3A_31] : memref<1x10000xi32, #tpu.memory_space<vmem>>, vector<1x10000xi32>
    %iota3A = tpu.iota {dimensions = array<i32: 0>} : vector<128x10000xi32>
    %eq3A = vector.broadcast %get3A_32 : vector<1x10000xi32> to vector<128x10000xi32>
    %eq3A_33 = arith.cmpi eq, %eq3A, %iota3A : vector<128x10000xi32>
    %convert_element_type3A = arith.extui %eq3A_33 : vector<128x10000xi1> to vector<128x10000xi32>
    %convert_element_type3A_34 = arith.sitofp %convert_element_type3A : vector<128x10000xi32> to vector<128x10000xf32>
    %dot_general3A_35 = arith.constant dense<0.000000e+00> : vector<128x32xf32>
    %dot_general3A_36 = tpu.matmul %convert_element_type3A_34, %max3A_29, %dot_general3A_35 {dimension_numbers = #tpu.dot_dimension_numbers<[1], [0], [0], [1], [0, 0, 1, 1], [], []>, transpose_lhs_hint = false} : vector<128x10000xf32>, vector<10000x32xf32>, vector<128x32xf32> -> vector<128x32xf32>
    %reduce_sum3A = arith.constant dense<0.000000e+00> : vector<128xf32>
    %reduce_sum3A_37 = vector.multi_reduction <add>, %convert_element_type3A_34, %reduce_sum3A [1] : vector<128x10000xf32> to vector<128xf32>
    %broadcast_in_dim3A = vector.shape_cast %reduce_sum3A_37 : vector<128xf32> to vector<128x1xf32>
    %max3A_38 = arith.constant 1.000000e+00 : f32
    %max3A_39 = vector.broadcast %max3A_38 : f32 to vector<128x1xf32>
    %max3A_40 = arith.maximumf %broadcast_in_dim3A, %max3A_39 : vector<128x1xf32>
    %div3A = vector.broadcast %max3A_40 : vector<128x1xf32> to vector<128x32xf32>
    %div3A_41 = arith.divf %dot_general3A_36, %div3A : vector<128x32xf32>
    %get3A_42 = arith.constant 0 : index
    %get3A_43 = arith.constant 0 : index
    %get3A_44 = vector.load %arg6[%get3A_42, %get3A_43] : memref<32x64xf32, #tpu.memory_space<vmem>>, vector<32x64xf32>
    %dot_general3A_45 = arith.constant dense<0.000000e+00> : vector<128x64xf32>
    %dot_general3A_46 = tpu.matmul %div3A_41, %get3A_44, %dot_general3A_45 {dimension_numbers = #tpu.dot_dimension_numbers<[1], [0], [0], [1], [0, 0, 1, 1], [], []>, transpose_lhs_hint = false} : vector<128x32xf32>, vector<32x64xf32>, vector<128x64xf32> -> vector<128x64xf32>
    %get3A_47 = arith.constant 0 : index
    %get3A_48 = arith.constant 0 : index
    %get3A_49 = vector.load %arg7[%get3A_47, %get3A_48] : memref<1x64xf32, #tpu.memory_space<vmem>>, vector<1x64xf32>
    %add3A_50 = vector.broadcast %get3A_49 : vector<1x64xf32> to vector<128x64xf32>
    %add3A_51 = arith.addf %dot_general3A_46, %add3A_50 : vector<128x64xf32>
    %max3A_52 = arith.constant 0.000000e+00 : f32
    %max3A_53 = vector.broadcast %max3A_52 : f32 to vector<128x64xf32>
    %max3A_54 = arith.maximumf %add3A_51, %max3A_53 : vector<128x64xf32>
    %get3A_55 = arith.constant 0 : index
    %get3A_56 = arith.constant 0 : index
    %get3A_57 = vector.load %arg8[%get3A_55, %get3A_56] : memref<64x10xf32, #tpu.memory_space<vmem>>, vector<64x10xf32>
    %dot_general3A_58 = arith.constant dense<0.000000e+00> : vector<128x10xf32>
    %dot_general3A_59 = tpu.matmul %max3A_54, %get3A_57, %dot_general3A_58 {dimension_numbers = #tpu.dot_dimension_numbers<[1], [0], [0], [1], [0, 0, 1, 1], [], []>, transpose_lhs_hint = false} : vector<128x64xf32>, vector<64x10xf32>, vector<128x10xf32> -> vector<128x10xf32>
    %get3A_60 = arith.constant 0 : index
    %get3A_61 = arith.constant 0 : index
    %get3A_62 = vector.load %arg9[%get3A_60, %get3A_61] : memref<1x10xf32, #tpu.memory_space<vmem>>, vector<1x10xf32>
    %add3A_63 = vector.broadcast %get3A_62 : vector<1x10xf32> to vector<128x10xf32>
    %add3A_64 = arith.addf %dot_general3A_59, %add3A_63 : vector<128x10xf32>
    %swap3A = arith.constant 0 : index
    %swap3A_65 = arith.constant 0 : index
    %swap3A_66 = vector.load %arg10[%swap3A, %swap3A_65] : memref<128x10xf32, #tpu.memory_space<vmem>>, vector<128x10xf32>
    tpu.vector_store %arg10[%swap3A, %swap3A_65], %add3A_64 {strides = array<i32>} : memref<128x10xf32, #tpu.memory_space<vmem>>, vector<128x10xf32>,
    return
  }
}

</mosaic_0001>

<sc_bundles>
// kernel: kernel.11.cloned.1.call-start
scs
__scs_entry_jumppad:
0x0: {  	(pc) =	sbr.rel $0x88, $3  }
0x1: {  	(tag) =	ssettag $0x0;
	lr =	simm.s32 $0x1  }
0x2: {  	[smem:$0x3F96] =	sst lr;
	_ =	strace $0xD0000000  }
0x3: {  	_ = 	snop  }
0x4: {  	_ = 	snop  }
0x5: {  	_ = 	snop  }
0x6: {  	_ = 	snop  }
0x7: {  	_ = 	snop  }
__scs_overlays_trampoline_lowered:
0x8: {  	[smem:$0x3FA5] =	sst s0  }
0x9: {  	[smem:$0x3FA6] =	sst s1  }
0xa: {  	[smem:$0x3FA7] =	sst s2  }
0xb: {  	[smem:$0x3FA8] =	sst s3  }
0xc: {  	[smem:$0x3FA9] =	sst s4  }
0xd: {  	[smem:$0x3FAA] =	sst s5  }
0xe: {  	[smem:$0x3FAB] =	sst s6  }
0xf: {  	[smem:$0x3FAC] =	sst s7  }
0x10: {  	[smem:$0x3FAD] =	sst s8  }
0x11: {  	[smem:$0x3FAE] =	sst s9;
	s0 =	simm.s32 @!p0 $0x0  }
0x12: {  	s1 =	sld [smem:$0x3F94];
	s0 =	simm.s32 @p0 $0x1  }
0x13: {  	[smem:$0x3FAF] =	sst s0;
	s0 =	simm.s32 @!p1 $0x0  }
0x14: {  	s2 =	sld [smem:$0x3F93];
	s0 =	simm.s32 @p1 $0x1  }
0x15: {  	[smem:$0x3FB0] =	sst s0;
	s0 =	simm.s32 @!p2 $0x0  }
0x16: {  	s3 =	sld [smem:$0x3FDB];
	s0 =	simm.s32 @p2 $0x1  }
0x17: {  	s4 =	simm.s32 $0x1BF5;
	[smem:$0x3FB2] =	sst s0  }
0x18: {  	s0 =	sld [smem:$0x3F95];
	_ =	swait.ge [sflag:s4], $0x0  }
0x19: {  	s7 =	sld [smem:$0x3F96]  }
0x1a: {  	s8 =	sadd.s32 $0xFFFFE003, lr  }
0x1b: {  	s9 =	sadd.s32 $0xFFFFFEF7, lr;
	s5 =	simm.s32 $0xFFFFFFFF;
	p2 =	slt.u32 s8, $0xFFFFF086  }
0x1c: {  	p1 =	slt.u32 s9, $0xF7A;
	s5 =	simm.s32 @!p2 $0x0  }
0x1d: {  	s5 =	simm.s32 @p1 $0x1;
	p0 =	seq.s32 s7, s2  }
0x1e: {  	s7 =	smul.u32 @!p0 $0xF7A, s2;
	p2 =	seq.s32 @!p0 s5, $0x0  }
0x1f: {  	s9 =	smul.u32 $0xF7A, s1;
	s8 =	simm.s32 @!p0 $0x1BF5;
	p2 =	por !p2, p0  }
0x20: {  	[sflag:s8] =	ssyncset.s32 @!p0 $0xFFFFF086;
	s6 =	sadd.s32 @!p0 s3, s7;
	s7 =	simm.s32 @!p0 $0x108  }
0x21: {  	s3 =	sadd.s32 s3, s9;
	s6 =	sadd.s32 @!p0 $0x88, s6;
	s7 =	simm.s32 @p2 $0x1082  }
0x22: {  	[simem:s7], [sflag:s8] =	dma.local @!p0 [hbm:s6], $0xF7A  }
0x23: {  	s9 =	sor.u32 $0xD0000000, s2;
	s6 =	simm.s32 $0x108;
	_ =	swait.ge @!p0 [sflag:s8], $0x0  }
0x24: {  	s3 =	sadd.s32 $0x88, s3;
	s6 =	simm.s32 @!p1 $0x1082;
	[sflag:s4] =	ssyncset.s32 $0xFFFFF086  }
0x25: {  	[simem:s6], [sflag:s4] =	dma.local [hbm:s3], $0xF7A  }
0x26: {  	[smem:$0x3F96] =	sst s1;
	(tag) =	ssettag s2;
	_ =	strace s9  }
0x27: {  	s1 =	sld [smem:$0x3FA6]  }
0x28: {  	s2 =	sld [smem:$0x3FA7]  }
0x29: {  	s4 =	sld [smem:$0x3FA9]  }
0x2a: {  	p0 =	seq.s32 s5, $0x0;
	s5 =	sld [smem:$0x3FAA]  }
0x2b: {  	s6 =	sld [smem:$0x3FAB]  }
0x2c: {  	s7 =	sld [smem:$0x3FAC]  }
0x2d: {  	s3 =	simm.s32 $0x108;
	s8 =	sld [smem:$0x3FAD]  }
0x2e: {  	s3 =	simm.s32 @!p0 $0x1082;
	s9 =	sld [smem:$0x3FAE]  }
0x2f: {  	lr =	sadd.s32 s0, s3;
	s0 =	sld [smem:$0x3FA5]  }
0x30: {  	s3 =	sld [smem:$0x3FA8]  }
0x31: {  	[smem:$0x3FB1] =	sst s10  }
0x32: {  	s10 =	sld [smem:$0x3FAF];
	_ =	sdelay $0x3  }
0x33: {  	p0 =	seq.s32 s10, $0x1;
	s10 =	sld [smem:$0x3FB1];
	_ =	sdelay $0x3  }
0x34: {  	[smem:$0x3FB1] =	sst s10  }
0x35: {  	s10 =	sld [smem:$0x3FB0];
	_ =	sdelay $0x3  }
0x36: {  	p1 =	seq.s32 s10, $0x1;
	s10 =	sld [smem:$0x3FB1];
	_ =	sdelay $0x3  }
0x37: {  	[smem:$0x3FB1] =	sst s10  }
0x38: {  	s10 =	sld [smem:$0x3FB2]  }
0x39: {  	_ = 	snop;
	(pc) =	sbr.ind lr, $3  }
0x3a: {  	_ = 	snop  }
0x3b: {  	_ = 	snop  }
0x3c: {  	p2 =	seq.s32 s10, $0x1;
	s10 =	sld [smem:$0x3FB1]  }
0x3d: {  	_ =	shalt  }
0x3e: {  	_ =	shalt  }
0x3f: {  	_ =	shalt  }
0x40: {  	_ =	shalt  }
0x41: {  	_ =	shalt  }
0x42: {  	_ =	shalt  }
0x43: {  	_ =	shalt  }
0x44: {  	_ =	shalt  }
0x45: {  	_ =	shalt  }
0x46: {  	_ =	shalt  }
0x47: {  	_ =	shalt  }
0x48: {  	_ =	shalt  }
0x49: {  	_ =	shalt  }
0x4a: {  	_ =	shalt  }
0x4b: {  	_ =	shalt  }
0x4c: {  	_ =	shalt  }
0x4d: {  	_ =	shalt  }
0x4e: {  	_ =	shalt  }
0x4f: {  	_ =	shalt  }
0x50: {  	_ =	shalt  }
0x51: {  	_ =	shalt  }
0x52: {  	_ =	shalt  }
0x53: {  	_ =	shalt  }
0x54: {  	_ =	shalt  }
0x55: {  	_ =	shalt  }
0x56: {  	_ =	shalt  }
0x57: {  	_ =	shalt  }
0x58: {  	_ =	shalt  }
0x59: {  	_ =	shalt  }
0x5a: {  	_ =	shalt  }
0x5b: {  	_ =	shalt  }
0x5c: {  	_ =	shalt  }
0x5d: {  	_ =	shalt  }
0x5e: {  	_ =	shalt  }
0x5f: {  	_ =	shalt  }
0x60: {  	_ =	shalt  }
0x61: {  	_ =	shalt  }
0x62: {  	_ =	shalt  }
0x63: {  	_ =	shalt  }
0x64: {  	_ =	shalt  }
0x65: {  	_ =	shalt  }
0x66: {  	_ =	shalt  }
0x67: {  	_ =	shalt  }
0x68: {  	_ =	shalt  }
0x69: {  	_ =	shalt  }
0x6a: {  	_ =	shalt  }
0x6b: {  	_ =	shalt  }
0x6c: {  	_ =	shalt  }
0x6d: {  	_ =	shalt  }
0x6e: {  	_ =	shalt  }
0x6f: {  	_ =	shalt  }
0x70: {  	_ =	shalt  }
0x71: {  	_ =	shalt  }
0x72: {  	_ =	shalt  }
0x73: {  	_ =	shalt  }
0x74: {  	_ =	shalt  }
0x75: {  	_ =	shalt  }
0x76: {  	_ =	shalt  }
0x77: {  	_ =	shalt  }
0x78: {  	_ =	shalt  }
0x79: {  	_ =	shalt  }
0x7a: {  	_ =	shalt  }
0x7b: {  	_ =	shalt  }
0x7c: {  	_ =	shalt  }
0x7d: {  	_ =	shalt  }
0x7e: {  	_ =	shalt  }
0x7f: {  	_ =	shalt  }
0x80: {  	_ =	shalt  }
0x81: {  	_ =	shalt  }
0x82: {  	_ =	shalt  }
0x83: {  	_ =	shalt  }
0x84: {  	_ =	shalt  }
0x85: {  	_ =	shalt  }
0x86: {  	_ =	shalt  }
0x87: {  	_ =	shalt  }
.Lfunc_end0:
.L_simem_size_0:
called_computation.1_lowered:
.L_overlay_start_0:
0x88: {  	s2 =	sld [smem:$0x3FD9]  }
0x89: {  	s3 =	sld [smem:$0x3FFE];
	_ =	sdelay $0x1  }
0x8a: {  	s1 =	srdreg.scid  }
0x8b: {  	s0 =	sand.u32 $0x1, s1  }
0x8c: {  	s16 =	sshll.u32 s0, $0xA;
	s2 =	sadd.s32 s3, s2  }
0x8d: {  	s2 =	sadd.s32 s2, s16  }
0x8e: {  	[smem:$0x3FBD] =	sst s2  }
0x8f: {  	_ = 	snop  }
0x90: {  	(tm) =	ssettm $0x1  }
0x91: {  	s17 =	sld [smem:$0x3FFB];
	_ =	sdelay $0x3  }
0x92: {  	_ =	strace s17  }
0x93: {  	s2 =	sld [smem:$0x3FFC];
	_ =	sdelay $0x3  }
0x94: {  	_ =	strace s2  }
0x95: {  	s2 =	sld [smem:$0x3FFD];
	_ =	sdelay $0x3  }
0x96: {  	_ =	strace s2  }
0x97: {  	_ =	strace $0x8FFFFFFF  }
0x98: {  	s18 =	sld [smem:$0x3FDB];
	_ =	sdelay $0x1  }
0x99: {  	s19 =	simm.s32 $_scs_section_size  }
0x9a: {  	s4 =	simm.s32 $_size__tile_overlayer_lowered;
	s5 =	simm.s32 $_tile_overlayer_lowered  }
0x9b: {  	s22 =	simm.s32 $0x1BFF;
	s21 =	sshll.u32 s5, $0x1;
	s2 =	sadd.s32 s19, s18  }
0x9c: {  	s6 =	simm.s32 $0x0;
	s20 =	sshll.u32 s4, $0x1;
	s4 =	sadd.s32 s21, s2  }
0x9d: {  	[timem:s6], [sflag:s22] =	dma.local [hbm:s4], s20  }
0x9e: {  	_ =	swait.ge [sflag:s22], s20  }
0x9f: {  	s3 =	ssub.s32 $0x0, s20;
	[sflag:s22] =	ssyncset.done $0x0  }
0xa0: {  	[sflag:s22] =	ssyncadd.s32 s3;
	_ =	sdelay $0x1  }
0xa1: {  	s23 =	simm.s32 $0x1B8B  }
0xa2: {  	_ =	swait.ge [sflag:s23], $0x1  }
0xa3: {  	[sflag:s23] =	ssyncset.done $0x0  }
0xa4: {  	s25 =	simm.s32 $0x1B8E;
	s24 =	sld [smem:$0x3FFE];
	[sflag:s23] =	ssyncadd.s32 $0xFFFFFFFF  }
0xa5: {  	s26 =	simm.s32 $execute0_lowered;
	[smem:$0x3FD2] =	sst s25  }
0xa6: {  	s4 =	sshll.u32 s26, $0x1;
	_ =	strace $0x80000049;
	[dreg:$0x1] =	wrdreg $0xFFFFFFFF  }
0xa7: {  	s28 =	simm.s32 $_size_execute0_lowered;
	s2 =	sadd.s32 s2, s4;
	[dreg:$0x0] =	wrdreg $0x0  }
0xa8: {  	s4 =	sshll.u32 s28, $0x1;
	[dreg:$0x2] =	wrdreg s2  }
0xa9: {  	[dreg:$0x3] =	wrdreg s4  }
0xaa: {  	[dreg:$0x4] =	wrdreg $0xC0  }
0xab: {  	_ =	task [dreg:s6], $0x5FFFF  }
0xac: {  	[dreg:$0x1] =	wrdreg $0xFFFFFFFF  }
0xad: {  	[dreg:$0x0] =	wrdreg $0x60  }
0xae: {  	[dreg:$0x2] =	wrdreg s24  }
0xaf: {  	[dreg:$0x3] =	wrdreg $0xD2F00  }
0xb0: {  	[dreg:$0x4] =	wrdreg $0x9  }
0xb1: {  	_ =	task.clear_ibuf [dreg:s6], $0x5FFFF;
	_ =	strace $0x90000049  }
0xb2: {  	s29 =	simm.s32 $0x9;
	_ =	strace $0x8000004B  }
0xb3: {  	_ =	swait.ge [sflag:s29], $0x1  }
0xb4: {  	[sflag:s29] =	ssyncadd.s32 $0xFFFFFFFF  }
0xb5: {  	_ =	strace $0x9000004B  }
0xb6: {  	_ =	sfence  }
0xb7: {  	s30 =	sld [smem:$0x0];
	_ =	sdelay $0x2  }
0xb8: {  	s31 =	sshll.u32 s1, $0xD;
	s1 =	sshrl.u32 s1, $0x2  }
0xb9: {  	s3 =	sand.u32 $0x4000, s31;
	s1 =	sadd.s32 s1, s30  }
0xba: {  	s0 =	sor.u32 s3, s0;
	s1 =	sshll.u32 s1, $0x11  }
0xbb: {  	s0 =	sor.u32 s1, s0  }
0xbc: {  	s0 =	sadd.s32 $0x8F2B, s0  }
0xbd: {  	[sflag:s0] =	ssyncadd.remote.s32 $0x1  }
0xbe: {  	_ =	sfence.sel $0xFFFF  }
0xbf: {  	[dreg:$0x0] =	wrdreg $0xFFFFFFFF;
	(pc) =	sbr.abs _section_cstart, $3  }
0xc0: {  	[dreg:$0x1] =	wrdreg $0xFFFFFFFF  }
0xc1: {  	_ =	task.clear_ibuf [dreg:s6], $0x2FFFF;
	_ =	strace $0x9FFFFFFF  }
0xc2: {  	(tm) =	ssettm $0x7FFFFFFF  }
0xc3: {  	_ =	shalt  }
tec
execute0_lowered:
.L_overlay_start_1:
0x0: {  	(tag) =	ssettag $0x1  }
0x1: {  	s0 =	rddreg [dreg:$0x0]  }
0x2: {  	s11 =	stileid.u32;
	s2 =	srdreg.scid  }
0x3: {  	s1 =	simm.s32 $0x0;
	s6 =	smul.u32 $0x2328, s11;
	s3 =	sand.u32 $0x1, s2  }
0x4: {  	[smem:$0x7FF] =	sst s1;
	s4 =	sadd.s32 $0x2000, s0;
	s2 =	ssub.s32 $0x2, s3  }
0x5: {  	s5 =	sadd.s32 $0xBE00, s0;
	s7 =	sshrl.u32 s6, $0x3;
	s8 =	sshrl.u32 s2, $0x1  }
0x6: {  	s10 =	sadd.s32 $0x2B368, s6;
	s12 =	sadd.s32 $0x2BB38, s6;
	s9 =	sadd.s32 $0x55F0, s7  }
0x7: {  	s18 =	sadd.s32 $0x2C308, s6;
	s6 =	sadd.s32 $0x2CAD8, s6;
	s25 =	sadd.s32 s4, s9  }
0x8: {  	s26 =	sshrl.u32 s10, $0x3;
	s9 =	sadd.s32 s5, s9;
	[dreg:$0x3] =	wrdreg s25  }
0x9: {  	s2 =	ssub.s32 s2, s8;
	s10 =	sadd.s32 s4, s26;
	[dreg:$0x4] =	wrdreg s9  }
0xa: {  	s13 =	sadd.s32 $0x56EA, s7;
	s8 =	sadd.s32 s5, s26;
	[dreg:$0x5] =	wrdreg s10  }
0xb: {  	s17 =	sadd.s32 $0x57E4, s7;
	s14 =	sadd.s32 s4, s13;
	[dreg:$0x6] =	wrdreg s8  }
0xc: {  	s21 =	sadd.s32 $0x58DE, s7;
	s19 =	sadd.s32 s4, s17;
	[dreg:$0x7] =	wrdreg s14  }
0xd: {  	s6 =	sshrl.u32 s6, $0x3;
	s22 =	sadd.s32 s4, s21;
	[dreg:$0xb] =	wrdreg s19  }
0xe: {  	s23 =	sadd.s32 s4, s6;
	[dreg:$0xf] =	wrdreg s22  }
0xf: {  	s24 =	sadd.s32 $0x59D8, s7;
	s6 =	sadd.s32 s5, s6;
	[dreg:$0x11] =	wrdreg s23  }
0x10: {  	s28 =	simm.s32 $0x9470;
	s26 =	sadd.s32 s4, s24;
	[dreg:$0x12] =	wrdreg s6  }
0x11: {  	s29 =	simm.s32 $0x2;
	s8 =	sadd.s32 s5, s13;
	[dreg:$0x13] =	wrdreg s26  }
0x12: {  	s9 =	sshrl.u32 s12, $0x3;
	s6 =	sadd.s32 s5, s24;
	[dreg:$0x8] =	wrdreg s8  }
0x13: {  	s30 =	simm.s32 $0x3;
	s15 =	sadd.s32 s4, s9;
	[dreg:$0x14] =	wrdreg s6  }
0x14: {  	s20 =	sshrl.u32 s18, $0x3;
	s16 =	sadd.s32 s5, s9;
	[dreg:$0x9] =	wrdreg s15  }
0x15: {  	s31 =	simm.s32 $0x4;
	s9 =	sadd.s32 s4, s20;
	[dreg:$0xa] =	wrdreg s16  }
0x16: {  	s8 =	sadd.s32 s5, s17;
	[dreg:$0xd] =	wrdreg s9;
	s9 =	smul.u32 $0x2AF8, s11  }
0x17: {  	p0 =	sne.s32 s3, $0x0;
	[dreg:$0xc] =	wrdreg s8;
	s8 =	sadd.s32 s5, s20  }
0x18: {  	[dreg:$0xe] =	wrdreg s8;
	s8 =	sadd.s32 s5, s21;
	s25 =	sadd.s32 $0x3E8, s9  }
0x19: {  	[dreg:$0x10] =	wrdreg s8;
	s7 =	sshrl.u32 s9, $0x3;
	s10 =	sshrl.u32 s25, $0x3  }
0x1a: {  	s13 =	sadd.s32 $0xBB8, s9;
	s19 =	sadd.s32 $0x1388, s9;
	s12 =	sadd.s32 s4, s10  }
0x1b: {  	s15 =	sadd.s32 $0xFA, s7;
	s6 =	sadd.s32 s5, s10;
	[dreg:$0x15] =	wrdreg s12  }
0x1c: {  	s23 =	sadd.s32 $0x1B58, s9;
	s16 =	sadd.s32 s4, s15;
	[dreg:$0x16] =	wrdreg s6  }
0x1d: {  	s14 =	sshrl.u32 s13, $0x3;
	s8 =	sadd.s32 s5, s15;
	[dreg:$0x17] =	wrdreg s16  }
0x1e: {  	s18 =	sadd.s32 $0x1F4, s7;
	s17 =	sadd.s32 s4, s14;
	[dreg:$0x18] =	wrdreg s8  }
0x1f: {  	s22 =	sadd.s32 $0x2EE, s7;
	s20 =	sadd.s32 s4, s18;
	[dreg:$0x19] =	wrdreg s17  }
0x20: {  	s24 =	sshrl.u32 s23, $0x3;
	s25 =	sadd.s32 s4, s22;
	[dreg:$0x1b] =	wrdreg s20  }
0x21: {  	s26 =	sadd.s32 $0x2328, s9;
	s10 =	sadd.s32 s4, s24;
	[dreg:$0x1f] =	wrdreg s25  }
0x22: {  	s21 =	sshrl.u32 s19, $0x3;
	s6 =	sadd.s32 s5, s14;
	[smem:$0x7F1] =	sst s10  }
0x23: {  	s13 =	sadd.s32 $0x3E8, s7;
	s8 =	sadd.s32 s4, s21;
	[dreg:$0x1a] =	wrdreg s6  }
0x24: {  	s19 =	smul.u32 $0x28000, s3;
	s14 =	sadd.s32 s4, s13;
	[dreg:$0x1d] =	wrdreg s8  }
0x25: {  	s12 =	sshrl.u32 s26, $0x3;
	s17 =	sadd.s32 s4, s7;
	[smem:$0x7F3] =	sst s14  }
0x26: {  	s16 =	smul.u32 $0x2800, s11;
	s6 =	sadd.s32 s5, s18;
	[smem:$0x7F7] =	sst s17  }
0x27: {  	s25 =	sshll.u32 s11, $0x6;
	s8 =	sadd.s32 s5, s22;
	[dreg:$0x1c] =	wrdreg s6  }
0x28: {  	s15 =	sadd.s32 s4, s12;
	s18 =	sadd.s32 s5, s7;
	[smem:$0x7F0] =	sst s8  }
0x29: {  	s7 =	sadd.s32 $0x4E2, s7;
	s6 =	sadd.s32 s5, s21;
	[smem:$0x7F5] =	sst s15  }
0x2a: {  	s8 =	sadd.s32 s5, s13;
	[smem:$0x7F8] =	sst s18;
	s4 =	sadd.s32 s4, s7  }
0x2b: {  	s20 =	sadd.s32 s5, s7;
	s21 =	sadd.s32 s16, s19;
	[dreg:$0x1e] =	wrdreg s6  }
0x2c: {  	s22 =	sshrl.u32 s16, $0x3;
	s13 =	sadd.s32 $0x1AC00, s0;
	[smem:$0x7F4] =	sst s8  }
0x2d: {  	s18 =	smax.u32 s2, $0x1;
	s19 =	simm.s32 $0x5;
	[smem:$0x7F9] =	sst s4  }
0x2e: {  	s6 =	sadd.s32 s5, s24;
	[smem:$0x7FA] =	sst s20;
	s3 =	sshrl.u32 s21, $0x3  }
0x2f: {  	s4 =	sadd.s32 s22, s0;
	s21 =	simm.s32 $0x3E8;
	[smem:$0x7F2] =	sst s6  }
.Ltmp0:
0x30: {  	s6 =	sadd.s32 s5, s12;
	s12 =	rddreg [dreg:$0x1];
	(pc) =	sbr.rel .LBB2_1-.Ltmp0, $4  }
0x31: {  	s3 =	sadd.s32 s3, s0;
	[smem:$0x7F6] =	sst s6;
	s23 =	sadd.s32 s16, s12  }
0x32: {  	s24 =	sadd.s32 $0x15C00, s4;
	_ =	strace $0x8000004A;
	[smem:$0x7FB] =	sst s23  }
0x33: {  	s16 =	sor.u32 $0x1C05, s25;
	s26 =	sadd.s32 $0x1FC00, s3;
	[smem:$0x7FC] =	sst s24  }
0x34: {  	s25 =	simm.s32 $0x55F0;
	[smem:$0x7FD] =	sst s26;
	s26 =	simm.s32 $0x1  }
.LBB2_3:
0x35: {  	s2 =	rddreg [dreg:$0x3]  }
0x36: {  	[tilespmem:s1], [sflag:$0x5] =	stream.linear.gather [hbm4b:s2+s1], $0x3E8, $0x38;
	[tilespmem:$0xFAF0] =	vst v63  }
0x37: {  	_ =	swait.ge [sflag:s19], $0x3E8  }
0x38: {  	[sflag:s19] =	ssyncset.done $0x0  }
0x39: {  	s3 =	simm.s32 $0x2AF8;
	s11 =	rddreg [dreg:$0x4];
	[sflag:s19] =	ssyncadd.s32 $0xFFFFFC18  }
0x3a: {  	[tilespmem:s3], [sflag:$0x5] =	stream.linear.gather [hbm4b:s11+s1], $0x3E8, $0x38;
	[tilespmem:$0xFAF0] =	vst v63  }
0x3b: {  	_ =	swait.ge [sflag:s19], $0x3E8  }
0x3c: {  	[sflag:s19] =	ssyncset.done $0x0  }
0x3d: {  	s2 =	simm.s32 $0x3E8;
	s14 =	rddreg [dreg:$0x5];
	[sflag:s19] =	ssyncadd.s32 $0xFFFFFC18  }
0x3e: {  	[tilespmem:s2], [sflag:$0x5] =	stream.linear.gather [hbm4b:s14+s1], $0x3E8, $0x38;
	[tilespmem:$0xFAF0] =	vst v63  }
0x3f: {  	_ =	swait.ge [sflag:s19], $0x3E8  }
0x40: {  	[sflag:s19] =	ssyncset.done $0x0  }
0x41: {  	s3 =	simm.s32 $0x2EE0;
	s4 =	rddreg [dreg:$0x6];
	[sflag:s19] =	ssyncadd.s32 $0xFFFFFC18  }
0x42: {  	[tilespmem:s3], [sflag:$0x5] =	stream.linear.gather [hbm4b:s4+s1], $0x3E8, $0x38;
	[tilespmem:$0xFAF0] =	vst v63  }
0x43: {  	_ =	swait.ge [sflag:s19], $0x3E8  }
0x44: {  	[sflag:s19] =	ssyncset.done $0x0  }
0x45: {  	s4 =	simm.s32 $0x7D0;
	s5 =	rddreg [dreg:$0x7];
	[sflag:s19] =	ssyncadd.s32 $0xFFFFFC18  }
0x46: {  	[tilespmem:s4], [sflag:$0x5] =	stream.linear.gather [hbm4b:s5+s1], $0x3E8, $0x38;
	[tilespmem:$0xFAF0] =	vst v63  }
0x47: {  	_ =	swait.ge [sflag:s19], $0x3E8  }
0x48: {  	[sflag:s19] =	ssyncset.done $0x0  }
0x49: {  	s5 =	simm.s32 $0x32C8;
	s6 =	rddreg [dreg:$0x8];
	[sflag:s19] =	ssyncadd.s32 $0xFFFFFC18  }
0x4a: {  	[tilespmem:s5], [sflag:$0x5] =	stream.linear.gather [hbm4b:s6+s1], $0x3E8, $0x38;
	[tilespmem:$0xFAF0] =	vst v63  }
0x4b: {  	_ =	swait.ge [sflag:s19], $0x3E8  }
0x4c: {  	[sflag:s19] =	ssyncset.done $0x0  }
0x4d: {  	s6 =	simm.s32 $0xBB8;
	s7 =	rddreg [dreg:$0x9];
	[sflag:s19] =	ssyncadd.s32 $0xFFFFFC18  }
0x4e: {  	[tilespmem:s6], [sflag:$0x5] =	stream.linear.gather [hbm4b:s7+s1], $0x3E8, $0x38;
	[tilespmem:$0xFAF0] =	vst v63  }
0x4f: {  	_ =	swait.ge [sflag:s19], $0x3E8  }
0x50: {  	[sflag:s19] =	ssyncset.done $0x0  }
0x51: {  	s7 =	simm.s32 $0x36B0;
	s8 =	rddreg [dreg:$0xa];
	[sflag:s19] =	ssyncadd.s32 $0xFFFFFC18  }
0x52: {  	[tilespmem:s7], [sflag:$0x5] =	stream.linear.gather [hbm4b:s8+s1], $0x3E8, $0x38;
	[tilespmem:$0xFAF0] =	vst v63  }
0x53: {  	_ =	swait.ge [sflag:s19], $0x3E8  }
0x54: {  	[sflag:s19] =	ssyncset.done $0x0  }
0x55: {  	s8 =	simm.s32 $0xFA0;
	s9 =	rddreg [dreg:$0xb];
	[sflag:s19] =	ssyncadd.s32 $0xFFFFFC18  }
0x56: {  	[tilespmem:s8], [sflag:$0x5] =	stream.linear.gather [hbm4b:s9+s1], $0x3E8, $0x38;
	[tilespmem:$0xFAF0] =	vst v63  }
0x57: {  	_ =	swait.ge [sflag:s19], $0x3E8  }
0x58: {  	[sflag:s19] =	ssyncset.done $0x0  }
0x59: {  	s9 =	simm.s32 $0x3A98;
	s10 =	rddreg [dreg:$0xc];
	[sflag:s19] =	ssyncadd.s32 $0xFFFFFC18  }
0x5a: {  	[tilespmem:s9], [sflag:$0x5] =	stream.linear.gather [hbm4b:s10+s1], $0x3E8, $0x38;
	[tilespmem:$0xFAF0] =	vst v63  }
0x5b: {  	_ =	swait.ge [sflag:s19], $0x3E8  }
0x5c: {  	[sflag:s19] =	ssyncset.done $0x0  }
0x5d: {  	s10 =	simm.s32 $0x1388;
	s11 =	rddreg [dreg:$0xd];
	[sflag:s19] =	ssyncadd.s32 $0xFFFFFC18  }
0x5e: {  	[tilespmem:s10], [sflag:$0x5] =	stream.linear.gather [hbm4b:s11+s1], $0x3E8, $0x38;
	[tilespmem:$0xFAF0] =	vst v63  }
0x5f: {  	_ =	swait.ge [sflag:s19], $0x3E8  }
0x60: {  	[sflag:s19] =	ssyncset.done $0x0  }
0x61: {  	s11 =	simm.s32 $0x3E80;
	s14 =	rddreg [dreg:$0xe];
	[sflag:s19] =	ssyncadd.s32 $0xFFFFFC18  }
0x62: {  	[tilespmem:s11], [sflag:$0x5] =	stream.linear.gather [hbm4b:s14+s1], $0x3E8, $0x38;
	[tilespmem:$0xFAF0] =	vst v63  }
0x63: {  	_ =	swait.ge [sflag:s19], $0x3E8  }
0x64: {  	[sflag:s19] =	ssyncset.done $0x0  }
0x65: {  	s22 =	simm.s32 $0x1770;
	s15 =	rddreg [dreg:$0xf];
	[sflag:s19] =	ssyncadd.s32 $0xFFFFFC18  }
0x66: {  	[tilespmem:s22], [sflag:$0x5] =	stream.linear.gather [hbm4b:s15+s1], $0x3E8, $0x38;
	[tilespmem:$0xFAF0] =	vst v63  }
0x67: {  	_ =	swait.ge [sflag:s19], $0x3E8  }
0x68: {  	[sflag:s19] =	ssyncset.done $0x0  }
0x69: {  	s23 =	simm.s32 $0x4268;
	s17 =	rddreg [dreg:$0x10];
	[sflag:s19] =	ssyncadd.s32 $0xFFFFFC18  }
0x6a: {  	[tilespmem:s23], [sflag:$0x5] =	stream.linear.gather [hbm4b:s17+s1], $0x3E8, $0x38;
	[tilespmem:$0xFAF0] =	vst v63  }
0x6b: {  	_ =	swait.ge [sflag:s19], $0x3E8  }
0x6c: {  	[sflag:s19] =	ssyncset.done $0x0  }
0x6d: {  	s24 =	simm.s32 $0x1B58;
	s20 =	rddreg [dreg:$0x11];
	[sflag:s19] =	ssyncadd.s32 $0xFFFFFC18  }
0x6e: {  	[tilespmem:s24], [sflag:$0x5] =	stream.linear.gather [hbm4b:s20+s1], $0x3E8, $0x38;
	[tilespmem:$0xFAF0] =	vst v63  }
0x6f: {  	_ =	swait.ge [sflag:s19], $0x3E8  }
0x70: {  	[sflag:s19] =	ssyncset.done $0x0  }
0x71: {  	s14 =	simm.s32 $0x4650;
	s15 =	rddreg [dreg:$0x12];
	[sflag:s19] =	ssyncadd.s32 $0xFFFFFC18  }
0x72: {  	[tilespmem:s14], [sflag:$0x5] =	stream.linear.gather [hbm4b:s15+s1], $0x3E8, $0x38;
	[tilespmem:$0xFAF0] =	vst v63  }
0x73: {  	_ =	swait.ge [sflag:s19], $0x3E8  }
0x74: {  	[sflag:s19] =	ssyncset.done $0x0  }
0x75: {  	s15 =	simm.s32 $0x1F40;
	s20 =	rddreg [dreg:$0x13];
	[sflag:s19] =	ssyncadd.s32 $0xFFFFFC18  }
0x76: {  	[tilespmem:s15], [sflag:$0x5] =	stream.linear.gather [hbm4b:s20+s1], $0x3E8, $0x38;
	[tilespmem:$0xFAF0] =	vst v63  }
0x77: {  	_ =	swait.ge [sflag:s19], $0x3E8  }
0x78: {  	[sflag:s19] =	ssyncset.done $0x0  }
0x79: {  	s20 =	simm.s32 $0x4A38;
	s17 =	rddreg [dreg:$0x14];
	[sflag:s19] =	ssyncadd.s32 $0xFFFFFC18  }
0x7a: {  	[tilespmem:s20], [sflag:$0x5] =	stream.linear.gather [hbm4b:s17+s1], $0x3E8, $0x38;
	[tilespmem:$0xFAF0] =	vst v63  }
0x7b: {  	_ =	swait.ge [sflag:s19], $0x3E8  }
0x7c: {  	[sflag:s19] =	ssyncset.done $0x0  }
0x7d: {  	[sflag:s19] =	ssyncadd.s32 $0xFFFFFC18  }
0x7e: {  	[bflag:$0x0] =	sbarrier.arrive $0xFFFF  }
0x7f: {  	[tilespmem:s25], [sflag:$0x1] =	stream.indirect.gather [hbm4b:s13+s2], $0x10, s1, s2, $0xb8;
	[tilespmem:$0xFAF0] =	vst v63  }
0x80: {  	_ =	swait.ge [sflag:s26], $0x3E80  }
0x81: {  	[sflag:s26] =	ssyncset.done $0x0  }
0x82: {  	s17 =	simm.s32 $0x2AF8;
	[sflag:s26] =	ssyncadd.s32 $0xFFFFC180  }
0x83: {  	[spmem:s12] =	stream.indirect.scatter.add.f32 [tilespmem:s25], [sflag:$0x3], $0x10, s17, s2, $0xb8;
	[tilespmem:$0xFAF0] =	vst v63  }
.LBB2_4:
0x84: {  	[tilespmem:s28], [sflag:$0x2] =	stream.indirect.gather [hbm4b:s13+s21], $0x10, s2, s21, $0xb8;
	[tilespmem:$0xFAF0] =	vst v63  }
0x85: {  	_ =	swait.ge [sflag:s29], $0x3E80  }
0x86: {  	[sflag:s29] =	ssyncset.done $0x0  }
0x87: {  	[sflag:s29] =	ssyncadd.s32 $0xFFFFC180  }
0x88: {  	[spmem:s12] =	stream.indirect.scatter.add.f32 [tilespmem:s28], [sflag:$0x4], $0x10, s3, s21, $0xb8;
	[tilespmem:$0xFAF0] =	vst v63  }
0x89: {  	_ =	swait.ge [sflag:s30], $0x3E80  }
0x8a: {  	[sflag:s30] =	ssyncset.done $0x0  }
0x8b: {  	[sflag:s30] =	ssyncadd.s32 $0xFFFFC180  }
0x8c: {  	[tilespmem:s25], [sflag:$0x1] =	stream.indirect.gather [hbm4b:s13+s21], $0x10, s4, s21, $0xb8;
	[tilespmem:$0xFAF0] =	vst v63  }
0x8d: {  	_ =	swait.ge [sflag:s26], $0x3E80  }
0x8e: {  	[sflag:s26] =	ssyncset.done $0x0  }
0x8f: {  	[sflag:s26] =	ssyncadd.s32 $0xFFFFC180  }
0x90: {  	[spmem:s12] =	stream.indirect.scatter.add.f32 [tilespmem:s25], [sflag:$0x3], $0x10, s5, s21, $0xb8;
	[tilespmem:$0xFAF0] =	vst v63  }
0x91: {  	_ =	swait.ge [sflag:s31], $0x3E80  }
0x92: {  	[sflag:s31] =	ssyncset.done $0x0  }
0x93: {  	[sflag:s31] =	ssyncadd.s32 $0xFFFFC180  }
0x94: {  	[tilespmem:s28], [sflag:$0x2] =	stream.indirect.gather [hbm4b:s13+s21], $0x10, s6, s21, $0xb8;
	[tilespmem:$0xFAF0] =	vst v63  }
0x95: {  	_ =	swait.ge [sflag:s29], $0x3E80  }
0x96: {  	[sflag:s29] =	ssyncset.done $0x0  }
0x97: {  	[sflag:s29] =	ssyncadd.s32 $0xFFFFC180  }
0x98: {  	[spmem:s12] =	stream.indirect.scatter.add.f32 [tilespmem:s28], [sflag:$0x4], $0x10, s7, s21, $0xb8;
	[tilespmem:$0xFAF0] =	vst v63  }
0x99: {  	_ =	swait.ge [sflag:s30], $0x3E80  }
0x9a: {  	[sflag:s30] =	ssyncset.done $0x0  }
0x9b: {  	[sflag:s30] =	ssyncadd.s32 $0xFFFFC180  }
0x9c: {  	[tilespmem:s25], [sflag:$0x1] =	stream.indirect.gather [hbm4b:s13+s21], $0x10, s8, s21, $0xb8;
	[tilespmem:$0xFAF0] =	vst v63  }
0x9d: {  	_ =	swait.ge [sflag:s26], $0x3E80  }
0x9e: {  	[sflag:s26] =	ssyncset.done $0x0  }
0x9f: {  	[sflag:s26] =	ssyncadd.s32 $0xFFFFC180  }
0xa0: {  	[spmem:s12] =	stream.indirect.scatter.add.f32 [tilespmem:s25], [sflag:$0x3], $0x10, s9, s21, $0xb8;
	[tilespmem:$0xFAF0] =	vst v63  }
0xa1: {  	_ =	swait.ge [sflag:s31], $0x3E80  }
0xa2: {  	[sflag:s31] =	ssyncset.done $0x0  }
0xa3: {  	[sflag:s31] =	ssyncadd.s32 $0xFFFFC180  }
0xa4: {  	[tilespmem:s28], [sflag:$0x2] =	stream.indirect.gather [hbm4b:s13+s21], $0x10, s10, s21, $0xb8;
	[tilespmem:$0xFAF0] =	vst v63  }
0xa5: {  	_ =	swait.ge [sflag:s29], $0x3E80  }
0xa6: {  	[sflag:s29] =	ssyncset.done $0x0  }
0xa7: {  	[sflag:s29] =	ssyncadd.s32 $0xFFFFC180  }
0xa8: {  	[spmem:s12] =	stream.indirect.scatter.add.f32 [tilespmem:s28], [sflag:$0x4], $0x10, s11, s21, $0xb8;
	[tilespmem:$0xFAF0] =	vst v63  }
0xa9: {  	_ =	swait.ge [sflag:s30], $0x3E80  }
0xaa: {  	[sflag:s30] =	ssyncset.done $0x0  }
0xab: {  	[sflag:s30] =	ssyncadd.s32 $0xFFFFC180  }
0xac: {  	[tilespmem:s25], [sflag:$0x1] =	stream.indirect.gather [hbm4b:s13+s21], $0x10, s22, s21, $0xb8;
	[tilespmem:$0xFAF0] =	vst v63  }
0xad: {  	_ =	swait.ge [sflag:s26], $0x3E80  }
0xae: {  	[sflag:s26] =	ssyncset.done $0x0  }
0xaf: {  	[sflag:s26] =	ssyncadd.s32 $0xFFFFC180  }
0xb0: {  	[spmem:s12] =	stream.indirect.scatter.add.f32 [tilespmem:s25], [sflag:$0x3], $0x10, s23, s21, $0xb8;
	[tilespmem:$0xFAF0] =	vst v63  }
0xb1: {  	_ =	swait.ge [sflag:s31], $0x3E80  }
0xb2: {  	[sflag:s31] =	ssyncset.done $0x0  }
0xb3: {  	[sflag:s31] =	ssyncadd.s32 $0xFFFFC180  }
0xb4: {  	[tilespmem:s28], [sflag:$0x2] =	stream.indirect.gather [hbm4b:s13+s21], $0x10, s24, s21, $0xb8;
	[tilespmem:$0xFAF0] =	vst v63  }
0xb5: {  	_ =	swait.ge [sflag:s29], $0x3E80  }
0xb6: {  	[sflag:s29] =	ssyncset.done $0x0  }
0xb7: {  	[sflag:s29] =	ssyncadd.s32 $0xFFFFC180  }
0xb8: {  	[spmem:s12] =	stream.indirect.scatter.add.f32 [tilespmem:s28], [sflag:$0x4], $0x10, s14, s21, $0xb8;
	[tilespmem:$0xFAF0] =	vst v63  }
0xb9: {  	_ =	swait.ge [sflag:s30], $0x3E80  }
0xba: {  	[sflag:s30] =	ssyncset.done $0x0  }
0xbb: {  	[sflag:s30] =	ssyncadd.s32 $0xFFFFC180  }
0xbc: {  	[tilespmem:s25], [sflag:$0x1] =	stream.indirect.gather [hbm4b:s13+s21], $0x10, s15, s21, $0xb8;
	[tilespmem:$0xFAF0] =	vst v63  }
0xbd: {  	_ =	swait.ge [sflag:s26], $0x3E80  }
0xbe: {  	[sflag:s26] =	ssyncset.done $0x0  }
0xbf: {  	[sflag:s26] =	ssyncadd.s32 $0xFFFFC180  }
0xc0: {  	[spmem:s12] =	stream.indirect.scatter.add.f32 [tilespmem:s25], [sflag:$0x3], $0x10, s20, s21, $0xb8;
	[tilespmem:$0xFAF0] =	vst v63  }
0xc1: {  	_ =	swait.ge [sflag:s31], $0x3E80  }
0xc2: {  	[sflag:s31] =	ssyncset.done $0x0  }
0xc3: {  	[sflag:s31] =	ssyncadd.s32 $0xFFFFC180  }
0xc4: {  	_ =	swait.ge [sflag:s30], $0x3E80  }
0xc5: {  	[sflag:s30] =	ssyncset.done $0x0  }
0xc6: {  	[sflag:s30] =	ssyncadd.s32 $0xFFFFC180  }
0xc7: {  	[bflag:$0x0] =	sbarrier.arrive $0xFFFF  }
0xc8: {  	s18 =	sadd.s32 $0xFFFFFFFF, s18;
	s24 =	sld [smem:$0x7FD]  }
0xc9: {  	p1 =	sne.s32 s18, $0x0  }
.Ltmp1:
0xca: {  	_ = 	snop;
	(pc) =	sbr.rel @!p1 .LBB2_5-.Ltmp1, $4  }
0xcb: {  	[hbm:s24], [sflag:s16] =	dma.local [spmem:s0], $0x500  }
0xcc: {  	_ =	swait.ge [sflag:s19], $0x500  }
0xcd: {  	[sflag:s19] =	ssyncset.done $0x0  }
0xce: {  	[sflag:s19] =	ssyncadd.s32 $0xFFFFFB00  }
.LBB2_1:
0xcf: {  	s0 =	sld [smem:$0x7FB]  }
0xd0: {  	s2 =	sld [smem:$0x7FC];
	_ =	sdelay $0x1  }
.Ltmp2:
0xd1: {  	s0 =	sshrl.u32 s0, $0x3;
	(pc) =	sbr.rel @p0 .LBB2_3-.Ltmp2, $4  }
0xd2: {  	[spmem:s0], [sflag:s16] =	dma.local [hbm:s2], $0x500  }
0xd3: {  	_ =	swait.ge [sflag:s19], $0x500  }
0xd4: {  	[sflag:s19] =	ssyncset.done $0x0  }
0xd5: {  	[sflag:s19] =	ssyncadd.s32 $0xFFFFFB00  }
0xd6: {  	s2 =	sld [smem:$0x7F7];
	_ =	sdelay $0x2  }
0xd7: {  	[tilespmem:s1], [sflag:$0x5] =	stream.linear.gather [hbm4b:s2+s1], $0x3E8, $0x38;
	[tilespmem:$0xFAF0] =	vst v63  }
0xd8: {  	_ =	swait.ge [sflag:s19], $0x3E8  }
0xd9: {  	s4 =	sld [smem:$0x7F8]  }
0xda: {  	[sflag:s19] =	ssyncset.done $0x0  }
0xdb: {  	s3 =	simm.s32 $0x2AF8;
	[sflag:s19] =	ssyncadd.s32 $0xFFFFFC18  }
0xdc: {  	[tilespmem:s3], [sflag:$0x5] =	stream.linear.gather [hbm4b:s4+s1], $0x3E8, $0x38;
	[tilespmem:$0xFAF0] =	vst v63  }
0xdd: {  	_ =	swait.ge [sflag:s19], $0x3E8  }
0xde: {  	[sflag:s19] =	ssyncset.done $0x0  }
0xdf: {  	s5 =	rddreg [dreg:$0x15];
	[sflag:s19] =	ssyncadd.s32 $0xFFFFFC18  }
0xe0: {  	[tilespmem:s21], [sflag:$0x5] =	stream.linear.gather [hbm4b:s5+s1], $0x3E8, $0x38;
	[tilespmem:$0xFAF0] =	vst v63  }
0xe1: {  	_ =	swait.ge [sflag:s19], $0x3E8  }
0xe2: {  	[sflag:s19] =	ssyncset.done $0x0  }
0xe3: {  	s7 =	simm.s32 $0x2EE0;
	s6 =	rddreg [dreg:$0x16];
	[sflag:s19] =	ssyncadd.s32 $0xFFFFFC18  }
0xe4: {  	[tilespmem:s7], [sflag:$0x5] =	stream.linear.gather [hbm4b:s6+s1], $0x3E8, $0x38;
	[tilespmem:$0xFAF0] =	vst v63  }
0xe5: {  	_ =	swait.ge [sflag:s19], $0x3E8  }
0xe6: {  	[sflag:s19] =	ssyncset.done $0x0  }
0xe7: {  	s9 =	simm.s32 $0x7D0;
	s8 =	rddreg [dreg:$0x17];
	[sflag:s19] =	ssyncadd.s32 $0xFFFFFC18  }
0xe8: {  	[tilespmem:s9], [sflag:$0x5] =	stream.linear.gather [hbm4b:s8+s1], $0x3E8, $0x38;
	[tilespmem:$0xFAF0] =	vst v63  }
0xe9: {  	_ =	swait.ge [sflag:s19], $0x3E8  }
0xea: {  	[sflag:s19] =	ssyncset.done $0x0  }
0xeb: {  	s11 =	simm.s32 $0x32C8;
	s10 =	rddreg [dreg:$0x18];
	[sflag:s19] =	ssyncadd.s32 $0xFFFFFC18  }
0xec: {  	[tilespmem:s11], [sflag:$0x5] =	stream.linear.gather [hbm4b:s10+s1], $0x3E8, $0x38;
	[tilespmem:$0xFAF0] =	vst v63  }
0xed: {  	_ =	swait.ge [sflag:s19], $0x3E8  }
0xee: {  	[sflag:s19] =	ssyncset.done $0x0  }
0xef: {  	s2 =	simm.s32 $0xBB8;
	s14 =	rddreg [dreg:$0x19];
	[sflag:s19] =	ssyncadd.s32 $0xFFFFFC18  }
0xf0: {  	[tilespmem:s2], [sflag:$0x5] =	stream.linear.gather [hbm4b:s14+s1], $0x3E8, $0x38;
	[tilespmem:$0xFAF0] =	vst v63  }
0xf1: {  	_ =	swait.ge [sflag:s19], $0x3E8  }
0xf2: {  	[sflag:s19] =	ssyncset.done $0x0  }
0xf3: {  	s3 =	simm.s32 $0x36B0;
	s4 =	rddreg [dreg:$0x1a];
	[sflag:s19] =	ssyncadd.s32 $0xFFFFFC18  }
0xf4: {  	[tilespmem:s3], [sflag:$0x5] =	stream.linear.gather [hbm4b:s4+s1], $0x3E8, $0x38;
	[tilespmem:$0xFAF0] =	vst v63  }
0xf5: {  	_ =	swait.ge [sflag:s19], $0x3E8  }
0xf6: {  	[sflag:s19] =	ssyncset.done $0x0  }
0xf7: {  	s4 =	simm.s32 $0xFA0;
	s5 =	rddreg [dreg:$0x1b];
	[sflag:s19] =	ssyncadd.s32 $0xFFFFFC18  }
0xf8: {  	[tilespmem:s4], [sflag:$0x5] =	stream.linear.gather [hbm4b:s5+s1], $0x3E8, $0x38;
	[tilespmem:$0xFAF0] =	vst v63  }
0xf9: {  	_ =	swait.ge [sflag:s19], $0x3E8  }
0xfa: {  	[sflag:s19] =	ssyncset.done $0x0  }
0xfb: {  	s5 =	simm.s32 $0x3A98;
	s6 =	rddreg [dreg:$0x1c];
	[sflag:s19] =	ssyncadd.s32 $0xFFFFFC18  }
0xfc: {  	[tilespmem:s5], [sflag:$0x5] =	stream.linear.gather [hbm4b:s6+s1], $0x3E8, $0x38;
	[tilespmem:$0xFAF0] =	vst v63  }
0xfd: {  	_ =	swait.ge [sflag:s19], $0x3E8  }
0xfe: {  	[sflag:s19] =	ssyncset.done $0x0  }
0xff: {  	s6 =	simm.s32 $0x1388;
	s7 =	rddreg [dreg:$0x1d];
	[sflag:s19] =	ssyncadd.s32 $0xFFFFFC18  }
0x100: {  	[tilespmem:s6], [sflag:$0x5] =	stream.linear.gather [hbm4b:s7+s1], $0x3E8, $0x38;
	[tilespmem:$0xFAF0] =	vst v63  }
0x101: {  	_ =	swait.ge [sflag:s19], $0x3E8  }
0x102: {  	[sflag:s19] =	ssyncset.done $0x0  }
0x103: {  	s7 =	simm.s32 $0x3E80;
	s8 =	rddreg [dreg:$0x1e];
	[sflag:s19] =	ssyncadd.s32 $0xFFFFFC18  }
0x104: {  	[tilespmem:s7], [sflag:$0x5] =	stream.linear.gather [hbm4b:s8+s1], $0x3E8, $0x38;
	[tilespmem:$0xFAF0] =	vst v63  }
0x105: {  	_ =	swait.ge [sflag:s19], $0x3E8  }
0x106: {  	[sflag:s19] =	ssyncset.done $0x0  }
0x107: {  	s8 =	simm.s32 $0x1770;
	s9 =	rddreg [dreg:$0x1f];
	[sflag:s19] =	ssyncadd.s32 $0xFFFFFC18  }
0x108: {  	[tilespmem:s8], [sflag:$0x5] =	stream.linear.gather [hbm4b:s9+s1], $0x3E8, $0x38;
	[tilespmem:$0xFAF0] =	vst v63  }
0x109: {  	_ =	swait.ge [sflag:s19], $0x3E8  }
0x10a: {  	s10 =	sld [smem:$0x7F0]  }
0x10b: {  	[sflag:s19] =	ssyncset.done $0x0  }
0x10c: {  	s9 =	simm.s32 $0x4268;
	[sflag:s19] =	ssyncadd.s32 $0xFFFFFC18  }
0x10d: {  	[tilespmem:s9], [sflag:$0x5] =	stream.linear.gather [hbm4b:s10+s1], $0x3E8, $0x38;
	[tilespmem:$0xFAF0] =	vst v63  }
0x10e: {  	_ =	swait.ge [sflag:s19], $0x3E8  }
0x10f: {  	s11 =	sld [smem:$0x7F1]  }
0x110: {  	[sflag:s19] =	ssyncset.done $0x0  }
0x111: {  	s10 =	simm.s32 $0x1B58;
	[sflag:s19] =	ssyncadd.s32 $0xFFFFFC18  }
0x112: {  	[tilespmem:s10], [sflag:$0x5] =	stream.linear.gather [hbm4b:s11+s1], $0x3E8, $0x38;
	[tilespmem:$0xFAF0] =	vst v63  }
0x113: {  	_ =	swait.ge [sflag:s19], $0x3E8  }
0x114: {  	s14 =	sld [smem:$0x7F2]  }
0x115: {  	[sflag:s19] =	ssyncset.done $0x0  }
0x116: {  	s11 =	simm.s32 $0x4650;
	[sflag:s19] =	ssyncadd.s32 $0xFFFFFC18  }
0x117: {  	[tilespmem:s11], [sflag:$0x5] =	stream.linear.gather [hbm4b:s14+s1], $0x3E8, $0x38;
	[tilespmem:$0xFAF0] =	vst v63  }
0x118: {  	_ =	swait.ge [sflag:s19], $0x3E8  }
0x119: {  	s15 =	sld [smem:$0x7F3]  }
0x11a: {  	[sflag:s19] =	ssyncset.done $0x0  }
0x11b: {  	s22 =	simm.s32 $0x1F40;
	[sflag:s19] =	ssyncadd.s32 $0xFFFFFC18  }
0x11c: {  	[tilespmem:s22], [sflag:$0x5] =	stream.linear.gather [hbm4b:s15+s1], $0x3E8, $0x38;
	[tilespmem:$0xFAF0] =	vst v63  }
0x11d: {  	_ =	swait.ge [sflag:s19], $0x3E8  }
0x11e: {  	s17 =	sld [smem:$0x7F4]  }
0x11f: {  	[sflag:s19] =	ssyncset.done $0x0  }
0x120: {  	s23 =	simm.s32 $0x4A38;
	[sflag:s19] =	ssyncadd.s32 $0xFFFFFC18  }
0x121: {  	[tilespmem:s23], [sflag:$0x5] =	stream.linear.gather [hbm4b:s17+s1], $0x3E8, $0x38;
	[tilespmem:$0xFAF0] =	vst v63  }
0x122: {  	_ =	swait.ge [sflag:s19], $0x3E8  }
0x123: {  	s20 =	sld [smem:$0x7F5]  }
0x124: {  	[sflag:s19] =	ssyncset.done $0x0  }
0x125: {  	s24 =	simm.s32 $0x2328;
	[sflag:s19] =	ssyncadd.s32 $0xFFFFFC18  }
0x126: {  	[tilespmem:s24], [sflag:$0x5] =	stream.linear.gather [hbm4b:s20+s1], $0x3E8, $0x38;
	[tilespmem:$0xFAF0] =	vst v63  }
0x127: {  	_ =	swait.ge [sflag:s19], $0x3E8  }
0x128: {  	s15 =	sld [smem:$0x7F6]  }
0x129: {  	[sflag:s19] =	ssyncset.done $0x0  }
0x12a: {  	s14 =	simm.s32 $0x4E20;
	[sflag:s19] =	ssyncadd.s32 $0xFFFFFC18  }
0x12b: {  	[tilespmem:s14], [sflag:$0x5] =	stream.linear.gather [hbm4b:s15+s1], $0x3E8, $0x38;
	[tilespmem:$0xFAF0] =	vst v63  }
0x12c: {  	_ =	swait.ge [sflag:s19], $0x3E8  }
0x12d: {  	s17 =	sld [smem:$0x7F9]  }
0x12e: {  	[sflag:s19] =	ssyncset.done $0x0  }
0x12f: {  	s15 =	simm.s32 $0x2710;
	[sflag:s19] =	ssyncadd.s32 $0xFFFFFC18  }
0x130: {  	[tilespmem:s15], [sflag:$0x5] =	stream.linear.gather [hbm4b:s17+s1], $0x3E8, $0x38;
	[tilespmem:$0xFAF0] =	vst v63  }
0x131: {  	_ =	swait.ge [sflag:s19], $0x3E8  }
0x132: {  	s17 =	sld [smem:$0x7FA]  }
0x133: {  	[sflag:s19] =	ssyncset.done $0x0  }
0x134: {  	s20 =	simm.s32 $0x5208;
	[sflag:s19] =	ssyncadd.s32 $0xFFFFFC18  }
0x135: {  	[tilespmem:s20], [sflag:$0x5] =	stream.linear.gather [hbm4b:s17+s1], $0x3E8, $0x38;
	[tilespmem:$0xFAF0] =	vst v63  }
0x136: {  	_ =	swait.ge [sflag:s19], $0x3E8  }
0x137: {  	[sflag:s19] =	ssyncset.done $0x0  }
0x138: {  	[sflag:s19] =	ssyncadd.s32 $0xFFFFFC18  }
0x139: {  	[bflag:$0x0] =	sbarrier.arrive $0xFFFF  }
0x13a: {  	[tilespmem:s25], [sflag:$0x1] =	stream.indirect.gather [hbm4b:s13+s21], $0x10, s1, s21, $0xb8;
	[tilespmem:$0xFAF0] =	vst v63  }
0x13b: {  	_ =	swait.ge [sflag:s26], $0x3E80  }
0x13c: {  	[sflag:s26] =	ssyncset.done $0x0  }
0x13d: {  	s17 =	simm.s32 $0x2AF8;
	[sflag:s26] =	ssyncadd.s32 $0xFFFFC180  }
0x13e: {  	[spmem:s12] =	stream.indirect.scatter.add.f32 [tilespmem:s25], [sflag:$0x3], $0x10, s17, s21, $0xb8;
	[tilespmem:$0xFAF0] =	vst v63  }
0x13f: {  	_ = 	snop  }
0x140: {  	[tilespmem:s28], [sflag:$0x2] =	stream.indirect.gather [hbm4b:s13+s21], $0x10, s21, s21, $0xb8;
	[tilespmem:$0xFAF0] =	vst v63  }
0x141: {  	_ =	swait.ge [sflag:s29], $0x3E80  }
0x142: {  	[sflag:s29] =	ssyncset.done $0x0  }
0x143: {  	s17 =	simm.s32 $0x2EE0;
	[sflag:s29] =	ssyncadd.s32 $0xFFFFC180  }
0x144: {  	[spmem:s12] =	stream.indirect.scatter.add.f32 [tilespmem:s28], [sflag:$0x4], $0x10, s17, s21, $0xb8;
	[tilespmem:$0xFAF0] =	vst v63  }
0x145: {  	_ =	swait.ge [sflag:s30], $0x3E80  }
0x146: {  	[sflag:s30] =	ssyncset.done $0x0  }
0x147: {  	s17 =	simm.s32 $0x7D0;
	[sflag:s30] =	ssyncadd.s32 $0xFFFFC180  }
0x148: {  	[tilespmem:s25], [sflag:$0x1] =	stream.indirect.gather [hbm4b:s13+s21], $0x10, s17, s21, $0xb8;
	[tilespmem:$0xFAF0] =	vst v63  }
0x149: {  	_ =	swait.ge [sflag:s26], $0x3E80  }
0x14a: {  	[sflag:s26] =	ssyncset.done $0x0  }
.Ltmp3:
0x14b: {  	s17 =	simm.s32 $0x32C8;
	[sflag:s26] =	ssyncadd.s32 $0xFFFFC180;
	(pc) =	sbr.rel .LBB2_4-.Ltmp3, $4  }
0x14c: {  	[spmem:s12] =	stream.indirect.scatter.add.f32 [tilespmem:s25], [sflag:$0x3], $0x10, s17, s21, $0xb8;
	[tilespmem:$0xFAF0] =	vst v63  }
0x14d: {  	_ =	swait.ge [sflag:s31], $0x3E80  }
0x14e: {  	[sflag:s31] =	ssyncset.done $0x0  }
0x14f: {  	[sflag:s31] =	ssyncadd.s32 $0xFFFFC180  }
.LBB2_5:
0x150: {  	_ =	sfence.sel $0x180000  }
0x151: {  	[bflag:$0x0] =	sbarrier.arrive $0xFFFF  }
0x152: {  	_ =	strace $0x9000004A  }
0x153: {  	s0 =	stileid.u32;
	[bflag:$0x2] =	sbarrier.arrive $0xFFFF  }
0x154: {  	p0 =	sne.s32 s0, $0x0;
	s0 =	rddreg [dreg:$0x2]  }
0x155: {  	s0 =	sadd.s32 @!p0 $0x100000, s0  }
0x156: {  	[sflag:s0] =	ssyncadd.tile.s32 @!p0 $0x1;
	_ =	shalt  }
.Lfunc_end2:
_tile_overlayer_lowered:
.L_overlay_start_2:
0x157: {  	(tag) =	ssettag $0x2  }
0x158: {  	s0 =	rddreg [dreg:$0x0];
	s2 =	stileid.u32  }
0x159: {  	s1 =	rddreg [dreg:$0x1];
	p0 =	sne.s32 s2, $0x0  }
0x15a: {  	s3 =	rddreg [dreg:$0x2];
	[bflag:$0x3] =	sbarrier.arrive $0xFFFF;
	s2 =	simm.s32 @!p0 $0x1C05  }
0x15b: {  	[timem:s3], [sflag:s2] =	dma.local @!p0 [hbm:s0], s1  }
0x15c: {  	s0 =	simm.s32 @!p0 $0x5  }
0x15d: {  	_ =	swait.ge @!p0 [sflag:s0], s1  }
0x15e: {  	s1 =	ssub.s32 @!p0 $0x0, s1;
	[sflag:s0] =	ssyncset.done @!p0 $0x0  }
0x15f: {  	[sflag:s0] =	ssyncadd.s32 @!p0 s1  }
0x160: {  	[bflag:$0x3] =	sbarrier.arrive $0xFFFF  }
0x161: {  	_ =	shalt  }

// kernel: kernel.14.cloned.1.call-start
scs
__scs_entry_jumppad:
0x0: {  	(pc) =	sbr.rel $0x88, $3  }
0x1: {  	(tag) =	ssettag $0x0;
	lr =	simm.s32 $0x1  }
0x2: {  	[smem:$0x3F96] =	sst lr;
	_ =	strace $0xD0000000  }
0x3: {  	_ = 	snop  }
0x4: {  	_ = 	snop  }
0x5: {  	_ = 	snop  }
0x6: {  	_ = 	snop  }
0x7: {  	_ = 	snop  }
__scs_overlays_trampoline_lowered:
0x8: {  	[smem:$0x3FA5] =	sst s0  }
0x9: {  	[smem:$0x3FA6] =	sst s1  }
0xa: {  	[smem:$0x3FA7] =	sst s2  }
0xb: {  	[smem:$0x3FA8] =	sst s3  }
0xc: {  	[smem:$0x3FA9] =	sst s4  }
0xd: {  	[smem:$0x3FAA] =	sst s5  }
0xe: {  	[smem:$0x3FAB] =	sst s6  }
0xf: {  	[smem:$0x3FAC] =	sst s7  }
0x10: {  	[smem:$0x3FAD] =	sst s8  }
0x11: {  	[smem:$0x3FAE] =	sst s9;
	s0 =	simm.s32 @!p0 $0x0  }
0x12: {  	s1 =	sld [smem:$0x3F94];
	s0 =	simm.s32 @p0 $0x1  }
0x13: {  	[smem:$0x3FAF] =	sst s0;
	s0 =	simm.s32 @!p1 $0x0  }
0x14: {  	s2 =	sld [smem:$0x3F93];
	s0 =	simm.s32 @p1 $0x1  }
0x15: {  	[smem:$0x3FB0] =	sst s0;
	s0 =	simm.s32 @!p2 $0x0  }
0x16: {  	s3 =	sld [smem:$0x3FDB];
	s0 =	simm.s32 @p2 $0x1  }
0x17: {  	s4 =	simm.s32 $0x1BF5;
	[smem:$0x3FB2] =	sst s0  }
0x18: {  	s0 =	sld [smem:$0x3F95];
	_ =	swait.ge [sflag:s4], $0x0  }
0x19: {  	s7 =	sld [smem:$0x3F96]  }
0x1a: {  	s8 =	sadd.s32 $0xFFFFE003, lr  }
0x1b: {  	s9 =	sadd.s32 $0xFFFFFEF7, lr;
	s5 =	simm.s32 $0xFFFFFFFF;
	p2 =	slt.u32 s8, $0xFFFFF086  }
0x1c: {  	p1 =	slt.u32 s9, $0xF7A;
	s5 =	simm.s32 @!p2 $0x0  }
0x1d: {  	s5 =	simm.s32 @p1 $0x1;
	p0 =	seq.s32 s7, s2  }
0x1e: {  	s7 =	smul.u32 @!p0 $0xF7A, s2;
	p2 =	seq.s32 @!p0 s5, $0x0  }
0x1f: {  	s9 =	smul.u32 $0xF7A, s1;
	s8 =	simm.s32 @!p0 $0x1BF5;
	p2 =	por !p2, p0  }
0x20: {  	[sflag:s8] =	ssyncset.s32 @!p0 $0xFFFFF086;
	s6 =	sadd.s32 @!p0 s3, s7;
	s7 =	simm.s32 @!p0 $0x108  }
0x21: {  	s3 =	sadd.s32 s3, s9;
	s6 =	sadd.s32 @!p0 $0x88, s6;
	s7 =	simm.s32 @p2 $0x1082  }
0x22: {  	[simem:s7], [sflag:s8] =	dma.local @!p0 [hbm:s6], $0xF7A  }
0x23: {  	s9 =	sor.u32 $0xD0000000, s2;
	s6 =	simm.s32 $0x108;
	_ =	swait.ge @!p0 [sflag:s8], $0x0  }
0x24: {  	s3 =	sadd.s32 $0x88, s3;
	s6 =	simm.s32 @!p1 $0x1082;
	[sflag:s4] =	ssyncset.s32 $0xFFFFF086  }
0x25: {  	[simem:s6], [sflag:s4] =	dma.local [hbm:s3], $0xF7A  }
0x26: {  	[smem:$0x3F96] =	sst s1;
	(tag) =	ssettag s2;
	_ =	strace s9  }
0x27: {  	s1 =	sld [smem:$0x3FA6]  }
0x28: {  	s2 =	sld [smem:$0x3FA7]  }
0x29: {  	s4 =	sld [smem:$0x3FA9]  }
0x2a: {  	p0 =	seq.s32 s5, $0x0;
	s5 =	sld [smem:$0x3FAA]  }
0x2b: {  	s6 =	sld [smem:$0x3FAB]  }
0x2c: {  	s7 =	sld [smem:$0x3FAC]  }
0x2d: {  	s3 =	simm.s32 $0x108;
	s8 =	sld [smem:$0x3FAD]  }
0x2e: {  	s3 =	simm.s32 @!p0 $0x1082;
	s9 =	sld [smem:$0x3FAE]  }
0x2f: {  	lr =	sadd.s32 s0, s3;
	s0 =	sld [smem:$0x3FA5]  }
0x30: {  	s3 =	sld [smem:$0x3FA8]  }
0x31: {  	[smem:$0x3FB1] =	sst s10  }
0x32: {  	s10 =	sld [smem:$0x3FAF];
	_ =	sdelay $0x3  }
0x33: {  	p0 =	seq.s32 s10, $0x1;
	s10 =	sld [smem:$0x3FB1];
	_ =	sdelay $0x3  }
0x34: {  	[smem:$0x3FB1] =	sst s10  }
0x35: {  	s10 =	sld [smem:$0x3FB0];
	_ =	sdelay $0x3  }
0x36: {  	p1 =	seq.s32 s10, $0x1;
	s10 =	sld [smem:$0x3FB1];
	_ =	sdelay $0x3  }
0x37: {  	[smem:$0x3FB1] =	sst s10  }
0x38: {  	s10 =	sld [smem:$0x3FB2]  }
0x39: {  	_ = 	snop;
	(pc) =	sbr.ind lr, $3  }
0x3a: {  	_ = 	snop  }
0x3b: {  	_ = 	snop  }
0x3c: {  	p2 =	seq.s32 s10, $0x1;
	s10 =	sld [smem:$0x3FB1]  }
0x3d: {  	_ =	shalt  }
0x3e: {  	_ =	shalt  }
0x3f: {  	_ =	shalt  }
0x40: {  	_ =	shalt  }
0x41: {  	_ =	shalt  }
0x42: {  	_ =	shalt  }
0x43: {  	_ =	shalt  }
0x44: {  	_ =	shalt  }
0x45: {  	_ =	shalt  }
0x46: {  	_ =	shalt  }
0x47: {  	_ =	shalt  }
0x48: {  	_ =	shalt  }
0x49: {  	_ =	shalt  }
0x4a: {  	_ =	shalt  }
0x4b: {  	_ =	shalt  }
0x4c: {  	_ =	shalt  }
0x4d: {  	_ =	shalt  }
0x4e: {  	_ =	shalt  }
0x4f: {  	_ =	shalt  }
0x50: {  	_ =	shalt  }
0x51: {  	_ =	shalt  }
0x52: {  	_ =	shalt  }
0x53: {  	_ =	shalt  }
0x54: {  	_ =	shalt  }
0x55: {  	_ =	shalt  }
0x56: {  	_ =	shalt  }
0x57: {  	_ =	shalt  }
0x58: {  	_ =	shalt  }
0x59: {  	_ =	shalt  }
0x5a: {  	_ =	shalt  }
0x5b: {  	_ =	shalt  }
0x5c: {  	_ =	shalt  }
0x5d: {  	_ =	shalt  }
0x5e: {  	_ =	shalt  }
0x5f: {  	_ =	shalt  }
0x60: {  	_ =	shalt  }
0x61: {  	_ =	shalt  }
0x62: {  	_ =	shalt  }
0x63: {  	_ =	shalt  }
0x64: {  	_ =	shalt  }
0x65: {  	_ =	shalt  }
0x66: {  	_ =	shalt  }
0x67: {  	_ =	shalt  }
0x68: {  	_ =	shalt  }
0x69: {  	_ =	shalt  }
0x6a: {  	_ =	shalt  }
0x6b: {  	_ =	shalt  }
0x6c: {  	_ =	shalt  }
0x6d: {  	_ =	shalt  }
0x6e: {  	_ =	shalt  }
0x6f: {  	_ =	shalt  }
0x70: {  	_ =	shalt  }
0x71: {  	_ =	shalt  }
0x72: {  	_ =	shalt  }
0x73: {  	_ =	shalt  }
0x74: {  	_ =	shalt  }
0x75: {  	_ =	shalt  }
0x76: {  	_ =	shalt  }
0x77: {  	_ =	shalt  }
0x78: {  	_ =	shalt  }
0x79: {  	_ =	shalt  }
0x7a: {  	_ =	shalt  }
0x7b: {  	_ =	shalt  }
0x7c: {  	_ =	shalt  }
0x7d: {  	_ =	shalt  }
0x7e: {  	_ =	shalt  }
0x7f: {  	_ =	shalt  }
0x80: {  	_ =	shalt  }
0x81: {  	_ =	shalt  }
0x82: {  	_ =	shalt  }
0x83: {  	_ =	shalt  }
0x84: {  	_ =	shalt  }
0x85: {  	_ =	shalt  }
0x86: {  	_ =	shalt  }
0x87: {  	_ =	shalt  }
.Lfunc_end0:
.L_simem_size_0:
called_computation.2_lowered:
.L_overlay_start_0:
0x88: {  	s2 =	sld [smem:$0x3FD9]  }
0x89: {  	s3 =	sld [smem:$0x3FFE];
	_ =	sdelay $0x1  }
0x8a: {  	s1 =	srdreg.scid  }
0x8b: {  	s0 =	sand.u32 $0x1, s1  }
0x8c: {  	s16 =	sshll.u32 s0, $0xA;
	s2 =	sadd.s32 s3, s2  }
0x8d: {  	s2 =	sadd.s32 s2, s16  }
0x8e: {  	[smem:$0x3FBD] =	sst s2  }
0x8f: {  	_ = 	snop  }
0x90: {  	(tm) =	ssettm $0x1  }
0x91: {  	s17 =	sld [smem:$0x3FFB];
	_ =	sdelay $0x3  }
0x92: {  	_ =	strace s17  }
0x93: {  	s2 =	sld [smem:$0x3FFC];
	_ =	sdelay $0x3  }
0x94: {  	_ =	strace s2  }
0x95: {  	s2 =	sld [smem:$0x3FFD];
	_ =	sdelay $0x3  }
0x96: {  	_ =	strace s2  }
0x97: {  	_ =	strace $0x8FFFFFFF  }
0x98: {  	s18 =	sld [smem:$0x3FDB];
	_ =	sdelay $0x1  }
0x99: {  	s19 =	simm.s32 $_scs_section_size  }
0x9a: {  	s4 =	simm.s32 $_size__tile_overlayer_lowered;
	s5 =	simm.s32 $_tile_overlayer_lowered  }
0x9b: {  	s22 =	simm.s32 $0x1BFF;
	s21 =	sshll.u32 s5, $0x1;
	s2 =	sadd.s32 s19, s18  }
0x9c: {  	s6 =	simm.s32 $0x0;
	s20 =	sshll.u32 s4, $0x1;
	s4 =	sadd.s32 s21, s2  }
0x9d: {  	[timem:s6], [sflag:s22] =	dma.local [hbm:s4], s20  }
0x9e: {  	_ =	swait.ge [sflag:s22], s20  }
0x9f: {  	s3 =	ssub.s32 $0x0, s20;
	[sflag:s22] =	ssyncset.done $0x0  }
0xa0: {  	[sflag:s22] =	ssyncadd.s32 s3;
	_ =	sdelay $0x1  }
0xa1: {  	s23 =	simm.s32 $0x1B8B  }
0xa2: {  	_ =	swait.ge [sflag:s23], $0x1  }
0xa3: {  	[sflag:s23] =	ssyncset.done $0x0  }
0xa4: {  	s25 =	simm.s32 $0x1B8E;
	s24 =	sld [smem:$0x3FFE];
	[sflag:s23] =	ssyncadd.s32 $0xFFFFFFFF  }
0xa5: {  	s26 =	simm.s32 $execute0_lowered;
	[smem:$0x3FD2] =	sst s25  }
0xa6: {  	s4 =	sshll.u32 s26, $0x1;
	_ =	strace $0x8000004C;
	[dreg:$0x1] =	wrdreg $0xFFFFFFFF  }
0xa7: {  	s28 =	simm.s32 $_size_execute0_lowered;
	s2 =	sadd.s32 s2, s4;
	[dreg:$0x0] =	wrdreg $0x0  }
0xa8: {  	s4 =	sshll.u32 s28, $0x1;
	[dreg:$0x2] =	wrdreg s2  }
0xa9: {  	[dreg:$0x3] =	wrdreg s4  }
0xaa: {  	[dreg:$0x4] =	wrdreg $0xC0  }
0xab: {  	_ =	task [dreg:s6], $0x5FFFF  }
0xac: {  	[dreg:$0x1] =	wrdreg $0xFFFFFFFF  }
0xad: {  	[dreg:$0x0] =	wrdreg $0x60  }
0xae: {  	[dreg:$0x2] =	wrdreg s24  }
0xaf: {  	[dreg:$0x3] =	wrdreg $0xD2F00  }
0xb0: {  	[dreg:$0x4] =	wrdreg $0x9  }
0xb1: {  	_ =	task.clear_ibuf [dreg:s6], $0x5FFFF;
	_ =	strace $0x9000004C  }
0xb2: {  	s29 =	simm.s32 $0x9;
	_ =	strace $0x8000004E  }
0xb3: {  	_ =	swait.ge [sflag:s29], $0x1  }
0xb4: {  	[sflag:s29] =	ssyncadd.s32 $0xFFFFFFFF  }
0xb5: {  	_ =	strace $0x9000004E  }
0xb6: {  	_ =	sfence  }
0xb7: {  	s30 =	sld [smem:$0x0];
	_ =	sdelay $0x2  }
0xb8: {  	s31 =	sshll.u32 s1, $0xD;
	s1 =	sshrl.u32 s1, $0x2  }
0xb9: {  	s3 =	sand.u32 $0x4000, s31;
	s1 =	sadd.s32 s1, s30  }
0xba: {  	s0 =	sor.u32 s3, s0;
	s1 =	sshll.u32 s1, $0x11  }
0xbb: {  	s0 =	sor.u32 s1, s0  }
0xbc: {  	s0 =	sadd.s32 $0x8F2B, s0  }
0xbd: {  	[sflag:s0] =	ssyncadd.remote.s32 $0x1  }
0xbe: {  	_ =	sfence.sel $0xFFFF  }
0xbf: {  	[dreg:$0x0] =	wrdreg $0xFFFFFFFF;
	(pc) =	sbr.abs _section_cstart, $3  }
0xc0: {  	[dreg:$0x1] =	wrdreg $0xFFFFFFFF  }
0xc1: {  	_ =	task.clear_ibuf [dreg:s6], $0x2FFFF;
	_ =	strace $0x9FFFFFFF  }
0xc2: {  	(tm) =	ssettm $0x7FFFFFFF  }
0xc3: {  	_ =	shalt  }
tec
execute0_lowered:
.L_overlay_start_1:
0x0: {  	(tag) =	ssettag $0x1  }
0x1: {  	s0 =	rddreg [dreg:$0x0]  }
0x2: {  	s11 =	stileid.u32;
	s2 =	srdreg.scid  }
0x3: {  	s1 =	simm.s32 $0x0;
	s6 =	smul.u32 $0x2328, s11;
	s3 =	sand.u32 $0x1, s2  }
0x4: {  	[smem:$0x7FF] =	sst s1;
	s4 =	sadd.s32 $0x2000, s0;
	s2 =	ssub.s32 $0x2, s3  }
0x5: {  	s5 =	sadd.s32 $0xBE00, s0;
	s7 =	sshrl.u32 s6, $0x3;
	s8 =	sshrl.u32 s2, $0x1  }
0x6: {  	s10 =	sadd.s32 $0x2B368, s6;
	s12 =	sadd.s32 $0x2BB38, s6;
	s9 =	sadd.s32 $0x55F0, s7  }
0x7: {  	s18 =	sadd.s32 $0x2C308, s6;
	s6 =	sadd.s32 $0x2CAD8, s6;
	s25 =	sadd.s32 s4, s9  }
0x8: {  	s26 =	sshrl.u32 s10, $0x3;
	s9 =	sadd.s32 s5, s9;
	[dreg:$0x3] =	wrdreg s25  }
0x9: {  	s2 =	ssub.s32 s2, s8;
	s10 =	sadd.s32 s4, s26;
	[dreg:$0x4] =	wrdreg s9  }
0xa: {  	s13 =	sadd.s32 $0x56EA, s7;
	s8 =	sadd.s32 s5, s26;
	[dreg:$0x5] =	wrdreg s10  }
0xb: {  	s17 =	sadd.s32 $0x57E4, s7;
	s14 =	sadd.s32 s4, s13;
	[dreg:$0x6] =	wrdreg s8  }
0xc: {  	s21 =	sadd.s32 $0x58DE, s7;
	s19 =	sadd.s32 s4, s17;
	[dreg:$0x7] =	wrdreg s14  }
0xd: {  	s6 =	sshrl.u32 s6, $0x3;
	s22 =	sadd.s32 s4, s21;
	[dreg:$0xb] =	wrdreg s19  }
0xe: {  	s23 =	sadd.s32 s4, s6;
	[dreg:$0xf] =	wrdreg s22  }
0xf: {  	s24 =	sadd.s32 $0x59D8, s7;
	s6 =	sadd.s32 s5, s6;
	[dreg:$0x11] =	wrdreg s23  }
0x10: {  	s28 =	simm.s32 $0x9470;
	s26 =	sadd.s32 s4, s24;
	[dreg:$0x12] =	wrdreg s6  }
0x11: {  	s29 =	simm.s32 $0x2;
	s8 =	sadd.s32 s5, s13;
	[dreg:$0x13] =	wrdreg s26  }
0x12: {  	s9 =	sshrl.u32 s12, $0x3;
	s6 =	sadd.s32 s5, s24;
	[dreg:$0x8] =	wrdreg s8  }
0x13: {  	s30 =	simm.s32 $0x3;
	s15 =	sadd.s32 s4, s9;
	[dreg:$0x14] =	wrdreg s6  }
0x14: {  	s20 =	sshrl.u32 s18, $0x3;
	s16 =	sadd.s32 s5, s9;
	[dreg:$0x9] =	wrdreg s15  }
0x15: {  	s31 =	simm.s32 $0x4;
	s9 =	sadd.s32 s4, s20;
	[dreg:$0xa] =	wrdreg s16  }
0x16: {  	s8 =	sadd.s32 s5, s17;
	[dreg:$0xd] =	wrdreg s9;
	s9 =	smul.u32 $0x2AF8, s11  }
0x17: {  	p0 =	sne.s32 s3, $0x0;
	[dreg:$0xc] =	wrdreg s8;
	s8 =	sadd.s32 s5, s20  }
0x18: {  	[dreg:$0xe] =	wrdreg s8;
	s8 =	sadd.s32 s5, s21;
	s25 =	sadd.s32 $0x3E8, s9  }
0x19: {  	[dreg:$0x10] =	wrdreg s8;
	s7 =	sshrl.u32 s9, $0x3;
	s10 =	sshrl.u32 s25, $0x3  }
0x1a: {  	s13 =	sadd.s32 $0xBB8, s9;
	s19 =	sadd.s32 $0x1388, s9;
	s12 =	sadd.s32 s4, s10  }
0x1b: {  	s15 =	sadd.s32 $0xFA, s7;
	s6 =	sadd.s32 s5, s10;
	[dreg:$0x15] =	wrdreg s12  }
0x1c: {  	s23 =	sadd.s32 $0x1B58, s9;
	s16 =	sadd.s32 s4, s15;
	[dreg:$0x16] =	wrdreg s6  }
0x1d: {  	s14 =	sshrl.u32 s13, $0x3;
	s8 =	sadd.s32 s5, s15;
	[dreg:$0x17] =	wrdreg s16  }
0x1e: {  	s18 =	sadd.s32 $0x1F4, s7;
	s17 =	sadd.s32 s4, s14;
	[dreg:$0x18] =	wrdreg s8  }
0x1f: {  	s22 =	sadd.s32 $0x2EE, s7;
	s20 =	sadd.s32 s4, s18;
	[dreg:$0x19] =	wrdreg s17  }
0x20: {  	s24 =	sshrl.u32 s23, $0x3;
	s25 =	sadd.s32 s4, s22;
	[dreg:$0x1b] =	wrdreg s20  }
0x21: {  	s26 =	sadd.s32 $0x2328, s9;
	s10 =	sadd.s32 s4, s24;
	[dreg:$0x1f] =	wrdreg s25  }
0x22: {  	s21 =	sshrl.u32 s19, $0x3;
	s6 =	sadd.s32 s5, s14;
	[smem:$0x7F1] =	sst s10  }
0x23: {  	s13 =	sadd.s32 $0x3E8, s7;
	s8 =	sadd.s32 s4, s21;
	[dreg:$0x1a] =	wrdreg s6  }
0x24: {  	s19 =	smul.u32 $0x28000, s3;
	s14 =	sadd.s32 s4, s13;
	[dreg:$0x1d] =	wrdreg s8  }
0x25: {  	s12 =	sshrl.u32 s26, $0x3;
	s17 =	sadd.s32 s4, s7;
	[smem:$0x7F3] =	sst s14  }
0x26: {  	s16 =	smul.u32 $0x2800, s11;
	s6 =	sadd.s32 s5, s18;
	[smem:$0x7F7] =	sst s17  }
0x27: {  	s25 =	sshll.u32 s11, $0x6;
	s8 =	sadd.s32 s5, s22;
	[dreg:$0x1c] =	wrdreg s6  }
0x28: {  	s15 =	sadd.s32 s4, s12;
	s18 =	sadd.s32 s5, s7;
	[smem:$0x7F0] =	sst s8  }
0x29: {  	s7 =	sadd.s32 $0x4E2, s7;
	s6 =	sadd.s32 s5, s21;
	[smem:$0x7F5] =	sst s15  }
0x2a: {  	s8 =	sadd.s32 s5, s13;
	[smem:$0x7F8] =	sst s18;
	s4 =	sadd.s32 s4, s7  }
0x2b: {  	s20 =	sadd.s32 s5, s7;
	s21 =	sadd.s32 s16, s19;
	[dreg:$0x1e] =	wrdreg s6  }
0x2c: {  	s22 =	sshrl.u32 s16, $0x3;
	s13 =	sadd.s32 $0x1AC00, s0;
	[smem:$0x7F4] =	sst s8  }
0x2d: {  	s18 =	smax.u32 s2, $0x1;
	s19 =	simm.s32 $0x5;
	[smem:$0x7F9] =	sst s4  }
0x2e: {  	s6 =	sadd.s32 s5, s24;
	[smem:$0x7FA] =	sst s20;
	s3 =	sshrl.u32 s21, $0x3  }
0x2f: {  	s4 =	sadd.s32 s22, s0;
	s21 =	simm.s32 $0x3E8;
	[smem:$0x7F2] =	sst s6  }
.Ltmp0:
0x30: {  	s6 =	sadd.s32 s5, s12;
	s12 =	rddreg [dreg:$0x1];
	(pc) =	sbr.rel .LBB2_1-.Ltmp0, $4  }
0x31: {  	s3 =	sadd.s32 s3, s0;
	[smem:$0x7F6] =	sst s6;
	s23 =	sadd.s32 s16, s12  }
0x32: {  	s24 =	sadd.s32 $0x15C00, s4;
	_ =	strace $0x8000004D;
	[smem:$0x7FB] =	sst s23  }
0x33: {  	s16 =	sor.u32 $0x1C05, s25;
	s26 =	sadd.s32 $0x1FC00, s3;
	[smem:$0x7FC] =	sst s24  }
0x34: {  	s25 =	simm.s32 $0x55F0;
	[smem:$0x7FD] =	sst s26;
	s26 =	simm.s32 $0x1  }
.LBB2_3:
0x35: {  	s2 =	rddreg [dreg:$0x3]  }
0x36: {  	[tilespmem:s1], [sflag:$0x5] =	stream.linear.gather [hbm4b:s2+s1], $0x3E8, $0x38;
	[tilespmem:$0xFAF0] =	vst v63  }
0x37: {  	_ =	swait.ge [sflag:s19], $0x3E8  }
0x38: {  	[sflag:s19] =	ssyncset.done $0x0  }
0x39: {  	s3 =	simm.s32 $0x2AF8;
	s11 =	rddreg [dreg:$0x4];
	[sflag:s19] =	ssyncadd.s32 $0xFFFFFC18  }
0x3a: {  	[tilespmem:s3], [sflag:$0x5] =	stream.linear.gather [hbm4b:s11+s1], $0x3E8, $0x38;
	[tilespmem:$0xFAF0] =	vst v63  }
0x3b: {  	_ =	swait.ge [sflag:s19], $0x3E8  }
0x3c: {  	[sflag:s19] =	ssyncset.done $0x0  }
0x3d: {  	s2 =	simm.s32 $0x3E8;
	s14 =	rddreg [dreg:$0x5];
	[sflag:s19] =	ssyncadd.s32 $0xFFFFFC18  }
0x3e: {  	[tilespmem:s2], [sflag:$0x5] =	stream.linear.gather [hbm4b:s14+s1], $0x3E8, $0x38;
	[tilespmem:$0xFAF0] =	vst v63  }
0x3f: {  	_ =	swait.ge [sflag:s19], $0x3E8  }
0x40: {  	[sflag:s19] =	ssyncset.done $0x0  }
0x41: {  	s3 =	simm.s32 $0x2EE0;
	s4 =	rddreg [dreg:$0x6];
	[sflag:s19] =	ssyncadd.s32 $0xFFFFFC18  }
0x42: {  	[tilespmem:s3], [sflag:$0x5] =	stream.linear.gather [hbm4b:s4+s1], $0x3E8, $0x38;
	[tilespmem:$0xFAF0] =	vst v63  }
0x43: {  	_ =	swait.ge [sflag:s19], $0x3E8  }
0x44: {  	[sflag:s19] =	ssyncset.done $0x0  }
0x45: {  	s4 =	simm.s32 $0x7D0;
	s5 =	rddreg [dreg:$0x7];
	[sflag:s19] =	ssyncadd.s32 $0xFFFFFC18  }
0x46: {  	[tilespmem:s4], [sflag:$0x5] =	stream.linear.gather [hbm4b:s5+s1], $0x3E8, $0x38;
	[tilespmem:$0xFAF0] =	vst v63  }
0x47: {  	_ =	swait.ge [sflag:s19], $0x3E8  }
0x48: {  	[sflag:s19] =	ssyncset.done $0x0  }
0x49: {  	s5 =	simm.s32 $0x32C8;
	s6 =	rddreg [dreg:$0x8];
	[sflag:s19] =	ssyncadd.s32 $0xFFFFFC18  }
0x4a: {  	[tilespmem:s5], [sflag:$0x5] =	stream.linear.gather [hbm4b:s6+s1], $0x3E8, $0x38;
	[tilespmem:$0xFAF0] =	vst v63  }
0x4b: {  	_ =	swait.ge [sflag:s19], $0x3E8  }
0x4c: {  	[sflag:s19] =	ssyncset.done $0x0  }
0x4d: {  	s6 =	simm.s32 $0xBB8;
	s7 =	rddreg [dreg:$0x9];
	[sflag:s19] =	ssyncadd.s32 $0xFFFFFC18  }
0x4e: {  	[tilespmem:s6], [sflag:$0x5] =	stream.linear.gather [hbm4b:s7+s1], $0x3E8, $0x38;
	[tilespmem:$0xFAF0] =	vst v63  }
0x4f: {  	_ =	swait.ge [sflag:s19], $0x3E8  }
0x50: {  	[sflag:s19] =	ssyncset.done $0x0  }
0x51: {  	s7 =	simm.s32 $0x36B0;
	s8 =	rddreg [dreg:$0xa];
	[sflag:s19] =	ssyncadd.s32 $0xFFFFFC18  }
0x52: {  	[tilespmem:s7], [sflag:$0x5] =	stream.linear.gather [hbm4b:s8+s1], $0x3E8, $0x38;
	[tilespmem:$0xFAF0] =	vst v63  }
0x53: {  	_ =	swait.ge [sflag:s19], $0x3E8  }
0x54: {  	[sflag:s19] =	ssyncset.done $0x0  }
0x55: {  	s8 =	simm.s32 $0xFA0;
	s9 =	rddreg [dreg:$0xb];
	[sflag:s19] =	ssyncadd.s32 $0xFFFFFC18  }
0x56: {  	[tilespmem:s8], [sflag:$0x5] =	stream.linear.gather [hbm4b:s9+s1], $0x3E8, $0x38;
	[tilespmem:$0xFAF0] =	vst v63  }
0x57: {  	_ =	swait.ge [sflag:s19], $0x3E8  }
0x58: {  	[sflag:s19] =	ssyncset.done $0x0  }
0x59: {  	s9 =	simm.s32 $0x3A98;
	s10 =	rddreg [dreg:$0xc];
	[sflag:s19] =	ssyncadd.s32 $0xFFFFFC18  }
0x5a: {  	[tilespmem:s9], [sflag:$0x5] =	stream.linear.gather [hbm4b:s10+s1], $0x3E8, $0x38;
	[tilespmem:$0xFAF0] =	vst v63  }
0x5b: {  	_ =	swait.ge [sflag:s19], $0x3E8  }
0x5c: {  	[sflag:s19] =	ssyncset.done $0x0  }
0x5d: {  	s10 =	simm.s32 $0x1388;
	s11 =	rddreg [dreg:$0xd];
	[sflag:s19] =	ssyncadd.s32 $0xFFFFFC18  }
0x5e: {  	[tilespmem:s10], [sflag:$0x5] =	stream.linear.gather [hbm4b:s11+s1], $0x3E8, $0x38;
	[tilespmem:$0xFAF0] =	vst v63  }
0x5f: {  	_ =	swait.ge [sflag:s19], $0x3E8  }
0x60: {  	[sflag:s19] =	ssyncset.done $0x0  }
0x61: {  	s11 =	simm.s32 $0x3E80;
	s14 =	rddreg [dreg:$0xe];
	[sflag:s19] =	ssyncadd.s32 $0xFFFFFC18  }
0x62: {  	[tilespmem:s11], [sflag:$0x5] =	stream.linear.gather [hbm4b:s14+s1], $0x3E8, $0x38;
	[tilespmem:$0xFAF0] =	vst v63  }
0x63: {  	_ =	swait.ge [sflag:s19], $0x3E8  }
0x64: {  	[sflag:s19] =	ssyncset.done $0x0  }
0x65: {  	s22 =	simm.s32 $0x1770;
	s15 =	rddreg [dreg:$0xf];
	[sflag:s19] =	ssyncadd.s32 $0xFFFFFC18  }
0x66: {  	[tilespmem:s22], [sflag:$0x5] =	stream.linear.gather [hbm4b:s15+s1], $0x3E8, $0x38;
	[tilespmem:$0xFAF0] =	vst v63  }
0x67: {  	_ =	swait.ge [sflag:s19], $0x3E8  }
0x68: {  	[sflag:s19] =	ssyncset.done $0x0  }
0x69: {  	s23 =	simm.s32 $0x4268;
	s17 =	rddreg [dreg:$0x10];
	[sflag:s19] =	ssyncadd.s32 $0xFFFFFC18  }
0x6a: {  	[tilespmem:s23], [sflag:$0x5] =	stream.linear.gather [hbm4b:s17+s1], $0x3E8, $0x38;
	[tilespmem:$0xFAF0] =	vst v63  }
0x6b: {  	_ =	swait.ge [sflag:s19], $0x3E8  }
0x6c: {  	[sflag:s19] =	ssyncset.done $0x0  }
0x6d: {  	s24 =	simm.s32 $0x1B58;
	s20 =	rddreg [dreg:$0x11];
	[sflag:s19] =	ssyncadd.s32 $0xFFFFFC18  }
0x6e: {  	[tilespmem:s24], [sflag:$0x5] =	stream.linear.gather [hbm4b:s20+s1], $0x3E8, $0x38;
	[tilespmem:$0xFAF0] =	vst v63  }
0x6f: {  	_ =	swait.ge [sflag:s19], $0x3E8  }
0x70: {  	[sflag:s19] =	ssyncset.done $0x0  }
0x71: {  	s14 =	simm.s32 $0x4650;
	s15 =	rddreg [dreg:$0x12];
	[sflag:s19] =	ssyncadd.s32 $0xFFFFFC18  }
0x72: {  	[tilespmem:s14], [sflag:$0x5] =	stream.linear.gather [hbm4b:s15+s1], $0x3E8, $0x38;
	[tilespmem:$0xFAF0] =	vst v63  }
0x73: {  	_ =	swait.ge [sflag:s19], $0x3E8  }
0x74: {  	[sflag:s19] =	ssyncset.done $0x0  }
0x75: {  	s15 =	simm.s32 $0x1F40;
	s20 =	rddreg [dreg:$0x13];
	[sflag:s19] =	ssyncadd.s32 $0xFFFFFC18  }
0x76: {  	[tilespmem:s15], [sflag:$0x5] =	stream.linear.gather [hbm4b:s20+s1], $0x3E8, $0x38;
	[tilespmem:$0xFAF0] =	vst v63  }
0x77: {  	_ =	swait.ge [sflag:s19], $0x3E8  }
0x78: {  	[sflag:s19] =	ssyncset.done $0x0  }
0x79: {  	s20 =	simm.s32 $0x4A38;
	s17 =	rddreg [dreg:$0x14];
	[sflag:s19] =	ssyncadd.s32 $0xFFFFFC18  }
0x7a: {  	[tilespmem:s20], [sflag:$0x5] =	stream.linear.gather [hbm4b:s17+s1], $0x3E8, $0x38;
	[tilespmem:$0xFAF0] =	vst v63  }
0x7b: {  	_ =	swait.ge [sflag:s19], $0x3E8  }
0x7c: {  	[sflag:s19] =	ssyncset.done $0x0  }
0x7d: {  	[sflag:s19] =	ssyncadd.s32 $0xFFFFFC18  }
0x7e: {  	[bflag:$0x0] =	sbarrier.arrive $0xFFFF  }
0x7f: {  	[tilespmem:s25], [sflag:$0x1] =	stream.indirect.gather [hbm4b:s13+s2], $0x10, s1, s2, $0xb8;
	[tilespmem:$0xFAF0] =	vst v63  }
0x80: {  	_ =	swait.ge [sflag:s26], $0x3E80  }
0x81: {  	[sflag:s26] =	ssyncset.done $0x0  }
0x82: {  	s17 =	simm.s32 $0x2AF8;
	[sflag:s26] =	ssyncadd.s32 $0xFFFFC180  }
0x83: {  	[spmem:s12] =	stream.indirect.scatter.add.f32 [tilespmem:s25], [sflag:$0x3], $0x10, s17, s2, $0xb8;
	[tilespmem:$0xFAF0] =	vst v63  }
.LBB2_4:
0x84: {  	[tilespmem:s28], [sflag:$0x2] =	stream.indirect.gather [hbm4b:s13+s21], $0x10, s2, s21, $0xb8;
	[tilespmem:$0xFAF0] =	vst v63  }
0x85: {  	_ =	swait.ge [sflag:s29], $0x3E80  }
0x86: {  	[sflag:s29] =	ssyncset.done $0x0  }
0x87: {  	[sflag:s29] =	ssyncadd.s32 $0xFFFFC180  }
0x88: {  	[spmem:s12] =	stream.indirect.scatter.add.f32 [tilespmem:s28], [sflag:$0x4], $0x10, s3, s21, $0xb8;
	[tilespmem:$0xFAF0] =	vst v63  }
0x89: {  	_ =	swait.ge [sflag:s30], $0x3E80  }
0x8a: {  	[sflag:s30] =	ssyncset.done $0x0  }
0x8b: {  	[sflag:s30] =	ssyncadd.s32 $0xFFFFC180  }
0x8c: {  	[tilespmem:s25], [sflag:$0x1] =	stream.indirect.gather [hbm4b:s13+s21], $0x10, s4, s21, $0xb8;
	[tilespmem:$0xFAF0] =	vst v63  }
0x8d: {  	_ =	swait.ge [sflag:s26], $0x3E80  }
0x8e: {  	[sflag:s26] =	ssyncset.done $0x0  }
0x8f: {  	[sflag:s26] =	ssyncadd.s32 $0xFFFFC180  }
0x90: {  	[spmem:s12] =	stream.indirect.scatter.add.f32 [tilespmem:s25], [sflag:$0x3], $0x10, s5, s21, $0xb8;
	[tilespmem:$0xFAF0] =	vst v63  }
0x91: {  	_ =	swait.ge [sflag:s31], $0x3E80  }
0x92: {  	[sflag:s31] =	ssyncset.done $0x0  }
0x93: {  	[sflag:s31] =	ssyncadd.s32 $0xFFFFC180  }
0x94: {  	[tilespmem:s28], [sflag:$0x2] =	stream.indirect.gather [hbm4b:s13+s21], $0x10, s6, s21, $0xb8;
	[tilespmem:$0xFAF0] =	vst v63  }
0x95: {  	_ =	swait.ge [sflag:s29], $0x3E80  }
0x96: {  	[sflag:s29] =	ssyncset.done $0x0  }
0x97: {  	[sflag:s29] =	ssyncadd.s32 $0xFFFFC180  }
0x98: {  	[spmem:s12] =	stream.indirect.scatter.add.f32 [tilespmem:s28], [sflag:$0x4], $0x10, s7, s21, $0xb8;
	[tilespmem:$0xFAF0] =	vst v63  }
0x99: {  	_ =	swait.ge [sflag:s30], $0x3E80  }
0x9a: {  	[sflag:s30] =	ssyncset.done $0x0  }
0x9b: {  	[sflag:s30] =	ssyncadd.s32 $0xFFFFC180  }
0x9c: {  	[tilespmem:s25], [sflag:$0x1] =	stream.indirect.gather [hbm4b:s13+s21], $0x10, s8, s21, $0xb8;
	[tilespmem:$0xFAF0] =	vst v63  }
0x9d: {  	_ =	swait.ge [sflag:s26], $0x3E80  }
0x9e: {  	[sflag:s26] =	ssyncset.done $0x0  }
0x9f: {  	[sflag:s26] =	ssyncadd.s32 $0xFFFFC180  }
0xa0: {  	[spmem:s12] =	stream.indirect.scatter.add.f32 [tilespmem:s25], [sflag:$0x3], $0x10, s9, s21, $0xb8;
	[tilespmem:$0xFAF0] =	vst v63  }
0xa1: {  	_ =	swait.ge [sflag:s31], $0x3E80  }
0xa2: {  	[sflag:s31] =	ssyncset.done $0x0  }
0xa3: {  	[sflag:s31] =	ssyncadd.s32 $0xFFFFC180  }
0xa4: {  	[tilespmem:s28], [sflag:$0x2] =	stream.indirect.gather [hbm4b:s13+s21], $0x10, s10, s21, $0xb8;
	[tilespmem:$0xFAF0] =	vst v63  }
0xa5: {  	_ =	swait.ge [sflag:s29], $0x3E80  }
0xa6: {  	[sflag:s29] =	ssyncset.done $0x0  }
0xa7: {  	[sflag:s29] =	ssyncadd.s32 $0xFFFFC180  }
0xa8: {  	[spmem:s12] =	stream.indirect.scatter.add.f32 [tilespmem:s28], [sflag:$0x4], $0x10, s11, s21, $0xb8;
	[tilespmem:$0xFAF0] =	vst v63  }
0xa9: {  	_ =	swait.ge [sflag:s30], $0x3E80  }
0xaa: {  	[sflag:s30] =	ssyncset.done $0x0  }
0xab: {  	[sflag:s30] =	ssyncadd.s32 $0xFFFFC180  }
0xac: {  	[tilespmem:s25], [sflag:$0x1] =	stream.indirect.gather [hbm4b:s13+s21], $0x10, s22, s21, $0xb8;
	[tilespmem:$0xFAF0] =	vst v63  }
0xad: {  	_ =	swait.ge [sflag:s26], $0x3E80  }
0xae: {  	[sflag:s26] =	ssyncset.done $0x0  }
0xaf: {  	[sflag:s26] =	ssyncadd.s32 $0xFFFFC180  }
0xb0: {  	[spmem:s12] =	stream.indirect.scatter.add.f32 [tilespmem:s25], [sflag:$0x3], $0x10, s23, s21, $0xb8;
	[tilespmem:$0xFAF0] =	vst v63  }
0xb1: {  	_ =	swait.ge [sflag:s31], $0x3E80  }
0xb2: {  	[sflag:s31] =	ssyncset.done $0x0  }
0xb3: {  	[sflag:s31] =	ssyncadd.s32 $0xFFFFC180  }
0xb4: {  	[tilespmem:s28], [sflag:$0x2] =	stream.indirect.gather [hbm4b:s13+s21], $0x10, s24, s21, $0xb8;
	[tilespmem:$0xFAF0] =	vst v63  }
0xb5: {  	_ =	swait.ge [sflag:s29], $0x3E80  }
0xb6: {  	[sflag:s29] =	ssyncset.done $0x0  }
0xb7: {  	[sflag:s29] =	ssyncadd.s32 $0xFFFFC180  }
0xb8: {  	[spmem:s12] =	stream.indirect.scatter.add.f32 [tilespmem:s28], [sflag:$0x4], $0x10, s14, s21, $0xb8;
	[tilespmem:$0xFAF0] =	vst v63  }
0xb9: {  	_ =	swait.ge [sflag:s30], $0x3E80  }
0xba: {  	[sflag:s30] =	ssyncset.done $0x0  }
0xbb: {  	[sflag:s30] =	ssyncadd.s32 $0xFFFFC180  }
0xbc: {  	[tilespmem:s25], [sflag:$0x1] =	stream.indirect.gather [hbm4b:s13+s21], $0x10, s15, s21, $0xb8;
	[tilespmem:$0xFAF0] =	vst v63  }
0xbd: {  	_ =	swait.ge [sflag:s26], $0x3E80  }
0xbe: {  	[sflag:s26] =	ssyncset.done $0x0  }
0xbf: {  	[sflag:s26] =	ssyncadd.s32 $0xFFFFC180  }
0xc0: {  	[spmem:s12] =	stream.indirect.scatter.add.f32 [tilespmem:s25], [sflag:$0x3], $0x10, s20, s21, $0xb8;
	[tilespmem:$0xFAF0] =	vst v63  }
0xc1: {  	_ =	swait.ge [sflag:s31], $0x3E80  }
0xc2: {  	[sflag:s31] =	ssyncset.done $0x0  }
0xc3: {  	[sflag:s31] =	ssyncadd.s32 $0xFFFFC180  }
0xc4: {  	_ =	swait.ge [sflag:s30], $0x3E80  }
0xc5: {  	[sflag:s30] =	ssyncset.done $0x0  }
0xc6: {  	[sflag:s30] =	ssyncadd.s32 $0xFFFFC180  }
0xc7: {  	[bflag:$0x0] =	sbarrier.arrive $0xFFFF  }
0xc8: {  	s18 =	sadd.s32 $0xFFFFFFFF, s18;
	s24 =	sld [smem:$0x7FD]  }
0xc9: {  	p1 =	sne.s32 s18, $0x0  }
.Ltmp1:
0xca: {  	_ = 	snop;
	(pc) =	sbr.rel @!p1 .LBB2_5-.Ltmp1, $4  }
0xcb: {  	[hbm:s24], [sflag:s16] =	dma.local [spmem:s0], $0x500  }
0xcc: {  	_ =	swait.ge [sflag:s19], $0x500  }
0xcd: {  	[sflag:s19] =	ssyncset.done $0x0  }
0xce: {  	[sflag:s19] =	ssyncadd.s32 $0xFFFFFB00  }
.LBB2_1:
0xcf: {  	s0 =	sld [smem:$0x7FB]  }
0xd0: {  	s2 =	sld [smem:$0x7FC];
	_ =	sdelay $0x1  }
.Ltmp2:
0xd1: {  	s0 =	sshrl.u32 s0, $0x3;
	(pc) =	sbr.rel @p0 .LBB2_3-.Ltmp2, $4  }
0xd2: {  	[spmem:s0], [sflag:s16] =	dma.local [hbm:s2], $0x500  }
0xd3: {  	_ =	swait.ge [sflag:s19], $0x500  }
0xd4: {  	[sflag:s19] =	ssyncset.done $0x0  }
0xd5: {  	[sflag:s19] =	ssyncadd.s32 $0xFFFFFB00  }
0xd6: {  	s2 =	sld [smem:$0x7F7];
	_ =	sdelay $0x2  }
0xd7: {  	[tilespmem:s1], [sflag:$0x5] =	stream.linear.gather [hbm4b:s2+s1], $0x3E8, $0x38;
	[tilespmem:$0xFAF0] =	vst v63  }
0xd8: {  	_ =	swait.ge [sflag:s19], $0x3E8  }
0xd9: {  	s4 =	sld [smem:$0x7F8]  }
0xda: {  	[sflag:s19] =	ssyncset.done $0x0  }
0xdb: {  	s3 =	simm.s32 $0x2AF8;
	[sflag:s19] =	ssyncadd.s32 $0xFFFFFC18  }
0xdc: {  	[tilespmem:s3], [sflag:$0x5] =	stream.linear.gather [hbm4b:s4+s1], $0x3E8, $0x38;
	[tilespmem:$0xFAF0] =	vst v63  }
0xdd: {  	_ =	swait.ge [sflag:s19], $0x3E8  }
0xde: {  	[sflag:s19] =	ssyncset.done $0x0  }
0xdf: {  	s5 =	rddreg [dreg:$0x15];
	[sflag:s19] =	ssyncadd.s32 $0xFFFFFC18  }
0xe0: {  	[tilespmem:s21], [sflag:$0x5] =	stream.linear.gather [hbm4b:s5+s1], $0x3E8, $0x38;
	[tilespmem:$0xFAF0] =	vst v63  }
0xe1: {  	_ =	swait.ge [sflag:s19], $0x3E8  }
0xe2: {  	[sflag:s19] =	ssyncset.done $0x0  }
0xe3: {  	s7 =	simm.s32 $0x2EE0;
	s6 =	rddreg [dreg:$0x16];
	[sflag:s19] =	ssyncadd.s32 $0xFFFFFC18  }
0xe4: {  	[tilespmem:s7], [sflag:$0x5] =	stream.linear.gather [hbm4b:s6+s1], $0x3E8, $0x38;
	[tilespmem:$0xFAF0] =	vst v63  }
0xe5: {  	_ =	swait.ge [sflag:s19], $0x3E8  }
0xe6: {  	[sflag:s19] =	ssyncset.done $0x0  }
0xe7: {  	s9 =	simm.s32 $0x7D0;
	s8 =	rddreg [dreg:$0x17];
	[sflag:s19] =	ssyncadd.s32 $0xFFFFFC18  }
0xe8: {  	[tilespmem:s9], [sflag:$0x5] =	stream.linear.gather [hbm4b:s8+s1], $0x3E8, $0x38;
	[tilespmem:$0xFAF0] =	vst v63  }
0xe9: {  	_ =	swait.ge [sflag:s19], $0x3E8  }
0xea: {  	[sflag:s19] =	ssyncset.done $0x0  }
0xeb: {  	s11 =	simm.s32 $0x32C8;
	s10 =	rddreg [dreg:$0x18];
	[sflag:s19] =	ssyncadd.s32 $0xFFFFFC18  }
0xec: {  	[tilespmem:s11], [sflag:$0x5] =	stream.linear.gather [hbm4b:s10+s1], $0x3E8, $0x38;
	[tilespmem:$0xFAF0] =	vst v63  }
0xed: {  	_ =	swait.ge [sflag:s19], $0x3E8  }
0xee: {  	[sflag:s19] =	ssyncset.done $0x0  }
0xef: {  	s2 =	simm.s32 $0xBB8;
	s14 =	rddreg [dreg:$0x19];
	[sflag:s19] =	ssyncadd.s32 $0xFFFFFC18  }
0xf0: {  	[tilespmem:s2], [sflag:$0x5] =	stream.linear.gather [hbm4b:s14+s1], $0x3E8, $0x38;
	[tilespmem:$0xFAF0] =	vst v63  }
0xf1: {  	_ =	swait.ge [sflag:s19], $0x3E8  }
0xf2: {  	[sflag:s19] =	ssyncset.done $0x0  }
0xf3: {  	s3 =	simm.s32 $0x36B0;
	s4 =	rddreg [dreg:$0x1a];
	[sflag:s19] =	ssyncadd.s32 $0xFFFFFC18  }
0xf4: {  	[tilespmem:s3], [sflag:$0x5] =	stream.linear.gather [hbm4b:s4+s1], $0x3E8, $0x38;
	[tilespmem:$0xFAF0] =	vst v63  }
0xf5: {  	_ =	swait.ge [sflag:s19], $0x3E8  }
0xf6: {  	[sflag:s19] =	ssyncset.done $0x0  }
0xf7: {  	s4 =	simm.s32 $0xFA0;
	s5 =	rddreg [dreg:$0x1b];
	[sflag:s19] =	ssyncadd.s32 $0xFFFFFC18  }
0xf8: {  	[tilespmem:s4], [sflag:$0x5] =	stream.linear.gather [hbm4b:s5+s1], $0x3E8, $0x38;
	[tilespmem:$0xFAF0] =	vst v63  }
0xf9: {  	_ =	swait.ge [sflag:s19], $0x3E8  }
0xfa: {  	[sflag:s19] =	ssyncset.done $0x0  }
0xfb: {  	s5 =	simm.s32 $0x3A98;
	s6 =	rddreg [dreg:$0x1c];
	[sflag:s19] =	ssyncadd.s32 $0xFFFFFC18  }
0xfc: {  	[tilespmem:s5], [sflag:$0x5] =	stream.linear.gather [hbm4b:s6+s1], $0x3E8, $0x38;
	[tilespmem:$0xFAF0] =	vst v63  }
0xfd: {  	_ =	swait.ge [sflag:s19], $0x3E8  }
0xfe: {  	[sflag:s19] =	ssyncset.done $0x0  }
0xff: {  	s6 =	simm.s32 $0x1388;
	s7 =	rddreg [dreg:$0x1d];
	[sflag:s19] =	ssyncadd.s32 $0xFFFFFC18  }
0x100: {  	[tilespmem:s6], [sflag:$0x5] =	stream.linear.gather [hbm4b:s7+s1], $0x3E8, $0x38;
	[tilespmem:$0xFAF0] =	vst v63  }
0x101: {  	_ =	swait.ge [sflag:s19], $0x3E8  }
0x102: {  	[sflag:s19] =	ssyncset.done $0x0  }
0x103: {  	s7 =	simm.s32 $0x3E80;
	s8 =	rddreg [dreg:$0x1e];
	[sflag:s19] =	ssyncadd.s32 $0xFFFFFC18  }
0x104: {  	[tilespmem:s7], [sflag:$0x5] =	stream.linear.gather [hbm4b:s8+s1], $0x3E8, $0x38;
	[tilespmem:$0xFAF0] =	vst v63  }
0x105: {  	_ =	swait.ge [sflag:s19], $0x3E8  }
0x106: {  	[sflag:s19] =	ssyncset.done $0x0  }
0x107: {  	s8 =	simm.s32 $0x1770;
	s9 =	rddreg [dreg:$0x1f];
	[sflag:s19] =	ssyncadd.s32 $0xFFFFFC18  }
0x108: {  	[tilespmem:s8], [sflag:$0x5] =	stream.linear.gather [hbm4b:s9+s1], $0x3E8, $0x38;
	[tilespmem:$0xFAF0] =	vst v63  }
0x109: {  	_ =	swait.ge [sflag:s19], $0x3E8  }
0x10a: {  	s10 =	sld [smem:$0x7F0]  }
0x10b: {  	[sflag:s19] =	ssyncset.done $0x0  }
0x10c: {  	s9 =	simm.s32 $0x4268;
	[sflag:s19] =	ssyncadd.s32 $0xFFFFFC18  }
0x10d: {  	[tilespmem:s9], [sflag:$0x5] =	stream.linear.gather [hbm4b:s10+s1], $0x3E8, $0x38;
	[tilespmem:$0xFAF0] =	vst v63  }
0x10e: {  	_ =	swait.ge [sflag:s19], $0x3E8  }
0x10f: {  	s11 =	sld [smem:$0x7F1]  }
0x110: {  	[sflag:s19] =	ssyncset.done $0x0  }
0x111: {  	s10 =	simm.s32 $0x1B58;
	[sflag:s19] =	ssyncadd.s32 $0xFFFFFC18  }
0x112: {  	[tilespmem:s10], [sflag:$0x5] =	stream.linear.gather [hbm4b:s11+s1], $0x3E8, $0x38;
	[tilespmem:$0xFAF0] =	vst v63  }
0x113: {  	_ =	swait.ge [sflag:s19], $0x3E8  }
0x114: {  	s14 =	sld [smem:$0x7F2]  }
0x115: {  	[sflag:s19] =	ssyncset.done $0x0  }
0x116: {  	s11 =	simm.s32 $0x4650;
	[sflag:s19] =	ssyncadd.s32 $0xFFFFFC18  }
0x117: {  	[tilespmem:s11], [sflag:$0x5] =	stream.linear.gather [hbm4b:s14+s1], $0x3E8, $0x38;
	[tilespmem:$0xFAF0] =	vst v63  }
0x118: {  	_ =	swait.ge [sflag:s19], $0x3E8  }
0x119: {  	s15 =	sld [smem:$0x7F3]  }
0x11a: {  	[sflag:s19] =	ssyncset.done $0x0  }
0x11b: {  	s22 =	simm.s32 $0x1F40;
	[sflag:s19] =	ssyncadd.s32 $0xFFFFFC18  }
0x11c: {  	[tilespmem:s22], [sflag:$0x5] =	stream.linear.gather [hbm4b:s15+s1], $0x3E8, $0x38;
	[tilespmem:$0xFAF0] =	vst v63  }
0x11d: {  	_ =	swait.ge [sflag:s19], $0x3E8  }
0x11e: {  	s17 =	sld [smem:$0x7F4]  }
0x11f: {  	[sflag:s19] =	ssyncset.done $0x0  }
0x120: {  	s23 =	simm.s32 $0x4A38;
	[sflag:s19] =	ssyncadd.s32 $0xFFFFFC18  }
0x121: {  	[tilespmem:s23], [sflag:$0x5] =	stream.linear.gather [hbm4b:s17+s1], $0x3E8, $0x38;
	[tilespmem:$0xFAF0] =	vst v63  }
0x122: {  	_ =	swait.ge [sflag:s19], $0x3E8  }
0x123: {  	s20 =	sld [smem:$0x7F5]  }
0x124: {  	[sflag:s19] =	ssyncset.done $0x0  }
0x125: {  	s24 =	simm.s32 $0x2328;
	[sflag:s19] =	ssyncadd.s32 $0xFFFFFC18  }
0x126: {  	[tilespmem:s24], [sflag:$0x5] =	stream.linear.gather [hbm4b:s20+s1], $0x3E8, $0x38;
	[tilespmem:$0xFAF0] =	vst v63  }
0x127: {  	_ =	swait.ge [sflag:s19], $0x3E8  }
0x128: {  	s15 =	sld [smem:$0x7F6]  }
0x129: {  	[sflag:s19] =	ssyncset.done $0x0  }
0x12a: {  	s14 =	simm.s32 $0x4E20;
	[sflag:s19] =	ssyncadd.s32 $0xFFFFFC18  }
0x12b: {  	[tilespmem:s14], [sflag:$0x5] =	stream.linear.gather [hbm4b:s15+s1], $0x3E8, $0x38;
	[tilespmem:$0xFAF0] =	vst v63  }
0x12c: {  	_ =	swait.ge [sflag:s19], $0x3E8  }
0x12d: {  	s17 =	sld [smem:$0x7F9]  }
0x12e: {  	[sflag:s19] =	ssyncset.done $0x0  }
0x12f: {  	s15 =	simm.s32 $0x2710;
	[sflag:s19] =	ssyncadd.s32 $0xFFFFFC18  }
0x130: {  	[tilespmem:s15], [sflag:$0x5] =	stream.linear.gather [hbm4b:s17+s1], $0x3E8, $0x38;
	[tilespmem:$0xFAF0] =	vst v63  }
0x131: {  	_ =	swait.ge [sflag:s19], $0x3E8  }
0x132: {  	s17 =	sld [smem:$0x7FA]  }
0x133: {  	[sflag:s19] =	ssyncset.done $0x0  }
0x134: {  	s20 =	simm.s32 $0x5208;
	[sflag:s19] =	ssyncadd.s32 $0xFFFFFC18  }
0x135: {  	[tilespmem:s20], [sflag:$0x5] =	stream.linear.gather [hbm4b:s17+s1], $0x3E8, $0x38;
	[tilespmem:$0xFAF0] =	vst v63  }
0x136: {  	_ =	swait.ge [sflag:s19], $0x3E8  }
0x137: {  	[sflag:s19] =	ssyncset.done $0x0  }
0x138: {  	[sflag:s19] =	ssyncadd.s32 $0xFFFFFC18  }
0x139: {  	[bflag:$0x0] =	sbarrier.arrive $0xFFFF  }
0x13a: {  	[tilespmem:s25], [sflag:$0x1] =	stream.indirect.gather [hbm4b:s13+s21], $0x10, s1, s21, $0xb8;
	[tilespmem:$0xFAF0] =	vst v63  }
0x13b: {  	_ =	swait.ge [sflag:s26], $0x3E80  }
0x13c: {  	[sflag:s26] =	ssyncset.done $0x0  }
0x13d: {  	s17 =	simm.s32 $0x2AF8;
	[sflag:s26] =	ssyncadd.s32 $0xFFFFC180  }
0x13e: {  	[spmem:s12] =	stream.indirect.scatter.add.f32 [tilespmem:s25], [sflag:$0x3], $0x10, s17, s21, $0xb8;
	[tilespmem:$0xFAF0] =	vst v63  }
0x13f: {  	_ = 	snop  }
0x140: {  	[tilespmem:s28], [sflag:$0x2] =	stream.indirect.gather [hbm4b:s13+s21], $0x10, s21, s21, $0xb8;
	[tilespmem:$0xFAF0] =	vst v63  }
0x141: {  	_ =	swait.ge [sflag:s29], $0x3E80  }
0x142: {  	[sflag:s29] =	ssyncset.done $0x0  }
0x143: {  	s17 =	simm.s32 $0x2EE0;
	[sflag:s29] =	ssyncadd.s32 $0xFFFFC180  }
0x144: {  	[spmem:s12] =	stream.indirect.scatter.add.f32 [tilespmem:s28], [sflag:$0x4], $0x10, s17, s21, $0xb8;
	[tilespmem:$0xFAF0] =	vst v63  }
0x145: {  	_ =	swait.ge [sflag:s30], $0x3E80  }
0x146: {  	[sflag:s30] =	ssyncset.done $0x0  }
0x147: {  	s17 =	simm.s32 $0x7D0;
	[sflag:s30] =	ssyncadd.s32 $0xFFFFC180  }
0x148: {  	[tilespmem:s25], [sflag:$0x1] =	stream.indirect.gather [hbm4b:s13+s21], $0x10, s17, s21, $0xb8;
	[tilespmem:$0xFAF0] =	vst v63  }
0x149: {  	_ =	swait.ge [sflag:s26], $0x3E80  }
0x14a: {  	[sflag:s26] =	ssyncset.done $0x0  }
.Ltmp3:
0x14b: {  	s17 =	simm.s32 $0x32C8;
	[sflag:s26] =	ssyncadd.s32 $0xFFFFC180;
	(pc) =	sbr.rel .LBB2_4-.Ltmp3, $4  }
0x14c: {  	[spmem:s12] =	stream.indirect.scatter.add.f32 [tilespmem:s25], [sflag:$0x3], $0x10, s17, s21, $0xb8;
	[tilespmem:$0xFAF0] =	vst v63  }
0x14d: {  	_ =	swait.ge [sflag:s31], $0x3E80  }
0x14e: {  	[sflag:s31] =	ssyncset.done $0x0  }
0x14f: {  	[sflag:s31] =	ssyncadd.s32 $0xFFFFC180  }
.LBB2_5:
0x150: {  	_ =	sfence.sel $0x180000  }
0x151: {  	[bflag:$0x0] =	sbarrier.arrive $0xFFFF  }
0x152: {  	_ =	strace $0x9000004D  }
0x153: {  	s0 =	stileid.u32;
	[bflag:$0x2] =	sbarrier.arrive $0xFFFF  }
0x154: {  	p0 =	sne.s32 s0, $0x0;
	s0 =	rddreg [dreg:$0x2]  }
0x155: {  	s0 =	sadd.s32 @!p0 $0x100000, s0  }
0x156: {  	[sflag:s0] =	ssyncadd.tile.s32 @!p0 $0x1;
	_ =	shalt  }
.Lfunc_end2:
_tile_overlayer_lowered:
.L_overlay_start_2:
0x157: {  	(tag) =	ssettag $0x2  }
0x158: {  	s0 =	rddreg [dreg:$0x0];
	s2 =	stileid.u32  }
0x159: {  	s1 =	rddreg [dreg:$0x1];
	p0 =	sne.s32 s2, $0x0  }
0x15a: {  	s3 =	rddreg [dreg:$0x2];
	[bflag:$0x3] =	sbarrier.arrive $0xFFFF;
	s2 =	simm.s32 @!p0 $0x1C05  }
0x15b: {  	[timem:s3], [sflag:s2] =	dma.local @!p0 [hbm:s0], s1  }
0x15c: {  	s0 =	simm.s32 @!p0 $0x5  }
0x15d: {  	_ =	swait.ge @!p0 [sflag:s0], s1  }
0x15e: {  	s1 =	ssub.s32 @!p0 $0x0, s1;
	[sflag:s0] =	ssyncset.done @!p0 $0x0  }
0x15f: {  	[sflag:s0] =	ssyncadd.s32 @!p0 s1  }
0x160: {  	[bflag:$0x3] =	sbarrier.arrive $0xFFFF  }
0x161: {  	_ =	shalt  }

// kernel: kernel.8.cloned.1.call-start
scs
__scs_entry_jumppad:
0x0: {  	(pc) =	sbr.rel $0x88, $3  }
0x1: {  	(tag) =	ssettag $0x0;
	lr =	simm.s32 $0x1  }
0x2: {  	[smem:$0x3F96] =	sst lr;
	_ =	strace $0xD0000000  }
0x3: {  	_ = 	snop  }
0x4: {  	_ = 	snop  }
0x5: {  	_ = 	snop  }
0x6: {  	_ = 	snop  }
0x7: {  	_ = 	snop  }
__scs_overlays_trampoline_lowered:
0x8: {  	[smem:$0x3FA5] =	sst s0  }
0x9: {  	[smem:$0x3FA6] =	sst s1  }
0xa: {  	[smem:$0x3FA7] =	sst s2  }
0xb: {  	[smem:$0x3FA8] =	sst s3  }
0xc: {  	[smem:$0x3FA9] =	sst s4  }
0xd: {  	[smem:$0x3FAA] =	sst s5  }
0xe: {  	[smem:$0x3FAB] =	sst s6  }
0xf: {  	[smem:$0x3FAC] =	sst s7  }
0x10: {  	[smem:$0x3FAD] =	sst s8  }
0x11: {  	[smem:$0x3FAE] =	sst s9;
	s0 =	simm.s32 @!p0 $0x0  }
0x12: {  	s1 =	sld [smem:$0x3F94];
	s0 =	simm.s32 @p0 $0x1  }
0x13: {  	[smem:$0x3FAF] =	sst s0;
	s0 =	simm.s32 @!p1 $0x0  }
0x14: {  	s2 =	sld [smem:$0x3F93];
	s0 =	simm.s32 @p1 $0x1  }
0x15: {  	[smem:$0x3FB0] =	sst s0;
	s0 =	simm.s32 @!p2 $0x0  }
0x16: {  	s3 =	sld [smem:$0x3FDB];
	s0 =	simm.s32 @p2 $0x1  }
0x17: {  	s4 =	simm.s32 $0x1BF5;
	[smem:$0x3FB2] =	sst s0  }
0x18: {  	s0 =	sld [smem:$0x3F95];
	_ =	swait.ge [sflag:s4], $0x0  }
0x19: {  	s7 =	sld [smem:$0x3F96]  }
0x1a: {  	s8 =	sadd.s32 $0xFFFFE003, lr  }
0x1b: {  	s9 =	sadd.s32 $0xFFFFFEF7, lr;
	s5 =	simm.s32 $0xFFFFFFFF;
	p2 =	slt.u32 s8, $0xFFFFF086  }
0x1c: {  	p1 =	slt.u32 s9, $0xF7A;
	s5 =	simm.s32 @!p2 $0x0  }
0x1d: {  	s5 =	simm.s32 @p1 $0x1;
	p0 =	seq.s32 s7, s2  }
0x1e: {  	s7 =	smul.u32 @!p0 $0xF7A, s2;
	p2 =	seq.s32 @!p0 s5, $0x0  }
0x1f: {  	s9 =	smul.u32 $0xF7A, s1;
	s8 =	simm.s32 @!p0 $0x1BF5;
	p2 =	por !p2, p0  }
0x20: {  	[sflag:s8] =	ssyncset.s32 @!p0 $0xFFFFF086;
	s6 =	sadd.s32 @!p0 s3, s7;
	s7 =	simm.s32 @!p0 $0x108  }
0x21: {  	s3 =	sadd.s32 s3, s9;
	s6 =	sadd.s32 @!p0 $0x88, s6;
	s7 =	simm.s32 @p2 $0x1082  }
0x22: {  	[simem:s7], [sflag:s8] =	dma.local @!p0 [hbm:s6], $0xF7A  }
0x23: {  	s9 =	sor.u32 $0xD0000000, s2;
	s6 =	simm.s32 $0x108;
	_ =	swait.ge @!p0 [sflag:s8], $0x0  }
0x24: {  	s3 =	sadd.s32 $0x88, s3;
	s6 =	simm.s32 @!p1 $0x1082;
	[sflag:s4] =	ssyncset.s32 $0xFFFFF086  }
0x25: {  	[simem:s6], [sflag:s4] =	dma.local [hbm:s3], $0xF7A  }
0x26: {  	[smem:$0x3F96] =	sst s1;
	(tag) =	ssettag s2;
	_ =	strace s9  }
0x27: {  	s1 =	sld [smem:$0x3FA6]  }
0x28: {  	s2 =	sld [smem:$0x3FA7]  }
0x29: {  	s4 =	sld [smem:$0x3FA9]  }
0x2a: {  	p0 =	seq.s32 s5, $0x0;
	s5 =	sld [smem:$0x3FAA]  }
0x2b: {  	s6 =	sld [smem:$0x3FAB]  }
0x2c: {  	s7 =	sld [smem:$0x3FAC]  }
0x2d: {  	s3 =	simm.s32 $0x108;
	s8 =	sld [smem:$0x3FAD]  }
0x2e: {  	s3 =	simm.s32 @!p0 $0x1082;
	s9 =	sld [smem:$0x3FAE]  }
0x2f: {  	lr =	sadd.s32 s0, s3;
	s0 =	sld [smem:$0x3FA5]  }
0x30: {  	s3 =	sld [smem:$0x3FA8]  }
0x31: {  	[smem:$0x3FB1] =	sst s10  }
0x32: {  	s10 =	sld [smem:$0x3FAF];
	_ =	sdelay $0x3  }
0x33: {  	p0 =	seq.s32 s10, $0x1;
	s10 =	sld [smem:$0x3FB1];
	_ =	sdelay $0x3  }
0x34: {  	[smem:$0x3FB1] =	sst s10  }
0x35: {  	s10 =	sld [smem:$0x3FB0];
	_ =	sdelay $0x3  }
0x36: {  	p1 =	seq.s32 s10, $0x1;
	s10 =	sld [smem:$0x3FB1];
	_ =	sdelay $0x3  }
0x37: {  	[smem:$0x3FB1] =	sst s10  }
0x38: {  	s10 =	sld [smem:$0x3FB2]  }
0x39: {  	_ = 	snop;
	(pc) =	sbr.ind lr, $3  }
0x3a: {  	_ = 	snop  }
0x3b: {  	_ = 	snop  }
0x3c: {  	p2 =	seq.s32 s10, $0x1;
	s10 =	sld [smem:$0x3FB1]  }
0x3d: {  	_ =	shalt  }
0x3e: {  	_ =	shalt  }
0x3f: {  	_ =	shalt  }
0x40: {  	_ =	shalt  }
0x41: {  	_ =	shalt  }
0x42: {  	_ =	shalt  }
0x43: {  	_ =	shalt  }
0x44: {  	_ =	shalt  }
0x45: {  	_ =	shalt  }
0x46: {  	_ =	shalt  }
0x47: {  	_ =	shalt  }
0x48: {  	_ =	shalt  }
0x49: {  	_ =	shalt  }
0x4a: {  	_ =	shalt  }
0x4b: {  	_ =	shalt  }
0x4c: {  	_ =	shalt  }
0x4d: {  	_ =	shalt  }
0x4e: {  	_ =	shalt  }
0x4f: {  	_ =	shalt  }
0x50: {  	_ =	shalt  }
0x51: {  	_ =	shalt  }
0x52: {  	_ =	shalt  }
0x53: {  	_ =	shalt  }
0x54: {  	_ =	shalt  }
0x55: {  	_ =	shalt  }
0x56: {  	_ =	shalt  }
0x57: {  	_ =	shalt  }
0x58: {  	_ =	shalt  }
0x59: {  	_ =	shalt  }
0x5a: {  	_ =	shalt  }
0x5b: {  	_ =	shalt  }
0x5c: {  	_ =	shalt  }
0x5d: {  	_ =	shalt  }
0x5e: {  	_ =	shalt  }
0x5f: {  	_ =	shalt  }
0x60: {  	_ =	shalt  }
0x61: {  	_ =	shalt  }
0x62: {  	_ =	shalt  }
0x63: {  	_ =	shalt  }
0x64: {  	_ =	shalt  }
0x65: {  	_ =	shalt  }
0x66: {  	_ =	shalt  }
0x67: {  	_ =	shalt  }
0x68: {  	_ =	shalt  }
0x69: {  	_ =	shalt  }
0x6a: {  	_ =	shalt  }
0x6b: {  	_ =	shalt  }
0x6c: {  	_ =	shalt  }
0x6d: {  	_ =	shalt  }
0x6e: {  	_ =	shalt  }
0x6f: {  	_ =	shalt  }
0x70: {  	_ =	shalt  }
0x71: {  	_ =	shalt  }
0x72: {  	_ =	shalt  }
0x73: {  	_ =	shalt  }
0x74: {  	_ =	shalt  }
0x75: {  	_ =	shalt  }
0x76: {  	_ =	shalt  }
0x77: {  	_ =	shalt  }
0x78: {  	_ =	shalt  }
0x79: {  	_ =	shalt  }
0x7a: {  	_ =	shalt  }
0x7b: {  	_ =	shalt  }
0x7c: {  	_ =	shalt  }
0x7d: {  	_ =	shalt  }
0x7e: {  	_ =	shalt  }
0x7f: {  	_ =	shalt  }
0x80: {  	_ =	shalt  }
0x81: {  	_ =	shalt  }
0x82: {  	_ =	shalt  }
0x83: {  	_ =	shalt  }
0x84: {  	_ =	shalt  }
0x85: {  	_ =	shalt  }
0x86: {  	_ =	shalt  }
0x87: {  	_ =	shalt  }
.Lfunc_end0:
.L_simem_size_0:
called_computation_lowered:
.L_overlay_start_0:
0x88: {  	s2 =	sld [smem:$0x3FD9]  }
0x89: {  	s3 =	sld [smem:$0x3FFE];
	_ =	sdelay $0x1  }
0x8a: {  	s1 =	srdreg.scid  }
0x8b: {  	s0 =	sand.u32 $0x1, s1  }
0x8c: {  	s16 =	sshll.u32 s0, $0xA;
	s2 =	sadd.s32 s3, s2  }
0x8d: {  	s2 =	sadd.s32 s2, s16  }
0x8e: {  	[smem:$0x3FBD] =	sst s2  }
0x8f: {  	_ = 	snop  }
0x90: {  	(tm) =	ssettm $0x1  }
0x91: {  	s17 =	sld [smem:$0x3FFB];
	_ =	sdelay $0x3  }
0x92: {  	_ =	strace s17  }
0x93: {  	s2 =	sld [smem:$0x3FFC];
	_ =	sdelay $0x3  }
0x94: {  	_ =	strace s2  }
0x95: {  	s2 =	sld [smem:$0x3FFD];
	_ =	sdelay $0x3  }
0x96: {  	_ =	strace s2  }
0x97: {  	_ =	strace $0x8FFFFFFF  }
0x98: {  	s18 =	sld [smem:$0x3FDB];
	_ =	sdelay $0x1  }
0x99: {  	s19 =	simm.s32 $_scs_section_size  }
0x9a: {  	s4 =	simm.s32 $_size__tile_overlayer_lowered;
	s5 =	simm.s32 $_tile_overlayer_lowered  }
0x9b: {  	s22 =	simm.s32 $0x1BFF;
	s21 =	sshll.u32 s5, $0x1;
	s2 =	sadd.s32 s19, s18  }
0x9c: {  	s6 =	simm.s32 $0x0;
	s20 =	sshll.u32 s4, $0x1;
	s4 =	sadd.s32 s21, s2  }
0x9d: {  	[timem:s6], [sflag:s22] =	dma.local [hbm:s4], s20  }
0x9e: {  	_ =	swait.ge [sflag:s22], s20  }
0x9f: {  	s3 =	ssub.s32 $0x0, s20;
	[sflag:s22] =	ssyncset.done $0x0  }
0xa0: {  	[sflag:s22] =	ssyncadd.s32 s3;
	_ =	sdelay $0x1  }
0xa1: {  	s23 =	simm.s32 $0x1B8B  }
0xa2: {  	_ =	swait.ge [sflag:s23], $0x1  }
0xa3: {  	[sflag:s23] =	ssyncset.done $0x0  }
0xa4: {  	s25 =	simm.s32 $0x1B8E;
	s24 =	sld [smem:$0x3FFE];
	[sflag:s23] =	ssyncadd.s32 $0xFFFFFFFF  }
0xa5: {  	s26 =	simm.s32 $execute0_lowered;
	[smem:$0x3FD2] =	sst s25  }
0xa6: {  	s4 =	sshll.u32 s26, $0x1;
	_ =	strace $0x80000046;
	[dreg:$0x1] =	wrdreg $0xFFFFFFFF  }
0xa7: {  	s28 =	simm.s32 $_size_execute0_lowered;
	s2 =	sadd.s32 s2, s4;
	[dreg:$0x0] =	wrdreg $0x0  }
0xa8: {  	s4 =	sshll.u32 s28, $0x1;
	[dreg:$0x2] =	wrdreg s2  }
0xa9: {  	[dreg:$0x3] =	wrdreg s4  }
0xaa: {  	[dreg:$0x4] =	wrdreg $0xC0  }
0xab: {  	_ =	task [dreg:s6], $0x5FFFF  }
0xac: {  	[dreg:$0x1] =	wrdreg $0xFFFFFFFF  }
0xad: {  	[dreg:$0x0] =	wrdreg $0x60  }
0xae: {  	[dreg:$0x2] =	wrdreg s24  }
0xaf: {  	[dreg:$0x3] =	wrdreg $0x69780  }
0xb0: {  	[dreg:$0x4] =	wrdreg $0x9  }
0xb1: {  	_ =	task.clear_ibuf [dreg:s6], $0x5FFFF;
	_ =	strace $0x90000046  }
0xb2: {  	s29 =	simm.s32 $0x9;
	_ =	strace $0x80000048  }
0xb3: {  	_ =	swait.ge [sflag:s29], $0x1  }
0xb4: {  	[sflag:s29] =	ssyncadd.s32 $0xFFFFFFFF  }
0xb5: {  	_ =	strace $0x90000048  }
0xb6: {  	_ =	sfence  }
0xb7: {  	s30 =	sld [smem:$0x0];
	_ =	sdelay $0x2  }
0xb8: {  	s31 =	sshll.u32 s1, $0xD;
	s1 =	sshrl.u32 s1, $0x2  }
0xb9: {  	s3 =	sand.u32 $0x4000, s31;
	s1 =	sadd.s32 s1, s30  }
0xba: {  	s0 =	sor.u32 s3, s0;
	s1 =	sshll.u32 s1, $0x11  }
0xbb: {  	s0 =	sor.u32 s1, s0  }
0xbc: {  	s0 =	sadd.s32 $0x8F2B, s0  }
0xbd: {  	[sflag:s0] =	ssyncadd.remote.s32 $0x1  }
0xbe: {  	_ =	sfence.sel $0xFFFF  }
0xbf: {  	[dreg:$0x0] =	wrdreg $0xFFFFFFFF;
	(pc) =	sbr.abs _section_cstart, $3  }
0xc0: {  	[dreg:$0x1] =	wrdreg $0xFFFFFFFF  }
0xc1: {  	_ =	task.clear_ibuf [dreg:s6], $0x2FFFF;
	_ =	strace $0x9FFFFFFF  }
0xc2: {  	(tm) =	ssettm $0x7FFFFFFF  }
0xc3: {  	_ =	shalt  }
tec
execute0_lowered:
.L_overlay_start_1:
0x0: {  	(tag) =	ssettag $0x1  }
0x1: {  	s0 =	rddreg [dreg:$0x0]  }
0x2: {  	s2 =	rddreg [dreg:$0x1];
	s14 =	stileid.u32  }
0x3: {  	s1 =	srdreg.scid;
	s3 =	simm.s32 $0x0;
	s5 =	smul.u32 $0x2800, s14  }
0x4: {  	s31 =	simm.s32 $0x2;
	s1 =	sand.u32 $0x1, s1;
	s10 =	smul.u32 $0x2328, s14  }
0x5: {  	[smem:$0x7FF] =	sst s3;
	s8 =	sadd.s32 $0xBE00, s0;
	s17 =	smul.u32 $0x2AF8, s14  }
0x6: {  	s25 =	sshll.u32 s14, $0x6;
	s14 =	simm.s32 $0x1F40;
	s4 =	smul.u32 $0x28000, s1  }
0x7: {  	_ =	strace $0x80000047;
	s9 =	ssub.s32 $0x2, s1;
	p0 =	sne.s32 s1, $0x0  }
0x8: {  	s1 =	simm.s32 $0x3E8;
	s6 =	sshrl.u32 s5, $0x3;
	s24 =	sshrl.u32 s9, $0x1  }
0x9: {  	s11 =	sshrl.u32 s10, $0x3;
	s12 =	sadd.s32 $0x2B368, s10;
	s13 =	sadd.s32 $0x2BB38, s10  }
0xa: {  	s16 =	sadd.s32 $0x2C308, s10;
	s10 =	sadd.s32 $0x2CAD8, s10;
	s19 =	sadd.s32 $0x3E8, s17  }
0xb: {  	s20 =	sshrl.u32 s17, $0x3;
	s21 =	sadd.s32 $0xBB8, s17;
	s23 =	sadd.s32 $0x1388, s17  }
0xc: {  	s6 =	sadd.s32 s6, s0;
	s7 =	sadd.s32 s5, s4;
	s4 =	sadd.s32 $0x1AC00, s0  }
0xd: {  	s9 =	ssub.s32 s9, s24;
	s5 =	sadd.s32 s5, s2;
	s11 =	sadd.s32 s8, s11  }
0xe: {  	s12 =	sshrl.u32 s12, $0x3;
	s13 =	sshrl.u32 s13, $0x3;
	s10 =	sshrl.u32 s10, $0x3  }
0xf: {  	s22 =	sshrl.u32 s21, $0x3;
	s24 =	sadd.s32 $0x1B58, s17;
	s7 =	sshrl.u32 s7, $0x3  }
0x10: {  	s6 =	sadd.s32 $0x15C00, s6;
	s15 =	sadd.s32 $0x55F0, s11;
	s12 =	sadd.s32 s8, s12  }
0x11: {  	s26 =	sadd.s32 $0x56EA, s11;
	s18 =	sadd.s32 $0x57E4, s11;
	[dreg:$0x3] =	wrdreg s15  }
0x12: {  	s10 =	sadd.s32 s8, s10;
	s21 =	sadd.s32 $0x58DE, s11;
	[dreg:$0x4] =	wrdreg s12  }
0x13: {  	s0 =	sadd.s32 s7, s0;
	s7 =	sor.u32 $0x1C02, s25;
	[dreg:$0x5] =	wrdreg s26  }
0x14: {  	s15 =	sadd.s32 s8, s13;
	[dreg:$0x7] =	wrdreg s18;
	s12 =	sshrl.u32 s16, $0x3  }
0x15: {  	[dreg:$0x9] =	wrdreg s10;
	s10 =	sshrl.u32 s19, $0x3;
	s13 =	sadd.s32 $0x2328, s17  }
0x16: {  	s16 =	simm.s32 $0x2328;
	s17 =	simm.s32 $0x2710;
	s18 =	simm.s32 $0x1  }
0x17: {  	[dreg:$0x6] =	wrdreg s15;
	s12 =	sadd.s32 s8, s12;
	s15 =	sadd.s32 s8, s20  }
0x18: {  	s10 =	sadd.s32 s8, s10;
	s26 =	sshrl.u32 s13, $0x3;
	[dreg:$0x8] =	wrdreg s12  }
0x19: {  	s13 =	simm.s32 $0x1B58;
	[dreg:$0xa] =	wrdreg s10;
	s10 =	sadd.s32 s8, s22  }
0x1a: {  	s12 =	sshrl.u32 s24, $0x3;
	s22 =	sadd.s32 $0x59D8, s11;
	s24 =	sadd.s32 $0x1B400, s0  }
0x1b: {  	s28 =	sadd.s32 $0x2EE, s15;
	s29 =	sadd.s32 $0x3E8, s15;
	s30 =	sadd.s32 $0x4E2, s15  }
0x1c: {  	s0 =	simm.s32 $0x2AF8;
	s11 =	simm.s32 $0x1388;
	[dreg:$0xb] =	wrdreg s10  }
.Ltmp0:
0x1d: {  	s10 =	sshrl.u32 s23, $0x3;
	s25 =	sadd.s32 s8, s12;
	(pc) =	sbr.rel .LBB2_1-.Ltmp0, $4  }
0x1e: {  	s23 =	sadd.s32 $0xFA, s15;
	s12 =	simm.s32 $0x1770;
	s10 =	sadd.s32 s8, s10  }
0x1f: {  	[dreg:$0xd] =	wrdreg s25;
	s8 =	sadd.s32 s8, s26;
	s25 =	smax.u32 s9, $0x1  }
0x20: {  	s26 =	sadd.s32 $0x1F4, s15;
	s9 =	simm.s32 $0xBB8;
	[dreg:$0xc] =	wrdreg s10  }
0x21: {  	[dreg:$0xe] =	wrdreg s8;
	s8 =	simm.s32 $0x7D0;
	s10 =	simm.s32 $0xFA0  }
.LBB2_3:
0x22: {  	s20 =	rddreg [dreg:$0x3]  }
0x23: {  	[tilespmem:s3], [sflag:$0x2] =	stream.linear.gather [hbm4b:s20+s3], $0x3E8, $0x38;
	[tilespmem:$0x9178] =	vst v63  }
0x24: {  	_ =	swait.ge [sflag:s31], $0x3E8  }
0x25: {  	[sflag:s31] =	ssyncset.done $0x0  }
0x26: {  	s20 =	rddreg [dreg:$0x4];
	[sflag:s31] =	ssyncadd.s32 $0xFFFFFC18  }
0x27: {  	[tilespmem:s1], [sflag:$0x2] =	stream.linear.gather [hbm4b:s20+s3], $0x3E8, $0x38;
	[tilespmem:$0x9178] =	vst v63  }
0x28: {  	_ =	swait.ge [sflag:s31], $0x3E8  }
0x29: {  	[sflag:s31] =	ssyncset.done $0x0  }
0x2a: {  	s20 =	rddreg [dreg:$0x5];
	[sflag:s31] =	ssyncadd.s32 $0xFFFFFC18  }
0x2b: {  	[tilespmem:s8], [sflag:$0x2] =	stream.linear.gather [hbm4b:s20+s3], $0x3E8, $0x38;
	[tilespmem:$0x9178] =	vst v63  }
0x2c: {  	_ =	swait.ge [sflag:s31], $0x3E8  }
0x2d: {  	[sflag:s31] =	ssyncset.done $0x0  }
0x2e: {  	s20 =	rddreg [dreg:$0x6];
	[sflag:s31] =	ssyncadd.s32 $0xFFFFFC18  }
0x2f: {  	[tilespmem:s9], [sflag:$0x2] =	stream.linear.gather [hbm4b:s20+s3], $0x3E8, $0x38;
	[tilespmem:$0x9178] =	vst v63  }
0x30: {  	_ =	swait.ge [sflag:s31], $0x3E8  }
0x31: {  	[sflag:s31] =	ssyncset.done $0x0  }
0x32: {  	s20 =	rddreg [dreg:$0x7];
	[sflag:s31] =	ssyncadd.s32 $0xFFFFFC18  }
0x33: {  	[tilespmem:s10], [sflag:$0x2] =	stream.linear.gather [hbm4b:s20+s3], $0x3E8, $0x38;
	[tilespmem:$0x9178] =	vst v63  }
0x34: {  	_ =	swait.ge [sflag:s31], $0x3E8  }
0x35: {  	[sflag:s31] =	ssyncset.done $0x0  }
0x36: {  	s20 =	rddreg [dreg:$0x8];
	[sflag:s31] =	ssyncadd.s32 $0xFFFFFC18  }
0x37: {  	[tilespmem:s11], [sflag:$0x2] =	stream.linear.gather [hbm4b:s20+s3], $0x3E8, $0x38;
	[tilespmem:$0x9178] =	vst v63  }
0x38: {  	_ =	swait.ge [sflag:s31], $0x3E8  }
0x39: {  	[sflag:s31] =	ssyncset.done $0x0  }
0x3a: {  	[sflag:s31] =	ssyncadd.s32 $0xFFFFFC18  }
0x3b: {  	[tilespmem:s12], [sflag:$0x2] =	stream.linear.gather [hbm4b:s21+s3], $0x3E8, $0x38;
	[tilespmem:$0x9178] =	vst v63  }
0x3c: {  	_ =	swait.ge [sflag:s31], $0x3E8  }
0x3d: {  	[sflag:s31] =	ssyncset.done $0x0  }
0x3e: {  	s20 =	rddreg [dreg:$0x9];
	[sflag:s31] =	ssyncadd.s32 $0xFFFFFC18  }
0x3f: {  	[tilespmem:s13], [sflag:$0x2] =	stream.linear.gather [hbm4b:s20+s3], $0x3E8, $0x38;
	[tilespmem:$0x9178] =	vst v63  }
0x40: {  	_ =	swait.ge [sflag:s31], $0x3E8  }
0x41: {  	[sflag:s31] =	ssyncset.done $0x0  }
0x42: {  	[sflag:s31] =	ssyncadd.s32 $0xFFFFFC18  }
0x43: {  	[tilespmem:s14], [sflag:$0x2] =	stream.linear.gather [hbm4b:s22+s3], $0x3E8, $0x38;
	[tilespmem:$0x9178] =	vst v63  }
0x44: {  	_ =	swait.ge [sflag:s31], $0x3E8  }
0x45: {  	[sflag:s31] =	ssyncset.done $0x0  }
0x46: {  	[sflag:s31] =	ssyncadd.s32 $0xFFFFFC18  }
0x47: {  	[bflag:$0x0] =	sbarrier.arrive $0xFFFF  }
0x48: {  	[spmem:s2] =	stream.indirect.scatter.add.f32 [tilespmem:s0], [sflag:$0x1], $0x10, s3, s1, $0xb8;
	[tilespmem:$0x9178] =	vst v63  }
0x49: {  	_ = 	snop  }
0x4a: {  	[spmem:s2] =	stream.indirect.scatter.add.f32 [tilespmem:s0], [sflag:$0x1], $0x10, s1, s1, $0xb8;
	[tilespmem:$0x9178] =	vst v63  }
0x4b: {  	_ = 	snop  }
0x4c: {  	[spmem:s2] =	stream.indirect.scatter.add.f32 [tilespmem:s0], [sflag:$0x1], $0x10, s8, s1, $0xb8;
	[tilespmem:$0x9178] =	vst v63  }
0x4d: {  	_ = 	snop  }
0x4e: {  	[spmem:s2] =	stream.indirect.scatter.add.f32 [tilespmem:s0], [sflag:$0x1], $0x10, s9, s1, $0xb8;
	[tilespmem:$0x9178] =	vst v63  }
0x4f: {  	_ = 	snop  }
0x50: {  	[spmem:s2] =	stream.indirect.scatter.add.f32 [tilespmem:s0], [sflag:$0x1], $0x10, s10, s1, $0xb8;
	[tilespmem:$0x9178] =	vst v63  }
0x51: {  	_ = 	snop  }
0x52: {  	[spmem:s2] =	stream.indirect.scatter.add.f32 [tilespmem:s0], [sflag:$0x1], $0x10, s11, s1, $0xb8;
	[tilespmem:$0x9178] =	vst v63  }
0x53: {  	_ = 	snop  }
0x54: {  	[spmem:s2] =	stream.indirect.scatter.add.f32 [tilespmem:s0], [sflag:$0x1], $0x10, s12, s1, $0xb8;
	[tilespmem:$0x9178] =	vst v63  }
0x55: {  	_ = 	snop  }
0x56: {  	[spmem:s2] =	stream.indirect.scatter.add.f32 [tilespmem:s0], [sflag:$0x1], $0x10, s13, s1, $0xb8;
	[tilespmem:$0x9178] =	vst v63  }
0x57: {  	_ = 	snop  }
0x58: {  	[spmem:s2] =	stream.indirect.scatter.add.f32 [tilespmem:s0], [sflag:$0x1], $0x10, s14, s1, $0xb8;
	[tilespmem:$0x9178] =	vst v63  }
.LBB2_4:
0x59: {  	_ =	swait.ge [sflag:s18], $0x3E80  }
0x5a: {  	[sflag:s18] =	ssyncset.done $0x0  }
0x5b: {  	[sflag:s18] =	ssyncadd.s32 $0xFFFFC180  }
0x5c: {  	_ =	swait.ge [sflag:s18], $0x3E80  }
0x5d: {  	[sflag:s18] =	ssyncset.done $0x0  }
0x5e: {  	[sflag:s18] =	ssyncadd.s32 $0xFFFFC180  }
0x5f: {  	_ =	swait.ge [sflag:s18], $0x3E80  }
0x60: {  	[sflag:s18] =	ssyncset.done $0x0  }
0x61: {  	[sflag:s18] =	ssyncadd.s32 $0xFFFFC180  }
0x62: {  	_ =	swait.ge [sflag:s18], $0x3E80  }
0x63: {  	[sflag:s18] =	ssyncset.done $0x0  }
0x64: {  	[sflag:s18] =	ssyncadd.s32 $0xFFFFC180  }
0x65: {  	_ =	swait.ge [sflag:s18], $0x3E80  }
0x66: {  	[sflag:s18] =	ssyncset.done $0x0  }
0x67: {  	[sflag:s18] =	ssyncadd.s32 $0xFFFFC180  }
0x68: {  	_ =	swait.ge [sflag:s18], $0x3E80  }
0x69: {  	[sflag:s18] =	ssyncset.done $0x0  }
0x6a: {  	[sflag:s18] =	ssyncadd.s32 $0xFFFFC180  }
0x6b: {  	_ =	swait.ge [sflag:s18], $0x3E80  }
0x6c: {  	[sflag:s18] =	ssyncset.done $0x0  }
0x6d: {  	[sflag:s18] =	ssyncadd.s32 $0xFFFFC180  }
0x6e: {  	_ =	swait.ge [sflag:s18], $0x3E80  }
0x6f: {  	[sflag:s18] =	ssyncset.done $0x0  }
0x70: {  	[sflag:s18] =	ssyncadd.s32 $0xFFFFC180  }
0x71: {  	_ =	swait.ge [sflag:s18], $0x3E80  }
0x72: {  	s25 =	sadd.s32 $0xFFFFFFFF, s25;
	[sflag:s18] =	ssyncset.done $0x0  }
0x73: {  	p1 =	sne.s32 s25, $0x0;
	[sflag:s18] =	ssyncadd.s32 $0xFFFFC180  }
.Ltmp1:
0x74: {  	[bflag:$0x0] =	sbarrier.arrive $0xFFFF;
	(pc) =	sbr.rel @!p1 .LBB2_5-.Ltmp1, $4  }
0x75: {  	[hbm:s24], [sflag:s7] =	dma.local [spmem:s19], $0x500  }
0x76: {  	_ =	swait.ge [sflag:s31], $0x500  }
0x77: {  	[sflag:s31] =	ssyncset.done $0x0  }
0x78: {  	[sflag:s31] =	ssyncadd.s32 $0xFFFFFB00  }
.LBB2_1:
0x79: {  	s19 =	sshrl.u32 s5, $0x3  }
0x7a: {  	[spmem:s19], [sflag:s7] =	dma.local [hbm:s6], $0x500  }
0x7b: {  	_ =	swait.ge [sflag:s31], $0x500  }
0x7c: {  	[sflag:s31] =	ssyncset.done $0x0  }
.Ltmp2:
0x7d: {  	[sflag:s31] =	ssyncadd.s32 $0xFFFFFB00;
	(pc) =	sbr.rel @p0 .LBB2_3-.Ltmp2, $4  }
0x7e: {  	[tilespmem:s0], [sflag:$0x2] =	stream.linear.gather [hbm4b:s4+s3], $0x3E80, $0x38;
	[tilespmem:$0x9178] =	vst v63  }
0x7f: {  	_ =	swait.ge [sflag:s31], $0x3E80  }
0x80: {  	[sflag:s31] =	ssyncset.done $0x0  }
0x81: {  	[sflag:s31] =	ssyncadd.s32 $0xFFFFC180  }
0x82: {  	[tilespmem:s3], [sflag:$0x2] =	stream.linear.gather [hbm4b:s15+s3], $0x3E8, $0x38;
	[tilespmem:$0x9178] =	vst v63  }
0x83: {  	_ =	swait.ge [sflag:s31], $0x3E8  }
0x84: {  	[sflag:s31] =	ssyncset.done $0x0  }
0x85: {  	s20 =	rddreg [dreg:$0xa];
	[sflag:s31] =	ssyncadd.s32 $0xFFFFFC18  }
0x86: {  	[tilespmem:s1], [sflag:$0x2] =	stream.linear.gather [hbm4b:s20+s3], $0x3E8, $0x38;
	[tilespmem:$0x9178] =	vst v63  }
0x87: {  	_ =	swait.ge [sflag:s31], $0x3E8  }
0x88: {  	[sflag:s31] =	ssyncset.done $0x0  }
0x89: {  	[sflag:s31] =	ssyncadd.s32 $0xFFFFFC18  }
0x8a: {  	[tilespmem:s8], [sflag:$0x2] =	stream.linear.gather [hbm4b:s23+s3], $0x3E8, $0x38;
	[tilespmem:$0x9178] =	vst v63  }
0x8b: {  	_ =	swait.ge [sflag:s31], $0x3E8  }
0x8c: {  	[sflag:s31] =	ssyncset.done $0x0  }
0x8d: {  	s20 =	rddreg [dreg:$0xb];
	[sflag:s31] =	ssyncadd.s32 $0xFFFFFC18  }
0x8e: {  	[tilespmem:s9], [sflag:$0x2] =	stream.linear.gather [hbm4b:s20+s3], $0x3E8, $0x38;
	[tilespmem:$0x9178] =	vst v63  }
0x8f: {  	_ =	swait.ge [sflag:s31], $0x3E8  }
0x90: {  	[sflag:s31] =	ssyncset.done $0x0  }
0x91: {  	[sflag:s31] =	ssyncadd.s32 $0xFFFFFC18  }
0x92: {  	[tilespmem:s10], [sflag:$0x2] =	stream.linear.gather [hbm4b:s26+s3], $0x3E8, $0x38;
	[tilespmem:$0x9178] =	vst v63  }
0x93: {  	_ =	swait.ge [sflag:s31], $0x3E8  }
0x94: {  	[sflag:s31] =	ssyncset.done $0x0  }
0x95: {  	s20 =	rddreg [dreg:$0xc];
	[sflag:s31] =	ssyncadd.s32 $0xFFFFFC18  }
0x96: {  	[tilespmem:s11], [sflag:$0x2] =	stream.linear.gather [hbm4b:s20+s3], $0x3E8, $0x38;
	[tilespmem:$0x9178] =	vst v63  }
0x97: {  	_ =	swait.ge [sflag:s31], $0x3E8  }
0x98: {  	[sflag:s31] =	ssyncset.done $0x0  }
0x99: {  	[sflag:s31] =	ssyncadd.s32 $0xFFFFFC18  }
0x9a: {  	[tilespmem:s12], [sflag:$0x2] =	stream.linear.gather [hbm4b:s28+s3], $0x3E8, $0x38;
	[tilespmem:$0x9178] =	vst v63  }
0x9b: {  	_ =	swait.ge [sflag:s31], $0x3E8  }
0x9c: {  	[sflag:s31] =	ssyncset.done $0x0  }
0x9d: {  	s20 =	rddreg [dreg:$0xd];
	[sflag:s31] =	ssyncadd.s32 $0xFFFFFC18  }
0x9e: {  	[tilespmem:s13], [sflag:$0x2] =	stream.linear.gather [hbm4b:s20+s3], $0x3E8, $0x38;
	[tilespmem:$0x9178] =	vst v63  }
0x9f: {  	_ =	swait.ge [sflag:s31], $0x3E8  }
0xa0: {  	[sflag:s31] =	ssyncset.done $0x0  }
0xa1: {  	[sflag:s31] =	ssyncadd.s32 $0xFFFFFC18  }
0xa2: {  	[tilespmem:s14], [sflag:$0x2] =	stream.linear.gather [hbm4b:s29+s3], $0x3E8, $0x38;
	[tilespmem:$0x9178] =	vst v63  }
0xa3: {  	_ =	swait.ge [sflag:s31], $0x3E8  }
0xa4: {  	[sflag:s31] =	ssyncset.done $0x0  }
0xa5: {  	s20 =	rddreg [dreg:$0xe];
	[sflag:s31] =	ssyncadd.s32 $0xFFFFFC18  }
0xa6: {  	[tilespmem:s16], [sflag:$0x2] =	stream.linear.gather [hbm4b:s20+s3], $0x3E8, $0x38;
	[tilespmem:$0x9178] =	vst v63  }
0xa7: {  	_ =	swait.ge [sflag:s31], $0x3E8  }
0xa8: {  	[sflag:s31] =	ssyncset.done $0x0  }
0xa9: {  	[sflag:s31] =	ssyncadd.s32 $0xFFFFFC18  }
0xaa: {  	[tilespmem:s17], [sflag:$0x2] =	stream.linear.gather [hbm4b:s30+s3], $0x3E8, $0x38;
	[tilespmem:$0x9178] =	vst v63  }
0xab: {  	_ =	swait.ge [sflag:s31], $0x3E8  }
0xac: {  	[sflag:s31] =	ssyncset.done $0x0  }
0xad: {  	[sflag:s31] =	ssyncadd.s32 $0xFFFFFC18  }
0xae: {  	[bflag:$0x0] =	sbarrier.arrive $0xFFFF  }
0xaf: {  	[spmem:s2] =	stream.indirect.scatter.add.f32 [tilespmem:s0], [sflag:$0x1], $0x10, s3, s1, $0xb8;
	[tilespmem:$0x9178] =	vst v63  }
0xb0: {  	_ = 	snop  }
0xb1: {  	[spmem:s2] =	stream.indirect.scatter.add.f32 [tilespmem:s0], [sflag:$0x1], $0x10, s1, s1, $0xb8;
	[tilespmem:$0x9178] =	vst v63  }
0xb2: {  	_ = 	snop  }
0xb3: {  	[spmem:s2] =	stream.indirect.scatter.add.f32 [tilespmem:s0], [sflag:$0x1], $0x10, s8, s1, $0xb8;
	[tilespmem:$0x9178] =	vst v63  }
0xb4: {  	_ = 	snop  }
0xb5: {  	[spmem:s2] =	stream.indirect.scatter.add.f32 [tilespmem:s0], [sflag:$0x1], $0x10, s9, s1, $0xb8;
	[tilespmem:$0x9178] =	vst v63  }
0xb6: {  	_ = 	snop  }
0xb7: {  	[spmem:s2] =	stream.indirect.scatter.add.f32 [tilespmem:s0], [sflag:$0x1], $0x10, s10, s1, $0xb8;
	[tilespmem:$0x9178] =	vst v63  }
0xb8: {  	_ = 	snop  }
0xb9: {  	[spmem:s2] =	stream.indirect.scatter.add.f32 [tilespmem:s0], [sflag:$0x1], $0x10, s11, s1, $0xb8;
	[tilespmem:$0x9178] =	vst v63  }
0xba: {  	_ = 	snop  }
0xbb: {  	[spmem:s2] =	stream.indirect.scatter.add.f32 [tilespmem:s0], [sflag:$0x1], $0x10, s12, s1, $0xb8;
	[tilespmem:$0x9178] =	vst v63  }
0xbc: {  	_ = 	snop  }
0xbd: {  	[spmem:s2] =	stream.indirect.scatter.add.f32 [tilespmem:s0], [sflag:$0x1], $0x10, s13, s1, $0xb8;
	[tilespmem:$0x9178] =	vst v63  }
0xbe: {  	_ = 	snop  }
0xbf: {  	[spmem:s2] =	stream.indirect.scatter.add.f32 [tilespmem:s0], [sflag:$0x1], $0x10, s14, s1, $0xb8;
	[tilespmem:$0x9178] =	vst v63  }
0xc0: {  	_ = 	snop  }
0xc1: {  	[spmem:s2] =	stream.indirect.scatter.add.f32 [tilespmem:s0], [sflag:$0x1], $0x10, s16, s1, $0xb8;
	[tilespmem:$0x9178] =	vst v63  }
0xc2: {  	_ = 	snop  }
0xc3: {  	[spmem:s2] =	stream.indirect.scatter.add.f32 [tilespmem:s0], [sflag:$0x1], $0x10, s17, s1, $0xb8;
	[tilespmem:$0x9178] =	vst v63  }
0xc4: {  	_ =	swait.ge [sflag:s18], $0x3E80  }
.Ltmp3:
0xc5: {  	[sflag:s18] =	ssyncset.done $0x0;
	(pc) =	sbr.rel .LBB2_4-.Ltmp3, $4  }
0xc6: {  	[sflag:s18] =	ssyncadd.s32 $0xFFFFC180  }
0xc7: {  	_ =	swait.ge [sflag:s18], $0x3E80  }
0xc8: {  	[sflag:s18] =	ssyncset.done $0x0  }
0xc9: {  	[sflag:s18] =	ssyncadd.s32 $0xFFFFC180  }
.LBB2_5:
0xca: {  	_ =	sfence.sel $0x180000  }
0xcb: {  	[bflag:$0x0] =	sbarrier.arrive $0xFFFF  }
0xcc: {  	_ =	strace $0x90000047  }
0xcd: {  	s0 =	stileid.u32;
	[bflag:$0x2] =	sbarrier.arrive $0xFFFF  }
0xce: {  	p0 =	sne.s32 s0, $0x0;
	s0 =	rddreg [dreg:$0x2]  }
0xcf: {  	s0 =	sadd.s32 @!p0 $0x100000, s0  }
0xd0: {  	[sflag:s0] =	ssyncadd.tile.s32 @!p0 $0x1;
	_ =	shalt  }
.Lfunc_end2:
_tile_overlayer_lowered:
.L_overlay_start_2:
0xd1: {  	(tag) =	ssettag $0x2  }
0xd2: {  	s0 =	rddreg [dreg:$0x0];
	s2 =	stileid.u32  }
0xd3: {  	s1 =	rddreg [dreg:$0x1];
	p0 =	sne.s32 s2, $0x0  }
0xd4: {  	s3 =	rddreg [dreg:$0x2];
	[bflag:$0x3] =	sbarrier.arrive $0xFFFF;
	s2 =	simm.s32 @!p0 $0x1C02  }
0xd5: {  	[timem:s3], [sflag:s2] =	dma.local @!p0 [hbm:s0], s1  }
0xd6: {  	s0 =	simm.s32 @!p0 $0x2  }
0xd7: {  	_ =	swait.ge @!p0 [sflag:s0], s1  }
0xd8: {  	s1 =	ssub.s32 @!p0 $0x0, s1;
	[sflag:s0] =	ssyncset.done @!p0 $0x0  }
0xd9: {  	[sflag:s0] =	ssyncadd.s32 @!p0 s1  }
0xda: {  	[bflag:$0x3] =	sbarrier.arrive $0xFFFF  }
0xdb: {  	_ =	shalt  }

</sc_bundles>
